<compile_context>
chip_gen: v7x
topology: tpu7x:2x2x1
jax: 0.10.2.dev20260603
libtpu: 0.0.44.dev20260713+nightly
codegen_flags: <defaults>
</compile_context>

<pallas_src>
import functools

import jax
import jax.numpy as jnp
from jax import lax
from jax.experimental import pallas as pl
from jax.experimental.pallas import tpu as pltpu
from jax.experimental.pallas import tpu_sc as plsc

N = 10000
E = 320000
H = 128
NG = 128
NOUT = 2
EPS = 1e-5

NC = 2
NS = 16
NW = NC * NS
HH = H // NC
EPS_T = E // NS
CH = 125
NCH = EPS_T // CH
EPW = E // NW
NCHD = EPW // CH
NP = 10240
RPT = NP // NS
ZR = 128
L = 16
NBUF = 5
DW = 16



def _deg_body(dst_hbm, degp_hbm, dst_v, ones_v, zb_v, degacc_sh, dsem):
    c = lax.axis_index("c")
    s = lax.axis_index("s")
    w = c * NS + s
    pltpu.sync_copy(dst_hbm.at[w], dst_v)

    ones = jnp.ones((L,), jnp.float32)

    def fill_ones(i, carry):
        ones_v[i, pl.ds(0, L)] = ones
        return carry

    lax.fori_loop(0, CH, fill_ones, 0)

    def fill_zero(i, carry):
        zb_v[i, pl.ds(0, L)] = jnp.zeros((L,), jnp.float32)
        return carry

    lax.fori_loop(0, RPT, fill_zero, 0)
    pltpu.sync_copy(zb_v, degacc_sh.at[pl.ds(s * RPT, RPT)])
    plsc.subcore_barrier()

    def chunk(ci, carry):
        pltpu.async_copy(ones_v, degacc_sh.at[dst_v.at[ci]], dsem, add=True)
        return carry

    lax.fori_loop(0, NCHD, chunk, 0)

    def drain(ci, carry):
        pltpu.make_async_copy(ones_v, degacc_sh.at[dst_v.at[ci]], dsem).wait()
        return carry

    lax.fori_loop(0, NCHD, drain, 0)
    plsc.subcore_barrier()
    pltpu.sync_copy(degacc_sh.at[pl.ds(s * RPT, RPT)],
                    degp_hbm.at[c, pl.ds(s * RPT, RPT)])


def _msg_body(hw_hbm, src_hbm, dst_hbm, out_hbm, src_v, dst_v, rows_a, rows_b,
              rows_c, rows_d, rows_e, zb_v, acc_sh, gsem_a, gsem_b,
              gsem_c, gsem_d, gsem_e, ssem_a, ssem_b, ssem_c, ssem_d,
              ssem_e, psem_a, psem_b):
    c = lax.axis_index("c")
    s = lax.axis_index("s")

    pltpu.async_copy(src_hbm.at[s], src_v, psem_a)
    pltpu.async_copy(dst_hbm.at[s], dst_v, psem_b)

    def zero_row(i, carry):
        for j in range(HH // L):
            zb_v[i, pl.ds(j * L, L)] = jnp.zeros((L,), jnp.float32)
        return carry

    lax.fori_loop(0, ZR, zero_row, 0)
    for j in range(RPT // ZR):
        pltpu.sync_copy(zb_v, acc_sh.at[pl.ds(s * RPT + j * ZR, ZR)])

    hw_c = hw_hbm.at[c]
    bufs = (rows_a, rows_b, rows_c, rows_d, rows_e)
    gsems = (gsem_a, gsem_b, gsem_c, gsem_d, gsem_e)
    ssems = (ssem_a, ssem_b, ssem_c, ssem_d, ssem_e)
    pltpu.make_async_copy(src_hbm.at[s], src_v, psem_a).wait()
    pltpu.make_async_copy(dst_hbm.at[s], dst_v, psem_b).wait()
    for j in range(NBUF):
        pltpu.async_copy(hw_c.at[src_v.at[j]], bufs[j], gsems[j])
    plsc.subcore_barrier()

    def quad(k, carry):
        base = NBUF * k
        for j in range(NBUF):
            ci = base + j
            pltpu.make_async_copy(hw_c.at[src_v.at[ci]], bufs[j],
                                  gsems[j]).wait()
            pltpu.async_copy(bufs[j], acc_sh.at[dst_v.at[ci]], ssems[j],
                             add=True)
        for j in range(NBUF):
            ci = base + j
            pltpu.make_async_copy(bufs[j], acc_sh.at[dst_v.at[ci]],
                                  ssems[j]).wait()
            nxt = jnp.minimum(ci + NBUF, NCH - 1)
            pltpu.async_copy(hw_c.at[src_v.at[nxt]], bufs[j], gsems[j])
        return carry

    lax.fori_loop(0, NCH // NBUF, quad, 0)
    for j in range(NBUF):
        pltpu.make_async_copy(hw_c.at[src_v.at[NCH - 1]], bufs[j],
                              gsems[j]).wait()
    plsc.subcore_barrier()

    pltpu.sync_copy(acc_sh.at[pl.ds(s * RPT, RPT)],
                    out_hbm.at[pl.ds(s * RPT, RPT), pl.ds(c * HH, HH)])



def _elu(v):
    return jnp.where(v > 0, v, jnp.exp(v) - 1.0)


def _bn_relu(t, g, b):
    m = jnp.mean(t, axis=0, keepdims=True)
    v = jnp.mean((t - m) ** 2, axis=0, keepdims=True)
    return jnp.maximum((t - m) * lax.rsqrt(v + EPS) * g + b, 0.0)


def _store_halves(hw_ref, hww):
    hw_ref[0] = hww[:, :HH]
    hw_ref[1] = hww[:, HH:]


def _k0_body(x_ref, aW_ref, ab_ref, W0_ref, degp_ref, hw_ref, dis_ref):
    dp = degp_ref[...]
    deg = dp[0, :N, 0:1] + dp[1, :N, 0:1] + 1.0
    dis = lax.rsqrt(deg)
    h = _elu(jnp.dot(x_ref[...], aW_ref[...],
                     preferred_element_type=jnp.float32) + ab_ref[...])
    _store_halves(hw_ref, jnp.dot(h, W0_ref[...],
                                  preferred_element_type=jnp.float32) * dis)
    dis_ref[...] = dis


def _kmid_body(acc_ref, hw_ref, dis_ref, b_ref, g_ref, bb_ref, Wn_ref,
               out_ref):
    dis = dis_ref[...]
    hwp = hw_ref[...]
    t = (acc_ref[...][:N] + jnp.concatenate([hwp[0], hwp[1]], axis=1)) \
        * dis + b_ref[...]
    h = _bn_relu(t, g_ref[...], bb_ref[...])
    _store_halves(out_ref, jnp.dot(h, Wn_ref[...],
                                   preferred_element_type=jnp.float32) * dis)


def _khead_body(acc_ref, hw_ref, dis_ref, b_ref, g_ref, bb_ref, batch_ref,
                fcW_ref, fcb_ref, fg_ref, fbb_ref, oW_ref, ob_ref, out_ref):
    dis = dis_ref[...]
    hwp = hw_ref[...]
    t = (acc_ref[...][:N] + jnp.concatenate([hwp[0], hwp[1]], axis=1)) \
        * dis + b_ref[...]
    h = _bn_relu(t, g_ref[...], bb_ref[...])
    gid = lax.broadcasted_iota(jnp.int32, (NG, N), 0)
    oh = (gid == batch_ref[...]).astype(jnp.float32)
    g = jnp.dot(oh, h, preferred_element_type=jnp.float32)
    for i in range(3):
        g = jnp.dot(g, fcW_ref[i], preferred_element_type=jnp.float32) \
            + fcb_ref[i]
        g = _bn_relu(g, fg_ref[i], fbb_ref[i])
    logits = jnp.dot(g, oW_ref[...],
                     preferred_element_type=jnp.float32) + ob_ref[...]
    mx = jnp.max(logits, axis=1, keepdims=True)
    lse = jnp.log(jnp.sum(jnp.exp(logits - mx), axis=1, keepdims=True)) + mx
    out_ref[...] = logits - lse



@functools.cache
def _build():
    mesh = plsc.VectorSubcoreMesh(core_axis_name="c", subcore_axis_name="s")
    sc_deg = pl.kernel(
        _deg_body,
        out_type=jax.ShapeDtypeStruct((NC, NP, DW), jnp.float32),
        mesh=mesh,
        scratch_types=[
            pltpu.VMEM((NCHD, CH), jnp.int32),
            pltpu.VMEM((CH, DW), jnp.float32),
            pltpu.VMEM((RPT, DW), jnp.float32),
            pltpu.VMEM_SHARED((NP, DW), jnp.float32),
            pltpu.SemaphoreType.DMA,
        ],
        name="sc_deg",
        compiler_params=pltpu.CompilerParams(use_tc_tiling_on_sc=False),
    )
    sc_msg = pl.kernel(
        _msg_body,
        out_type=jax.ShapeDtypeStruct((NP, H), jnp.float32),
        mesh=mesh,
        scratch_types=[
            pltpu.VMEM((NCH, CH), jnp.int32),
            pltpu.VMEM((NCH, CH), jnp.int32),
            pltpu.VMEM((CH, HH), jnp.float32),
            pltpu.VMEM((CH, HH), jnp.float32),
            pltpu.VMEM((CH, HH), jnp.float32),
            pltpu.VMEM((CH, HH), jnp.float32),
            pltpu.VMEM((CH, HH), jnp.float32),
            pltpu.VMEM((ZR, HH), jnp.float32),
            pltpu.VMEM_SHARED((NP, HH), jnp.float32),
        ] + [pltpu.SemaphoreType.DMA] * 12,
        name="sc_msg",
        compiler_params=pltpu.CompilerParams(use_tc_tiling_on_sc=False),
    )
    k0 = pl.pallas_call(
        _k0_body,
        out_shape=(jax.ShapeDtypeStruct((NC, N, HH), jnp.float32),
                   jax.ShapeDtypeStruct((N, 1), jnp.float32)),
    )
    kmid = pl.pallas_call(
        _kmid_body,
        out_shape=jax.ShapeDtypeStruct((NC, N, HH), jnp.float32),
    )
    khead = pl.pallas_call(
        _khead_body,
        out_shape=jax.ShapeDtypeStruct((NG, NOUT), jnp.float32),
    )
    return sc_deg, sc_msg, k0, kmid, khead


def kernel(x, edge_index, batch, atom_W, atom_b, conv_W, conv_b, norm_g,
           norm_b, fc_W, fc_b, fcn_g, fcn_b, out_W, out_b):
    sc_deg, sc_msg, k0, kmid, khead = _build()
    src_d = edge_index[0].reshape(NW, NCHD, CH)
    dst_d = edge_index[1].reshape(NW, NCHD, CH)
    src_m = edge_index[0].reshape(NS, NCH, CH)
    dst_m = edge_index[1].reshape(NS, NCH, CH)
    degp = sc_deg(dst_d)
    hw, dis = k0(x, atom_W, atom_b.reshape(1, H), conv_W[0], degp)
    out = None
    for i in range(3):
        acc = sc_msg(hw, src_m, dst_m)
        if i < 2:
            hw = kmid(acc, hw, dis, conv_b[i].reshape(1, H),
                      norm_g[i].reshape(1, H), norm_b[i].reshape(1, H),
                      conv_W[i + 1])
        else:
            out = khead(acc, hw, dis, conv_b[i].reshape(1, H),
                        norm_g[i].reshape(1, H), norm_b[i].reshape(1, H),
                        batch.reshape(1, N), fc_W, fc_b.reshape(3, 1, H),
                        fcn_g.reshape(3, 1, H), fcn_b.reshape(3, 1, H),
                        out_W, out_b.reshape(1, NOUT))
    return out

# --- scband reference (transcript-rebuilt; emitter-appended) ---
"""Pipeline reference for scband-model-78099685310466 (READ-ONLY COPY).

The authoritative reference and input builder live on the scoring server;
editing this copy changes nothing except your own understanding.
"""

import jax, jax.numpy as jnp
import numpy as np

N = 10000
E = 320000
IN_FEATS = 128
H = 128
NG = 128
NOUT = 2
NCONV = 3
NFC = 3
EPS = 1e-5


def setup_inputs(seed: int = 0) -> dict:
    key = jax.random.key(seed)
    ks = jax.random.split(key, 16)
    x = jax.random.normal(ks[0], (N, IN_FEATS), dtype=jnp.float32)
    edge_index = jax.random.randint(ks[1], (2, E), 0, N, dtype=jnp.int32)
    batch = jnp.sort(jax.random.randint(ks[2], (N,), 0, NG, dtype=jnp.int32))
    s = 1.0 / np.sqrt(H)
    atom_W = jax.random.uniform(ks[3], (IN_FEATS, H), jnp.float32, -s, s)
    atom_b = jax.random.uniform(ks[4], (H,), jnp.float32, -s, s)
    conv_W = jax.random.normal(ks[5], (NCONV, H, H), jnp.float32) * s
    conv_b = jnp.zeros((NCONV, H), jnp.float32)
    norm_g = jnp.ones((NCONV, H), jnp.float32)
    norm_b = jnp.zeros((NCONV, H), jnp.float32)
    fc_W = jax.random.uniform(ks[6], (NFC, H, H), jnp.float32, -s, s)
    fc_b = jax.random.uniform(ks[7], (NFC, H), jnp.float32, -s, s)
    fcn_g = jnp.ones((NFC, H), jnp.float32)
    fcn_b = jnp.zeros((NFC, H), jnp.float32)
    out_W = jax.random.uniform(ks[8], (H, NOUT), jnp.float32, -s, s)
    out_b = jax.random.uniform(ks[9], (NOUT,), jnp.float32, -s, s)
    return {"x": x, "edge_index": edge_index, "batch": batch,
            "atom_W": atom_W, "atom_b": atom_b,
            "conv_W": conv_W, "conv_b": conv_b,
            "norm_g": norm_g, "norm_b": norm_b,
            "fc_W": fc_W, "fc_b": fc_b,
            "fcn_g": fcn_g, "fcn_b": fcn_b,
            "out_W": out_W, "out_b": out_b}


def _batchnorm(h, g, b):
    mean = jnp.mean(h, axis=0, keepdims=True)
    var = jnp.var(h, axis=0, keepdims=True)
    return (h - mean) / jnp.sqrt(var + EPS) * g + b


def _gcn_conv(h, src, dst, W, b):
    h = h @ W
    deg = jnp.zeros((N,), h.dtype).at[dst].add(1.0)
    dis = jnp.where(deg > 0, 1.0 / jnp.sqrt(jnp.maximum(deg, 1e-12)), 0.0)
    norm = dis[src] * dis[dst]
    msg = norm[:, None] * h[src]
    out = jnp.zeros((N, H), h.dtype).at[dst].add(msg)
    return out + b


def reference(x, edge_index, batch, atom_W, atom_b, conv_W, conv_b, norm_g, norm_b,
              fc_W, fc_b, fcn_g, fcn_b, out_W, out_b):
    # add self loops (GCNConv default)
    loop = jnp.arange(N, dtype=edge_index.dtype)
    src = jnp.concatenate([edge_index[0], loop])
    dst = jnp.concatenate([edge_index[1], loop])
    h = jax.nn.elu(x @ atom_W + atom_b)
    for i in range(NCONV):
        h = _gcn_conv(h, src, dst, conv_W[i], conv_b[i])
        h = _batchnorm(h, norm_g[i], norm_b[i])
        h = jax.nn.relu(h)
    pooled = jax.ops.segment_sum(h, batch, num_segments=NG)
    g = pooled
    for i in range(NFC):
        g = g @ fc_W[i] + fc_b[i]
        g = _batchnorm(g, fcn_g[i], fcn_b[i])
        g = jax.nn.relu(g)
    logits = g @ out_W + out_b
    return jax.nn.log_softmax(logits, axis=1)

if __name__ == "__main__":
    import jax
    _d = setup_inputs()
    print(jax.jit(kernel)(*tuple(_d.values())))

</pallas_src>

<mosaic_0001>
#map = affine_map<(d0, d1) -> (0, 0, 0)>
#map1 = affine_map<(d0, d1) -> (0, 0)>
module attributes {stable_mosaic.version = 14 : i64} {
  func.func @sc_msg(%arg0: i32, %arg1: i32, %arg2: memref<2x10000x64xf32, #tpu.memory_space<hbm>>, %arg3: memref<16x160x125xi32, #tpu.memory_space<hbm>>, %arg4: memref<16x160x125xi32, #tpu.memory_space<hbm>>, %arg5: memref<10240x128xf32, #tpu.memory_space<hbm>>, %arg6: memref<160x125xi32, #tpu.memory_space<vmem>>, %arg7: memref<160x125xi32, #tpu.memory_space<vmem>>, %arg8: memref<125x64xf32, #tpu.memory_space<vmem>>, %arg9: memref<125x64xf32, #tpu.memory_space<vmem>>, %arg10: memref<125x64xf32, #tpu.memory_space<vmem>>, %arg11: memref<125x64xf32, #tpu.memory_space<vmem>>, %arg12: memref<125x64xf32, #tpu.memory_space<vmem>>, %arg13: memref<128x64xf32, #tpu.memory_space<vmem>>, %arg14: memref<10240x64xf32, #tpu.memory_space<vmem_shared>>, %arg15: memref<!tpu.dma_semaphore, #tpu.memory_space<semaphore_mem>>, %arg16: memref<!tpu.dma_semaphore, #tpu.memory_space<semaphore_mem>>, %arg17: memref<!tpu.dma_semaphore, #tpu.memory_space<semaphore_mem>>, %arg18: memref<!tpu.dma_semaphore, #tpu.memory_space<semaphore_mem>>, %arg19: memref<!tpu.dma_semaphore, #tpu.memory_space<semaphore_mem>>, %arg20: memref<!tpu.dma_semaphore, #tpu.memory_space<semaphore_mem>>, %arg21: memref<!tpu.dma_semaphore, #tpu.memory_space<semaphore_mem>>, %arg22: memref<!tpu.dma_semaphore, #tpu.memory_space<semaphore_mem>>, %arg23: memref<!tpu.dma_semaphore, #tpu.memory_space<semaphore_mem>>, %arg24: memref<!tpu.dma_semaphore, #tpu.memory_space<semaphore_mem>>, %arg25: memref<!tpu.dma_semaphore, #tpu.memory_space<semaphore_mem>>, %arg26: memref<!tpu.dma_semaphore, #tpu.memory_space<semaphore_mem>>) attributes {dimension_semantics = [#tpu.dimension_semantics<core_parallel>, #tpu.dimension_semantics<subcore_parallel>], iteration_bounds = array<i64: 2, 16>, scalar_prefetch = 0 : i64, scratch_operands = 21 : i64, tpu.core_type = #tpu.core_type<sc_vector_subcore>, window_params = [{transform_indices = #map}, {transform_indices = #map}, {transform_indices = #map}, {transform_indices = #map1}]} {
    %dma_start3A = arith.constant 0 : i32
    %dma_start3A_0 = arith.constant 0 : i32
    %dma_start3A_1 = tpu.memref_slice %arg3[%arg1, %dma_start3A, %dma_start3A_0] : memref<16x160x125xi32, #tpu.memory_space<hbm>> -> memref<1x160x125xi32, #tpu.memory_space<hbm>>
    %dma_start3A_2 = tpu.memref_squeeze %dma_start3A_1 : memref<1x160x125xi32, #tpu.memory_space<hbm>> -> memref<160x125xi32, #tpu.memory_space<hbm>>
    %dma_start3A_3 = arith.constant 0 : i32
    %dma_start3A_4 = arith.constant 0 : i32
    %dma_start3A_5 = tpu.memref_slice %arg3[%arg1, %dma_start3A_3, %dma_start3A_4] : memref<16x160x125xi32, #tpu.memory_space<hbm>> -> memref<1x160x125xi32, #tpu.memory_space<hbm>>
    %dma_start3A_6 = tpu.memref_squeeze %dma_start3A_5 : memref<1x160x125xi32, #tpu.memory_space<hbm>> -> memref<160x125xi32, #tpu.memory_space<hbm>>
    tpu.enqueue_dma source(%dma_start3A_6 : memref<160x125xi32, #tpu.memory_space<hbm>>) target(%arg6 : memref<160x125xi32, #tpu.memory_space<vmem>>) target_semaphore(%arg25 : memref<!tpu.dma_semaphore, #tpu.memory_space<semaphore_mem>>)
    %dma_start3A_7 = arith.constant 0 : i32
    %dma_start3A_8 = arith.constant 0 : i32
    %dma_start3A_9 = tpu.memref_slice %arg4[%arg1, %dma_start3A_7, %dma_start3A_8] : memref<16x160x125xi32, #tpu.memory_space<hbm>> -> memref<1x160x125xi32, #tpu.memory_space<hbm>>
    %dma_start3A_10 = tpu.memref_squeeze %dma_start3A_9 : memref<1x160x125xi32, #tpu.memory_space<hbm>> -> memref<160x125xi32, #tpu.memory_space<hbm>>
    %dma_start3A_11 = arith.constant 0 : i32
    %dma_start3A_12 = arith.constant 0 : i32
    %dma_start3A_13 = tpu.memref_slice %arg4[%arg1, %dma_start3A_11, %dma_start3A_12] : memref<16x160x125xi32, #tpu.memory_space<hbm>> -> memref<1x160x125xi32, #tpu.memory_space<hbm>>
    %dma_start3A_14 = tpu.memref_squeeze %dma_start3A_13 : memref<1x160x125xi32, #tpu.memory_space<hbm>> -> memref<160x125xi32, #tpu.memory_space<hbm>>
    tpu.enqueue_dma source(%dma_start3A_14 : memref<160x125xi32, #tpu.memory_space<hbm>>) target(%arg7 : memref<160x125xi32, #tpu.memory_space<vmem>>) target_semaphore(%arg26 : memref<!tpu.dma_semaphore, #tpu.memory_space<semaphore_mem>>)
    %scan3A = arith.constant 0 : i32
    %scan3A_15 = arith.constant 0 : i32
    %scan3A_16 = arith.constant 128 : i32
    %scan3A_17 = arith.addi %scan3A_15, %scan3A_16 : i32
    %scan3A_18 = arith.constant 1 : i32
    scf.for %scan3A_176 = %scan3A_15 to %scan3A_17 step %scan3A_18  : i32 {
      %broadcast_in_dim3A = arith.constant 0.000000e+00 : f32
      %broadcast_in_dim3A_177 = vector.broadcast %broadcast_in_dim3A : f32 to vector<16xf32>
      %swap3A = arith.index_cast %scan3A_176 : i32 to index
      %swap3A_178 = arith.constant 0 : index
      %swap3A_179 = tpu.vector_load %arg13[%swap3A, %swap3A_178] {strides = array<i32>} : memref<128x64xf32, #tpu.memory_space<vmem>>, vector<1x16xf32>,
      %swap3A_180 = vector.shape_cast %swap3A_179 : vector<1x16xf32> to vector<16xf32>
      %swap3A_181 = vector.shape_cast %broadcast_in_dim3A_177 : vector<16xf32> to vector<1x16xf32>
      tpu.vector_store %arg13[%swap3A, %swap3A_178], %swap3A_181 {strides = array<i32>} : memref<128x64xf32, #tpu.memory_space<vmem>>, vector<1x16xf32>,
      %broadcast_in_dim3A_182 = arith.constant 0.000000e+00 : f32
      %broadcast_in_dim3A_183 = vector.broadcast %broadcast_in_dim3A_182 : f32 to vector<16xf32>
      %swap3A_184 = arith.index_cast %scan3A_176 : i32 to index
      %swap3A_185 = arith.constant 16 : index
      %swap3A_186 = tpu.vector_load %arg13[%swap3A_184, %swap3A_185] {strides = array<i32>} : memref<128x64xf32, #tpu.memory_space<vmem>>, vector<1x16xf32>,
      %swap3A_187 = vector.shape_cast %swap3A_186 : vector<1x16xf32> to vector<16xf32>
      %swap3A_188 = vector.shape_cast %broadcast_in_dim3A_183 : vector<16xf32> to vector<1x16xf32>
      tpu.vector_store %arg13[%swap3A_184, %swap3A_185], %swap3A_188 {strides = array<i32>} : memref<128x64xf32, #tpu.memory_space<vmem>>, vector<1x16xf32>,
      %broadcast_in_dim3A_189 = arith.constant 0.000000e+00 : f32
      %broadcast_in_dim3A_190 = vector.broadcast %broadcast_in_dim3A_189 : f32 to vector<16xf32>
      %swap3A_191 = arith.index_cast %scan3A_176 : i32 to index
      %swap3A_192 = arith.constant 32 : index
      %swap3A_193 = tpu.vector_load %arg13[%swap3A_191, %swap3A_192] {strides = array<i32>} : memref<128x64xf32, #tpu.memory_space<vmem>>, vector<1x16xf32>,
      %swap3A_194 = vector.shape_cast %swap3A_193 : vector<1x16xf32> to vector<16xf32>
      %swap3A_195 = vector.shape_cast %broadcast_in_dim3A_190 : vector<16xf32> to vector<1x16xf32>
      tpu.vector_store %arg13[%swap3A_191, %swap3A_192], %swap3A_195 {strides = array<i32>} : memref<128x64xf32, #tpu.memory_space<vmem>>, vector<1x16xf32>,
      %broadcast_in_dim3A_196 = arith.constant 0.000000e+00 : f32
      %broadcast_in_dim3A_197 = vector.broadcast %broadcast_in_dim3A_196 : f32 to vector<16xf32>
      %swap3A_198 = arith.index_cast %scan3A_176 : i32 to index
      %swap3A_199 = arith.constant 48 : index
      %swap3A_200 = tpu.vector_load %arg13[%swap3A_198, %swap3A_199] {strides = array<i32>} : memref<128x64xf32, #tpu.memory_space<vmem>>, vector<1x16xf32>,
      %swap3A_201 = vector.shape_cast %swap3A_200 : vector<1x16xf32> to vector<16xf32>
      %swap3A_202 = vector.shape_cast %broadcast_in_dim3A_197 : vector<16xf32> to vector<1x16xf32>
      tpu.vector_store %arg13[%swap3A_198, %swap3A_199], %swap3A_202 {strides = array<i32>} : memref<128x64xf32, #tpu.memory_space<vmem>>, vector<1x16xf32>,
    }
    %scan3A_19 = arith.constant 128 : i32
    %mul3A = arith.constant 640 : i32
    %mul3A_20 = arith.muli %arg1, %mul3A : i32
    %add3A = arith.constant 0 : i32
    %add3A_21 = arith.addi %mul3A_20, %add3A : i32
    "tpu.region"() ({
      %run_scoped3A = tpu.sem_alloc : memref<!tpu.dma_semaphore, #tpu.memory_space<semaphore_mem>>
      %dma_start3A_176 = arith.constant 0 : i32
      %dma_start3A_177 = tpu.memref_slice %arg14[%add3A_21, %dma_start3A_176] : memref<10240x64xf32, #tpu.memory_space<vmem_shared>> -> memref<128x64xf32, #tpu.memory_space<vmem_shared>>
      %dma_start3A_178 = arith.constant 0 : i32
      %dma_start3A_179 = tpu.memref_slice %arg14[%add3A_21, %dma_start3A_178] : memref<10240x64xf32, #tpu.memory_space<vmem_shared>> -> memref<128x64xf32, #tpu.memory_space<vmem_shared>>
      tpu.enqueue_dma source(%arg13 : memref<128x64xf32, #tpu.memory_space<vmem>>) target(%dma_start3A_179 : memref<128x64xf32, #tpu.memory_space<vmem_shared>>) target_semaphore(%run_scoped3A : memref<!tpu.dma_semaphore, #tpu.memory_space<semaphore_mem>>)
      %dma_wait3A_180 = arith.constant 0 : i32
      %dma_wait3A_181 = tpu.memref_slice %arg14[%add3A_21, %dma_wait3A_180] : memref<10240x64xf32, #tpu.memory_space<vmem_shared>> -> memref<128x64xf32, #tpu.memory_space<vmem_shared>>
      %dma_wait3A_182 = arith.constant 0 : i32
      %dma_wait3A_183 = tpu.memref_slice %arg14[%add3A_21, %dma_wait3A_182] : memref<10240x64xf32, #tpu.memory_space<vmem_shared>> -> memref<128x64xf32, #tpu.memory_space<vmem_shared>>
      tpu.wait_dma2 semaphore(%run_scoped3A : memref<!tpu.dma_semaphore, #tpu.memory_space<semaphore_mem>>) src(%arg13 : memref<128x64xf32, #tpu.memory_space<vmem>>) dst(%dma_wait3A_183 : memref<128x64xf32, #tpu.memory_space<vmem_shared>>)
      tpu.yield
    }) : () -> ()
    %mul3A_22 = arith.constant 640 : i32
    %mul3A_23 = arith.muli %arg1, %mul3A_22 : i32
    %add3A_24 = arith.constant 128 : i32
    %add3A_25 = arith.addi %mul3A_23, %add3A_24 : i32
    "tpu.region"() ({
      %run_scoped3A = tpu.sem_alloc : memref<!tpu.dma_semaphore, #tpu.memory_space<semaphore_mem>>
      %dma_start3A_176 = arith.constant 0 : i32
      %dma_start3A_177 = tpu.memref_slice %arg14[%add3A_25, %dma_start3A_176] : memref<10240x64xf32, #tpu.memory_space<vmem_shared>> -> memref<128x64xf32, #tpu.memory_space<vmem_shared>>
      %dma_start3A_178 = arith.constant 0 : i32
      %dma_start3A_179 = tpu.memref_slice %arg14[%add3A_25, %dma_start3A_178] : memref<10240x64xf32, #tpu.memory_space<vmem_shared>> -> memref<128x64xf32, #tpu.memory_space<vmem_shared>>
      tpu.enqueue_dma source(%arg13 : memref<128x64xf32, #tpu.memory_space<vmem>>) target(%dma_start3A_179 : memref<128x64xf32, #tpu.memory_space<vmem_shared>>) target_semaphore(%run_scoped3A : memref<!tpu.dma_semaphore, #tpu.memory_space<semaphore_mem>>)
      %dma_wait3A_180 = arith.constant 0 : i32
      %dma_wait3A_181 = tpu.memref_slice %arg14[%add3A_25, %dma_wait3A_180] : memref<10240x64xf32, #tpu.memory_space<vmem_shared>> -> memref<128x64xf32, #tpu.memory_space<vmem_shared>>
      %dma_wait3A_182 = arith.constant 0 : i32
      %dma_wait3A_183 = tpu.memref_slice %arg14[%add3A_25, %dma_wait3A_182] : memref<10240x64xf32, #tpu.memory_space<vmem_shared>> -> memref<128x64xf32, #tpu.memory_space<vmem_shared>>
      tpu.wait_dma2 semaphore(%run_scoped3A : memref<!tpu.dma_semaphore, #tpu.memory_space<semaphore_mem>>) src(%arg13 : memref<128x64xf32, #tpu.memory_space<vmem>>) dst(%dma_wait3A_183 : memref<128x64xf32, #tpu.memory_space<vmem_shared>>)
      tpu.yield
    }) : () -> ()
    %mul3A_26 = arith.constant 640 : i32
    %mul3A_27 = arith.muli %arg1, %mul3A_26 : i32
    %add3A_28 = arith.constant 256 : i32
    %add3A_29 = arith.addi %mul3A_27, %add3A_28 : i32
    "tpu.region"() ({
      %run_scoped3A = tpu.sem_alloc : memref<!tpu.dma_semaphore, #tpu.memory_space<semaphore_mem>>
      %dma_start3A_176 = arith.constant 0 : i32
      %dma_start3A_177 = tpu.memref_slice %arg14[%add3A_29, %dma_start3A_176] : memref<10240x64xf32, #tpu.memory_space<vmem_shared>> -> memref<128x64xf32, #tpu.memory_space<vmem_shared>>
      %dma_start3A_178 = arith.constant 0 : i32
      %dma_start3A_179 = tpu.memref_slice %arg14[%add3A_29, %dma_start3A_178] : memref<10240x64xf32, #tpu.memory_space<vmem_shared>> -> memref<128x64xf32, #tpu.memory_space<vmem_shared>>
      tpu.enqueue_dma source(%arg13 : memref<128x64xf32, #tpu.memory_space<vmem>>) target(%dma_start3A_179 : memref<128x64xf32, #tpu.memory_space<vmem_shared>>) target_semaphore(%run_scoped3A : memref<!tpu.dma_semaphore, #tpu.memory_space<semaphore_mem>>)
      %dma_wait3A_180 = arith.constant 0 : i32
      %dma_wait3A_181 = tpu.memref_slice %arg14[%add3A_29, %dma_wait3A_180] : memref<10240x64xf32, #tpu.memory_space<vmem_shared>> -> memref<128x64xf32, #tpu.memory_space<vmem_shared>>
      %dma_wait3A_182 = arith.constant 0 : i32
      %dma_wait3A_183 = tpu.memref_slice %arg14[%add3A_29, %dma_wait3A_182] : memref<10240x64xf32, #tpu.memory_space<vmem_shared>> -> memref<128x64xf32, #tpu.memory_space<vmem_shared>>
      tpu.wait_dma2 semaphore(%run_scoped3A : memref<!tpu.dma_semaphore, #tpu.memory_space<semaphore_mem>>) src(%arg13 : memref<128x64xf32, #tpu.memory_space<vmem>>) dst(%dma_wait3A_183 : memref<128x64xf32, #tpu.memory_space<vmem_shared>>)
      tpu.yield
    }) : () -> ()
    %mul3A_30 = arith.constant 640 : i32
    %mul3A_31 = arith.muli %arg1, %mul3A_30 : i32
    %add3A_32 = arith.constant 384 : i32
    %add3A_33 = arith.addi %mul3A_31, %add3A_32 : i32
    "tpu.region"() ({
      %run_scoped3A = tpu.sem_alloc : memref<!tpu.dma_semaphore, #tpu.memory_space<semaphore_mem>>
      %dma_start3A_176 = arith.constant 0 : i32
      %dma_start3A_177 = tpu.memref_slice %arg14[%add3A_33, %dma_start3A_176] : memref<10240x64xf32, #tpu.memory_space<vmem_shared>> -> memref<128x64xf32, #tpu.memory_space<vmem_shared>>
      %dma_start3A_178 = arith.constant 0 : i32
      %dma_start3A_179 = tpu.memref_slice %arg14[%add3A_33, %dma_start3A_178] : memref<10240x64xf32, #tpu.memory_space<vmem_shared>> -> memref<128x64xf32, #tpu.memory_space<vmem_shared>>
      tpu.enqueue_dma source(%arg13 : memref<128x64xf32, #tpu.memory_space<vmem>>) target(%dma_start3A_179 : memref<128x64xf32, #tpu.memory_space<vmem_shared>>) target_semaphore(%run_scoped3A : memref<!tpu.dma_semaphore, #tpu.memory_space<semaphore_mem>>)
      %dma_wait3A_180 = arith.constant 0 : i32
      %dma_wait3A_181 = tpu.memref_slice %arg14[%add3A_33, %dma_wait3A_180] : memref<10240x64xf32, #tpu.memory_space<vmem_shared>> -> memref<128x64xf32, #tpu.memory_space<vmem_shared>>
      %dma_wait3A_182 = arith.constant 0 : i32
      %dma_wait3A_183 = tpu.memref_slice %arg14[%add3A_33, %dma_wait3A_182] : memref<10240x64xf32, #tpu.memory_space<vmem_shared>> -> memref<128x64xf32, #tpu.memory_space<vmem_shared>>
      tpu.wait_dma2 semaphore(%run_scoped3A : memref<!tpu.dma_semaphore, #tpu.memory_space<semaphore_mem>>) src(%arg13 : memref<128x64xf32, #tpu.memory_space<vmem>>) dst(%dma_wait3A_183 : memref<128x64xf32, #tpu.memory_space<vmem_shared>>)
      tpu.yield
    }) : () -> ()
    %mul3A_34 = arith.constant 640 : i32
    %mul3A_35 = arith.muli %arg1, %mul3A_34 : i32
    %add3A_36 = arith.constant 512 : i32
    %add3A_37 = arith.addi %mul3A_35, %add3A_36 : i32
    "tpu.region"() ({
      %run_scoped3A = tpu.sem_alloc : memref<!tpu.dma_semaphore, #tpu.memory_space<semaphore_mem>>
      %dma_start3A_176 = arith.constant 0 : i32
      %dma_start3A_177 = tpu.memref_slice %arg14[%add3A_37, %dma_start3A_176] : memref<10240x64xf32, #tpu.memory_space<vmem_shared>> -> memref<128x64xf32, #tpu.memory_space<vmem_shared>>
      %dma_start3A_178 = arith.constant 0 : i32
      %dma_start3A_179 = tpu.memref_slice %arg14[%add3A_37, %dma_start3A_178] : memref<10240x64xf32, #tpu.memory_space<vmem_shared>> -> memref<128x64xf32, #tpu.memory_space<vmem_shared>>
      tpu.enqueue_dma source(%arg13 : memref<128x64xf32, #tpu.memory_space<vmem>>) target(%dma_start3A_179 : memref<128x64xf32, #tpu.memory_space<vmem_shared>>) target_semaphore(%run_scoped3A : memref<!tpu.dma_semaphore, #tpu.memory_space<semaphore_mem>>)
      %dma_wait3A_180 = arith.constant 0 : i32
      %dma_wait3A_181 = tpu.memref_slice %arg14[%add3A_37, %dma_wait3A_180] : memref<10240x64xf32, #tpu.memory_space<vmem_shared>> -> memref<128x64xf32, #tpu.memory_space<vmem_shared>>
      %dma_wait3A_182 = arith.constant 0 : i32
      %dma_wait3A_183 = tpu.memref_slice %arg14[%add3A_37, %dma_wait3A_182] : memref<10240x64xf32, #tpu.memory_space<vmem_shared>> -> memref<128x64xf32, #tpu.memory_space<vmem_shared>>
      tpu.wait_dma2 semaphore(%run_scoped3A : memref<!tpu.dma_semaphore, #tpu.memory_space<semaphore_mem>>) src(%arg13 : memref<128x64xf32, #tpu.memory_space<vmem>>) dst(%dma_wait3A_183 : memref<128x64xf32, #tpu.memory_space<vmem_shared>>)
      tpu.yield
    }) : () -> ()
    %dma_wait3A = arith.constant 0 : i32
    %dma_wait3A_38 = arith.constant 0 : i32
    %dma_wait3A_39 = tpu.memref_slice %arg3[%arg1, %dma_wait3A, %dma_wait3A_38] : memref<16x160x125xi32, #tpu.memory_space<hbm>> -> memref<1x160x125xi32, #tpu.memory_space<hbm>>
    %dma_wait3A_40 = tpu.memref_squeeze %dma_wait3A_39 : memref<1x160x125xi32, #tpu.memory_space<hbm>> -> memref<160x125xi32, #tpu.memory_space<hbm>>
    %dma_wait3A_41 = arith.constant 0 : i32
    %dma_wait3A_42 = arith.constant 0 : i32
    %dma_wait3A_43 = tpu.memref_slice %arg3[%arg1, %dma_wait3A_41, %dma_wait3A_42] : memref<16x160x125xi32, #tpu.memory_space<hbm>> -> memref<1x160x125xi32, #tpu.memory_space<hbm>>
    %dma_wait3A_44 = tpu.memref_squeeze %dma_wait3A_43 : memref<1x160x125xi32, #tpu.memory_space<hbm>> -> memref<160x125xi32, #tpu.memory_space<hbm>>
    tpu.wait_dma2 semaphore(%arg25 : memref<!tpu.dma_semaphore, #tpu.memory_space<semaphore_mem>>) src(%dma_wait3A_44 : memref<160x125xi32, #tpu.memory_space<hbm>>) dst(%arg6 : memref<160x125xi32, #tpu.memory_space<vmem>>)
    %dma_wait3A_45 = arith.constant 0 : i32
    %dma_wait3A_46 = arith.constant 0 : i32
    %dma_wait3A_47 = tpu.memref_slice %arg4[%arg1, %dma_wait3A_45, %dma_wait3A_46] : memref<16x160x125xi32, #tpu.memory_space<hbm>> -> memref<1x160x125xi32, #tpu.memory_space<hbm>>
    %dma_wait3A_48 = tpu.memref_squeeze %dma_wait3A_47 : memref<1x160x125xi32, #tpu.memory_space<hbm>> -> memref<160x125xi32, #tpu.memory_space<hbm>>
    %dma_wait3A_49 = arith.constant 0 : i32
    %dma_wait3A_50 = arith.constant 0 : i32
    %dma_wait3A_51 = tpu.memref_slice %arg4[%arg1, %dma_wait3A_49, %dma_wait3A_50] : memref<16x160x125xi32, #tpu.memory_space<hbm>> -> memref<1x160x125xi32, #tpu.memory_space<hbm>>
    %dma_wait3A_52 = tpu.memref_squeeze %dma_wait3A_51 : memref<1x160x125xi32, #tpu.memory_space<hbm>> -> memref<160x125xi32, #tpu.memory_space<hbm>>
    tpu.wait_dma2 semaphore(%arg26 : memref<!tpu.dma_semaphore, #tpu.memory_space<semaphore_mem>>) src(%dma_wait3A_52 : memref<160x125xi32, #tpu.memory_space<hbm>>) dst(%arg7 : memref<160x125xi32, #tpu.memory_space<vmem>>)
    %dma_start3A_53 = arith.constant 0 : i32
    %dma_start3A_54 = arith.constant 0 : i32
    %dma_start3A_55 = tpu.memref_slice %arg6[%dma_start3A_53, %dma_start3A_54] : memref<160x125xi32, #tpu.memory_space<vmem>> -> memref<1x125xi32, #tpu.memory_space<vmem>>
    %dma_start3A_56 = tpu.memref_squeeze %dma_start3A_55 : memref<1x125xi32, #tpu.memory_space<vmem>> -> memref<125xi32, #tpu.memory_space<vmem>>
    %dma_start3A_57 = arith.constant 0 : i32
    %dma_start3A_58 = arith.constant 0 : i32
    %dma_start3A_59 = tpu.memref_slice %arg2[%arg0, %dma_start3A_57, %dma_start3A_58] : memref<2x10000x64xf32, #tpu.memory_space<hbm>> -> memref<1x10000x64xf32, #tpu.memory_space<hbm>>
    %dma_start3A_60 = tpu.memref_squeeze %dma_start3A_59 : memref<1x10000x64xf32, #tpu.memory_space<hbm>> -> memref<10000x64xf32, #tpu.memory_space<hbm>>
    %dma_start3A_61 = arith.constant 0 : i32
    %dma_start3A_62 = arith.constant 0 : i32
    %dma_start3A_63 = tpu.memref_slice %dma_start3A_60[%dma_start3A_61, %dma_start3A_62] : memref<10000x64xf32, #tpu.memory_space<hbm>> -> memref<10000x64xf32, #tpu.memory_space<hbm>>
    tpu.enqueue_indirect_dma source(%dma_start3A_63 : memref<10000x64xf32, #tpu.memory_space<hbm>>) target(%arg8 : memref<125x64xf32, #tpu.memory_space<vmem>>) offsets(%dma_start3A_56 : memref<125xi32, #tpu.memory_space<vmem>>) semaphore(%arg15 : memref<!tpu.dma_semaphore, #tpu.memory_space<semaphore_mem>>)
    %dma_start3A_64 = arith.constant 1 : i32
    %dma_start3A_65 = arith.constant 0 : i32
    %dma_start3A_66 = tpu.memref_slice %arg6[%dma_start3A_64, %dma_start3A_65] : memref<160x125xi32, #tpu.memory_space<vmem>> -> memref<1x125xi32, #tpu.memory_space<vmem>>
    %dma_start3A_67 = tpu.memref_squeeze %dma_start3A_66 : memref<1x125xi32, #tpu.memory_space<vmem>> -> memref<125xi32, #tpu.memory_space<vmem>>
    %dma_start3A_68 = arith.constant 0 : i32
    %dma_start3A_69 = arith.constant 0 : i32
    %dma_start3A_70 = tpu.memref_slice %arg2[%arg0, %dma_start3A_68, %dma_start3A_69] : memref<2x10000x64xf32, #tpu.memory_space<hbm>> -> memref<1x10000x64xf32, #tpu.memory_space<hbm>>
    %dma_start3A_71 = tpu.memref_squeeze %dma_start3A_70 : memref<1x10000x64xf32, #tpu.memory_space<hbm>> -> memref<10000x64xf32, #tpu.memory_space<hbm>>
    %dma_start3A_72 = arith.constant 0 : i32
    %dma_start3A_73 = arith.constant 0 : i32
    %dma_start3A_74 = tpu.memref_slice %dma_start3A_71[%dma_start3A_72, %dma_start3A_73] : memref<10000x64xf32, #tpu.memory_space<hbm>> -> memref<10000x64xf32, #tpu.memory_space<hbm>>
    tpu.enqueue_indirect_dma source(%dma_start3A_74 : memref<10000x64xf32, #tpu.memory_space<hbm>>) target(%arg9 : memref<125x64xf32, #tpu.memory_space<vmem>>) offsets(%dma_start3A_67 : memref<125xi32, #tpu.memory_space<vmem>>) semaphore(%arg16 : memref<!tpu.dma_semaphore, #tpu.memory_space<semaphore_mem>>)
    %dma_start3A_75 = arith.constant 2 : i32
    %dma_start3A_76 = arith.constant 0 : i32
    %dma_start3A_77 = tpu.memref_slice %arg6[%dma_start3A_75, %dma_start3A_76] : memref<160x125xi32, #tpu.memory_space<vmem>> -> memref<1x125xi32, #tpu.memory_space<vmem>>
    %dma_start3A_78 = tpu.memref_squeeze %dma_start3A_77 : memref<1x125xi32, #tpu.memory_space<vmem>> -> memref<125xi32, #tpu.memory_space<vmem>>
    %dma_start3A_79 = arith.constant 0 : i32
    %dma_start3A_80 = arith.constant 0 : i32
    %dma_start3A_81 = tpu.memref_slice %arg2[%arg0, %dma_start3A_79, %dma_start3A_80] : memref<2x10000x64xf32, #tpu.memory_space<hbm>> -> memref<1x10000x64xf32, #tpu.memory_space<hbm>>
    %dma_start3A_82 = tpu.memref_squeeze %dma_start3A_81 : memref<1x10000x64xf32, #tpu.memory_space<hbm>> -> memref<10000x64xf32, #tpu.memory_space<hbm>>
    %dma_start3A_83 = arith.constant 0 : i32
    %dma_start3A_84 = arith.constant 0 : i32
    %dma_start3A_85 = tpu.memref_slice %dma_start3A_82[%dma_start3A_83, %dma_start3A_84] : memref<10000x64xf32, #tpu.memory_space<hbm>> -> memref<10000x64xf32, #tpu.memory_space<hbm>>
    tpu.enqueue_indirect_dma source(%dma_start3A_85 : memref<10000x64xf32, #tpu.memory_space<hbm>>) target(%arg10 : memref<125x64xf32, #tpu.memory_space<vmem>>) offsets(%dma_start3A_78 : memref<125xi32, #tpu.memory_space<vmem>>) semaphore(%arg17 : memref<!tpu.dma_semaphore, #tpu.memory_space<semaphore_mem>>)
    %dma_start3A_86 = arith.constant 3 : i32
    %dma_start3A_87 = arith.constant 0 : i32
    %dma_start3A_88 = tpu.memref_slice %arg6[%dma_start3A_86, %dma_start3A_87] : memref<160x125xi32, #tpu.memory_space<vmem>> -> memref<1x125xi32, #tpu.memory_space<vmem>>
    %dma_start3A_89 = tpu.memref_squeeze %dma_start3A_88 : memref<1x125xi32, #tpu.memory_space<vmem>> -> memref<125xi32, #tpu.memory_space<vmem>>
    %dma_start3A_90 = arith.constant 0 : i32
    %dma_start3A_91 = arith.constant 0 : i32
    %dma_start3A_92 = tpu.memref_slice %arg2[%arg0, %dma_start3A_90, %dma_start3A_91] : memref<2x10000x64xf32, #tpu.memory_space<hbm>> -> memref<1x10000x64xf32, #tpu.memory_space<hbm>>
    %dma_start3A_93 = tpu.memref_squeeze %dma_start3A_92 : memref<1x10000x64xf32, #tpu.memory_space<hbm>> -> memref<10000x64xf32, #tpu.memory_space<hbm>>
    %dma_start3A_94 = arith.constant 0 : i32
    %dma_start3A_95 = arith.constant 0 : i32
    %dma_start3A_96 = tpu.memref_slice %dma_start3A_93[%dma_start3A_94, %dma_start3A_95] : memref<10000x64xf32, #tpu.memory_space<hbm>> -> memref<10000x64xf32, #tpu.memory_space<hbm>>
    tpu.enqueue_indirect_dma source(%dma_start3A_96 : memref<10000x64xf32, #tpu.memory_space<hbm>>) target(%arg11 : memref<125x64xf32, #tpu.memory_space<vmem>>) offsets(%dma_start3A_89 : memref<125xi32, #tpu.memory_space<vmem>>) semaphore(%arg18 : memref<!tpu.dma_semaphore, #tpu.memory_space<semaphore_mem>>)
    %dma_start3A_97 = arith.constant 4 : i32
    %dma_start3A_98 = arith.constant 0 : i32
    %dma_start3A_99 = tpu.memref_slice %arg6[%dma_start3A_97, %dma_start3A_98] : memref<160x125xi32, #tpu.memory_space<vmem>> -> memref<1x125xi32, #tpu.memory_space<vmem>>
    %dma_start3A_100 = tpu.memref_squeeze %dma_start3A_99 : memref<1x125xi32, #tpu.memory_space<vmem>> -> memref<125xi32, #tpu.memory_space<vmem>>
    %dma_start3A_101 = arith.constant 0 : i32
    %dma_start3A_102 = arith.constant 0 : i32
    %dma_start3A_103 = tpu.memref_slice %arg2[%arg0, %dma_start3A_101, %dma_start3A_102] : memref<2x10000x64xf32, #tpu.memory_space<hbm>> -> memref<1x10000x64xf32, #tpu.memory_space<hbm>>
    %dma_start3A_104 = tpu.memref_squeeze %dma_start3A_103 : memref<1x10000x64xf32, #tpu.memory_space<hbm>> -> memref<10000x64xf32, #tpu.memory_space<hbm>>
    %dma_start3A_105 = arith.constant 0 : i32
    %dma_start3A_106 = arith.constant 0 : i32
    %dma_start3A_107 = tpu.memref_slice %dma_start3A_104[%dma_start3A_105, %dma_start3A_106] : memref<10000x64xf32, #tpu.memory_space<hbm>> -> memref<10000x64xf32, #tpu.memory_space<hbm>>
    tpu.enqueue_indirect_dma source(%dma_start3A_107 : memref<10000x64xf32, #tpu.memory_space<hbm>>) target(%arg12 : memref<125x64xf32, #tpu.memory_space<vmem>>) offsets(%dma_start3A_100 : memref<125xi32, #tpu.memory_space<vmem>>) semaphore(%arg19 : memref<!tpu.dma_semaphore, #tpu.memory_space<semaphore_mem>>)
    %barrier3A = arith.constant 0 : index
    tpu.barrier barrier_id(%barrier3A)
    %scan3A_108 = arith.constant 0 : i32
    %scan3A_109 = arith.constant 0 : i32
    %scan3A_110 = arith.constant 32 : i32
    %scan3A_111 = arith.addi %scan3A_109, %scan3A_110 : i32
    %scan3A_112 = arith.constant 1 : i32
    scf.for %scan3A_176 = %scan3A_109 to %scan3A_111 step %scan3A_112  : i32 {
      %mul3A_177 = arith.constant 5 : i32
      %mul3A_178 = arith.muli %mul3A_177, %scan3A_176 : i32
      %add3A_179 = arith.constant 0 : i32
      %add3A_180 = arith.addi %mul3A_178, %add3A_179 : i32
      %dma_wait3A_181 = arith.constant 0 : i32
      %dma_wait3A_182 = tpu.memref_slice %arg6[%add3A_180, %dma_wait3A_181] : memref<160x125xi32, #tpu.memory_space<vmem>> -> memref<1x125xi32, #tpu.memory_space<vmem>>
      %dma_wait3A_183 = tpu.memref_squeeze %dma_wait3A_182 : memref<1x125xi32, #tpu.memory_space<vmem>> -> memref<125xi32, #tpu.memory_space<vmem>>
      %dma_wait3A_184 = arith.constant 0 : i32
      %dma_wait3A_185 = arith.constant 0 : i32
      %dma_wait3A_186 = tpu.memref_slice %arg2[%arg0, %dma_wait3A_184, %dma_wait3A_185] : memref<2x10000x64xf32, #tpu.memory_space<hbm>> -> memref<1x10000x64xf32, #tpu.memory_space<hbm>>
      %dma_wait3A_187 = tpu.memref_squeeze %dma_wait3A_186 : memref<1x10000x64xf32, #tpu.memory_space<hbm>> -> memref<10000x64xf32, #tpu.memory_space<hbm>>
      %dma_wait3A_188 = arith.constant 0 : i32
      %dma_wait3A_189 = arith.constant 0 : i32
      %dma_wait3A_190 = tpu.memref_slice %dma_wait3A_187[%dma_wait3A_188, %dma_wait3A_189] : memref<10000x64xf32, #tpu.memory_space<hbm>> -> memref<10000x64xf32, #tpu.memory_space<hbm>>
      tpu.wait_indirect_dma semaphore(%arg15 : memref<!tpu.dma_semaphore, #tpu.memory_space<semaphore_mem>>) src(%dma_wait3A_190 : memref<10000x64xf32, #tpu.memory_space<hbm>>) dst(%arg8 : memref<125x64xf32, #tpu.memory_space<vmem>>)
      %dma_start3A_191 = arith.constant 0 : i32
      %dma_start3A_192 = tpu.memref_slice %arg7[%add3A_180, %dma_start3A_191] : memref<160x125xi32, #tpu.memory_space<vmem>> -> memref<1x125xi32, #tpu.memory_space<vmem>>
      %dma_start3A_193 = tpu.memref_squeeze %dma_start3A_192 : memref<1x125xi32, #tpu.memory_space<vmem>> -> memref<125xi32, #tpu.memory_space<vmem>>
      %dma_start3A_194 = arith.constant 0 : i32
      %dma_start3A_195 = arith.constant 0 : i32
      %dma_start3A_196 = tpu.memref_slice %arg14[%dma_start3A_194, %dma_start3A_195] : memref<10240x64xf32, #tpu.memory_space<vmem_shared>> -> memref<10240x64xf32, #tpu.memory_space<vmem_shared>>
      tpu.enqueue_indirect_dma source(%arg8 : memref<125x64xf32, #tpu.memory_space<vmem>>) target(%dma_start3A_196 : memref<10240x64xf32, #tpu.memory_space<vmem_shared>>) offsets(%dma_start3A_193 : memref<125xi32, #tpu.memory_space<vmem>>) semaphore(%arg20 : memref<!tpu.dma_semaphore, #tpu.memory_space<semaphore_mem>>) {add = true}
      %add3A_197 = arith.constant 1 : i32
      %add3A_198 = arith.addi %mul3A_178, %add3A_197 : i32
      %dma_wait3A_199 = arith.constant 0 : i32
      %dma_wait3A_200 = tpu.memref_slice %arg6[%add3A_198, %dma_wait3A_199] : memref<160x125xi32, #tpu.memory_space<vmem>> -> memref<1x125xi32, #tpu.memory_space<vmem>>
      %dma_wait3A_201 = tpu.memref_squeeze %dma_wait3A_200 : memref<1x125xi32, #tpu.memory_space<vmem>> -> memref<125xi32, #tpu.memory_space<vmem>>
      %dma_wait3A_202 = arith.constant 0 : i32
      %dma_wait3A_203 = arith.constant 0 : i32
      %dma_wait3A_204 = tpu.memref_slice %arg2[%arg0, %dma_wait3A_202, %dma_wait3A_203] : memref<2x10000x64xf32, #tpu.memory_space<hbm>> -> memref<1x10000x64xf32, #tpu.memory_space<hbm>>
      %dma_wait3A_205 = tpu.memref_squeeze %dma_wait3A_204 : memref<1x10000x64xf32, #tpu.memory_space<hbm>> -> memref<10000x64xf32, #tpu.memory_space<hbm>>
      %dma_wait3A_206 = arith.constant 0 : i32
      %dma_wait3A_207 = arith.constant 0 : i32
      %dma_wait3A_208 = tpu.memref_slice %dma_wait3A_205[%dma_wait3A_206, %dma_wait3A_207] : memref<10000x64xf32, #tpu.memory_space<hbm>> -> memref<10000x64xf32, #tpu.memory_space<hbm>>
      tpu.wait_indirect_dma semaphore(%arg16 : memref<!tpu.dma_semaphore, #tpu.memory_space<semaphore_mem>>) src(%dma_wait3A_208 : memref<10000x64xf32, #tpu.memory_space<hbm>>) dst(%arg9 : memref<125x64xf32, #tpu.memory_space<vmem>>)
      %dma_start3A_209 = arith.constant 0 : i32
      %dma_start3A_210 = tpu.memref_slice %arg7[%add3A_198, %dma_start3A_209] : memref<160x125xi32, #tpu.memory_space<vmem>> -> memref<1x125xi32, #tpu.memory_space<vmem>>
      %dma_start3A_211 = tpu.memref_squeeze %dma_start3A_210 : memref<1x125xi32, #tpu.memory_space<vmem>> -> memref<125xi32, #tpu.memory_space<vmem>>
      %dma_start3A_212 = arith.constant 0 : i32
      %dma_start3A_213 = arith.constant 0 : i32
      %dma_start3A_214 = tpu.memref_slice %arg14[%dma_start3A_212, %dma_start3A_213] : memref<10240x64xf32, #tpu.memory_space<vmem_shared>> -> memref<10240x64xf32, #tpu.memory_space<vmem_shared>>
      tpu.enqueue_indirect_dma source(%arg9 : memref<125x64xf32, #tpu.memory_space<vmem>>) target(%dma_start3A_214 : memref<10240x64xf32, #tpu.memory_space<vmem_shared>>) offsets(%dma_start3A_211 : memref<125xi32, #tpu.memory_space<vmem>>) semaphore(%arg21 : memref<!tpu.dma_semaphore, #tpu.memory_space<semaphore_mem>>) {add = true}
      %add3A_215 = arith.constant 2 : i32
      %add3A_216 = arith.addi %mul3A_178, %add3A_215 : i32
      %dma_wait3A_217 = arith.constant 0 : i32
      %dma_wait3A_218 = tpu.memref_slice %arg6[%add3A_216, %dma_wait3A_217] : memref<160x125xi32, #tpu.memory_space<vmem>> -> memref<1x125xi32, #tpu.memory_space<vmem>>
      %dma_wait3A_219 = tpu.memref_squeeze %dma_wait3A_218 : memref<1x125xi32, #tpu.memory_space<vmem>> -> memref<125xi32, #tpu.memory_space<vmem>>
      %dma_wait3A_220 = arith.constant 0 : i32
      %dma_wait3A_221 = arith.constant 0 : i32
      %dma_wait3A_222 = tpu.memref_slice %arg2[%arg0, %dma_wait3A_220, %dma_wait3A_221] : memref<2x10000x64xf32, #tpu.memory_space<hbm>> -> memref<1x10000x64xf32, #tpu.memory_space<hbm>>
      %dma_wait3A_223 = tpu.memref_squeeze %dma_wait3A_222 : memref<1x10000x64xf32, #tpu.memory_space<hbm>> -> memref<10000x64xf32, #tpu.memory_space<hbm>>
      %dma_wait3A_224 = arith.constant 0 : i32
      %dma_wait3A_225 = arith.constant 0 : i32
      %dma_wait3A_226 = tpu.memref_slice %dma_wait3A_223[%dma_wait3A_224, %dma_wait3A_225] : memref<10000x64xf32, #tpu.memory_space<hbm>> -> memref<10000x64xf32, #tpu.memory_space<hbm>>
      tpu.wait_indirect_dma semaphore(%arg17 : memref<!tpu.dma_semaphore, #tpu.memory_space<semaphore_mem>>) src(%dma_wait3A_226 : memref<10000x64xf32, #tpu.memory_space<hbm>>) dst(%arg10 : memref<125x64xf32, #tpu.memory_space<vmem>>)
      %dma_start3A_227 = arith.constant 0 : i32
      %dma_start3A_228 = tpu.memref_slice %arg7[%add3A_216, %dma_start3A_227] : memref<160x125xi32, #tpu.memory_space<vmem>> -> memref<1x125xi32, #tpu.memory_space<vmem>>
      %dma_start3A_229 = tpu.memref_squeeze %dma_start3A_228 : memref<1x125xi32, #tpu.memory_space<vmem>> -> memref<125xi32, #tpu.memory_space<vmem>>
      %dma_start3A_230 = arith.constant 0 : i32
      %dma_start3A_231 = arith.constant 0 : i32
      %dma_start3A_232 = tpu.memref_slice %arg14[%dma_start3A_230, %dma_start3A_231] : memref<10240x64xf32, #tpu.memory_space<vmem_shared>> -> memref<10240x64xf32, #tpu.memory_space<vmem_shared>>
      tpu.enqueue_indirect_dma source(%arg10 : memref<125x64xf32, #tpu.memory_space<vmem>>) target(%dma_start3A_232 : memref<10240x64xf32, #tpu.memory_space<vmem_shared>>) offsets(%dma_start3A_229 : memref<125xi32, #tpu.memory_space<vmem>>) semaphore(%arg22 : memref<!tpu.dma_semaphore, #tpu.memory_space<semaphore_mem>>) {add = true}
      %add3A_233 = arith.constant 3 : i32
      %add3A_234 = arith.addi %mul3A_178, %add3A_233 : i32
      %dma_wait3A_235 = arith.constant 0 : i32
      %dma_wait3A_236 = tpu.memref_slice %arg6[%add3A_234, %dma_wait3A_235] : memref<160x125xi32, #tpu.memory_space<vmem>> -> memref<1x125xi32, #tpu.memory_space<vmem>>
      %dma_wait3A_237 = tpu.memref_squeeze %dma_wait3A_236 : memref<1x125xi32, #tpu.memory_space<vmem>> -> memref<125xi32, #tpu.memory_space<vmem>>
      %dma_wait3A_238 = arith.constant 0 : i32
      %dma_wait3A_239 = arith.constant 0 : i32
      %dma_wait3A_240 = tpu.memref_slice %arg2[%arg0, %dma_wait3A_238, %dma_wait3A_239] : memref<2x10000x64xf32, #tpu.memory_space<hbm>> -> memref<1x10000x64xf32, #tpu.memory_space<hbm>>
      %dma_wait3A_241 = tpu.memref_squeeze %dma_wait3A_240 : memref<1x10000x64xf32, #tpu.memory_space<hbm>> -> memref<10000x64xf32, #tpu.memory_space<hbm>>
      %dma_wait3A_242 = arith.constant 0 : i32
      %dma_wait3A_243 = arith.constant 0 : i32
      %dma_wait3A_244 = tpu.memref_slice %dma_wait3A_241[%dma_wait3A_242, %dma_wait3A_243] : memref<10000x64xf32, #tpu.memory_space<hbm>> -> memref<10000x64xf32, #tpu.memory_space<hbm>>
      tpu.wait_indirect_dma semaphore(%arg18 : memref<!tpu.dma_semaphore, #tpu.memory_space<semaphore_mem>>) src(%dma_wait3A_244 : memref<10000x64xf32, #tpu.memory_space<hbm>>) dst(%arg11 : memref<125x64xf32, #tpu.memory_space<vmem>>)
      %dma_start3A_245 = arith.constant 0 : i32
      %dma_start3A_246 = tpu.memref_slice %arg7[%add3A_234, %dma_start3A_245] : memref<160x125xi32, #tpu.memory_space<vmem>> -> memref<1x125xi32, #tpu.memory_space<vmem>>
      %dma_start3A_247 = tpu.memref_squeeze %dma_start3A_246 : memref<1x125xi32, #tpu.memory_space<vmem>> -> memref<125xi32, #tpu.memory_space<vmem>>
      %dma_start3A_248 = arith.constant 0 : i32
      %dma_start3A_249 = arith.constant 0 : i32
      %dma_start3A_250 = tpu.memref_slice %arg14[%dma_start3A_248, %dma_start3A_249] : memref<10240x64xf32, #tpu.memory_space<vmem_shared>> -> memref<10240x64xf32, #tpu.memory_space<vmem_shared>>
      tpu.enqueue_indirect_dma source(%arg11 : memref<125x64xf32, #tpu.memory_space<vmem>>) target(%dma_start3A_250 : memref<10240x64xf32, #tpu.memory_space<vmem_shared>>) offsets(%dma_start3A_247 : memref<125xi32, #tpu.memory_space<vmem>>) semaphore(%arg23 : memref<!tpu.dma_semaphore, #tpu.memory_space<semaphore_mem>>) {add = true}
      %add3A_251 = arith.constant 4 : i32
      %add3A_252 = arith.addi %mul3A_178, %add3A_251 : i32
      %dma_wait3A_253 = arith.constant 0 : i32
      %dma_wait3A_254 = tpu.memref_slice %arg6[%add3A_252, %dma_wait3A_253] : memref<160x125xi32, #tpu.memory_space<vmem>> -> memref<1x125xi32, #tpu.memory_space<vmem>>
      %dma_wait3A_255 = tpu.memref_squeeze %dma_wait3A_254 : memref<1x125xi32, #tpu.memory_space<vmem>> -> memref<125xi32, #tpu.memory_space<vmem>>
      %dma_wait3A_256 = arith.constant 0 : i32
      %dma_wait3A_257 = arith.constant 0 : i32
      %dma_wait3A_258 = tpu.memref_slice %arg2[%arg0, %dma_wait3A_256, %dma_wait3A_257] : memref<2x10000x64xf32, #tpu.memory_space<hbm>> -> memref<1x10000x64xf32, #tpu.memory_space<hbm>>
      %dma_wait3A_259 = tpu.memref_squeeze %dma_wait3A_258 : memref<1x10000x64xf32, #tpu.memory_space<hbm>> -> memref<10000x64xf32, #tpu.memory_space<hbm>>
      %dma_wait3A_260 = arith.constant 0 : i32
      %dma_wait3A_261 = arith.constant 0 : i32
      %dma_wait3A_262 = tpu.memref_slice %dma_wait3A_259[%dma_wait3A_260, %dma_wait3A_261] : memref<10000x64xf32, #tpu.memory_space<hbm>> -> memref<10000x64xf32, #tpu.memory_space<hbm>>
      tpu.wait_indirect_dma semaphore(%arg19 : memref<!tpu.dma_semaphore, #tpu.memory_space<semaphore_mem>>) src(%dma_wait3A_262 : memref<10000x64xf32, #tpu.memory_space<hbm>>) dst(%arg12 : memref<125x64xf32, #tpu.memory_space<vmem>>)
      %dma_start3A_263 = arith.constant 0 : i32
      %dma_start3A_264 = tpu.memref_slice %arg7[%add3A_252, %dma_start3A_263] : memref<160x125xi32, #tpu.memory_space<vmem>> -> memref<1x125xi32, #tpu.memory_space<vmem>>
      %dma_start3A_265 = tpu.memref_squeeze %dma_start3A_264 : memref<1x125xi32, #tpu.memory_space<vmem>> -> memref<125xi32, #tpu.memory_space<vmem>>
      %dma_start3A_266 = arith.constant 0 : i32
      %dma_start3A_267 = arith.constant 0 : i32
      %dma_start3A_268 = tpu.memref_slice %arg14[%dma_start3A_266, %dma_start3A_267] : memref<10240x64xf32, #tpu.memory_space<vmem_shared>> -> memref<10240x64xf32, #tpu.memory_space<vmem_shared>>
      tpu.enqueue_indirect_dma source(%arg12 : memref<125x64xf32, #tpu.memory_space<vmem>>) target(%dma_start3A_268 : memref<10240x64xf32, #tpu.memory_space<vmem_shared>>) offsets(%dma_start3A_265 : memref<125xi32, #tpu.memory_space<vmem>>) semaphore(%arg24 : memref<!tpu.dma_semaphore, #tpu.memory_space<semaphore_mem>>) {add = true}
      %add3A_269 = arith.constant 0 : i32
      %add3A_270 = arith.addi %mul3A_178, %add3A_269 : i32
      %dma_wait3A_271 = arith.constant 0 : i32
      %dma_wait3A_272 = tpu.memref_slice %arg7[%add3A_270, %dma_wait3A_271] : memref<160x125xi32, #tpu.memory_space<vmem>> -> memref<1x125xi32, #tpu.memory_space<vmem>>
      %dma_wait3A_273 = tpu.memref_squeeze %dma_wait3A_272 : memref<1x125xi32, #tpu.memory_space<vmem>> -> memref<125xi32, #tpu.memory_space<vmem>>
      %dma_wait3A_274 = arith.constant 0 : i32
      %dma_wait3A_275 = arith.constant 0 : i32
      %dma_wait3A_276 = tpu.memref_slice %arg14[%dma_wait3A_274, %dma_wait3A_275] : memref<10240x64xf32, #tpu.memory_space<vmem_shared>> -> memref<10240x64xf32, #tpu.memory_space<vmem_shared>>
      tpu.wait_indirect_dma semaphore(%arg20 : memref<!tpu.dma_semaphore, #tpu.memory_space<semaphore_mem>>) src(%arg8 : memref<125x64xf32, #tpu.memory_space<vmem>>) dst(%dma_wait3A_276 : memref<10240x64xf32, #tpu.memory_space<vmem_shared>>)
      %add3A_277 = arith.constant 5 : i32
      %add3A_278 = arith.addi %add3A_270, %add3A_277 : i32
      %min3A = arith.constant 159 : i32
      %min3A_279 = arith.minsi %add3A_278, %min3A : i32
      %dma_start3A_280 = arith.constant 0 : i32
      %dma_start3A_281 = tpu.memref_slice %arg6[%min3A_279, %dma_start3A_280] : memref<160x125xi32, #tpu.memory_space<vmem>> -> memref<1x125xi32, #tpu.memory_space<vmem>>
      %dma_start3A_282 = tpu.memref_squeeze %dma_start3A_281 : memref<1x125xi32, #tpu.memory_space<vmem>> -> memref<125xi32, #tpu.memory_space<vmem>>
      %dma_start3A_283 = arith.constant 0 : i32
      %dma_start3A_284 = arith.constant 0 : i32
      %dma_start3A_285 = tpu.memref_slice %arg2[%arg0, %dma_start3A_283, %dma_start3A_284] : memref<2x10000x64xf32, #tpu.memory_space<hbm>> -> memref<1x10000x64xf32, #tpu.memory_space<hbm>>
      %dma_start3A_286 = tpu.memref_squeeze %dma_start3A_285 : memref<1x10000x64xf32, #tpu.memory_space<hbm>> -> memref<10000x64xf32, #tpu.memory_space<hbm>>
      %dma_start3A_287 = arith.constant 0 : i32
      %dma_start3A_288 = arith.constant 0 : i32
      %dma_start3A_289 = tpu.memref_slice %dma_start3A_286[%dma_start3A_287, %dma_start3A_288] : memref<10000x64xf32, #tpu.memory_space<hbm>> -> memref<10000x64xf32, #tpu.memory_space<hbm>>
      tpu.enqueue_indirect_dma source(%dma_start3A_289 : memref<10000x64xf32, #tpu.memory_space<hbm>>) target(%arg8 : memref<125x64xf32, #tpu.memory_space<vmem>>) offsets(%dma_start3A_282 : memref<125xi32, #tpu.memory_space<vmem>>) semaphore(%arg15 : memref<!tpu.dma_semaphore, #tpu.memory_space<semaphore_mem>>)
      %add3A_290 = arith.constant 1 : i32
      %add3A_291 = arith.addi %mul3A_178, %add3A_290 : i32
      %dma_wait3A_292 = arith.constant 0 : i32
      %dma_wait3A_293 = tpu.memref_slice %arg7[%add3A_291, %dma_wait3A_292] : memref<160x125xi32, #tpu.memory_space<vmem>> -> memref<1x125xi32, #tpu.memory_space<vmem>>
      %dma_wait3A_294 = tpu.memref_squeeze %dma_wait3A_293 : memref<1x125xi32, #tpu.memory_space<vmem>> -> memref<125xi32, #tpu.memory_space<vmem>>
      %dma_wait3A_295 = arith.constant 0 : i32
      %dma_wait3A_296 = arith.constant 0 : i32
      %dma_wait3A_297 = tpu.memref_slice %arg14[%dma_wait3A_295, %dma_wait3A_296] : memref<10240x64xf32, #tpu.memory_space<vmem_shared>> -> memref<10240x64xf32, #tpu.memory_space<vmem_shared>>
      tpu.wait_indirect_dma semaphore(%arg21 : memref<!tpu.dma_semaphore, #tpu.memory_space<semaphore_mem>>) src(%arg9 : memref<125x64xf32, #tpu.memory_space<vmem>>) dst(%dma_wait3A_297 : memref<10240x64xf32, #tpu.memory_space<vmem_shared>>)
      %add3A_298 = arith.constant 5 : i32
      %add3A_299 = arith.addi %add3A_291, %add3A_298 : i32
      %min3A_300 = arith.constant 159 : i32
      %min3A_301 = arith.minsi %add3A_299, %min3A_300 : i32
      %dma_start3A_302 = arith.constant 0 : i32
      %dma_start3A_303 = tpu.memref_slice %arg6[%min3A_301, %dma_start3A_302] : memref<160x125xi32, #tpu.memory_space<vmem>> -> memref<1x125xi32, #tpu.memory_space<vmem>>
      %dma_start3A_304 = tpu.memref_squeeze %dma_start3A_303 : memref<1x125xi32, #tpu.memory_space<vmem>> -> memref<125xi32, #tpu.memory_space<vmem>>
      %dma_start3A_305 = arith.constant 0 : i32
      %dma_start3A_306 = arith.constant 0 : i32
      %dma_start3A_307 = tpu.memref_slice %arg2[%arg0, %dma_start3A_305, %dma_start3A_306] : memref<2x10000x64xf32, #tpu.memory_space<hbm>> -> memref<1x10000x64xf32, #tpu.memory_space<hbm>>
      %dma_start3A_308 = tpu.memref_squeeze %dma_start3A_307 : memref<1x10000x64xf32, #tpu.memory_space<hbm>> -> memref<10000x64xf32, #tpu.memory_space<hbm>>
      %dma_start3A_309 = arith.constant 0 : i32
      %dma_start3A_310 = arith.constant 0 : i32
      %dma_start3A_311 = tpu.memref_slice %dma_start3A_308[%dma_start3A_309, %dma_start3A_310] : memref<10000x64xf32, #tpu.memory_space<hbm>> -> memref<10000x64xf32, #tpu.memory_space<hbm>>
      tpu.enqueue_indirect_dma source(%dma_start3A_311 : memref<10000x64xf32, #tpu.memory_space<hbm>>) target(%arg9 : memref<125x64xf32, #tpu.memory_space<vmem>>) offsets(%dma_start3A_304 : memref<125xi32, #tpu.memory_space<vmem>>) semaphore(%arg16 : memref<!tpu.dma_semaphore, #tpu.memory_space<semaphore_mem>>)
      %add3A_312 = arith.constant 2 : i32
      %add3A_313 = arith.addi %mul3A_178, %add3A_312 : i32
      %dma_wait3A_314 = arith.constant 0 : i32
      %dma_wait3A_315 = tpu.memref_slice %arg7[%add3A_313, %dma_wait3A_314] : memref<160x125xi32, #tpu.memory_space<vmem>> -> memref<1x125xi32, #tpu.memory_space<vmem>>
      %dma_wait3A_316 = tpu.memref_squeeze %dma_wait3A_315 : memref<1x125xi32, #tpu.memory_space<vmem>> -> memref<125xi32, #tpu.memory_space<vmem>>
      %dma_wait3A_317 = arith.constant 0 : i32
      %dma_wait3A_318 = arith.constant 0 : i32
      %dma_wait3A_319 = tpu.memref_slice %arg14[%dma_wait3A_317, %dma_wait3A_318] : memref<10240x64xf32, #tpu.memory_space<vmem_shared>> -> memref<10240x64xf32, #tpu.memory_space<vmem_shared>>
      tpu.wait_indirect_dma semaphore(%arg22 : memref<!tpu.dma_semaphore, #tpu.memory_space<semaphore_mem>>) src(%arg10 : memref<125x64xf32, #tpu.memory_space<vmem>>) dst(%dma_wait3A_319 : memref<10240x64xf32, #tpu.memory_space<vmem_shared>>)
      %add3A_320 = arith.constant 5 : i32
      %add3A_321 = arith.addi %add3A_313, %add3A_320 : i32
      %min3A_322 = arith.constant 159 : i32
      %min3A_323 = arith.minsi %add3A_321, %min3A_322 : i32
      %dma_start3A_324 = arith.constant 0 : i32
      %dma_start3A_325 = tpu.memref_slice %arg6[%min3A_323, %dma_start3A_324] : memref<160x125xi32, #tpu.memory_space<vmem>> -> memref<1x125xi32, #tpu.memory_space<vmem>>
      %dma_start3A_326 = tpu.memref_squeeze %dma_start3A_325 : memref<1x125xi32, #tpu.memory_space<vmem>> -> memref<125xi32, #tpu.memory_space<vmem>>
      %dma_start3A_327 = arith.constant 0 : i32
      %dma_start3A_328 = arith.constant 0 : i32
      %dma_start3A_329 = tpu.memref_slice %arg2[%arg0, %dma_start3A_327, %dma_start3A_328] : memref<2x10000x64xf32, #tpu.memory_space<hbm>> -> memref<1x10000x64xf32, #tpu.memory_space<hbm>>
      %dma_start3A_330 = tpu.memref_squeeze %dma_start3A_329 : memref<1x10000x64xf32, #tpu.memory_space<hbm>> -> memref<10000x64xf32, #tpu.memory_space<hbm>>
      %dma_start3A_331 = arith.constant 0 : i32
      %dma_start3A_332 = arith.constant 0 : i32
      %dma_start3A_333 = tpu.memref_slice %dma_start3A_330[%dma_start3A_331, %dma_start3A_332] : memref<10000x64xf32, #tpu.memory_space<hbm>> -> memref<10000x64xf32, #tpu.memory_space<hbm>>
      tpu.enqueue_indirect_dma source(%dma_start3A_333 : memref<10000x64xf32, #tpu.memory_space<hbm>>) target(%arg10 : memref<125x64xf32, #tpu.memory_space<vmem>>) offsets(%dma_start3A_326 : memref<125xi32, #tpu.memory_space<vmem>>) semaphore(%arg17 : memref<!tpu.dma_semaphore, #tpu.memory_space<semaphore_mem>>)
      %add3A_334 = arith.constant 3 : i32
      %add3A_335 = arith.addi %mul3A_178, %add3A_334 : i32
      %dma_wait3A_336 = arith.constant 0 : i32
      %dma_wait3A_337 = tpu.memref_slice %arg7[%add3A_335, %dma_wait3A_336] : memref<160x125xi32, #tpu.memory_space<vmem>> -> memref<1x125xi32, #tpu.memory_space<vmem>>
      %dma_wait3A_338 = tpu.memref_squeeze %dma_wait3A_337 : memref<1x125xi32, #tpu.memory_space<vmem>> -> memref<125xi32, #tpu.memory_space<vmem>>
      %dma_wait3A_339 = arith.constant 0 : i32
      %dma_wait3A_340 = arith.constant 0 : i32
      %dma_wait3A_341 = tpu.memref_slice %arg14[%dma_wait3A_339, %dma_wait3A_340] : memref<10240x64xf32, #tpu.memory_space<vmem_shared>> -> memref<10240x64xf32, #tpu.memory_space<vmem_shared>>
      tpu.wait_indirect_dma semaphore(%arg23 : memref<!tpu.dma_semaphore, #tpu.memory_space<semaphore_mem>>) src(%arg11 : memref<125x64xf32, #tpu.memory_space<vmem>>) dst(%dma_wait3A_341 : memref<10240x64xf32, #tpu.memory_space<vmem_shared>>)
      %add3A_342 = arith.constant 5 : i32
      %add3A_343 = arith.addi %add3A_335, %add3A_342 : i32
      %min3A_344 = arith.constant 159 : i32
      %min3A_345 = arith.minsi %add3A_343, %min3A_344 : i32
      %dma_start3A_346 = arith.constant 0 : i32
      %dma_start3A_347 = tpu.memref_slice %arg6[%min3A_345, %dma_start3A_346] : memref<160x125xi32, #tpu.memory_space<vmem>> -> memref<1x125xi32, #tpu.memory_space<vmem>>
      %dma_start3A_348 = tpu.memref_squeeze %dma_start3A_347 : memref<1x125xi32, #tpu.memory_space<vmem>> -> memref<125xi32, #tpu.memory_space<vmem>>
      %dma_start3A_349 = arith.constant 0 : i32
      %dma_start3A_350 = arith.constant 0 : i32
      %dma_start3A_351 = tpu.memref_slice %arg2[%arg0, %dma_start3A_349, %dma_start3A_350] : memref<2x10000x64xf32, #tpu.memory_space<hbm>> -> memref<1x10000x64xf32, #tpu.memory_space<hbm>>
      %dma_start3A_352 = tpu.memref_squeeze %dma_start3A_351 : memref<1x10000x64xf32, #tpu.memory_space<hbm>> -> memref<10000x64xf32, #tpu.memory_space<hbm>>
      %dma_start3A_353 = arith.constant 0 : i32
      %dma_start3A_354 = arith.constant 0 : i32
      %dma_start3A_355 = tpu.memref_slice %dma_start3A_352[%dma_start3A_353, %dma_start3A_354] : memref<10000x64xf32, #tpu.memory_space<hbm>> -> memref<10000x64xf32, #tpu.memory_space<hbm>>
      tpu.enqueue_indirect_dma source(%dma_start3A_355 : memref<10000x64xf32, #tpu.memory_space<hbm>>) target(%arg11 : memref<125x64xf32, #tpu.memory_space<vmem>>) offsets(%dma_start3A_348 : memref<125xi32, #tpu.memory_space<vmem>>) semaphore(%arg18 : memref<!tpu.dma_semaphore, #tpu.memory_space<semaphore_mem>>)
      %add3A_356 = arith.constant 4 : i32
      %add3A_357 = arith.addi %mul3A_178, %add3A_356 : i32
      %dma_wait3A_358 = arith.constant 0 : i32
      %dma_wait3A_359 = tpu.memref_slice %arg7[%add3A_357, %dma_wait3A_358] : memref<160x125xi32, #tpu.memory_space<vmem>> -> memref<1x125xi32, #tpu.memory_space<vmem>>
      %dma_wait3A_360 = tpu.memref_squeeze %dma_wait3A_359 : memref<1x125xi32, #tpu.memory_space<vmem>> -> memref<125xi32, #tpu.memory_space<vmem>>
      %dma_wait3A_361 = arith.constant 0 : i32
      %dma_wait3A_362 = arith.constant 0 : i32
      %dma_wait3A_363 = tpu.memref_slice %arg14[%dma_wait3A_361, %dma_wait3A_362] : memref<10240x64xf32, #tpu.memory_space<vmem_shared>> -> memref<10240x64xf32, #tpu.memory_space<vmem_shared>>
      tpu.wait_indirect_dma semaphore(%arg24 : memref<!tpu.dma_semaphore, #tpu.memory_space<semaphore_mem>>) src(%arg12 : memref<125x64xf32, #tpu.memory_space<vmem>>) dst(%dma_wait3A_363 : memref<10240x64xf32, #tpu.memory_space<vmem_shared>>)
      %add3A_364 = arith.constant 5 : i32
      %add3A_365 = arith.addi %add3A_357, %add3A_364 : i32
      %min3A_366 = arith.constant 159 : i32
      %min3A_367 = arith.minsi %add3A_365, %min3A_366 : i32
      %dma_start3A_368 = arith.constant 0 : i32
      %dma_start3A_369 = tpu.memref_slice %arg6[%min3A_367, %dma_start3A_368] : memref<160x125xi32, #tpu.memory_space<vmem>> -> memref<1x125xi32, #tpu.memory_space<vmem>>
      %dma_start3A_370 = tpu.memref_squeeze %dma_start3A_369 : memref<1x125xi32, #tpu.memory_space<vmem>> -> memref<125xi32, #tpu.memory_space<vmem>>
      %dma_start3A_371 = arith.constant 0 : i32
      %dma_start3A_372 = arith.constant 0 : i32
      %dma_start3A_373 = tpu.memref_slice %arg2[%arg0, %dma_start3A_371, %dma_start3A_372] : memref<2x10000x64xf32, #tpu.memory_space<hbm>> -> memref<1x10000x64xf32, #tpu.memory_space<hbm>>
      %dma_start3A_374 = tpu.memref_squeeze %dma_start3A_373 : memref<1x10000x64xf32, #tpu.memory_space<hbm>> -> memref<10000x64xf32, #tpu.memory_space<hbm>>
      %dma_start3A_375 = arith.constant 0 : i32
      %dma_start3A_376 = arith.constant 0 : i32
      %dma_start3A_377 = tpu.memref_slice %dma_start3A_374[%dma_start3A_375, %dma_start3A_376] : memref<10000x64xf32, #tpu.memory_space<hbm>> -> memref<10000x64xf32, #tpu.memory_space<hbm>>
      tpu.enqueue_indirect_dma source(%dma_start3A_377 : memref<10000x64xf32, #tpu.memory_space<hbm>>) target(%arg12 : memref<125x64xf32, #tpu.memory_space<vmem>>) offsets(%dma_start3A_370 : memref<125xi32, #tpu.memory_space<vmem>>) semaphore(%arg19 : memref<!tpu.dma_semaphore, #tpu.memory_space<semaphore_mem>>)
    }
    %scan3A_113 = arith.constant 32 : i32
    %dma_wait3A_114 = arith.constant 159 : i32
    %dma_wait3A_115 = arith.constant 0 : i32
    %dma_wait3A_116 = tpu.memref_slice %arg6[%dma_wait3A_114, %dma_wait3A_115] : memref<160x125xi32, #tpu.memory_space<vmem>> -> memref<1x125xi32, #tpu.memory_space<vmem>>
    %dma_wait3A_117 = tpu.memref_squeeze %dma_wait3A_116 : memref<1x125xi32, #tpu.memory_space<vmem>> -> memref<125xi32, #tpu.memory_space<vmem>>
    %dma_wait3A_118 = arith.constant 0 : i32
    %dma_wait3A_119 = arith.constant 0 : i32
    %dma_wait3A_120 = tpu.memref_slice %arg2[%arg0, %dma_wait3A_118, %dma_wait3A_119] : memref<2x10000x64xf32, #tpu.memory_space<hbm>> -> memref<1x10000x64xf32, #tpu.memory_space<hbm>>
    %dma_wait3A_121 = tpu.memref_squeeze %dma_wait3A_120 : memref<1x10000x64xf32, #tpu.memory_space<hbm>> -> memref<10000x64xf32, #tpu.memory_space<hbm>>
    %dma_wait3A_122 = arith.constant 0 : i32
    %dma_wait3A_123 = arith.constant 0 : i32
    %dma_wait3A_124 = tpu.memref_slice %dma_wait3A_121[%dma_wait3A_122, %dma_wait3A_123] : memref<10000x64xf32, #tpu.memory_space<hbm>> -> memref<10000x64xf32, #tpu.memory_space<hbm>>
    tpu.wait_indirect_dma semaphore(%arg15 : memref<!tpu.dma_semaphore, #tpu.memory_space<semaphore_mem>>) src(%dma_wait3A_124 : memref<10000x64xf32, #tpu.memory_space<hbm>>) dst(%arg8 : memref<125x64xf32, #tpu.memory_space<vmem>>)
    %dma_wait3A_125 = arith.constant 159 : i32
    %dma_wait3A_126 = arith.constant 0 : i32
    %dma_wait3A_127 = tpu.memref_slice %arg6[%dma_wait3A_125, %dma_wait3A_126] : memref<160x125xi32, #tpu.memory_space<vmem>> -> memref<1x125xi32, #tpu.memory_space<vmem>>
    %dma_wait3A_128 = tpu.memref_squeeze %dma_wait3A_127 : memref<1x125xi32, #tpu.memory_space<vmem>> -> memref<125xi32, #tpu.memory_space<vmem>>
    %dma_wait3A_129 = arith.constant 0 : i32
    %dma_wait3A_130 = arith.constant 0 : i32
    %dma_wait3A_131 = tpu.memref_slice %arg2[%arg0, %dma_wait3A_129, %dma_wait3A_130] : memref<2x10000x64xf32, #tpu.memory_space<hbm>> -> memref<1x10000x64xf32, #tpu.memory_space<hbm>>
    %dma_wait3A_132 = tpu.memref_squeeze %dma_wait3A_131 : memref<1x10000x64xf32, #tpu.memory_space<hbm>> -> memref<10000x64xf32, #tpu.memory_space<hbm>>
    %dma_wait3A_133 = arith.constant 0 : i32
    %dma_wait3A_134 = arith.constant 0 : i32
    %dma_wait3A_135 = tpu.memref_slice %dma_wait3A_132[%dma_wait3A_133, %dma_wait3A_134] : memref<10000x64xf32, #tpu.memory_space<hbm>> -> memref<10000x64xf32, #tpu.memory_space<hbm>>
    tpu.wait_indirect_dma semaphore(%arg16 : memref<!tpu.dma_semaphore, #tpu.memory_space<semaphore_mem>>) src(%dma_wait3A_135 : memref<10000x64xf32, #tpu.memory_space<hbm>>) dst(%arg9 : memref<125x64xf32, #tpu.memory_space<vmem>>)
    %dma_wait3A_136 = arith.constant 159 : i32
    %dma_wait3A_137 = arith.constant 0 : i32
    %dma_wait3A_138 = tpu.memref_slice %arg6[%dma_wait3A_136, %dma_wait3A_137] : memref<160x125xi32, #tpu.memory_space<vmem>> -> memref<1x125xi32, #tpu.memory_space<vmem>>
    %dma_wait3A_139 = tpu.memref_squeeze %dma_wait3A_138 : memref<1x125xi32, #tpu.memory_space<vmem>> -> memref<125xi32, #tpu.memory_space<vmem>>
    %dma_wait3A_140 = arith.constant 0 : i32
    %dma_wait3A_141 = arith.constant 0 : i32
    %dma_wait3A_142 = tpu.memref_slice %arg2[%arg0, %dma_wait3A_140, %dma_wait3A_141] : memref<2x10000x64xf32, #tpu.memory_space<hbm>> -> memref<1x10000x64xf32, #tpu.memory_space<hbm>>
    %dma_wait3A_143 = tpu.memref_squeeze %dma_wait3A_142 : memref<1x10000x64xf32, #tpu.memory_space<hbm>> -> memref<10000x64xf32, #tpu.memory_space<hbm>>
    %dma_wait3A_144 = arith.constant 0 : i32
    %dma_wait3A_145 = arith.constant 0 : i32
    %dma_wait3A_146 = tpu.memref_slice %dma_wait3A_143[%dma_wait3A_144, %dma_wait3A_145] : memref<10000x64xf32, #tpu.memory_space<hbm>> -> memref<10000x64xf32, #tpu.memory_space<hbm>>
    tpu.wait_indirect_dma semaphore(%arg17 : memref<!tpu.dma_semaphore, #tpu.memory_space<semaphore_mem>>) src(%dma_wait3A_146 : memref<10000x64xf32, #tpu.memory_space<hbm>>) dst(%arg10 : memref<125x64xf32, #tpu.memory_space<vmem>>)
    %dma_wait3A_147 = arith.constant 159 : i32
    %dma_wait3A_148 = arith.constant 0 : i32
    %dma_wait3A_149 = tpu.memref_slice %arg6[%dma_wait3A_147, %dma_wait3A_148] : memref<160x125xi32, #tpu.memory_space<vmem>> -> memref<1x125xi32, #tpu.memory_space<vmem>>
    %dma_wait3A_150 = tpu.memref_squeeze %dma_wait3A_149 : memref<1x125xi32, #tpu.memory_space<vmem>> -> memref<125xi32, #tpu.memory_space<vmem>>
    %dma_wait3A_151 = arith.constant 0 : i32
    %dma_wait3A_152 = arith.constant 0 : i32
    %dma_wait3A_153 = tpu.memref_slice %arg2[%arg0, %dma_wait3A_151, %dma_wait3A_152] : memref<2x10000x64xf32, #tpu.memory_space<hbm>> -> memref<1x10000x64xf32, #tpu.memory_space<hbm>>
    %dma_wait3A_154 = tpu.memref_squeeze %dma_wait3A_153 : memref<1x10000x64xf32, #tpu.memory_space<hbm>> -> memref<10000x64xf32, #tpu.memory_space<hbm>>
    %dma_wait3A_155 = arith.constant 0 : i32
    %dma_wait3A_156 = arith.constant 0 : i32
    %dma_wait3A_157 = tpu.memref_slice %dma_wait3A_154[%dma_wait3A_155, %dma_wait3A_156] : memref<10000x64xf32, #tpu.memory_space<hbm>> -> memref<10000x64xf32, #tpu.memory_space<hbm>>
    tpu.wait_indirect_dma semaphore(%arg18 : memref<!tpu.dma_semaphore, #tpu.memory_space<semaphore_mem>>) src(%dma_wait3A_157 : memref<10000x64xf32, #tpu.memory_space<hbm>>) dst(%arg11 : memref<125x64xf32, #tpu.memory_space<vmem>>)
    %dma_wait3A_158 = arith.constant 159 : i32
    %dma_wait3A_159 = arith.constant 0 : i32
    %dma_wait3A_160 = tpu.memref_slice %arg6[%dma_wait3A_158, %dma_wait3A_159] : memref<160x125xi32, #tpu.memory_space<vmem>> -> memref<1x125xi32, #tpu.memory_space<vmem>>
    %dma_wait3A_161 = tpu.memref_squeeze %dma_wait3A_160 : memref<1x125xi32, #tpu.memory_space<vmem>> -> memref<125xi32, #tpu.memory_space<vmem>>
    %dma_wait3A_162 = arith.constant 0 : i32
    %dma_wait3A_163 = arith.constant 0 : i32
    %dma_wait3A_164 = tpu.memref_slice %arg2[%arg0, %dma_wait3A_162, %dma_wait3A_163] : memref<2x10000x64xf32, #tpu.memory_space<hbm>> -> memref<1x10000x64xf32, #tpu.memory_space<hbm>>
    %dma_wait3A_165 = tpu.memref_squeeze %dma_wait3A_164 : memref<1x10000x64xf32, #tpu.memory_space<hbm>> -> memref<10000x64xf32, #tpu.memory_space<hbm>>
    %dma_wait3A_166 = arith.constant 0 : i32
    %dma_wait3A_167 = arith.constant 0 : i32
    %dma_wait3A_168 = tpu.memref_slice %dma_wait3A_165[%dma_wait3A_166, %dma_wait3A_167] : memref<10000x64xf32, #tpu.memory_space<hbm>> -> memref<10000x64xf32, #tpu.memory_space<hbm>>
    tpu.wait_indirect_dma semaphore(%arg19 : memref<!tpu.dma_semaphore, #tpu.memory_space<semaphore_mem>>) src(%dma_wait3A_168 : memref<10000x64xf32, #tpu.memory_space<hbm>>) dst(%arg12 : memref<125x64xf32, #tpu.memory_space<vmem>>)
    %barrier3A_169 = arith.constant 0 : index
    tpu.barrier barrier_id(%barrier3A_169)
    %mul3A_170 = arith.constant 640 : i32
    %mul3A_171 = arith.muli %arg1, %mul3A_170 : i32
    %mul3A_172 = arith.constant 640 : i32
    %mul3A_173 = arith.muli %arg1, %mul3A_172 : i32
    %mul3A_174 = arith.constant 64 : i32
    %mul3A_175 = arith.muli %arg0, %mul3A_174 : i32
    "tpu.region"() ({
      %run_scoped3A = tpu.sem_alloc : memref<!tpu.dma_semaphore, #tpu.memory_space<semaphore_mem>>
      %dma_start3A_176 = tpu.memref_slice %arg5[%mul3A_173, %mul3A_175] : memref<10240x128xf32, #tpu.memory_space<hbm>> -> memref<640x64xf32, #tpu.memory_space<hbm>>
      %dma_start3A_177 = arith.constant 0 : i32
      %dma_start3A_178 = tpu.memref_slice %arg14[%mul3A_171, %dma_start3A_177] : memref<10240x64xf32, #tpu.memory_space<vmem_shared>> -> memref<640x64xf32, #tpu.memory_space<vmem_shared>>
      tpu.enqueue_dma source(%dma_start3A_178 : memref<640x64xf32, #tpu.memory_space<vmem_shared>>) target(%dma_start3A_176 : memref<640x64xf32, #tpu.memory_space<hbm>>) target_semaphore(%run_scoped3A : memref<!tpu.dma_semaphore, #tpu.memory_space<semaphore_mem>>)
      %dma_wait3A_179 = tpu.memref_slice %arg5[%mul3A_173, %mul3A_175] : memref<10240x128xf32, #tpu.memory_space<hbm>> -> memref<640x64xf32, #tpu.memory_space<hbm>>
      %dma_wait3A_180 = arith.constant 0 : i32
      %dma_wait3A_181 = tpu.memref_slice %arg14[%mul3A_171, %dma_wait3A_180] : memref<10240x64xf32, #tpu.memory_space<vmem_shared>> -> memref<640x64xf32, #tpu.memory_space<vmem_shared>>
      tpu.wait_dma2 semaphore(%run_scoped3A : memref<!tpu.dma_semaphore, #tpu.memory_space<semaphore_mem>>) src(%dma_wait3A_181 : memref<640x64xf32, #tpu.memory_space<vmem_shared>>) dst(%dma_wait3A_179 : memref<640x64xf32, #tpu.memory_space<hbm>>)
      tpu.yield
    }) : () -> ()
    return
  }
}

#map = affine_map<(d0, d1) -> (0, 0, 0)>
module attributes {stable_mosaic.version = 14 : i64} {
  func.func @sc_deg(%arg0: i32, %arg1: i32, %arg2: memref<32x80x125xi32, #tpu.memory_space<hbm>>, %arg3: memref<2x10240x16xf32, #tpu.memory_space<hbm>>, %arg4: memref<80x125xi32, #tpu.memory_space<vmem>>, %arg5: memref<125x16xf32, #tpu.memory_space<vmem>>, %arg6: memref<640x16xf32, #tpu.memory_space<vmem>>, %arg7: memref<10240x16xf32, #tpu.memory_space<vmem_shared>>, %arg8: memref<!tpu.dma_semaphore, #tpu.memory_space<semaphore_mem>>) attributes {dimension_semantics = [#tpu.dimension_semantics<core_parallel>, #tpu.dimension_semantics<subcore_parallel>], iteration_bounds = array<i64: 2, 16>, scalar_prefetch = 0 : i64, scratch_operands = 5 : i64, tpu.core_type = #tpu.core_type<sc_vector_subcore>, window_params = [{transform_indices = #map}, {transform_indices = #map}]} {
    %mul3A = arith.constant 16 : i32
    %mul3A_0 = arith.muli %arg0, %mul3A : i32
    %add3A = arith.addi %mul3A_0, %arg1 : i32
    "tpu.region"() ({
      %run_scoped3A = tpu.sem_alloc : memref<!tpu.dma_semaphore, #tpu.memory_space<semaphore_mem>>
      %dma_start3A = arith.constant 0 : i32
      %dma_start3A_32 = arith.constant 0 : i32
      %dma_start3A_33 = tpu.memref_slice %arg2[%add3A, %dma_start3A, %dma_start3A_32] : memref<32x80x125xi32, #tpu.memory_space<hbm>> -> memref<1x80x125xi32, #tpu.memory_space<hbm>>
      %dma_start3A_34 = tpu.memref_squeeze %dma_start3A_33 : memref<1x80x125xi32, #tpu.memory_space<hbm>> -> memref<80x125xi32, #tpu.memory_space<hbm>>
      %dma_start3A_35 = arith.constant 0 : i32
      %dma_start3A_36 = arith.constant 0 : i32
      %dma_start3A_37 = tpu.memref_slice %arg2[%add3A, %dma_start3A_35, %dma_start3A_36] : memref<32x80x125xi32, #tpu.memory_space<hbm>> -> memref<1x80x125xi32, #tpu.memory_space<hbm>>
      %dma_start3A_38 = tpu.memref_squeeze %dma_start3A_37 : memref<1x80x125xi32, #tpu.memory_space<hbm>> -> memref<80x125xi32, #tpu.memory_space<hbm>>
      tpu.enqueue_dma source(%dma_start3A_38 : memref<80x125xi32, #tpu.memory_space<hbm>>) target(%arg4 : memref<80x125xi32, #tpu.memory_space<vmem>>) target_semaphore(%run_scoped3A : memref<!tpu.dma_semaphore, #tpu.memory_space<semaphore_mem>>)
      %dma_wait3A = arith.constant 0 : i32
      %dma_wait3A_39 = arith.constant 0 : i32
      %dma_wait3A_40 = tpu.memref_slice %arg2[%add3A, %dma_wait3A, %dma_wait3A_39] : memref<32x80x125xi32, #tpu.memory_space<hbm>> -> memref<1x80x125xi32, #tpu.memory_space<hbm>>
      %dma_wait3A_41 = tpu.memref_squeeze %dma_wait3A_40 : memref<1x80x125xi32, #tpu.memory_space<hbm>> -> memref<80x125xi32, #tpu.memory_space<hbm>>
      %dma_wait3A_42 = arith.constant 0 : i32
      %dma_wait3A_43 = arith.constant 0 : i32
      %dma_wait3A_44 = tpu.memref_slice %arg2[%add3A, %dma_wait3A_42, %dma_wait3A_43] : memref<32x80x125xi32, #tpu.memory_space<hbm>> -> memref<1x80x125xi32, #tpu.memory_space<hbm>>
      %dma_wait3A_45 = tpu.memref_squeeze %dma_wait3A_44 : memref<1x80x125xi32, #tpu.memory_space<hbm>> -> memref<80x125xi32, #tpu.memory_space<hbm>>
      tpu.wait_dma2 semaphore(%run_scoped3A : memref<!tpu.dma_semaphore, #tpu.memory_space<semaphore_mem>>) src(%dma_wait3A_45 : memref<80x125xi32, #tpu.memory_space<hbm>>) dst(%arg4 : memref<80x125xi32, #tpu.memory_space<vmem>>)
      tpu.yield
    }) : () -> ()
    %broadcast_in_dim3A = arith.constant 1.000000e+00 : f32
    %broadcast_in_dim3A_1 = vector.broadcast %broadcast_in_dim3A : f32 to vector<16xf32>
    %scan3A = arith.constant 0 : i32
    %scan3A_2 = arith.constant 0 : i32
    %scan3A_3 = arith.constant 125 : i32
    %scan3A_4 = arith.addi %scan3A_2, %scan3A_3 : i32
    %scan3A_5 = arith.constant 1 : i32
    scf.for %scan3A_32 = %scan3A_2 to %scan3A_4 step %scan3A_5  : i32 {
      %swap3A = arith.index_cast %scan3A_32 : i32 to index
      %swap3A_33 = arith.constant 0 : index
      %swap3A_34 = tpu.vector_load %arg5[%swap3A, %swap3A_33] {strides = array<i32>} : memref<125x16xf32, #tpu.memory_space<vmem>>, vector<1x16xf32>,
      %swap3A_35 = vector.shape_cast %swap3A_34 : vector<1x16xf32> to vector<16xf32>
      %swap3A_36 = vector.shape_cast %broadcast_in_dim3A_1 : vector<16xf32> to vector<1x16xf32>
      tpu.vector_store %arg5[%swap3A, %swap3A_33], %swap3A_36 {strides = array<i32>} : memref<125x16xf32, #tpu.memory_space<vmem>>, vector<1x16xf32>,
    }
    %scan3A_6 = arith.constant 125 : i32
    %scan3A_7 = arith.constant 0 : i32
    %scan3A_8 = arith.constant 0 : i32
    %scan3A_9 = arith.constant 640 : i32
    %scan3A_10 = arith.addi %scan3A_8, %scan3A_9 : i32
    %scan3A_11 = arith.constant 1 : i32
    scf.for %scan3A_32 = %scan3A_8 to %scan3A_10 step %scan3A_11  : i32 {
      %broadcast_in_dim3A_33 = arith.constant 0.000000e+00 : f32
      %broadcast_in_dim3A_34 = vector.broadcast %broadcast_in_dim3A_33 : f32 to vector<16xf32>
      %swap3A = arith.index_cast %scan3A_32 : i32 to index
      %swap3A_35 = arith.constant 0 : index
      %swap3A_36 = tpu.vector_load %arg6[%swap3A, %swap3A_35] {strides = array<i32>} : memref<640x16xf32, #tpu.memory_space<vmem>>, vector<1x16xf32>,
      %swap3A_37 = vector.shape_cast %swap3A_36 : vector<1x16xf32> to vector<16xf32>
      %swap3A_38 = vector.shape_cast %broadcast_in_dim3A_34 : vector<16xf32> to vector<1x16xf32>
      tpu.vector_store %arg6[%swap3A, %swap3A_35], %swap3A_38 {strides = array<i32>} : memref<640x16xf32, #tpu.memory_space<vmem>>, vector<1x16xf32>,
    }
    %scan3A_12 = arith.constant 640 : i32
    %mul3A_13 = arith.constant 640 : i32
    %mul3A_14 = arith.muli %arg1, %mul3A_13 : i32
    "tpu.region"() ({
      %run_scoped3A = tpu.sem_alloc : memref<!tpu.dma_semaphore, #tpu.memory_space<semaphore_mem>>
      %dma_start3A = arith.constant 0 : i32
      %dma_start3A_32 = tpu.memref_slice %arg7[%mul3A_14, %dma_start3A] : memref<10240x16xf32, #tpu.memory_space<vmem_shared>> -> memref<640x16xf32, #tpu.memory_space<vmem_shared>>
      %dma_start3A_33 = arith.constant 0 : i32
      %dma_start3A_34 = tpu.memref_slice %arg7[%mul3A_14, %dma_start3A_33] : memref<10240x16xf32, #tpu.memory_space<vmem_shared>> -> memref<640x16xf32, #tpu.memory_space<vmem_shared>>
      tpu.enqueue_dma source(%arg6 : memref<640x16xf32, #tpu.memory_space<vmem>>) target(%dma_start3A_34 : memref<640x16xf32, #tpu.memory_space<vmem_shared>>) target_semaphore(%run_scoped3A : memref<!tpu.dma_semaphore, #tpu.memory_space<semaphore_mem>>)
      %dma_wait3A = arith.constant 0 : i32
      %dma_wait3A_35 = tpu.memref_slice %arg7[%mul3A_14, %dma_wait3A] : memref<10240x16xf32, #tpu.memory_space<vmem_shared>> -> memref<640x16xf32, #tpu.memory_space<vmem_shared>>
      %dma_wait3A_36 = arith.constant 0 : i32
      %dma_wait3A_37 = tpu.memref_slice %arg7[%mul3A_14, %dma_wait3A_36] : memref<10240x16xf32, #tpu.memory_space<vmem_shared>> -> memref<640x16xf32, #tpu.memory_space<vmem_shared>>
      tpu.wait_dma2 semaphore(%run_scoped3A : memref<!tpu.dma_semaphore, #tpu.memory_space<semaphore_mem>>) src(%arg6 : memref<640x16xf32, #tpu.memory_space<vmem>>) dst(%dma_wait3A_37 : memref<640x16xf32, #tpu.memory_space<vmem_shared>>)
      tpu.yield
    }) : () -> ()
    %barrier3A = arith.constant 0 : index
    tpu.barrier barrier_id(%barrier3A)
    %scan3A_15 = arith.constant 0 : i32
    %scan3A_16 = arith.constant 0 : i32
    %scan3A_17 = arith.constant 80 : i32
    %scan3A_18 = arith.addi %scan3A_16, %scan3A_17 : i32
    %scan3A_19 = arith.constant 1 : i32
    scf.for %scan3A_32 = %scan3A_16 to %scan3A_18 step %scan3A_19  : i32 {
      %dma_start3A = arith.constant 0 : i32
      %dma_start3A_33 = tpu.memref_slice %arg4[%scan3A_32, %dma_start3A] : memref<80x125xi32, #tpu.memory_space<vmem>> -> memref<1x125xi32, #tpu.memory_space<vmem>>
      %dma_start3A_34 = tpu.memref_squeeze %dma_start3A_33 : memref<1x125xi32, #tpu.memory_space<vmem>> -> memref<125xi32, #tpu.memory_space<vmem>>
      %dma_start3A_35 = arith.constant 0 : i32
      %dma_start3A_36 = arith.constant 0 : i32
      %dma_start3A_37 = tpu.memref_slice %arg7[%dma_start3A_35, %dma_start3A_36] : memref<10240x16xf32, #tpu.memory_space<vmem_shared>> -> memref<10240x16xf32, #tpu.memory_space<vmem_shared>>
      tpu.enqueue_indirect_dma source(%arg5 : memref<125x16xf32, #tpu.memory_space<vmem>>) target(%dma_start3A_37 : memref<10240x16xf32, #tpu.memory_space<vmem_shared>>) offsets(%dma_start3A_34 : memref<125xi32, #tpu.memory_space<vmem>>) semaphore(%arg8 : memref<!tpu.dma_semaphore, #tpu.memory_space<semaphore_mem>>) {add = true}
    }
    %scan3A_20 = arith.constant 80 : i32
    %scan3A_21 = arith.constant 0 : i32
    %scan3A_22 = arith.constant 0 : i32
    %scan3A_23 = arith.constant 80 : i32
    %scan3A_24 = arith.addi %scan3A_22, %scan3A_23 : i32
    %scan3A_25 = arith.constant 1 : i32
    scf.for %scan3A_32 = %scan3A_22 to %scan3A_24 step %scan3A_25  : i32 {
      %dma_wait3A = arith.constant 0 : i32
      %dma_wait3A_33 = tpu.memref_slice %arg4[%scan3A_32, %dma_wait3A] : memref<80x125xi32, #tpu.memory_space<vmem>> -> memref<1x125xi32, #tpu.memory_space<vmem>>
      %dma_wait3A_34 = tpu.memref_squeeze %dma_wait3A_33 : memref<1x125xi32, #tpu.memory_space<vmem>> -> memref<125xi32, #tpu.memory_space<vmem>>
      %dma_wait3A_35 = arith.constant 0 : i32
      %dma_wait3A_36 = arith.constant 0 : i32
      %dma_wait3A_37 = tpu.memref_slice %arg7[%dma_wait3A_35, %dma_wait3A_36] : memref<10240x16xf32, #tpu.memory_space<vmem_shared>> -> memref<10240x16xf32, #tpu.memory_space<vmem_shared>>
      tpu.wait_indirect_dma semaphore(%arg8 : memref<!tpu.dma_semaphore, #tpu.memory_space<semaphore_mem>>) src(%arg5 : memref<125x16xf32, #tpu.memory_space<vmem>>) dst(%dma_wait3A_37 : memref<10240x16xf32, #tpu.memory_space<vmem_shared>>)
    }
    %scan3A_26 = arith.constant 80 : i32
    %barrier3A_27 = arith.constant 0 : index
    tpu.barrier barrier_id(%barrier3A_27)
    %mul3A_28 = arith.constant 640 : i32
    %mul3A_29 = arith.muli %arg1, %mul3A_28 : i32
    %mul3A_30 = arith.constant 640 : i32
    %mul3A_31 = arith.muli %arg1, %mul3A_30 : i32
    "tpu.region"() ({
      %run_scoped3A = tpu.sem_alloc : memref<!tpu.dma_semaphore, #tpu.memory_space<semaphore_mem>>
      %dma_start3A = arith.constant 0 : i32
      %dma_start3A_32 = tpu.memref_slice %arg3[%arg0, %mul3A_31, %dma_start3A] : memref<2x10240x16xf32, #tpu.memory_space<hbm>> -> memref<1x640x16xf32, #tpu.memory_space<hbm>>
      %dma_start3A_33 = tpu.memref_squeeze %dma_start3A_32 : memref<1x640x16xf32, #tpu.memory_space<hbm>> -> memref<640x16xf32, #tpu.memory_space<hbm>>
      %dma_start3A_34 = arith.constant 0 : i32
      %dma_start3A_35 = tpu.memref_slice %arg7[%mul3A_29, %dma_start3A_34] : memref<10240x16xf32, #tpu.memory_space<vmem_shared>> -> memref<640x16xf32, #tpu.memory_space<vmem_shared>>
      tpu.enqueue_dma source(%dma_start3A_35 : memref<640x16xf32, #tpu.memory_space<vmem_shared>>) target(%dma_start3A_33 : memref<640x16xf32, #tpu.memory_space<hbm>>) target_semaphore(%run_scoped3A : memref<!tpu.dma_semaphore, #tpu.memory_space<semaphore_mem>>)
      %dma_wait3A = arith.constant 0 : i32
      %dma_wait3A_36 = tpu.memref_slice %arg3[%arg0, %mul3A_31, %dma_wait3A] : memref<2x10240x16xf32, #tpu.memory_space<hbm>> -> memref<1x640x16xf32, #tpu.memory_space<hbm>>
      %dma_wait3A_37 = tpu.memref_squeeze %dma_wait3A_36 : memref<1x640x16xf32, #tpu.memory_space<hbm>> -> memref<640x16xf32, #tpu.memory_space<hbm>>
      %dma_wait3A_38 = arith.constant 0 : i32
      %dma_wait3A_39 = tpu.memref_slice %arg7[%mul3A_29, %dma_wait3A_38] : memref<10240x16xf32, #tpu.memory_space<vmem_shared>> -> memref<640x16xf32, #tpu.memory_space<vmem_shared>>
      tpu.wait_dma2 semaphore(%run_scoped3A : memref<!tpu.dma_semaphore, #tpu.memory_space<semaphore_mem>>) src(%dma_wait3A_39 : memref<640x16xf32, #tpu.memory_space<vmem_shared>>) dst(%dma_wait3A_37 : memref<640x16xf32, #tpu.memory_space<hbm>>)
      tpu.yield
    }) : () -> ()
    return
  }
}

#map = affine_map<(d0, d1) -> (0, 0, 0)>
#map1 = affine_map<(d0, d1) -> (0, 0)>
module attributes {stable_mosaic.version = 14 : i64} {
  func.func @sc_msg(%arg0: i32, %arg1: i32, %arg2: memref<2x10000x64xf32, #tpu.memory_space<hbm>>, %arg3: memref<16x160x125xi32, #tpu.memory_space<hbm>>, %arg4: memref<16x160x125xi32, #tpu.memory_space<hbm>>, %arg5: memref<10240x128xf32, #tpu.memory_space<hbm>>, %arg6: memref<160x125xi32, #tpu.memory_space<vmem>>, %arg7: memref<160x125xi32, #tpu.memory_space<vmem>>, %arg8: memref<125x64xf32, #tpu.memory_space<vmem>>, %arg9: memref<125x64xf32, #tpu.memory_space<vmem>>, %arg10: memref<125x64xf32, #tpu.memory_space<vmem>>, %arg11: memref<125x64xf32, #tpu.memory_space<vmem>>, %arg12: memref<125x64xf32, #tpu.memory_space<vmem>>, %arg13: memref<128x64xf32, #tpu.memory_space<vmem>>, %arg14: memref<10240x64xf32, #tpu.memory_space<vmem_shared>>, %arg15: memref<!tpu.dma_semaphore, #tpu.memory_space<semaphore_mem>>, %arg16: memref<!tpu.dma_semaphore, #tpu.memory_space<semaphore_mem>>, %arg17: memref<!tpu.dma_semaphore, #tpu.memory_space<semaphore_mem>>, %arg18: memref<!tpu.dma_semaphore, #tpu.memory_space<semaphore_mem>>, %arg19: memref<!tpu.dma_semaphore, #tpu.memory_space<semaphore_mem>>, %arg20: memref<!tpu.dma_semaphore, #tpu.memory_space<semaphore_mem>>, %arg21: memref<!tpu.dma_semaphore, #tpu.memory_space<semaphore_mem>>, %arg22: memref<!tpu.dma_semaphore, #tpu.memory_space<semaphore_mem>>, %arg23: memref<!tpu.dma_semaphore, #tpu.memory_space<semaphore_mem>>, %arg24: memref<!tpu.dma_semaphore, #tpu.memory_space<semaphore_mem>>, %arg25: memref<!tpu.dma_semaphore, #tpu.memory_space<semaphore_mem>>, %arg26: memref<!tpu.dma_semaphore, #tpu.memory_space<semaphore_mem>>) attributes {dimension_semantics = [#tpu.dimension_semantics<core_parallel>, #tpu.dimension_semantics<subcore_parallel>], iteration_bounds = array<i64: 2, 16>, scalar_prefetch = 0 : i64, scratch_operands = 21 : i64, tpu.core_type = #tpu.core_type<sc_vector_subcore>, window_params = [{transform_indices = #map}, {transform_indices = #map}, {transform_indices = #map}, {transform_indices = #map1}]} {
    %dma_start3A = arith.constant 0 : i32
    %dma_start3A_0 = arith.constant 0 : i32
    %dma_start3A_1 = tpu.memref_slice %arg3[%arg1, %dma_start3A, %dma_start3A_0] : memref<16x160x125xi32, #tpu.memory_space<hbm>> -> memref<1x160x125xi32, #tpu.memory_space<hbm>>
    %dma_start3A_2 = tpu.memref_squeeze %dma_start3A_1 : memref<1x160x125xi32, #tpu.memory_space<hbm>> -> memref<160x125xi32, #tpu.memory_space<hbm>>
    %dma_start3A_3 = arith.constant 0 : i32
    %dma_start3A_4 = arith.constant 0 : i32
    %dma_start3A_5 = tpu.memref_slice %arg3[%arg1, %dma_start3A_3, %dma_start3A_4] : memref<16x160x125xi32, #tpu.memory_space<hbm>> -> memref<1x160x125xi32, #tpu.memory_space<hbm>>
    %dma_start3A_6 = tpu.memref_squeeze %dma_start3A_5 : memref<1x160x125xi32, #tpu.memory_space<hbm>> -> memref<160x125xi32, #tpu.memory_space<hbm>>
    tpu.enqueue_dma source(%dma_start3A_6 : memref<160x125xi32, #tpu.memory_space<hbm>>) target(%arg6 : memref<160x125xi32, #tpu.memory_space<vmem>>) target_semaphore(%arg25 : memref<!tpu.dma_semaphore, #tpu.memory_space<semaphore_mem>>)
    %dma_start3A_7 = arith.constant 0 : i32
    %dma_start3A_8 = arith.constant 0 : i32
    %dma_start3A_9 = tpu.memref_slice %arg4[%arg1, %dma_start3A_7, %dma_start3A_8] : memref<16x160x125xi32, #tpu.memory_space<hbm>> -> memref<1x160x125xi32, #tpu.memory_space<hbm>>
    %dma_start3A_10 = tpu.memref_squeeze %dma_start3A_9 : memref<1x160x125xi32, #tpu.memory_space<hbm>> -> memref<160x125xi32, #tpu.memory_space<hbm>>
    %dma_start3A_11 = arith.constant 0 : i32
    %dma_start3A_12 = arith.constant 0 : i32
    %dma_start3A_13 = tpu.memref_slice %arg4[%arg1, %dma_start3A_11, %dma_start3A_12] : memref<16x160x125xi32, #tpu.memory_space<hbm>> -> memref<1x160x125xi32, #tpu.memory_space<hbm>>
    %dma_start3A_14 = tpu.memref_squeeze %dma_start3A_13 : memref<1x160x125xi32, #tpu.memory_space<hbm>> -> memref<160x125xi32, #tpu.memory_space<hbm>>
    tpu.enqueue_dma source(%dma_start3A_14 : memref<160x125xi32, #tpu.memory_space<hbm>>) target(%arg7 : memref<160x125xi32, #tpu.memory_space<vmem>>) target_semaphore(%arg26 : memref<!tpu.dma_semaphore, #tpu.memory_space<semaphore_mem>>)
    %scan3A = arith.constant 0 : i32
    %scan3A_15 = arith.constant 0 : i32
    %scan3A_16 = arith.constant 128 : i32
    %scan3A_17 = arith.addi %scan3A_15, %scan3A_16 : i32
    %scan3A_18 = arith.constant 1 : i32
    scf.for %scan3A_176 = %scan3A_15 to %scan3A_17 step %scan3A_18  : i32 {
      %broadcast_in_dim3A = arith.constant 0.000000e+00 : f32
      %broadcast_in_dim3A_177 = vector.broadcast %broadcast_in_dim3A : f32 to vector<16xf32>
      %swap3A = arith.index_cast %scan3A_176 : i32 to index
      %swap3A_178 = arith.constant 0 : index
      %swap3A_179 = tpu.vector_load %arg13[%swap3A, %swap3A_178] {strides = array<i32>} : memref<128x64xf32, #tpu.memory_space<vmem>>, vector<1x16xf32>,
      %swap3A_180 = vector.shape_cast %swap3A_179 : vector<1x16xf32> to vector<16xf32>
      %swap3A_181 = vector.shape_cast %broadcast_in_dim3A_177 : vector<16xf32> to vector<1x16xf32>
      tpu.vector_store %arg13[%swap3A, %swap3A_178], %swap3A_181 {strides = array<i32>} : memref<128x64xf32, #tpu.memory_space<vmem>>, vector<1x16xf32>,
      %broadcast_in_dim3A_182 = arith.constant 0.000000e+00 : f32
      %broadcast_in_dim3A_183 = vector.broadcast %broadcast_in_dim3A_182 : f32 to vector<16xf32>
      %swap3A_184 = arith.index_cast %scan3A_176 : i32 to index
      %swap3A_185 = arith.constant 16 : index
      %swap3A_186 = tpu.vector_load %arg13[%swap3A_184, %swap3A_185] {strides = array<i32>} : memref<128x64xf32, #tpu.memory_space<vmem>>, vector<1x16xf32>,
      %swap3A_187 = vector.shape_cast %swap3A_186 : vector<1x16xf32> to vector<16xf32>
      %swap3A_188 = vector.shape_cast %broadcast_in_dim3A_183 : vector<16xf32> to vector<1x16xf32>
      tpu.vector_store %arg13[%swap3A_184, %swap3A_185], %swap3A_188 {strides = array<i32>} : memref<128x64xf32, #tpu.memory_space<vmem>>, vector<1x16xf32>,
      %broadcast_in_dim3A_189 = arith.constant 0.000000e+00 : f32
      %broadcast_in_dim3A_190 = vector.broadcast %broadcast_in_dim3A_189 : f32 to vector<16xf32>
      %swap3A_191 = arith.index_cast %scan3A_176 : i32 to index
      %swap3A_192 = arith.constant 32 : index
      %swap3A_193 = tpu.vector_load %arg13[%swap3A_191, %swap3A_192] {strides = array<i32>} : memref<128x64xf32, #tpu.memory_space<vmem>>, vector<1x16xf32>,
      %swap3A_194 = vector.shape_cast %swap3A_193 : vector<1x16xf32> to vector<16xf32>
      %swap3A_195 = vector.shape_cast %broadcast_in_dim3A_190 : vector<16xf32> to vector<1x16xf32>
      tpu.vector_store %arg13[%swap3A_191, %swap3A_192], %swap3A_195 {strides = array<i32>} : memref<128x64xf32, #tpu.memory_space<vmem>>, vector<1x16xf32>,
      %broadcast_in_dim3A_196 = arith.constant 0.000000e+00 : f32
      %broadcast_in_dim3A_197 = vector.broadcast %broadcast_in_dim3A_196 : f32 to vector<16xf32>
      %swap3A_198 = arith.index_cast %scan3A_176 : i32 to index
      %swap3A_199 = arith.constant 48 : index
      %swap3A_200 = tpu.vector_load %arg13[%swap3A_198, %swap3A_199] {strides = array<i32>} : memref<128x64xf32, #tpu.memory_space<vmem>>, vector<1x16xf32>,
      %swap3A_201 = vector.shape_cast %swap3A_200 : vector<1x16xf32> to vector<16xf32>
      %swap3A_202 = vector.shape_cast %broadcast_in_dim3A_197 : vector<16xf32> to vector<1x16xf32>
      tpu.vector_store %arg13[%swap3A_198, %swap3A_199], %swap3A_202 {strides = array<i32>} : memref<128x64xf32, #tpu.memory_space<vmem>>, vector<1x16xf32>,
    }
    %scan3A_19 = arith.constant 128 : i32
    %mul3A = arith.constant 640 : i32
    %mul3A_20 = arith.muli %arg1, %mul3A : i32
    %add3A = arith.constant 0 : i32
    %add3A_21 = arith.addi %mul3A_20, %add3A : i32
    "tpu.region"() ({
      %run_scoped3A = tpu.sem_alloc : memref<!tpu.dma_semaphore, #tpu.memory_space<semaphore_mem>>
      %dma_start3A_176 = arith.constant 0 : i32
      %dma_start3A_177 = tpu.memref_slice %arg14[%add3A_21, %dma_start3A_176] : memref<10240x64xf32, #tpu.memory_space<vmem_shared>> -> memref<128x64xf32, #tpu.memory_space<vmem_shared>>
      %dma_start3A_178 = arith.constant 0 : i32
      %dma_start3A_179 = tpu.memref_slice %arg14[%add3A_21, %dma_start3A_178] : memref<10240x64xf32, #tpu.memory_space<vmem_shared>> -> memref<128x64xf32, #tpu.memory_space<vmem_shared>>
      tpu.enqueue_dma source(%arg13 : memref<128x64xf32, #tpu.memory_space<vmem>>) target(%dma_start3A_179 : memref<128x64xf32, #tpu.memory_space<vmem_shared>>) target_semaphore(%run_scoped3A : memref<!tpu.dma_semaphore, #tpu.memory_space<semaphore_mem>>)
      %dma_wait3A_180 = arith.constant 0 : i32
      %dma_wait3A_181 = tpu.memref_slice %arg14[%add3A_21, %dma_wait3A_180] : memref<10240x64xf32, #tpu.memory_space<vmem_shared>> -> memref<128x64xf32, #tpu.memory_space<vmem_shared>>
      %dma_wait3A_182 = arith.constant 0 : i32
      %dma_wait3A_183 = tpu.memref_slice %arg14[%add3A_21, %dma_wait3A_182] : memref<10240x64xf32, #tpu.memory_space<vmem_shared>> -> memref<128x64xf32, #tpu.memory_space<vmem_shared>>
      tpu.wait_dma2 semaphore(%run_scoped3A : memref<!tpu.dma_semaphore, #tpu.memory_space<semaphore_mem>>) src(%arg13 : memref<128x64xf32, #tpu.memory_space<vmem>>) dst(%dma_wait3A_183 : memref<128x64xf32, #tpu.memory_space<vmem_shared>>)
      tpu.yield
    }) : () -> ()
    %mul3A_22 = arith.constant 640 : i32
    %mul3A_23 = arith.muli %arg1, %mul3A_22 : i32
    %add3A_24 = arith.constant 128 : i32
    %add3A_25 = arith.addi %mul3A_23, %add3A_24 : i32
    "tpu.region"() ({
      %run_scoped3A = tpu.sem_alloc : memref<!tpu.dma_semaphore, #tpu.memory_space<semaphore_mem>>
      %dma_start3A_176 = arith.constant 0 : i32
      %dma_start3A_177 = tpu.memref_slice %arg14[%add3A_25, %dma_start3A_176] : memref<10240x64xf32, #tpu.memory_space<vmem_shared>> -> memref<128x64xf32, #tpu.memory_space<vmem_shared>>
      %dma_start3A_178 = arith.constant 0 : i32
      %dma_start3A_179 = tpu.memref_slice %arg14[%add3A_25, %dma_start3A_178] : memref<10240x64xf32, #tpu.memory_space<vmem_shared>> -> memref<128x64xf32, #tpu.memory_space<vmem_shared>>
      tpu.enqueue_dma source(%arg13 : memref<128x64xf32, #tpu.memory_space<vmem>>) target(%dma_start3A_179 : memref<128x64xf32, #tpu.memory_space<vmem_shared>>) target_semaphore(%run_scoped3A : memref<!tpu.dma_semaphore, #tpu.memory_space<semaphore_mem>>)
      %dma_wait3A_180 = arith.constant 0 : i32
      %dma_wait3A_181 = tpu.memref_slice %arg14[%add3A_25, %dma_wait3A_180] : memref<10240x64xf32, #tpu.memory_space<vmem_shared>> -> memref<128x64xf32, #tpu.memory_space<vmem_shared>>
      %dma_wait3A_182 = arith.constant 0 : i32
      %dma_wait3A_183 = tpu.memref_slice %arg14[%add3A_25, %dma_wait3A_182] : memref<10240x64xf32, #tpu.memory_space<vmem_shared>> -> memref<128x64xf32, #tpu.memory_space<vmem_shared>>
      tpu.wait_dma2 semaphore(%run_scoped3A : memref<!tpu.dma_semaphore, #tpu.memory_space<semaphore_mem>>) src(%arg13 : memref<128x64xf32, #tpu.memory_space<vmem>>) dst(%dma_wait3A_183 : memref<128x64xf32, #tpu.memory_space<vmem_shared>>)
      tpu.yield
    }) : () -> ()
    %mul3A_26 = arith.constant 640 : i32
    %mul3A_27 = arith.muli %arg1, %mul3A_26 : i32
    %add3A_28 = arith.constant 256 : i32
    %add3A_29 = arith.addi %mul3A_27, %add3A_28 : i32
    "tpu.region"() ({
      %run_scoped3A = tpu.sem_alloc : memref<!tpu.dma_semaphore, #tpu.memory_space<semaphore_mem>>
      %dma_start3A_176 = arith.constant 0 : i32
      %dma_start3A_177 = tpu.memref_slice %arg14[%add3A_29, %dma_start3A_176] : memref<10240x64xf32, #tpu.memory_space<vmem_shared>> -> memref<128x64xf32, #tpu.memory_space<vmem_shared>>
      %dma_start3A_178 = arith.constant 0 : i32
      %dma_start3A_179 = tpu.memref_slice %arg14[%add3A_29, %dma_start3A_178] : memref<10240x64xf32, #tpu.memory_space<vmem_shared>> -> memref<128x64xf32, #tpu.memory_space<vmem_shared>>
      tpu.enqueue_dma source(%arg13 : memref<128x64xf32, #tpu.memory_space<vmem>>) target(%dma_start3A_179 : memref<128x64xf32, #tpu.memory_space<vmem_shared>>) target_semaphore(%run_scoped3A : memref<!tpu.dma_semaphore, #tpu.memory_space<semaphore_mem>>)
      %dma_wait3A_180 = arith.constant 0 : i32
      %dma_wait3A_181 = tpu.memref_slice %arg14[%add3A_29, %dma_wait3A_180] : memref<10240x64xf32, #tpu.memory_space<vmem_shared>> -> memref<128x64xf32, #tpu.memory_space<vmem_shared>>
      %dma_wait3A_182 = arith.constant 0 : i32
      %dma_wait3A_183 = tpu.memref_slice %arg14[%add3A_29, %dma_wait3A_182] : memref<10240x64xf32, #tpu.memory_space<vmem_shared>> -> memref<128x64xf32, #tpu.memory_space<vmem_shared>>
      tpu.wait_dma2 semaphore(%run_scoped3A : memref<!tpu.dma_semaphore, #tpu.memory_space<semaphore_mem>>) src(%arg13 : memref<128x64xf32, #tpu.memory_space<vmem>>) dst(%dma_wait3A_183 : memref<128x64xf32, #tpu.memory_space<vmem_shared>>)
      tpu.yield
    }) : () -> ()
    %mul3A_30 = arith.constant 640 : i32
    %mul3A_31 = arith.muli %arg1, %mul3A_30 : i32
    %add3A_32 = arith.constant 384 : i32
    %add3A_33 = arith.addi %mul3A_31, %add3A_32 : i32
    "tpu.region"() ({
      %run_scoped3A = tpu.sem_alloc : memref<!tpu.dma_semaphore, #tpu.memory_space<semaphore_mem>>
      %dma_start3A_176 = arith.constant 0 : i32
      %dma_start3A_177 = tpu.memref_slice %arg14[%add3A_33, %dma_start3A_176] : memref<10240x64xf32, #tpu.memory_space<vmem_shared>> -> memref<128x64xf32, #tpu.memory_space<vmem_shared>>
      %dma_start3A_178 = arith.constant 0 : i32
      %dma_start3A_179 = tpu.memref_slice %arg14[%add3A_33, %dma_start3A_178] : memref<10240x64xf32, #tpu.memory_space<vmem_shared>> -> memref<128x64xf32, #tpu.memory_space<vmem_shared>>
      tpu.enqueue_dma source(%arg13 : memref<128x64xf32, #tpu.memory_space<vmem>>) target(%dma_start3A_179 : memref<128x64xf32, #tpu.memory_space<vmem_shared>>) target_semaphore(%run_scoped3A : memref<!tpu.dma_semaphore, #tpu.memory_space<semaphore_mem>>)
      %dma_wait3A_180 = arith.constant 0 : i32
      %dma_wait3A_181 = tpu.memref_slice %arg14[%add3A_33, %dma_wait3A_180] : memref<10240x64xf32, #tpu.memory_space<vmem_shared>> -> memref<128x64xf32, #tpu.memory_space<vmem_shared>>
      %dma_wait3A_182 = arith.constant 0 : i32
      %dma_wait3A_183 = tpu.memref_slice %arg14[%add3A_33, %dma_wait3A_182] : memref<10240x64xf32, #tpu.memory_space<vmem_shared>> -> memref<128x64xf32, #tpu.memory_space<vmem_shared>>
      tpu.wait_dma2 semaphore(%run_scoped3A : memref<!tpu.dma_semaphore, #tpu.memory_space<semaphore_mem>>) src(%arg13 : memref<128x64xf32, #tpu.memory_space<vmem>>) dst(%dma_wait3A_183 : memref<128x64xf32, #tpu.memory_space<vmem_shared>>)
      tpu.yield
    }) : () -> ()
    %mul3A_34 = arith.constant 640 : i32
    %mul3A_35 = arith.muli %arg1, %mul3A_34 : i32
    %add3A_36 = arith.constant 512 : i32
    %add3A_37 = arith.addi %mul3A_35, %add3A_36 : i32
    "tpu.region"() ({
      %run_scoped3A = tpu.sem_alloc : memref<!tpu.dma_semaphore, #tpu.memory_space<semaphore_mem>>
      %dma_start3A_176 = arith.constant 0 : i32
      %dma_start3A_177 = tpu.memref_slice %arg14[%add3A_37, %dma_start3A_176] : memref<10240x64xf32, #tpu.memory_space<vmem_shared>> -> memref<128x64xf32, #tpu.memory_space<vmem_shared>>
      %dma_start3A_178 = arith.constant 0 : i32
      %dma_start3A_179 = tpu.memref_slice %arg14[%add3A_37, %dma_start3A_178] : memref<10240x64xf32, #tpu.memory_space<vmem_shared>> -> memref<128x64xf32, #tpu.memory_space<vmem_shared>>
      tpu.enqueue_dma source(%arg13 : memref<128x64xf32, #tpu.memory_space<vmem>>) target(%dma_start3A_179 : memref<128x64xf32, #tpu.memory_space<vmem_shared>>) target_semaphore(%run_scoped3A : memref<!tpu.dma_semaphore, #tpu.memory_space<semaphore_mem>>)
      %dma_wait3A_180 = arith.constant 0 : i32
      %dma_wait3A_181 = tpu.memref_slice %arg14[%add3A_37, %dma_wait3A_180] : memref<10240x64xf32, #tpu.memory_space<vmem_shared>> -> memref<128x64xf32, #tpu.memory_space<vmem_shared>>
      %dma_wait3A_182 = arith.constant 0 : i32
      %dma_wait3A_183 = tpu.memref_slice %arg14[%add3A_37, %dma_wait3A_182] : memref<10240x64xf32, #tpu.memory_space<vmem_shared>> -> memref<128x64xf32, #tpu.memory_space<vmem_shared>>
      tpu.wait_dma2 semaphore(%run_scoped3A : memref<!tpu.dma_semaphore, #tpu.memory_space<semaphore_mem>>) src(%arg13 : memref<128x64xf32, #tpu.memory_space<vmem>>) dst(%dma_wait3A_183 : memref<128x64xf32, #tpu.memory_space<vmem_shared>>)
      tpu.yield
    }) : () -> ()
    %dma_wait3A = arith.constant 0 : i32
    %dma_wait3A_38 = arith.constant 0 : i32
    %dma_wait3A_39 = tpu.memref_slice %arg3[%arg1, %dma_wait3A, %dma_wait3A_38] : memref<16x160x125xi32, #tpu.memory_space<hbm>> -> memref<1x160x125xi32, #tpu.memory_space<hbm>>
    %dma_wait3A_40 = tpu.memref_squeeze %dma_wait3A_39 : memref<1x160x125xi32, #tpu.memory_space<hbm>> -> memref<160x125xi32, #tpu.memory_space<hbm>>
    %dma_wait3A_41 = arith.constant 0 : i32
    %dma_wait3A_42 = arith.constant 0 : i32
    %dma_wait3A_43 = tpu.memref_slice %arg3[%arg1, %dma_wait3A_41, %dma_wait3A_42] : memref<16x160x125xi32, #tpu.memory_space<hbm>> -> memref<1x160x125xi32, #tpu.memory_space<hbm>>
    %dma_wait3A_44 = tpu.memref_squeeze %dma_wait3A_43 : memref<1x160x125xi32, #tpu.memory_space<hbm>> -> memref<160x125xi32, #tpu.memory_space<hbm>>
    tpu.wait_dma2 semaphore(%arg25 : memref<!tpu.dma_semaphore, #tpu.memory_space<semaphore_mem>>) src(%dma_wait3A_44 : memref<160x125xi32, #tpu.memory_space<hbm>>) dst(%arg6 : memref<160x125xi32, #tpu.memory_space<vmem>>)
    %dma_wait3A_45 = arith.constant 0 : i32
    %dma_wait3A_46 = arith.constant 0 : i32
    %dma_wait3A_47 = tpu.memref_slice %arg4[%arg1, %dma_wait3A_45, %dma_wait3A_46] : memref<16x160x125xi32, #tpu.memory_space<hbm>> -> memref<1x160x125xi32, #tpu.memory_space<hbm>>
    %dma_wait3A_48 = tpu.memref_squeeze %dma_wait3A_47 : memref<1x160x125xi32, #tpu.memory_space<hbm>> -> memref<160x125xi32, #tpu.memory_space<hbm>>
    %dma_wait3A_49 = arith.constant 0 : i32
    %dma_wait3A_50 = arith.constant 0 : i32
    %dma_wait3A_51 = tpu.memref_slice %arg4[%arg1, %dma_wait3A_49, %dma_wait3A_50] : memref<16x160x125xi32, #tpu.memory_space<hbm>> -> memref<1x160x125xi32, #tpu.memory_space<hbm>>
    %dma_wait3A_52 = tpu.memref_squeeze %dma_wait3A_51 : memref<1x160x125xi32, #tpu.memory_space<hbm>> -> memref<160x125xi32, #tpu.memory_space<hbm>>
    tpu.wait_dma2 semaphore(%arg26 : memref<!tpu.dma_semaphore, #tpu.memory_space<semaphore_mem>>) src(%dma_wait3A_52 : memref<160x125xi32, #tpu.memory_space<hbm>>) dst(%arg7 : memref<160x125xi32, #tpu.memory_space<vmem>>)
    %dma_start3A_53 = arith.constant 0 : i32
    %dma_start3A_54 = arith.constant 0 : i32
    %dma_start3A_55 = tpu.memref_slice %arg6[%dma_start3A_53, %dma_start3A_54] : memref<160x125xi32, #tpu.memory_space<vmem>> -> memref<1x125xi32, #tpu.memory_space<vmem>>
    %dma_start3A_56 = tpu.memref_squeeze %dma_start3A_55 : memref<1x125xi32, #tpu.memory_space<vmem>> -> memref<125xi32, #tpu.memory_space<vmem>>
    %dma_start3A_57 = arith.constant 0 : i32
    %dma_start3A_58 = arith.constant 0 : i32
    %dma_start3A_59 = tpu.memref_slice %arg2[%arg0, %dma_start3A_57, %dma_start3A_58] : memref<2x10000x64xf32, #tpu.memory_space<hbm>> -> memref<1x10000x64xf32, #tpu.memory_space<hbm>>
    %dma_start3A_60 = tpu.memref_squeeze %dma_start3A_59 : memref<1x10000x64xf32, #tpu.memory_space<hbm>> -> memref<10000x64xf32, #tpu.memory_space<hbm>>
    %dma_start3A_61 = arith.constant 0 : i32
    %dma_start3A_62 = arith.constant 0 : i32
    %dma_start3A_63 = tpu.memref_slice %dma_start3A_60[%dma_start3A_61, %dma_start3A_62] : memref<10000x64xf32, #tpu.memory_space<hbm>> -> memref<10000x64xf32, #tpu.memory_space<hbm>>
    tpu.enqueue_indirect_dma source(%dma_start3A_63 : memref<10000x64xf32, #tpu.memory_space<hbm>>) target(%arg8 : memref<125x64xf32, #tpu.memory_space<vmem>>) offsets(%dma_start3A_56 : memref<125xi32, #tpu.memory_space<vmem>>) semaphore(%arg15 : memref<!tpu.dma_semaphore, #tpu.memory_space<semaphore_mem>>)
    %dma_start3A_64 = arith.constant 1 : i32
    %dma_start3A_65 = arith.constant 0 : i32
    %dma_start3A_66 = tpu.memref_slice %arg6[%dma_start3A_64, %dma_start3A_65] : memref<160x125xi32, #tpu.memory_space<vmem>> -> memref<1x125xi32, #tpu.memory_space<vmem>>
    %dma_start3A_67 = tpu.memref_squeeze %dma_start3A_66 : memref<1x125xi32, #tpu.memory_space<vmem>> -> memref<125xi32, #tpu.memory_space<vmem>>
    %dma_start3A_68 = arith.constant 0 : i32
    %dma_start3A_69 = arith.constant 0 : i32
    %dma_start3A_70 = tpu.memref_slice %arg2[%arg0, %dma_start3A_68, %dma_start3A_69] : memref<2x10000x64xf32, #tpu.memory_space<hbm>> -> memref<1x10000x64xf32, #tpu.memory_space<hbm>>
    %dma_start3A_71 = tpu.memref_squeeze %dma_start3A_70 : memref<1x10000x64xf32, #tpu.memory_space<hbm>> -> memref<10000x64xf32, #tpu.memory_space<hbm>>
    %dma_start3A_72 = arith.constant 0 : i32
    %dma_start3A_73 = arith.constant 0 : i32
    %dma_start3A_74 = tpu.memref_slice %dma_start3A_71[%dma_start3A_72, %dma_start3A_73] : memref<10000x64xf32, #tpu.memory_space<hbm>> -> memref<10000x64xf32, #tpu.memory_space<hbm>>
    tpu.enqueue_indirect_dma source(%dma_start3A_74 : memref<10000x64xf32, #tpu.memory_space<hbm>>) target(%arg9 : memref<125x64xf32, #tpu.memory_space<vmem>>) offsets(%dma_start3A_67 : memref<125xi32, #tpu.memory_space<vmem>>) semaphore(%arg16 : memref<!tpu.dma_semaphore, #tpu.memory_space<semaphore_mem>>)
    %dma_start3A_75 = arith.constant 2 : i32
    %dma_start3A_76 = arith.constant 0 : i32
    %dma_start3A_77 = tpu.memref_slice %arg6[%dma_start3A_75, %dma_start3A_76] : memref<160x125xi32, #tpu.memory_space<vmem>> -> memref<1x125xi32, #tpu.memory_space<vmem>>
    %dma_start3A_78 = tpu.memref_squeeze %dma_start3A_77 : memref<1x125xi32, #tpu.memory_space<vmem>> -> memref<125xi32, #tpu.memory_space<vmem>>
    %dma_start3A_79 = arith.constant 0 : i32
    %dma_start3A_80 = arith.constant 0 : i32
    %dma_start3A_81 = tpu.memref_slice %arg2[%arg0, %dma_start3A_79, %dma_start3A_80] : memref<2x10000x64xf32, #tpu.memory_space<hbm>> -> memref<1x10000x64xf32, #tpu.memory_space<hbm>>
    %dma_start3A_82 = tpu.memref_squeeze %dma_start3A_81 : memref<1x10000x64xf32, #tpu.memory_space<hbm>> -> memref<10000x64xf32, #tpu.memory_space<hbm>>
    %dma_start3A_83 = arith.constant 0 : i32
    %dma_start3A_84 = arith.constant 0 : i32
    %dma_start3A_85 = tpu.memref_slice %dma_start3A_82[%dma_start3A_83, %dma_start3A_84] : memref<10000x64xf32, #tpu.memory_space<hbm>> -> memref<10000x64xf32, #tpu.memory_space<hbm>>
    tpu.enqueue_indirect_dma source(%dma_start3A_85 : memref<10000x64xf32, #tpu.memory_space<hbm>>) target(%arg10 : memref<125x64xf32, #tpu.memory_space<vmem>>) offsets(%dma_start3A_78 : memref<125xi32, #tpu.memory_space<vmem>>) semaphore(%arg17 : memref<!tpu.dma_semaphore, #tpu.memory_space<semaphore_mem>>)
    %dma_start3A_86 = arith.constant 3 : i32
    %dma_start3A_87 = arith.constant 0 : i32
    %dma_start3A_88 = tpu.memref_slice %arg6[%dma_start3A_86, %dma_start3A_87] : memref<160x125xi32, #tpu.memory_space<vmem>> -> memref<1x125xi32, #tpu.memory_space<vmem>>
    %dma_start3A_89 = tpu.memref_squeeze %dma_start3A_88 : memref<1x125xi32, #tpu.memory_space<vmem>> -> memref<125xi32, #tpu.memory_space<vmem>>
    %dma_start3A_90 = arith.constant 0 : i32
    %dma_start3A_91 = arith.constant 0 : i32
    %dma_start3A_92 = tpu.memref_slice %arg2[%arg0, %dma_start3A_90, %dma_start3A_91] : memref<2x10000x64xf32, #tpu.memory_space<hbm>> -> memref<1x10000x64xf32, #tpu.memory_space<hbm>>
    %dma_start3A_93 = tpu.memref_squeeze %dma_start3A_92 : memref<1x10000x64xf32, #tpu.memory_space<hbm>> -> memref<10000x64xf32, #tpu.memory_space<hbm>>
    %dma_start3A_94 = arith.constant 0 : i32
    %dma_start3A_95 = arith.constant 0 : i32
    %dma_start3A_96 = tpu.memref_slice %dma_start3A_93[%dma_start3A_94, %dma_start3A_95] : memref<10000x64xf32, #tpu.memory_space<hbm>> -> memref<10000x64xf32, #tpu.memory_space<hbm>>
    tpu.enqueue_indirect_dma source(%dma_start3A_96 : memref<10000x64xf32, #tpu.memory_space<hbm>>) target(%arg11 : memref<125x64xf32, #tpu.memory_space<vmem>>) offsets(%dma_start3A_89 : memref<125xi32, #tpu.memory_space<vmem>>) semaphore(%arg18 : memref<!tpu.dma_semaphore, #tpu.memory_space<semaphore_mem>>)
    %dma_start3A_97 = arith.constant 4 : i32
    %dma_start3A_98 = arith.constant 0 : i32
    %dma_start3A_99 = tpu.memref_slice %arg6[%dma_start3A_97, %dma_start3A_98] : memref<160x125xi32, #tpu.memory_space<vmem>> -> memref<1x125xi32, #tpu.memory_space<vmem>>
    %dma_start3A_100 = tpu.memref_squeeze %dma_start3A_99 : memref<1x125xi32, #tpu.memory_space<vmem>> -> memref<125xi32, #tpu.memory_space<vmem>>
    %dma_start3A_101 = arith.constant 0 : i32
    %dma_start3A_102 = arith.constant 0 : i32
    %dma_start3A_103 = tpu.memref_slice %arg2[%arg0, %dma_start3A_101, %dma_start3A_102] : memref<2x10000x64xf32, #tpu.memory_space<hbm>> -> memref<1x10000x64xf32, #tpu.memory_space<hbm>>
    %dma_start3A_104 = tpu.memref_squeeze %dma_start3A_103 : memref<1x10000x64xf32, #tpu.memory_space<hbm>> -> memref<10000x64xf32, #tpu.memory_space<hbm>>
    %dma_start3A_105 = arith.constant 0 : i32
    %dma_start3A_106 = arith.constant 0 : i32
    %dma_start3A_107 = tpu.memref_slice %dma_start3A_104[%dma_start3A_105, %dma_start3A_106] : memref<10000x64xf32, #tpu.memory_space<hbm>> -> memref<10000x64xf32, #tpu.memory_space<hbm>>
    tpu.enqueue_indirect_dma source(%dma_start3A_107 : memref<10000x64xf32, #tpu.memory_space<hbm>>) target(%arg12 : memref<125x64xf32, #tpu.memory_space<vmem>>) offsets(%dma_start3A_100 : memref<125xi32, #tpu.memory_space<vmem>>) semaphore(%arg19 : memref<!tpu.dma_semaphore, #tpu.memory_space<semaphore_mem>>)
    %barrier3A = arith.constant 0 : index
    tpu.barrier barrier_id(%barrier3A)
    %scan3A_108 = arith.constant 0 : i32
    %scan3A_109 = arith.constant 0 : i32
    %scan3A_110 = arith.constant 32 : i32
    %scan3A_111 = arith.addi %scan3A_109, %scan3A_110 : i32
    %scan3A_112 = arith.constant 1 : i32
    scf.for %scan3A_176 = %scan3A_109 to %scan3A_111 step %scan3A_112  : i32 {
      %mul3A_177 = arith.constant 5 : i32
      %mul3A_178 = arith.muli %mul3A_177, %scan3A_176 : i32
      %add3A_179 = arith.constant 0 : i32
      %add3A_180 = arith.addi %mul3A_178, %add3A_179 : i32
      %dma_wait3A_181 = arith.constant 0 : i32
      %dma_wait3A_182 = tpu.memref_slice %arg6[%add3A_180, %dma_wait3A_181] : memref<160x125xi32, #tpu.memory_space<vmem>> -> memref<1x125xi32, #tpu.memory_space<vmem>>
      %dma_wait3A_183 = tpu.memref_squeeze %dma_wait3A_182 : memref<1x125xi32, #tpu.memory_space<vmem>> -> memref<125xi32, #tpu.memory_space<vmem>>
      %dma_wait3A_184 = arith.constant 0 : i32
      %dma_wait3A_185 = arith.constant 0 : i32
      %dma_wait3A_186 = tpu.memref_slice %arg2[%arg0, %dma_wait3A_184, %dma_wait3A_185] : memref<2x10000x64xf32, #tpu.memory_space<hbm>> -> memref<1x10000x64xf32, #tpu.memory_space<hbm>>
      %dma_wait3A_187 = tpu.memref_squeeze %dma_wait3A_186 : memref<1x10000x64xf32, #tpu.memory_space<hbm>> -> memref<10000x64xf32, #tpu.memory_space<hbm>>
      %dma_wait3A_188 = arith.constant 0 : i32
      %dma_wait3A_189 = arith.constant 0 : i32
      %dma_wait3A_190 = tpu.memref_slice %dma_wait3A_187[%dma_wait3A_188, %dma_wait3A_189] : memref<10000x64xf32, #tpu.memory_space<hbm>> -> memref<10000x64xf32, #tpu.memory_space<hbm>>
      tpu.wait_indirect_dma semaphore(%arg15 : memref<!tpu.dma_semaphore, #tpu.memory_space<semaphore_mem>>) src(%dma_wait3A_190 : memref<10000x64xf32, #tpu.memory_space<hbm>>) dst(%arg8 : memref<125x64xf32, #tpu.memory_space<vmem>>)
      %dma_start3A_191 = arith.constant 0 : i32
      %dma_start3A_192 = tpu.memref_slice %arg7[%add3A_180, %dma_start3A_191] : memref<160x125xi32, #tpu.memory_space<vmem>> -> memref<1x125xi32, #tpu.memory_space<vmem>>
      %dma_start3A_193 = tpu.memref_squeeze %dma_start3A_192 : memref<1x125xi32, #tpu.memory_space<vmem>> -> memref<125xi32, #tpu.memory_space<vmem>>
      %dma_start3A_194 = arith.constant 0 : i32
      %dma_start3A_195 = arith.constant 0 : i32
      %dma_start3A_196 = tpu.memref_slice %arg14[%dma_start3A_194, %dma_start3A_195] : memref<10240x64xf32, #tpu.memory_space<vmem_shared>> -> memref<10240x64xf32, #tpu.memory_space<vmem_shared>>
      tpu.enqueue_indirect_dma source(%arg8 : memref<125x64xf32, #tpu.memory_space<vmem>>) target(%dma_start3A_196 : memref<10240x64xf32, #tpu.memory_space<vmem_shared>>) offsets(%dma_start3A_193 : memref<125xi32, #tpu.memory_space<vmem>>) semaphore(%arg20 : memref<!tpu.dma_semaphore, #tpu.memory_space<semaphore_mem>>) {add = true}
      %add3A_197 = arith.constant 1 : i32
      %add3A_198 = arith.addi %mul3A_178, %add3A_197 : i32
      %dma_wait3A_199 = arith.constant 0 : i32
      %dma_wait3A_200 = tpu.memref_slice %arg6[%add3A_198, %dma_wait3A_199] : memref<160x125xi32, #tpu.memory_space<vmem>> -> memref<1x125xi32, #tpu.memory_space<vmem>>
      %dma_wait3A_201 = tpu.memref_squeeze %dma_wait3A_200 : memref<1x125xi32, #tpu.memory_space<vmem>> -> memref<125xi32, #tpu.memory_space<vmem>>
      %dma_wait3A_202 = arith.constant 0 : i32
      %dma_wait3A_203 = arith.constant 0 : i32
      %dma_wait3A_204 = tpu.memref_slice %arg2[%arg0, %dma_wait3A_202, %dma_wait3A_203] : memref<2x10000x64xf32, #tpu.memory_space<hbm>> -> memref<1x10000x64xf32, #tpu.memory_space<hbm>>
      %dma_wait3A_205 = tpu.memref_squeeze %dma_wait3A_204 : memref<1x10000x64xf32, #tpu.memory_space<hbm>> -> memref<10000x64xf32, #tpu.memory_space<hbm>>
      %dma_wait3A_206 = arith.constant 0 : i32
      %dma_wait3A_207 = arith.constant 0 : i32
      %dma_wait3A_208 = tpu.memref_slice %dma_wait3A_205[%dma_wait3A_206, %dma_wait3A_207] : memref<10000x64xf32, #tpu.memory_space<hbm>> -> memref<10000x64xf32, #tpu.memory_space<hbm>>
      tpu.wait_indirect_dma semaphore(%arg16 : memref<!tpu.dma_semaphore, #tpu.memory_space<semaphore_mem>>) src(%dma_wait3A_208 : memref<10000x64xf32, #tpu.memory_space<hbm>>) dst(%arg9 : memref<125x64xf32, #tpu.memory_space<vmem>>)
      %dma_start3A_209 = arith.constant 0 : i32
      %dma_start3A_210 = tpu.memref_slice %arg7[%add3A_198, %dma_start3A_209] : memref<160x125xi32, #tpu.memory_space<vmem>> -> memref<1x125xi32, #tpu.memory_space<vmem>>
      %dma_start3A_211 = tpu.memref_squeeze %dma_start3A_210 : memref<1x125xi32, #tpu.memory_space<vmem>> -> memref<125xi32, #tpu.memory_space<vmem>>
      %dma_start3A_212 = arith.constant 0 : i32
      %dma_start3A_213 = arith.constant 0 : i32
      %dma_start3A_214 = tpu.memref_slice %arg14[%dma_start3A_212, %dma_start3A_213] : memref<10240x64xf32, #tpu.memory_space<vmem_shared>> -> memref<10240x64xf32, #tpu.memory_space<vmem_shared>>
      tpu.enqueue_indirect_dma source(%arg9 : memref<125x64xf32, #tpu.memory_space<vmem>>) target(%dma_start3A_214 : memref<10240x64xf32, #tpu.memory_space<vmem_shared>>) offsets(%dma_start3A_211 : memref<125xi32, #tpu.memory_space<vmem>>) semaphore(%arg21 : memref<!tpu.dma_semaphore, #tpu.memory_space<semaphore_mem>>) {add = true}
      %add3A_215 = arith.constant 2 : i32
      %add3A_216 = arith.addi %mul3A_178, %add3A_215 : i32
      %dma_wait3A_217 = arith.constant 0 : i32
      %dma_wait3A_218 = tpu.memref_slice %arg6[%add3A_216, %dma_wait3A_217] : memref<160x125xi32, #tpu.memory_space<vmem>> -> memref<1x125xi32, #tpu.memory_space<vmem>>
      %dma_wait3A_219 = tpu.memref_squeeze %dma_wait3A_218 : memref<1x125xi32, #tpu.memory_space<vmem>> -> memref<125xi32, #tpu.memory_space<vmem>>
      %dma_wait3A_220 = arith.constant 0 : i32
      %dma_wait3A_221 = arith.constant 0 : i32
      %dma_wait3A_222 = tpu.memref_slice %arg2[%arg0, %dma_wait3A_220, %dma_wait3A_221] : memref<2x10000x64xf32, #tpu.memory_space<hbm>> -> memref<1x10000x64xf32, #tpu.memory_space<hbm>>
      %dma_wait3A_223 = tpu.memref_squeeze %dma_wait3A_222 : memref<1x10000x64xf32, #tpu.memory_space<hbm>> -> memref<10000x64xf32, #tpu.memory_space<hbm>>
      %dma_wait3A_224 = arith.constant 0 : i32
      %dma_wait3A_225 = arith.constant 0 : i32
      %dma_wait3A_226 = tpu.memref_slice %dma_wait3A_223[%dma_wait3A_224, %dma_wait3A_225] : memref<10000x64xf32, #tpu.memory_space<hbm>> -> memref<10000x64xf32, #tpu.memory_space<hbm>>
      tpu.wait_indirect_dma semaphore(%arg17 : memref<!tpu.dma_semaphore, #tpu.memory_space<semaphore_mem>>) src(%dma_wait3A_226 : memref<10000x64xf32, #tpu.memory_space<hbm>>) dst(%arg10 : memref<125x64xf32, #tpu.memory_space<vmem>>)
      %dma_start3A_227 = arith.constant 0 : i32
      %dma_start3A_228 = tpu.memref_slice %arg7[%add3A_216, %dma_start3A_227] : memref<160x125xi32, #tpu.memory_space<vmem>> -> memref<1x125xi32, #tpu.memory_space<vmem>>
      %dma_start3A_229 = tpu.memref_squeeze %dma_start3A_228 : memref<1x125xi32, #tpu.memory_space<vmem>> -> memref<125xi32, #tpu.memory_space<vmem>>
      %dma_start3A_230 = arith.constant 0 : i32
      %dma_start3A_231 = arith.constant 0 : i32
      %dma_start3A_232 = tpu.memref_slice %arg14[%dma_start3A_230, %dma_start3A_231] : memref<10240x64xf32, #tpu.memory_space<vmem_shared>> -> memref<10240x64xf32, #tpu.memory_space<vmem_shared>>
      tpu.enqueue_indirect_dma source(%arg10 : memref<125x64xf32, #tpu.memory_space<vmem>>) target(%dma_start3A_232 : memref<10240x64xf32, #tpu.memory_space<vmem_shared>>) offsets(%dma_start3A_229 : memref<125xi32, #tpu.memory_space<vmem>>) semaphore(%arg22 : memref<!tpu.dma_semaphore, #tpu.memory_space<semaphore_mem>>) {add = true}
      %add3A_233 = arith.constant 3 : i32
      %add3A_234 = arith.addi %mul3A_178, %add3A_233 : i32
      %dma_wait3A_235 = arith.constant 0 : i32
      %dma_wait3A_236 = tpu.memref_slice %arg6[%add3A_234, %dma_wait3A_235] : memref<160x125xi32, #tpu.memory_space<vmem>> -> memref<1x125xi32, #tpu.memory_space<vmem>>
      %dma_wait3A_237 = tpu.memref_squeeze %dma_wait3A_236 : memref<1x125xi32, #tpu.memory_space<vmem>> -> memref<125xi32, #tpu.memory_space<vmem>>
      %dma_wait3A_238 = arith.constant 0 : i32
      %dma_wait3A_239 = arith.constant 0 : i32
      %dma_wait3A_240 = tpu.memref_slice %arg2[%arg0, %dma_wait3A_238, %dma_wait3A_239] : memref<2x10000x64xf32, #tpu.memory_space<hbm>> -> memref<1x10000x64xf32, #tpu.memory_space<hbm>>
      %dma_wait3A_241 = tpu.memref_squeeze %dma_wait3A_240 : memref<1x10000x64xf32, #tpu.memory_space<hbm>> -> memref<10000x64xf32, #tpu.memory_space<hbm>>
      %dma_wait3A_242 = arith.constant 0 : i32
      %dma_wait3A_243 = arith.constant 0 : i32
      %dma_wait3A_244 = tpu.memref_slice %dma_wait3A_241[%dma_wait3A_242, %dma_wait3A_243] : memref<10000x64xf32, #tpu.memory_space<hbm>> -> memref<10000x64xf32, #tpu.memory_space<hbm>>
      tpu.wait_indirect_dma semaphore(%arg18 : memref<!tpu.dma_semaphore, #tpu.memory_space<semaphore_mem>>) src(%dma_wait3A_244 : memref<10000x64xf32, #tpu.memory_space<hbm>>) dst(%arg11 : memref<125x64xf32, #tpu.memory_space<vmem>>)
      %dma_start3A_245 = arith.constant 0 : i32
      %dma_start3A_246 = tpu.memref_slice %arg7[%add3A_234, %dma_start3A_245] : memref<160x125xi32, #tpu.memory_space<vmem>> -> memref<1x125xi32, #tpu.memory_space<vmem>>
      %dma_start3A_247 = tpu.memref_squeeze %dma_start3A_246 : memref<1x125xi32, #tpu.memory_space<vmem>> -> memref<125xi32, #tpu.memory_space<vmem>>
      %dma_start3A_248 = arith.constant 0 : i32
      %dma_start3A_249 = arith.constant 0 : i32
      %dma_start3A_250 = tpu.memref_slice %arg14[%dma_start3A_248, %dma_start3A_249] : memref<10240x64xf32, #tpu.memory_space<vmem_shared>> -> memref<10240x64xf32, #tpu.memory_space<vmem_shared>>
      tpu.enqueue_indirect_dma source(%arg11 : memref<125x64xf32, #tpu.memory_space<vmem>>) target(%dma_start3A_250 : memref<10240x64xf32, #tpu.memory_space<vmem_shared>>) offsets(%dma_start3A_247 : memref<125xi32, #tpu.memory_space<vmem>>) semaphore(%arg23 : memref<!tpu.dma_semaphore, #tpu.memory_space<semaphore_mem>>) {add = true}
      %add3A_251 = arith.constant 4 : i32
      %add3A_252 = arith.addi %mul3A_178, %add3A_251 : i32
      %dma_wait3A_253 = arith.constant 0 : i32
      %dma_wait3A_254 = tpu.memref_slice %arg6[%add3A_252, %dma_wait3A_253] : memref<160x125xi32, #tpu.memory_space<vmem>> -> memref<1x125xi32, #tpu.memory_space<vmem>>
      %dma_wait3A_255 = tpu.memref_squeeze %dma_wait3A_254 : memref<1x125xi32, #tpu.memory_space<vmem>> -> memref<125xi32, #tpu.memory_space<vmem>>
      %dma_wait3A_256 = arith.constant 0 : i32
      %dma_wait3A_257 = arith.constant 0 : i32
      %dma_wait3A_258 = tpu.memref_slice %arg2[%arg0, %dma_wait3A_256, %dma_wait3A_257] : memref<2x10000x64xf32, #tpu.memory_space<hbm>> -> memref<1x10000x64xf32, #tpu.memory_space<hbm>>
      %dma_wait3A_259 = tpu.memref_squeeze %dma_wait3A_258 : memref<1x10000x64xf32, #tpu.memory_space<hbm>> -> memref<10000x64xf32, #tpu.memory_space<hbm>>
      %dma_wait3A_260 = arith.constant 0 : i32
      %dma_wait3A_261 = arith.constant 0 : i32
      %dma_wait3A_262 = tpu.memref_slice %dma_wait3A_259[%dma_wait3A_260, %dma_wait3A_261] : memref<10000x64xf32, #tpu.memory_space<hbm>> -> memref<10000x64xf32, #tpu.memory_space<hbm>>
      tpu.wait_indirect_dma semaphore(%arg19 : memref<!tpu.dma_semaphore, #tpu.memory_space<semaphore_mem>>) src(%dma_wait3A_262 : memref<10000x64xf32, #tpu.memory_space<hbm>>) dst(%arg12 : memref<125x64xf32, #tpu.memory_space<vmem>>)
      %dma_start3A_263 = arith.constant 0 : i32
      %dma_start3A_264 = tpu.memref_slice %arg7[%add3A_252, %dma_start3A_263] : memref<160x125xi32, #tpu.memory_space<vmem>> -> memref<1x125xi32, #tpu.memory_space<vmem>>
      %dma_start3A_265 = tpu.memref_squeeze %dma_start3A_264 : memref<1x125xi32, #tpu.memory_space<vmem>> -> memref<125xi32, #tpu.memory_space<vmem>>
      %dma_start3A_266 = arith.constant 0 : i32
      %dma_start3A_267 = arith.constant 0 : i32
      %dma_start3A_268 = tpu.memref_slice %arg14[%dma_start3A_266, %dma_start3A_267] : memref<10240x64xf32, #tpu.memory_space<vmem_shared>> -> memref<10240x64xf32, #tpu.memory_space<vmem_shared>>
      tpu.enqueue_indirect_dma source(%arg12 : memref<125x64xf32, #tpu.memory_space<vmem>>) target(%dma_start3A_268 : memref<10240x64xf32, #tpu.memory_space<vmem_shared>>) offsets(%dma_start3A_265 : memref<125xi32, #tpu.memory_space<vmem>>) semaphore(%arg24 : memref<!tpu.dma_semaphore, #tpu.memory_space<semaphore_mem>>) {add = true}
      %add3A_269 = arith.constant 0 : i32
      %add3A_270 = arith.addi %mul3A_178, %add3A_269 : i32
      %dma_wait3A_271 = arith.constant 0 : i32
      %dma_wait3A_272 = tpu.memref_slice %arg7[%add3A_270, %dma_wait3A_271] : memref<160x125xi32, #tpu.memory_space<vmem>> -> memref<1x125xi32, #tpu.memory_space<vmem>>
      %dma_wait3A_273 = tpu.memref_squeeze %dma_wait3A_272 : memref<1x125xi32, #tpu.memory_space<vmem>> -> memref<125xi32, #tpu.memory_space<vmem>>
      %dma_wait3A_274 = arith.constant 0 : i32
      %dma_wait3A_275 = arith.constant 0 : i32
      %dma_wait3A_276 = tpu.memref_slice %arg14[%dma_wait3A_274, %dma_wait3A_275] : memref<10240x64xf32, #tpu.memory_space<vmem_shared>> -> memref<10240x64xf32, #tpu.memory_space<vmem_shared>>
      tpu.wait_indirect_dma semaphore(%arg20 : memref<!tpu.dma_semaphore, #tpu.memory_space<semaphore_mem>>) src(%arg8 : memref<125x64xf32, #tpu.memory_space<vmem>>) dst(%dma_wait3A_276 : memref<10240x64xf32, #tpu.memory_space<vmem_shared>>)
      %add3A_277 = arith.constant 5 : i32
      %add3A_278 = arith.addi %add3A_270, %add3A_277 : i32
      %min3A = arith.constant 159 : i32
      %min3A_279 = arith.minsi %add3A_278, %min3A : i32
      %dma_start3A_280 = arith.constant 0 : i32
      %dma_start3A_281 = tpu.memref_slice %arg6[%min3A_279, %dma_start3A_280] : memref<160x125xi32, #tpu.memory_space<vmem>> -> memref<1x125xi32, #tpu.memory_space<vmem>>
      %dma_start3A_282 = tpu.memref_squeeze %dma_start3A_281 : memref<1x125xi32, #tpu.memory_space<vmem>> -> memref<125xi32, #tpu.memory_space<vmem>>
      %dma_start3A_283 = arith.constant 0 : i32
      %dma_start3A_284 = arith.constant 0 : i32
      %dma_start3A_285 = tpu.memref_slice %arg2[%arg0, %dma_start3A_283, %dma_start3A_284] : memref<2x10000x64xf32, #tpu.memory_space<hbm>> -> memref<1x10000x64xf32, #tpu.memory_space<hbm>>
      %dma_start3A_286 = tpu.memref_squeeze %dma_start3A_285 : memref<1x10000x64xf32, #tpu.memory_space<hbm>> -> memref<10000x64xf32, #tpu.memory_space<hbm>>
      %dma_start3A_287 = arith.constant 0 : i32
      %dma_start3A_288 = arith.constant 0 : i32
      %dma_start3A_289 = tpu.memref_slice %dma_start3A_286[%dma_start3A_287, %dma_start3A_288] : memref<10000x64xf32, #tpu.memory_space<hbm>> -> memref<10000x64xf32, #tpu.memory_space<hbm>>
      tpu.enqueue_indirect_dma source(%dma_start3A_289 : memref<10000x64xf32, #tpu.memory_space<hbm>>) target(%arg8 : memref<125x64xf32, #tpu.memory_space<vmem>>) offsets(%dma_start3A_282 : memref<125xi32, #tpu.memory_space<vmem>>) semaphore(%arg15 : memref<!tpu.dma_semaphore, #tpu.memory_space<semaphore_mem>>)
      %add3A_290 = arith.constant 1 : i32
      %add3A_291 = arith.addi %mul3A_178, %add3A_290 : i32
      %dma_wait3A_292 = arith.constant 0 : i32
      %dma_wait3A_293 = tpu.memref_slice %arg7[%add3A_291, %dma_wait3A_292] : memref<160x125xi32, #tpu.memory_space<vmem>> -> memref<1x125xi32, #tpu.memory_space<vmem>>
      %dma_wait3A_294 = tpu.memref_squeeze %dma_wait3A_293 : memref<1x125xi32, #tpu.memory_space<vmem>> -> memref<125xi32, #tpu.memory_space<vmem>>
      %dma_wait3A_295 = arith.constant 0 : i32
      %dma_wait3A_296 = arith.constant 0 : i32
      %dma_wait3A_297 = tpu.memref_slice %arg14[%dma_wait3A_295, %dma_wait3A_296] : memref<10240x64xf32, #tpu.memory_space<vmem_shared>> -> memref<10240x64xf32, #tpu.memory_space<vmem_shared>>
      tpu.wait_indirect_dma semaphore(%arg21 : memref<!tpu.dma_semaphore, #tpu.memory_space<semaphore_mem>>) src(%arg9 : memref<125x64xf32, #tpu.memory_space<vmem>>) dst(%dma_wait3A_297 : memref<10240x64xf32, #tpu.memory_space<vmem_shared>>)
      %add3A_298 = arith.constant 5 : i32
      %add3A_299 = arith.addi %add3A_291, %add3A_298 : i32
      %min3A_300 = arith.constant 159 : i32
      %min3A_301 = arith.minsi %add3A_299, %min3A_300 : i32
      %dma_start3A_302 = arith.constant 0 : i32
      %dma_start3A_303 = tpu.memref_slice %arg6[%min3A_301, %dma_start3A_302] : memref<160x125xi32, #tpu.memory_space<vmem>> -> memref<1x125xi32, #tpu.memory_space<vmem>>
      %dma_start3A_304 = tpu.memref_squeeze %dma_start3A_303 : memref<1x125xi32, #tpu.memory_space<vmem>> -> memref<125xi32, #tpu.memory_space<vmem>>
      %dma_start3A_305 = arith.constant 0 : i32
      %dma_start3A_306 = arith.constant 0 : i32
      %dma_start3A_307 = tpu.memref_slice %arg2[%arg0, %dma_start3A_305, %dma_start3A_306] : memref<2x10000x64xf32, #tpu.memory_space<hbm>> -> memref<1x10000x64xf32, #tpu.memory_space<hbm>>
      %dma_start3A_308 = tpu.memref_squeeze %dma_start3A_307 : memref<1x10000x64xf32, #tpu.memory_space<hbm>> -> memref<10000x64xf32, #tpu.memory_space<hbm>>
      %dma_start3A_309 = arith.constant 0 : i32
      %dma_start3A_310 = arith.constant 0 : i32
      %dma_start3A_311 = tpu.memref_slice %dma_start3A_308[%dma_start3A_309, %dma_start3A_310] : memref<10000x64xf32, #tpu.memory_space<hbm>> -> memref<10000x64xf32, #tpu.memory_space<hbm>>
      tpu.enqueue_indirect_dma source(%dma_start3A_311 : memref<10000x64xf32, #tpu.memory_space<hbm>>) target(%arg9 : memref<125x64xf32, #tpu.memory_space<vmem>>) offsets(%dma_start3A_304 : memref<125xi32, #tpu.memory_space<vmem>>) semaphore(%arg16 : memref<!tpu.dma_semaphore, #tpu.memory_space<semaphore_mem>>)
      %add3A_312 = arith.constant 2 : i32
      %add3A_313 = arith.addi %mul3A_178, %add3A_312 : i32
      %dma_wait3A_314 = arith.constant 0 : i32
      %dma_wait3A_315 = tpu.memref_slice %arg7[%add3A_313, %dma_wait3A_314] : memref<160x125xi32, #tpu.memory_space<vmem>> -> memref<1x125xi32, #tpu.memory_space<vmem>>
      %dma_wait3A_316 = tpu.memref_squeeze %dma_wait3A_315 : memref<1x125xi32, #tpu.memory_space<vmem>> -> memref<125xi32, #tpu.memory_space<vmem>>
      %dma_wait3A_317 = arith.constant 0 : i32
      %dma_wait3A_318 = arith.constant 0 : i32
      %dma_wait3A_319 = tpu.memref_slice %arg14[%dma_wait3A_317, %dma_wait3A_318] : memref<10240x64xf32, #tpu.memory_space<vmem_shared>> -> memref<10240x64xf32, #tpu.memory_space<vmem_shared>>
      tpu.wait_indirect_dma semaphore(%arg22 : memref<!tpu.dma_semaphore, #tpu.memory_space<semaphore_mem>>) src(%arg10 : memref<125x64xf32, #tpu.memory_space<vmem>>) dst(%dma_wait3A_319 : memref<10240x64xf32, #tpu.memory_space<vmem_shared>>)
      %add3A_320 = arith.constant 5 : i32
      %add3A_321 = arith.addi %add3A_313, %add3A_320 : i32
      %min3A_322 = arith.constant 159 : i32
      %min3A_323 = arith.minsi %add3A_321, %min3A_322 : i32
      %dma_start3A_324 = arith.constant 0 : i32
      %dma_start3A_325 = tpu.memref_slice %arg6[%min3A_323, %dma_start3A_324] : memref<160x125xi32, #tpu.memory_space<vmem>> -> memref<1x125xi32, #tpu.memory_space<vmem>>
      %dma_start3A_326 = tpu.memref_squeeze %dma_start3A_325 : memref<1x125xi32, #tpu.memory_space<vmem>> -> memref<125xi32, #tpu.memory_space<vmem>>
      %dma_start3A_327 = arith.constant 0 : i32
      %dma_start3A_328 = arith.constant 0 : i32
      %dma_start3A_329 = tpu.memref_slice %arg2[%arg0, %dma_start3A_327, %dma_start3A_328] : memref<2x10000x64xf32, #tpu.memory_space<hbm>> -> memref<1x10000x64xf32, #tpu.memory_space<hbm>>
      %dma_start3A_330 = tpu.memref_squeeze %dma_start3A_329 : memref<1x10000x64xf32, #tpu.memory_space<hbm>> -> memref<10000x64xf32, #tpu.memory_space<hbm>>
      %dma_start3A_331 = arith.constant 0 : i32
      %dma_start3A_332 = arith.constant 0 : i32
      %dma_start3A_333 = tpu.memref_slice %dma_start3A_330[%dma_start3A_331, %dma_start3A_332] : memref<10000x64xf32, #tpu.memory_space<hbm>> -> memref<10000x64xf32, #tpu.memory_space<hbm>>
      tpu.enqueue_indirect_dma source(%dma_start3A_333 : memref<10000x64xf32, #tpu.memory_space<hbm>>) target(%arg10 : memref<125x64xf32, #tpu.memory_space<vmem>>) offsets(%dma_start3A_326 : memref<125xi32, #tpu.memory_space<vmem>>) semaphore(%arg17 : memref<!tpu.dma_semaphore, #tpu.memory_space<semaphore_mem>>)
      %add3A_334 = arith.constant 3 : i32
      %add3A_335 = arith.addi %mul3A_178, %add3A_334 : i32
      %dma_wait3A_336 = arith.constant 0 : i32
      %dma_wait3A_337 = tpu.memref_slice %arg7[%add3A_335, %dma_wait3A_336] : memref<160x125xi32, #tpu.memory_space<vmem>> -> memref<1x125xi32, #tpu.memory_space<vmem>>
      %dma_wait3A_338 = tpu.memref_squeeze %dma_wait3A_337 : memref<1x125xi32, #tpu.memory_space<vmem>> -> memref<125xi32, #tpu.memory_space<vmem>>
      %dma_wait3A_339 = arith.constant 0 : i32
      %dma_wait3A_340 = arith.constant 0 : i32
      %dma_wait3A_341 = tpu.memref_slice %arg14[%dma_wait3A_339, %dma_wait3A_340] : memref<10240x64xf32, #tpu.memory_space<vmem_shared>> -> memref<10240x64xf32, #tpu.memory_space<vmem_shared>>
      tpu.wait_indirect_dma semaphore(%arg23 : memref<!tpu.dma_semaphore, #tpu.memory_space<semaphore_mem>>) src(%arg11 : memref<125x64xf32, #tpu.memory_space<vmem>>) dst(%dma_wait3A_341 : memref<10240x64xf32, #tpu.memory_space<vmem_shared>>)
      %add3A_342 = arith.constant 5 : i32
      %add3A_343 = arith.addi %add3A_335, %add3A_342 : i32
      %min3A_344 = arith.constant 159 : i32
      %min3A_345 = arith.minsi %add3A_343, %min3A_344 : i32
      %dma_start3A_346 = arith.constant 0 : i32
      %dma_start3A_347 = tpu.memref_slice %arg6[%min3A_345, %dma_start3A_346] : memref<160x125xi32, #tpu.memory_space<vmem>> -> memref<1x125xi32, #tpu.memory_space<vmem>>
      %dma_start3A_348 = tpu.memref_squeeze %dma_start3A_347 : memref<1x125xi32, #tpu.memory_space<vmem>> -> memref<125xi32, #tpu.memory_space<vmem>>
      %dma_start3A_349 = arith.constant 0 : i32
      %dma_start3A_350 = arith.constant 0 : i32
      %dma_start3A_351 = tpu.memref_slice %arg2[%arg0, %dma_start3A_349, %dma_start3A_350] : memref<2x10000x64xf32, #tpu.memory_space<hbm>> -> memref<1x10000x64xf32, #tpu.memory_space<hbm>>
      %dma_start3A_352 = tpu.memref_squeeze %dma_start3A_351 : memref<1x10000x64xf32, #tpu.memory_space<hbm>> -> memref<10000x64xf32, #tpu.memory_space<hbm>>
      %dma_start3A_353 = arith.constant 0 : i32
      %dma_start3A_354 = arith.constant 0 : i32
      %dma_start3A_355 = tpu.memref_slice %dma_start3A_352[%dma_start3A_353, %dma_start3A_354] : memref<10000x64xf32, #tpu.memory_space<hbm>> -> memref<10000x64xf32, #tpu.memory_space<hbm>>
      tpu.enqueue_indirect_dma source(%dma_start3A_355 : memref<10000x64xf32, #tpu.memory_space<hbm>>) target(%arg11 : memref<125x64xf32, #tpu.memory_space<vmem>>) offsets(%dma_start3A_348 : memref<125xi32, #tpu.memory_space<vmem>>) semaphore(%arg18 : memref<!tpu.dma_semaphore, #tpu.memory_space<semaphore_mem>>)
      %add3A_356 = arith.constant 4 : i32
      %add3A_357 = arith.addi %mul3A_178, %add3A_356 : i32
      %dma_wait3A_358 = arith.constant 0 : i32
      %dma_wait3A_359 = tpu.memref_slice %arg7[%add3A_357, %dma_wait3A_358] : memref<160x125xi32, #tpu.memory_space<vmem>> -> memref<1x125xi32, #tpu.memory_space<vmem>>
      %dma_wait3A_360 = tpu.memref_squeeze %dma_wait3A_359 : memref<1x125xi32, #tpu.memory_space<vmem>> -> memref<125xi32, #tpu.memory_space<vmem>>
      %dma_wait3A_361 = arith.constant 0 : i32
      %dma_wait3A_362 = arith.constant 0 : i32
      %dma_wait3A_363 = tpu.memref_slice %arg14[%dma_wait3A_361, %dma_wait3A_362] : memref<10240x64xf32, #tpu.memory_space<vmem_shared>> -> memref<10240x64xf32, #tpu.memory_space<vmem_shared>>
      tpu.wait_indirect_dma semaphore(%arg24 : memref<!tpu.dma_semaphore, #tpu.memory_space<semaphore_mem>>) src(%arg12 : memref<125x64xf32, #tpu.memory_space<vmem>>) dst(%dma_wait3A_363 : memref<10240x64xf32, #tpu.memory_space<vmem_shared>>)
      %add3A_364 = arith.constant 5 : i32
      %add3A_365 = arith.addi %add3A_357, %add3A_364 : i32
      %min3A_366 = arith.constant 159 : i32
      %min3A_367 = arith.minsi %add3A_365, %min3A_366 : i32
      %dma_start3A_368 = arith.constant 0 : i32
      %dma_start3A_369 = tpu.memref_slice %arg6[%min3A_367, %dma_start3A_368] : memref<160x125xi32, #tpu.memory_space<vmem>> -> memref<1x125xi32, #tpu.memory_space<vmem>>
      %dma_start3A_370 = tpu.memref_squeeze %dma_start3A_369 : memref<1x125xi32, #tpu.memory_space<vmem>> -> memref<125xi32, #tpu.memory_space<vmem>>
      %dma_start3A_371 = arith.constant 0 : i32
      %dma_start3A_372 = arith.constant 0 : i32
      %dma_start3A_373 = tpu.memref_slice %arg2[%arg0, %dma_start3A_371, %dma_start3A_372] : memref<2x10000x64xf32, #tpu.memory_space<hbm>> -> memref<1x10000x64xf32, #tpu.memory_space<hbm>>
      %dma_start3A_374 = tpu.memref_squeeze %dma_start3A_373 : memref<1x10000x64xf32, #tpu.memory_space<hbm>> -> memref<10000x64xf32, #tpu.memory_space<hbm>>
      %dma_start3A_375 = arith.constant 0 : i32
      %dma_start3A_376 = arith.constant 0 : i32
      %dma_start3A_377 = tpu.memref_slice %dma_start3A_374[%dma_start3A_375, %dma_start3A_376] : memref<10000x64xf32, #tpu.memory_space<hbm>> -> memref<10000x64xf32, #tpu.memory_space<hbm>>
      tpu.enqueue_indirect_dma source(%dma_start3A_377 : memref<10000x64xf32, #tpu.memory_space<hbm>>) target(%arg12 : memref<125x64xf32, #tpu.memory_space<vmem>>) offsets(%dma_start3A_370 : memref<125xi32, #tpu.memory_space<vmem>>) semaphore(%arg19 : memref<!tpu.dma_semaphore, #tpu.memory_space<semaphore_mem>>)
    }
    %scan3A_113 = arith.constant 32 : i32
    %dma_wait3A_114 = arith.constant 159 : i32
    %dma_wait3A_115 = arith.constant 0 : i32
    %dma_wait3A_116 = tpu.memref_slice %arg6[%dma_wait3A_114, %dma_wait3A_115] : memref<160x125xi32, #tpu.memory_space<vmem>> -> memref<1x125xi32, #tpu.memory_space<vmem>>
    %dma_wait3A_117 = tpu.memref_squeeze %dma_wait3A_116 : memref<1x125xi32, #tpu.memory_space<vmem>> -> memref<125xi32, #tpu.memory_space<vmem>>
    %dma_wait3A_118 = arith.constant 0 : i32
    %dma_wait3A_119 = arith.constant 0 : i32
    %dma_wait3A_120 = tpu.memref_slice %arg2[%arg0, %dma_wait3A_118, %dma_wait3A_119] : memref<2x10000x64xf32, #tpu.memory_space<hbm>> -> memref<1x10000x64xf32, #tpu.memory_space<hbm>>
    %dma_wait3A_121 = tpu.memref_squeeze %dma_wait3A_120 : memref<1x10000x64xf32, #tpu.memory_space<hbm>> -> memref<10000x64xf32, #tpu.memory_space<hbm>>
    %dma_wait3A_122 = arith.constant 0 : i32
    %dma_wait3A_123 = arith.constant 0 : i32
    %dma_wait3A_124 = tpu.memref_slice %dma_wait3A_121[%dma_wait3A_122, %dma_wait3A_123] : memref<10000x64xf32, #tpu.memory_space<hbm>> -> memref<10000x64xf32, #tpu.memory_space<hbm>>
    tpu.wait_indirect_dma semaphore(%arg15 : memref<!tpu.dma_semaphore, #tpu.memory_space<semaphore_mem>>) src(%dma_wait3A_124 : memref<10000x64xf32, #tpu.memory_space<hbm>>) dst(%arg8 : memref<125x64xf32, #tpu.memory_space<vmem>>)
    %dma_wait3A_125 = arith.constant 159 : i32
    %dma_wait3A_126 = arith.constant 0 : i32
    %dma_wait3A_127 = tpu.memref_slice %arg6[%dma_wait3A_125, %dma_wait3A_126] : memref<160x125xi32, #tpu.memory_space<vmem>> -> memref<1x125xi32, #tpu.memory_space<vmem>>
    %dma_wait3A_128 = tpu.memref_squeeze %dma_wait3A_127 : memref<1x125xi32, #tpu.memory_space<vmem>> -> memref<125xi32, #tpu.memory_space<vmem>>
    %dma_wait3A_129 = arith.constant 0 : i32
    %dma_wait3A_130 = arith.constant 0 : i32
    %dma_wait3A_131 = tpu.memref_slice %arg2[%arg0, %dma_wait3A_129, %dma_wait3A_130] : memref<2x10000x64xf32, #tpu.memory_space<hbm>> -> memref<1x10000x64xf32, #tpu.memory_space<hbm>>
    %dma_wait3A_132 = tpu.memref_squeeze %dma_wait3A_131 : memref<1x10000x64xf32, #tpu.memory_space<hbm>> -> memref<10000x64xf32, #tpu.memory_space<hbm>>
    %dma_wait3A_133 = arith.constant 0 : i32
    %dma_wait3A_134 = arith.constant 0 : i32
    %dma_wait3A_135 = tpu.memref_slice %dma_wait3A_132[%dma_wait3A_133, %dma_wait3A_134] : memref<10000x64xf32, #tpu.memory_space<hbm>> -> memref<10000x64xf32, #tpu.memory_space<hbm>>
    tpu.wait_indirect_dma semaphore(%arg16 : memref<!tpu.dma_semaphore, #tpu.memory_space<semaphore_mem>>) src(%dma_wait3A_135 : memref<10000x64xf32, #tpu.memory_space<hbm>>) dst(%arg9 : memref<125x64xf32, #tpu.memory_space<vmem>>)
    %dma_wait3A_136 = arith.constant 159 : i32
    %dma_wait3A_137 = arith.constant 0 : i32
    %dma_wait3A_138 = tpu.memref_slice %arg6[%dma_wait3A_136, %dma_wait3A_137] : memref<160x125xi32, #tpu.memory_space<vmem>> -> memref<1x125xi32, #tpu.memory_space<vmem>>
    %dma_wait3A_139 = tpu.memref_squeeze %dma_wait3A_138 : memref<1x125xi32, #tpu.memory_space<vmem>> -> memref<125xi32, #tpu.memory_space<vmem>>
    %dma_wait3A_140 = arith.constant 0 : i32
    %dma_wait3A_141 = arith.constant 0 : i32
    %dma_wait3A_142 = tpu.memref_slice %arg2[%arg0, %dma_wait3A_140, %dma_wait3A_141] : memref<2x10000x64xf32, #tpu.memory_space<hbm>> -> memref<1x10000x64xf32, #tpu.memory_space<hbm>>
    %dma_wait3A_143 = tpu.memref_squeeze %dma_wait3A_142 : memref<1x10000x64xf32, #tpu.memory_space<hbm>> -> memref<10000x64xf32, #tpu.memory_space<hbm>>
    %dma_wait3A_144 = arith.constant 0 : i32
    %dma_wait3A_145 = arith.constant 0 : i32
    %dma_wait3A_146 = tpu.memref_slice %dma_wait3A_143[%dma_wait3A_144, %dma_wait3A_145] : memref<10000x64xf32, #tpu.memory_space<hbm>> -> memref<10000x64xf32, #tpu.memory_space<hbm>>
    tpu.wait_indirect_dma semaphore(%arg17 : memref<!tpu.dma_semaphore, #tpu.memory_space<semaphore_mem>>) src(%dma_wait3A_146 : memref<10000x64xf32, #tpu.memory_space<hbm>>) dst(%arg10 : memref<125x64xf32, #tpu.memory_space<vmem>>)
    %dma_wait3A_147 = arith.constant 159 : i32
    %dma_wait3A_148 = arith.constant 0 : i32
    %dma_wait3A_149 = tpu.memref_slice %arg6[%dma_wait3A_147, %dma_wait3A_148] : memref<160x125xi32, #tpu.memory_space<vmem>> -> memref<1x125xi32, #tpu.memory_space<vmem>>
    %dma_wait3A_150 = tpu.memref_squeeze %dma_wait3A_149 : memref<1x125xi32, #tpu.memory_space<vmem>> -> memref<125xi32, #tpu.memory_space<vmem>>
    %dma_wait3A_151 = arith.constant 0 : i32
    %dma_wait3A_152 = arith.constant 0 : i32
    %dma_wait3A_153 = tpu.memref_slice %arg2[%arg0, %dma_wait3A_151, %dma_wait3A_152] : memref<2x10000x64xf32, #tpu.memory_space<hbm>> -> memref<1x10000x64xf32, #tpu.memory_space<hbm>>
    %dma_wait3A_154 = tpu.memref_squeeze %dma_wait3A_153 : memref<1x10000x64xf32, #tpu.memory_space<hbm>> -> memref<10000x64xf32, #tpu.memory_space<hbm>>
    %dma_wait3A_155 = arith.constant 0 : i32
    %dma_wait3A_156 = arith.constant 0 : i32
    %dma_wait3A_157 = tpu.memref_slice %dma_wait3A_154[%dma_wait3A_155, %dma_wait3A_156] : memref<10000x64xf32, #tpu.memory_space<hbm>> -> memref<10000x64xf32, #tpu.memory_space<hbm>>
    tpu.wait_indirect_dma semaphore(%arg18 : memref<!tpu.dma_semaphore, #tpu.memory_space<semaphore_mem>>) src(%dma_wait3A_157 : memref<10000x64xf32, #tpu.memory_space<hbm>>) dst(%arg11 : memref<125x64xf32, #tpu.memory_space<vmem>>)
    %dma_wait3A_158 = arith.constant 159 : i32
    %dma_wait3A_159 = arith.constant 0 : i32
    %dma_wait3A_160 = tpu.memref_slice %arg6[%dma_wait3A_158, %dma_wait3A_159] : memref<160x125xi32, #tpu.memory_space<vmem>> -> memref<1x125xi32, #tpu.memory_space<vmem>>
    %dma_wait3A_161 = tpu.memref_squeeze %dma_wait3A_160 : memref<1x125xi32, #tpu.memory_space<vmem>> -> memref<125xi32, #tpu.memory_space<vmem>>
    %dma_wait3A_162 = arith.constant 0 : i32
    %dma_wait3A_163 = arith.constant 0 : i32
    %dma_wait3A_164 = tpu.memref_slice %arg2[%arg0, %dma_wait3A_162, %dma_wait3A_163] : memref<2x10000x64xf32, #tpu.memory_space<hbm>> -> memref<1x10000x64xf32, #tpu.memory_space<hbm>>
    %dma_wait3A_165 = tpu.memref_squeeze %dma_wait3A_164 : memref<1x10000x64xf32, #tpu.memory_space<hbm>> -> memref<10000x64xf32, #tpu.memory_space<hbm>>
    %dma_wait3A_166 = arith.constant 0 : i32
    %dma_wait3A_167 = arith.constant 0 : i32
    %dma_wait3A_168 = tpu.memref_slice %dma_wait3A_165[%dma_wait3A_166, %dma_wait3A_167] : memref<10000x64xf32, #tpu.memory_space<hbm>> -> memref<10000x64xf32, #tpu.memory_space<hbm>>
    tpu.wait_indirect_dma semaphore(%arg19 : memref<!tpu.dma_semaphore, #tpu.memory_space<semaphore_mem>>) src(%dma_wait3A_168 : memref<10000x64xf32, #tpu.memory_space<hbm>>) dst(%arg12 : memref<125x64xf32, #tpu.memory_space<vmem>>)
    %barrier3A_169 = arith.constant 0 : index
    tpu.barrier barrier_id(%barrier3A_169)
    %mul3A_170 = arith.constant 640 : i32
    %mul3A_171 = arith.muli %arg1, %mul3A_170 : i32
    %mul3A_172 = arith.constant 640 : i32
    %mul3A_173 = arith.muli %arg1, %mul3A_172 : i32
    %mul3A_174 = arith.constant 64 : i32
    %mul3A_175 = arith.muli %arg0, %mul3A_174 : i32
    "tpu.region"() ({
      %run_scoped3A = tpu.sem_alloc : memref<!tpu.dma_semaphore, #tpu.memory_space<semaphore_mem>>
      %dma_start3A_176 = tpu.memref_slice %arg5[%mul3A_173, %mul3A_175] : memref<10240x128xf32, #tpu.memory_space<hbm>> -> memref<640x64xf32, #tpu.memory_space<hbm>>
      %dma_start3A_177 = arith.constant 0 : i32
      %dma_start3A_178 = tpu.memref_slice %arg14[%mul3A_171, %dma_start3A_177] : memref<10240x64xf32, #tpu.memory_space<vmem_shared>> -> memref<640x64xf32, #tpu.memory_space<vmem_shared>>
      tpu.enqueue_dma source(%dma_start3A_178 : memref<640x64xf32, #tpu.memory_space<vmem_shared>>) target(%dma_start3A_176 : memref<640x64xf32, #tpu.memory_space<hbm>>) target_semaphore(%run_scoped3A : memref<!tpu.dma_semaphore, #tpu.memory_space<semaphore_mem>>)
      %dma_wait3A_179 = tpu.memref_slice %arg5[%mul3A_173, %mul3A_175] : memref<10240x128xf32, #tpu.memory_space<hbm>> -> memref<640x64xf32, #tpu.memory_space<hbm>>
      %dma_wait3A_180 = arith.constant 0 : i32
      %dma_wait3A_181 = tpu.memref_slice %arg14[%mul3A_171, %dma_wait3A_180] : memref<10240x64xf32, #tpu.memory_space<vmem_shared>> -> memref<640x64xf32, #tpu.memory_space<vmem_shared>>
      tpu.wait_dma2 semaphore(%run_scoped3A : memref<!tpu.dma_semaphore, #tpu.memory_space<semaphore_mem>>) src(%dma_wait3A_181 : memref<640x64xf32, #tpu.memory_space<vmem_shared>>) dst(%dma_wait3A_179 : memref<640x64xf32, #tpu.memory_space<hbm>>)
      tpu.yield
    }) : () -> ()
    return
  }
}

#map = affine_map<(d0, d1) -> (0, 0, 0)>
#map1 = affine_map<(d0, d1) -> (0, 0)>
module attributes {stable_mosaic.version = 14 : i64} {
  func.func @sc_msg(%arg0: i32, %arg1: i32, %arg2: memref<2x10000x64xf32, #tpu.memory_space<hbm>>, %arg3: memref<16x160x125xi32, #tpu.memory_space<hbm>>, %arg4: memref<16x160x125xi32, #tpu.memory_space<hbm>>, %arg5: memref<10240x128xf32, #tpu.memory_space<hbm>>, %arg6: memref<160x125xi32, #tpu.memory_space<vmem>>, %arg7: memref<160x125xi32, #tpu.memory_space<vmem>>, %arg8: memref<125x64xf32, #tpu.memory_space<vmem>>, %arg9: memref<125x64xf32, #tpu.memory_space<vmem>>, %arg10: memref<125x64xf32, #tpu.memory_space<vmem>>, %arg11: memref<125x64xf32, #tpu.memory_space<vmem>>, %arg12: memref<125x64xf32, #tpu.memory_space<vmem>>, %arg13: memref<128x64xf32, #tpu.memory_space<vmem>>, %arg14: memref<10240x64xf32, #tpu.memory_space<vmem_shared>>, %arg15: memref<!tpu.dma_semaphore, #tpu.memory_space<semaphore_mem>>, %arg16: memref<!tpu.dma_semaphore, #tpu.memory_space<semaphore_mem>>, %arg17: memref<!tpu.dma_semaphore, #tpu.memory_space<semaphore_mem>>, %arg18: memref<!tpu.dma_semaphore, #tpu.memory_space<semaphore_mem>>, %arg19: memref<!tpu.dma_semaphore, #tpu.memory_space<semaphore_mem>>, %arg20: memref<!tpu.dma_semaphore, #tpu.memory_space<semaphore_mem>>, %arg21: memref<!tpu.dma_semaphore, #tpu.memory_space<semaphore_mem>>, %arg22: memref<!tpu.dma_semaphore, #tpu.memory_space<semaphore_mem>>, %arg23: memref<!tpu.dma_semaphore, #tpu.memory_space<semaphore_mem>>, %arg24: memref<!tpu.dma_semaphore, #tpu.memory_space<semaphore_mem>>, %arg25: memref<!tpu.dma_semaphore, #tpu.memory_space<semaphore_mem>>, %arg26: memref<!tpu.dma_semaphore, #tpu.memory_space<semaphore_mem>>) attributes {dimension_semantics = [#tpu.dimension_semantics<core_parallel>, #tpu.dimension_semantics<subcore_parallel>], iteration_bounds = array<i64: 2, 16>, scalar_prefetch = 0 : i64, scratch_operands = 21 : i64, tpu.core_type = #tpu.core_type<sc_vector_subcore>, window_params = [{transform_indices = #map}, {transform_indices = #map}, {transform_indices = #map}, {transform_indices = #map1}]} {
    %dma_start3A = arith.constant 0 : i32
    %dma_start3A_0 = arith.constant 0 : i32
    %dma_start3A_1 = tpu.memref_slice %arg3[%arg1, %dma_start3A, %dma_start3A_0] : memref<16x160x125xi32, #tpu.memory_space<hbm>> -> memref<1x160x125xi32, #tpu.memory_space<hbm>>
    %dma_start3A_2 = tpu.memref_squeeze %dma_start3A_1 : memref<1x160x125xi32, #tpu.memory_space<hbm>> -> memref<160x125xi32, #tpu.memory_space<hbm>>
    %dma_start3A_3 = arith.constant 0 : i32
    %dma_start3A_4 = arith.constant 0 : i32
    %dma_start3A_5 = tpu.memref_slice %arg3[%arg1, %dma_start3A_3, %dma_start3A_4] : memref<16x160x125xi32, #tpu.memory_space<hbm>> -> memref<1x160x125xi32, #tpu.memory_space<hbm>>
    %dma_start3A_6 = tpu.memref_squeeze %dma_start3A_5 : memref<1x160x125xi32, #tpu.memory_space<hbm>> -> memref<160x125xi32, #tpu.memory_space<hbm>>
    tpu.enqueue_dma source(%dma_start3A_6 : memref<160x125xi32, #tpu.memory_space<hbm>>) target(%arg6 : memref<160x125xi32, #tpu.memory_space<vmem>>) target_semaphore(%arg25 : memref<!tpu.dma_semaphore, #tpu.memory_space<semaphore_mem>>)
    %dma_start3A_7 = arith.constant 0 : i32
    %dma_start3A_8 = arith.constant 0 : i32
    %dma_start3A_9 = tpu.memref_slice %arg4[%arg1, %dma_start3A_7, %dma_start3A_8] : memref<16x160x125xi32, #tpu.memory_space<hbm>> -> memref<1x160x125xi32, #tpu.memory_space<hbm>>
    %dma_start3A_10 = tpu.memref_squeeze %dma_start3A_9 : memref<1x160x125xi32, #tpu.memory_space<hbm>> -> memref<160x125xi32, #tpu.memory_space<hbm>>
    %dma_start3A_11 = arith.constant 0 : i32
    %dma_start3A_12 = arith.constant 0 : i32
    %dma_start3A_13 = tpu.memref_slice %arg4[%arg1, %dma_start3A_11, %dma_start3A_12] : memref<16x160x125xi32, #tpu.memory_space<hbm>> -> memref<1x160x125xi32, #tpu.memory_space<hbm>>
    %dma_start3A_14 = tpu.memref_squeeze %dma_start3A_13 : memref<1x160x125xi32, #tpu.memory_space<hbm>> -> memref<160x125xi32, #tpu.memory_space<hbm>>
    tpu.enqueue_dma source(%dma_start3A_14 : memref<160x125xi32, #tpu.memory_space<hbm>>) target(%arg7 : memref<160x125xi32, #tpu.memory_space<vmem>>) target_semaphore(%arg26 : memref<!tpu.dma_semaphore, #tpu.memory_space<semaphore_mem>>)
    %scan3A = arith.constant 0 : i32
    %scan3A_15 = arith.constant 0 : i32
    %scan3A_16 = arith.constant 128 : i32
    %scan3A_17 = arith.addi %scan3A_15, %scan3A_16 : i32
    %scan3A_18 = arith.constant 1 : i32
    scf.for %scan3A_176 = %scan3A_15 to %scan3A_17 step %scan3A_18  : i32 {
      %broadcast_in_dim3A = arith.constant 0.000000e+00 : f32
      %broadcast_in_dim3A_177 = vector.broadcast %broadcast_in_dim3A : f32 to vector<16xf32>
      %swap3A = arith.index_cast %scan3A_176 : i32 to index
      %swap3A_178 = arith.constant 0 : index
      %swap3A_179 = tpu.vector_load %arg13[%swap3A, %swap3A_178] {strides = array<i32>} : memref<128x64xf32, #tpu.memory_space<vmem>>, vector<1x16xf32>,
      %swap3A_180 = vector.shape_cast %swap3A_179 : vector<1x16xf32> to vector<16xf32>
      %swap3A_181 = vector.shape_cast %broadcast_in_dim3A_177 : vector<16xf32> to vector<1x16xf32>
      tpu.vector_store %arg13[%swap3A, %swap3A_178], %swap3A_181 {strides = array<i32>} : memref<128x64xf32, #tpu.memory_space<vmem>>, vector<1x16xf32>,
      %broadcast_in_dim3A_182 = arith.constant 0.000000e+00 : f32
      %broadcast_in_dim3A_183 = vector.broadcast %broadcast_in_dim3A_182 : f32 to vector<16xf32>
      %swap3A_184 = arith.index_cast %scan3A_176 : i32 to index
      %swap3A_185 = arith.constant 16 : index
      %swap3A_186 = tpu.vector_load %arg13[%swap3A_184, %swap3A_185] {strides = array<i32>} : memref<128x64xf32, #tpu.memory_space<vmem>>, vector<1x16xf32>,
      %swap3A_187 = vector.shape_cast %swap3A_186 : vector<1x16xf32> to vector<16xf32>
      %swap3A_188 = vector.shape_cast %broadcast_in_dim3A_183 : vector<16xf32> to vector<1x16xf32>
      tpu.vector_store %arg13[%swap3A_184, %swap3A_185], %swap3A_188 {strides = array<i32>} : memref<128x64xf32, #tpu.memory_space<vmem>>, vector<1x16xf32>,
      %broadcast_in_dim3A_189 = arith.constant 0.000000e+00 : f32
      %broadcast_in_dim3A_190 = vector.broadcast %broadcast_in_dim3A_189 : f32 to vector<16xf32>
      %swap3A_191 = arith.index_cast %scan3A_176 : i32 to index
      %swap3A_192 = arith.constant 32 : index
      %swap3A_193 = tpu.vector_load %arg13[%swap3A_191, %swap3A_192] {strides = array<i32>} : memref<128x64xf32, #tpu.memory_space<vmem>>, vector<1x16xf32>,
      %swap3A_194 = vector.shape_cast %swap3A_193 : vector<1x16xf32> to vector<16xf32>
      %swap3A_195 = vector.shape_cast %broadcast_in_dim3A_190 : vector<16xf32> to vector<1x16xf32>
      tpu.vector_store %arg13[%swap3A_191, %swap3A_192], %swap3A_195 {strides = array<i32>} : memref<128x64xf32, #tpu.memory_space<vmem>>, vector<1x16xf32>,
      %broadcast_in_dim3A_196 = arith.constant 0.000000e+00 : f32
      %broadcast_in_dim3A_197 = vector.broadcast %broadcast_in_dim3A_196 : f32 to vector<16xf32>
      %swap3A_198 = arith.index_cast %scan3A_176 : i32 to index
      %swap3A_199 = arith.constant 48 : index
      %swap3A_200 = tpu.vector_load %arg13[%swap3A_198, %swap3A_199] {strides = array<i32>} : memref<128x64xf32, #tpu.memory_space<vmem>>, vector<1x16xf32>,
      %swap3A_201 = vector.shape_cast %swap3A_200 : vector<1x16xf32> to vector<16xf32>
      %swap3A_202 = vector.shape_cast %broadcast_in_dim3A_197 : vector<16xf32> to vector<1x16xf32>
      tpu.vector_store %arg13[%swap3A_198, %swap3A_199], %swap3A_202 {strides = array<i32>} : memref<128x64xf32, #tpu.memory_space<vmem>>, vector<1x16xf32>,
    }
    %scan3A_19 = arith.constant 128 : i32
    %mul3A = arith.constant 640 : i32
    %mul3A_20 = arith.muli %arg1, %mul3A : i32
    %add3A = arith.constant 0 : i32
    %add3A_21 = arith.addi %mul3A_20, %add3A : i32
    "tpu.region"() ({
      %run_scoped3A = tpu.sem_alloc : memref<!tpu.dma_semaphore, #tpu.memory_space<semaphore_mem>>
      %dma_start3A_176 = arith.constant 0 : i32
      %dma_start3A_177 = tpu.memref_slice %arg14[%add3A_21, %dma_start3A_176] : memref<10240x64xf32, #tpu.memory_space<vmem_shared>> -> memref<128x64xf32, #tpu.memory_space<vmem_shared>>
      %dma_start3A_178 = arith.constant 0 : i32
      %dma_start3A_179 = tpu.memref_slice %arg14[%add3A_21, %dma_start3A_178] : memref<10240x64xf32, #tpu.memory_space<vmem_shared>> -> memref<128x64xf32, #tpu.memory_space<vmem_shared>>
      tpu.enqueue_dma source(%arg13 : memref<128x64xf32, #tpu.memory_space<vmem>>) target(%dma_start3A_179 : memref<128x64xf32, #tpu.memory_space<vmem_shared>>) target_semaphore(%run_scoped3A : memref<!tpu.dma_semaphore, #tpu.memory_space<semaphore_mem>>)
      %dma_wait3A_180 = arith.constant 0 : i32
      %dma_wait3A_181 = tpu.memref_slice %arg14[%add3A_21, %dma_wait3A_180] : memref<10240x64xf32, #tpu.memory_space<vmem_shared>> -> memref<128x64xf32, #tpu.memory_space<vmem_shared>>
      %dma_wait3A_182 = arith.constant 0 : i32
      %dma_wait3A_183 = tpu.memref_slice %arg14[%add3A_21, %dma_wait3A_182] : memref<10240x64xf32, #tpu.memory_space<vmem_shared>> -> memref<128x64xf32, #tpu.memory_space<vmem_shared>>
      tpu.wait_dma2 semaphore(%run_scoped3A : memref<!tpu.dma_semaphore, #tpu.memory_space<semaphore_mem>>) src(%arg13 : memref<128x64xf32, #tpu.memory_space<vmem>>) dst(%dma_wait3A_183 : memref<128x64xf32, #tpu.memory_space<vmem_shared>>)
      tpu.yield
    }) : () -> ()
    %mul3A_22 = arith.constant 640 : i32
    %mul3A_23 = arith.muli %arg1, %mul3A_22 : i32
    %add3A_24 = arith.constant 128 : i32
    %add3A_25 = arith.addi %mul3A_23, %add3A_24 : i32
    "tpu.region"() ({
      %run_scoped3A = tpu.sem_alloc : memref<!tpu.dma_semaphore, #tpu.memory_space<semaphore_mem>>
      %dma_start3A_176 = arith.constant 0 : i32
      %dma_start3A_177 = tpu.memref_slice %arg14[%add3A_25, %dma_start3A_176] : memref<10240x64xf32, #tpu.memory_space<vmem_shared>> -> memref<128x64xf32, #tpu.memory_space<vmem_shared>>
      %dma_start3A_178 = arith.constant 0 : i32
      %dma_start3A_179 = tpu.memref_slice %arg14[%add3A_25, %dma_start3A_178] : memref<10240x64xf32, #tpu.memory_space<vmem_shared>> -> memref<128x64xf32, #tpu.memory_space<vmem_shared>>
      tpu.enqueue_dma source(%arg13 : memref<128x64xf32, #tpu.memory_space<vmem>>) target(%dma_start3A_179 : memref<128x64xf32, #tpu.memory_space<vmem_shared>>) target_semaphore(%run_scoped3A : memref<!tpu.dma_semaphore, #tpu.memory_space<semaphore_mem>>)
      %dma_wait3A_180 = arith.constant 0 : i32
      %dma_wait3A_181 = tpu.memref_slice %arg14[%add3A_25, %dma_wait3A_180] : memref<10240x64xf32, #tpu.memory_space<vmem_shared>> -> memref<128x64xf32, #tpu.memory_space<vmem_shared>>
      %dma_wait3A_182 = arith.constant 0 : i32
      %dma_wait3A_183 = tpu.memref_slice %arg14[%add3A_25, %dma_wait3A_182] : memref<10240x64xf32, #tpu.memory_space<vmem_shared>> -> memref<128x64xf32, #tpu.memory_space<vmem_shared>>
      tpu.wait_dma2 semaphore(%run_scoped3A : memref<!tpu.dma_semaphore, #tpu.memory_space<semaphore_mem>>) src(%arg13 : memref<128x64xf32, #tpu.memory_space<vmem>>) dst(%dma_wait3A_183 : memref<128x64xf32, #tpu.memory_space<vmem_shared>>)
      tpu.yield
    }) : () -> ()
    %mul3A_26 = arith.constant 640 : i32
    %mul3A_27 = arith.muli %arg1, %mul3A_26 : i32
    %add3A_28 = arith.constant 256 : i32
    %add3A_29 = arith.addi %mul3A_27, %add3A_28 : i32
    "tpu.region"() ({
      %run_scoped3A = tpu.sem_alloc : memref<!tpu.dma_semaphore, #tpu.memory_space<semaphore_mem>>
      %dma_start3A_176 = arith.constant 0 : i32
      %dma_start3A_177 = tpu.memref_slice %arg14[%add3A_29, %dma_start3A_176] : memref<10240x64xf32, #tpu.memory_space<vmem_shared>> -> memref<128x64xf32, #tpu.memory_space<vmem_shared>>
      %dma_start3A_178 = arith.constant 0 : i32
      %dma_start3A_179 = tpu.memref_slice %arg14[%add3A_29, %dma_start3A_178] : memref<10240x64xf32, #tpu.memory_space<vmem_shared>> -> memref<128x64xf32, #tpu.memory_space<vmem_shared>>
      tpu.enqueue_dma source(%arg13 : memref<128x64xf32, #tpu.memory_space<vmem>>) target(%dma_start3A_179 : memref<128x64xf32, #tpu.memory_space<vmem_shared>>) target_semaphore(%run_scoped3A : memref<!tpu.dma_semaphore, #tpu.memory_space<semaphore_mem>>)
      %dma_wait3A_180 = arith.constant 0 : i32
      %dma_wait3A_181 = tpu.memref_slice %arg14[%add3A_29, %dma_wait3A_180] : memref<10240x64xf32, #tpu.memory_space<vmem_shared>> -> memref<128x64xf32, #tpu.memory_space<vmem_shared>>
      %dma_wait3A_182 = arith.constant 0 : i32
      %dma_wait3A_183 = tpu.memref_slice %arg14[%add3A_29, %dma_wait3A_182] : memref<10240x64xf32, #tpu.memory_space<vmem_shared>> -> memref<128x64xf32, #tpu.memory_space<vmem_shared>>
      tpu.wait_dma2 semaphore(%run_scoped3A : memref<!tpu.dma_semaphore, #tpu.memory_space<semaphore_mem>>) src(%arg13 : memref<128x64xf32, #tpu.memory_space<vmem>>) dst(%dma_wait3A_183 : memref<128x64xf32, #tpu.memory_space<vmem_shared>>)
      tpu.yield
    }) : () -> ()
    %mul3A_30 = arith.constant 640 : i32
    %mul3A_31 = arith.muli %arg1, %mul3A_30 : i32
    %add3A_32 = arith.constant 384 : i32
    %add3A_33 = arith.addi %mul3A_31, %add3A_32 : i32
    "tpu.region"() ({
      %run_scoped3A = tpu.sem_alloc : memref<!tpu.dma_semaphore, #tpu.memory_space<semaphore_mem>>
      %dma_start3A_176 = arith.constant 0 : i32
      %dma_start3A_177 = tpu.memref_slice %arg14[%add3A_33, %dma_start3A_176] : memref<10240x64xf32, #tpu.memory_space<vmem_shared>> -> memref<128x64xf32, #tpu.memory_space<vmem_shared>>
      %dma_start3A_178 = arith.constant 0 : i32
      %dma_start3A_179 = tpu.memref_slice %arg14[%add3A_33, %dma_start3A_178] : memref<10240x64xf32, #tpu.memory_space<vmem_shared>> -> memref<128x64xf32, #tpu.memory_space<vmem_shared>>
      tpu.enqueue_dma source(%arg13 : memref<128x64xf32, #tpu.memory_space<vmem>>) target(%dma_start3A_179 : memref<128x64xf32, #tpu.memory_space<vmem_shared>>) target_semaphore(%run_scoped3A : memref<!tpu.dma_semaphore, #tpu.memory_space<semaphore_mem>>)
      %dma_wait3A_180 = arith.constant 0 : i32
      %dma_wait3A_181 = tpu.memref_slice %arg14[%add3A_33, %dma_wait3A_180] : memref<10240x64xf32, #tpu.memory_space<vmem_shared>> -> memref<128x64xf32, #tpu.memory_space<vmem_shared>>
      %dma_wait3A_182 = arith.constant 0 : i32
      %dma_wait3A_183 = tpu.memref_slice %arg14[%add3A_33, %dma_wait3A_182] : memref<10240x64xf32, #tpu.memory_space<vmem_shared>> -> memref<128x64xf32, #tpu.memory_space<vmem_shared>>
      tpu.wait_dma2 semaphore(%run_scoped3A : memref<!tpu.dma_semaphore, #tpu.memory_space<semaphore_mem>>) src(%arg13 : memref<128x64xf32, #tpu.memory_space<vmem>>) dst(%dma_wait3A_183 : memref<128x64xf32, #tpu.memory_space<vmem_shared>>)
      tpu.yield
    }) : () -> ()
    %mul3A_34 = arith.constant 640 : i32
    %mul3A_35 = arith.muli %arg1, %mul3A_34 : i32
    %add3A_36 = arith.constant 512 : i32
    %add3A_37 = arith.addi %mul3A_35, %add3A_36 : i32
    "tpu.region"() ({
      %run_scoped3A = tpu.sem_alloc : memref<!tpu.dma_semaphore, #tpu.memory_space<semaphore_mem>>
      %dma_start3A_176 = arith.constant 0 : i32
      %dma_start3A_177 = tpu.memref_slice %arg14[%add3A_37, %dma_start3A_176] : memref<10240x64xf32, #tpu.memory_space<vmem_shared>> -> memref<128x64xf32, #tpu.memory_space<vmem_shared>>
      %dma_start3A_178 = arith.constant 0 : i32
      %dma_start3A_179 = tpu.memref_slice %arg14[%add3A_37, %dma_start3A_178] : memref<10240x64xf32, #tpu.memory_space<vmem_shared>> -> memref<128x64xf32, #tpu.memory_space<vmem_shared>>
      tpu.enqueue_dma source(%arg13 : memref<128x64xf32, #tpu.memory_space<vmem>>) target(%dma_start3A_179 : memref<128x64xf32, #tpu.memory_space<vmem_shared>>) target_semaphore(%run_scoped3A : memref<!tpu.dma_semaphore, #tpu.memory_space<semaphore_mem>>)
      %dma_wait3A_180 = arith.constant 0 : i32
      %dma_wait3A_181 = tpu.memref_slice %arg14[%add3A_37, %dma_wait3A_180] : memref<10240x64xf32, #tpu.memory_space<vmem_shared>> -> memref<128x64xf32, #tpu.memory_space<vmem_shared>>
      %dma_wait3A_182 = arith.constant 0 : i32
      %dma_wait3A_183 = tpu.memref_slice %arg14[%add3A_37, %dma_wait3A_182] : memref<10240x64xf32, #tpu.memory_space<vmem_shared>> -> memref<128x64xf32, #tpu.memory_space<vmem_shared>>
      tpu.wait_dma2 semaphore(%run_scoped3A : memref<!tpu.dma_semaphore, #tpu.memory_space<semaphore_mem>>) src(%arg13 : memref<128x64xf32, #tpu.memory_space<vmem>>) dst(%dma_wait3A_183 : memref<128x64xf32, #tpu.memory_space<vmem_shared>>)
      tpu.yield
    }) : () -> ()
    %dma_wait3A = arith.constant 0 : i32
    %dma_wait3A_38 = arith.constant 0 : i32
    %dma_wait3A_39 = tpu.memref_slice %arg3[%arg1, %dma_wait3A, %dma_wait3A_38] : memref<16x160x125xi32, #tpu.memory_space<hbm>> -> memref<1x160x125xi32, #tpu.memory_space<hbm>>
    %dma_wait3A_40 = tpu.memref_squeeze %dma_wait3A_39 : memref<1x160x125xi32, #tpu.memory_space<hbm>> -> memref<160x125xi32, #tpu.memory_space<hbm>>
    %dma_wait3A_41 = arith.constant 0 : i32
    %dma_wait3A_42 = arith.constant 0 : i32
    %dma_wait3A_43 = tpu.memref_slice %arg3[%arg1, %dma_wait3A_41, %dma_wait3A_42] : memref<16x160x125xi32, #tpu.memory_space<hbm>> -> memref<1x160x125xi32, #tpu.memory_space<hbm>>
    %dma_wait3A_44 = tpu.memref_squeeze %dma_wait3A_43 : memref<1x160x125xi32, #tpu.memory_space<hbm>> -> memref<160x125xi32, #tpu.memory_space<hbm>>
    tpu.wait_dma2 semaphore(%arg25 : memref<!tpu.dma_semaphore, #tpu.memory_space<semaphore_mem>>) src(%dma_wait3A_44 : memref<160x125xi32, #tpu.memory_space<hbm>>) dst(%arg6 : memref<160x125xi32, #tpu.memory_space<vmem>>)
    %dma_wait3A_45 = arith.constant 0 : i32
    %dma_wait3A_46 = arith.constant 0 : i32
    %dma_wait3A_47 = tpu.memref_slice %arg4[%arg1, %dma_wait3A_45, %dma_wait3A_46] : memref<16x160x125xi32, #tpu.memory_space<hbm>> -> memref<1x160x125xi32, #tpu.memory_space<hbm>>
    %dma_wait3A_48 = tpu.memref_squeeze %dma_wait3A_47 : memref<1x160x125xi32, #tpu.memory_space<hbm>> -> memref<160x125xi32, #tpu.memory_space<hbm>>
    %dma_wait3A_49 = arith.constant 0 : i32
    %dma_wait3A_50 = arith.constant 0 : i32
    %dma_wait3A_51 = tpu.memref_slice %arg4[%arg1, %dma_wait3A_49, %dma_wait3A_50] : memref<16x160x125xi32, #tpu.memory_space<hbm>> -> memref<1x160x125xi32, #tpu.memory_space<hbm>>
    %dma_wait3A_52 = tpu.memref_squeeze %dma_wait3A_51 : memref<1x160x125xi32, #tpu.memory_space<hbm>> -> memref<160x125xi32, #tpu.memory_space<hbm>>
    tpu.wait_dma2 semaphore(%arg26 : memref<!tpu.dma_semaphore, #tpu.memory_space<semaphore_mem>>) src(%dma_wait3A_52 : memref<160x125xi32, #tpu.memory_space<hbm>>) dst(%arg7 : memref<160x125xi32, #tpu.memory_space<vmem>>)
    %dma_start3A_53 = arith.constant 0 : i32
    %dma_start3A_54 = arith.constant 0 : i32
    %dma_start3A_55 = tpu.memref_slice %arg6[%dma_start3A_53, %dma_start3A_54] : memref<160x125xi32, #tpu.memory_space<vmem>> -> memref<1x125xi32, #tpu.memory_space<vmem>>
    %dma_start3A_56 = tpu.memref_squeeze %dma_start3A_55 : memref<1x125xi32, #tpu.memory_space<vmem>> -> memref<125xi32, #tpu.memory_space<vmem>>
    %dma_start3A_57 = arith.constant 0 : i32
    %dma_start3A_58 = arith.constant 0 : i32
    %dma_start3A_59 = tpu.memref_slice %arg2[%arg0, %dma_start3A_57, %dma_start3A_58] : memref<2x10000x64xf32, #tpu.memory_space<hbm>> -> memref<1x10000x64xf32, #tpu.memory_space<hbm>>
    %dma_start3A_60 = tpu.memref_squeeze %dma_start3A_59 : memref<1x10000x64xf32, #tpu.memory_space<hbm>> -> memref<10000x64xf32, #tpu.memory_space<hbm>>
    %dma_start3A_61 = arith.constant 0 : i32
    %dma_start3A_62 = arith.constant 0 : i32
    %dma_start3A_63 = tpu.memref_slice %dma_start3A_60[%dma_start3A_61, %dma_start3A_62] : memref<10000x64xf32, #tpu.memory_space<hbm>> -> memref<10000x64xf32, #tpu.memory_space<hbm>>
    tpu.enqueue_indirect_dma source(%dma_start3A_63 : memref<10000x64xf32, #tpu.memory_space<hbm>>) target(%arg8 : memref<125x64xf32, #tpu.memory_space<vmem>>) offsets(%dma_start3A_56 : memref<125xi32, #tpu.memory_space<vmem>>) semaphore(%arg15 : memref<!tpu.dma_semaphore, #tpu.memory_space<semaphore_mem>>)
    %dma_start3A_64 = arith.constant 1 : i32
    %dma_start3A_65 = arith.constant 0 : i32
    %dma_start3A_66 = tpu.memref_slice %arg6[%dma_start3A_64, %dma_start3A_65] : memref<160x125xi32, #tpu.memory_space<vmem>> -> memref<1x125xi32, #tpu.memory_space<vmem>>
    %dma_start3A_67 = tpu.memref_squeeze %dma_start3A_66 : memref<1x125xi32, #tpu.memory_space<vmem>> -> memref<125xi32, #tpu.memory_space<vmem>>
    %dma_start3A_68 = arith.constant 0 : i32
    %dma_start3A_69 = arith.constant 0 : i32
    %dma_start3A_70 = tpu.memref_slice %arg2[%arg0, %dma_start3A_68, %dma_start3A_69] : memref<2x10000x64xf32, #tpu.memory_space<hbm>> -> memref<1x10000x64xf32, #tpu.memory_space<hbm>>
    %dma_start3A_71 = tpu.memref_squeeze %dma_start3A_70 : memref<1x10000x64xf32, #tpu.memory_space<hbm>> -> memref<10000x64xf32, #tpu.memory_space<hbm>>
    %dma_start3A_72 = arith.constant 0 : i32
    %dma_start3A_73 = arith.constant 0 : i32
    %dma_start3A_74 = tpu.memref_slice %dma_start3A_71[%dma_start3A_72, %dma_start3A_73] : memref<10000x64xf32, #tpu.memory_space<hbm>> -> memref<10000x64xf32, #tpu.memory_space<hbm>>
    tpu.enqueue_indirect_dma source(%dma_start3A_74 : memref<10000x64xf32, #tpu.memory_space<hbm>>) target(%arg9 : memref<125x64xf32, #tpu.memory_space<vmem>>) offsets(%dma_start3A_67 : memref<125xi32, #tpu.memory_space<vmem>>) semaphore(%arg16 : memref<!tpu.dma_semaphore, #tpu.memory_space<semaphore_mem>>)
    %dma_start3A_75 = arith.constant 2 : i32
    %dma_start3A_76 = arith.constant 0 : i32
    %dma_start3A_77 = tpu.memref_slice %arg6[%dma_start3A_75, %dma_start3A_76] : memref<160x125xi32, #tpu.memory_space<vmem>> -> memref<1x125xi32, #tpu.memory_space<vmem>>
    %dma_start3A_78 = tpu.memref_squeeze %dma_start3A_77 : memref<1x125xi32, #tpu.memory_space<vmem>> -> memref<125xi32, #tpu.memory_space<vmem>>
    %dma_start3A_79 = arith.constant 0 : i32
    %dma_start3A_80 = arith.constant 0 : i32
    %dma_start3A_81 = tpu.memref_slice %arg2[%arg0, %dma_start3A_79, %dma_start3A_80] : memref<2x10000x64xf32, #tpu.memory_space<hbm>> -> memref<1x10000x64xf32, #tpu.memory_space<hbm>>
    %dma_start3A_82 = tpu.memref_squeeze %dma_start3A_81 : memref<1x10000x64xf32, #tpu.memory_space<hbm>> -> memref<10000x64xf32, #tpu.memory_space<hbm>>
    %dma_start3A_83 = arith.constant 0 : i32
    %dma_start3A_84 = arith.constant 0 : i32
    %dma_start3A_85 = tpu.memref_slice %dma_start3A_82[%dma_start3A_83, %dma_start3A_84] : memref<10000x64xf32, #tpu.memory_space<hbm>> -> memref<10000x64xf32, #tpu.memory_space<hbm>>
    tpu.enqueue_indirect_dma source(%dma_start3A_85 : memref<10000x64xf32, #tpu.memory_space<hbm>>) target(%arg10 : memref<125x64xf32, #tpu.memory_space<vmem>>) offsets(%dma_start3A_78 : memref<125xi32, #tpu.memory_space<vmem>>) semaphore(%arg17 : memref<!tpu.dma_semaphore, #tpu.memory_space<semaphore_mem>>)
    %dma_start3A_86 = arith.constant 3 : i32
    %dma_start3A_87 = arith.constant 0 : i32
    %dma_start3A_88 = tpu.memref_slice %arg6[%dma_start3A_86, %dma_start3A_87] : memref<160x125xi32, #tpu.memory_space<vmem>> -> memref<1x125xi32, #tpu.memory_space<vmem>>
    %dma_start3A_89 = tpu.memref_squeeze %dma_start3A_88 : memref<1x125xi32, #tpu.memory_space<vmem>> -> memref<125xi32, #tpu.memory_space<vmem>>
    %dma_start3A_90 = arith.constant 0 : i32
    %dma_start3A_91 = arith.constant 0 : i32
    %dma_start3A_92 = tpu.memref_slice %arg2[%arg0, %dma_start3A_90, %dma_start3A_91] : memref<2x10000x64xf32, #tpu.memory_space<hbm>> -> memref<1x10000x64xf32, #tpu.memory_space<hbm>>
    %dma_start3A_93 = tpu.memref_squeeze %dma_start3A_92 : memref<1x10000x64xf32, #tpu.memory_space<hbm>> -> memref<10000x64xf32, #tpu.memory_space<hbm>>
    %dma_start3A_94 = arith.constant 0 : i32
    %dma_start3A_95 = arith.constant 0 : i32
    %dma_start3A_96 = tpu.memref_slice %dma_start3A_93[%dma_start3A_94, %dma_start3A_95] : memref<10000x64xf32, #tpu.memory_space<hbm>> -> memref<10000x64xf32, #tpu.memory_space<hbm>>
    tpu.enqueue_indirect_dma source(%dma_start3A_96 : memref<10000x64xf32, #tpu.memory_space<hbm>>) target(%arg11 : memref<125x64xf32, #tpu.memory_space<vmem>>) offsets(%dma_start3A_89 : memref<125xi32, #tpu.memory_space<vmem>>) semaphore(%arg18 : memref<!tpu.dma_semaphore, #tpu.memory_space<semaphore_mem>>)
    %dma_start3A_97 = arith.constant 4 : i32
    %dma_start3A_98 = arith.constant 0 : i32
    %dma_start3A_99 = tpu.memref_slice %arg6[%dma_start3A_97, %dma_start3A_98] : memref<160x125xi32, #tpu.memory_space<vmem>> -> memref<1x125xi32, #tpu.memory_space<vmem>>
    %dma_start3A_100 = tpu.memref_squeeze %dma_start3A_99 : memref<1x125xi32, #tpu.memory_space<vmem>> -> memref<125xi32, #tpu.memory_space<vmem>>
    %dma_start3A_101 = arith.constant 0 : i32
    %dma_start3A_102 = arith.constant 0 : i32
    %dma_start3A_103 = tpu.memref_slice %arg2[%arg0, %dma_start3A_101, %dma_start3A_102] : memref<2x10000x64xf32, #tpu.memory_space<hbm>> -> memref<1x10000x64xf32, #tpu.memory_space<hbm>>
    %dma_start3A_104 = tpu.memref_squeeze %dma_start3A_103 : memref<1x10000x64xf32, #tpu.memory_space<hbm>> -> memref<10000x64xf32, #tpu.memory_space<hbm>>
    %dma_start3A_105 = arith.constant 0 : i32
    %dma_start3A_106 = arith.constant 0 : i32
    %dma_start3A_107 = tpu.memref_slice %dma_start3A_104[%dma_start3A_105, %dma_start3A_106] : memref<10000x64xf32, #tpu.memory_space<hbm>> -> memref<10000x64xf32, #tpu.memory_space<hbm>>
    tpu.enqueue_indirect_dma source(%dma_start3A_107 : memref<10000x64xf32, #tpu.memory_space<hbm>>) target(%arg12 : memref<125x64xf32, #tpu.memory_space<vmem>>) offsets(%dma_start3A_100 : memref<125xi32, #tpu.memory_space<vmem>>) semaphore(%arg19 : memref<!tpu.dma_semaphore, #tpu.memory_space<semaphore_mem>>)
    %barrier3A = arith.constant 0 : index
    tpu.barrier barrier_id(%barrier3A)
    %scan3A_108 = arith.constant 0 : i32
    %scan3A_109 = arith.constant 0 : i32
    %scan3A_110 = arith.constant 32 : i32
    %scan3A_111 = arith.addi %scan3A_109, %scan3A_110 : i32
    %scan3A_112 = arith.constant 1 : i32
    scf.for %scan3A_176 = %scan3A_109 to %scan3A_111 step %scan3A_112  : i32 {
      %mul3A_177 = arith.constant 5 : i32
      %mul3A_178 = arith.muli %mul3A_177, %scan3A_176 : i32
      %add3A_179 = arith.constant 0 : i32
      %add3A_180 = arith.addi %mul3A_178, %add3A_179 : i32
      %dma_wait3A_181 = arith.constant 0 : i32
      %dma_wait3A_182 = tpu.memref_slice %arg6[%add3A_180, %dma_wait3A_181] : memref<160x125xi32, #tpu.memory_space<vmem>> -> memref<1x125xi32, #tpu.memory_space<vmem>>
      %dma_wait3A_183 = tpu.memref_squeeze %dma_wait3A_182 : memref<1x125xi32, #tpu.memory_space<vmem>> -> memref<125xi32, #tpu.memory_space<vmem>>
      %dma_wait3A_184 = arith.constant 0 : i32
      %dma_wait3A_185 = arith.constant 0 : i32
      %dma_wait3A_186 = tpu.memref_slice %arg2[%arg0, %dma_wait3A_184, %dma_wait3A_185] : memref<2x10000x64xf32, #tpu.memory_space<hbm>> -> memref<1x10000x64xf32, #tpu.memory_space<hbm>>
      %dma_wait3A_187 = tpu.memref_squeeze %dma_wait3A_186 : memref<1x10000x64xf32, #tpu.memory_space<hbm>> -> memref<10000x64xf32, #tpu.memory_space<hbm>>
      %dma_wait3A_188 = arith.constant 0 : i32
      %dma_wait3A_189 = arith.constant 0 : i32
      %dma_wait3A_190 = tpu.memref_slice %dma_wait3A_187[%dma_wait3A_188, %dma_wait3A_189] : memref<10000x64xf32, #tpu.memory_space<hbm>> -> memref<10000x64xf32, #tpu.memory_space<hbm>>
      tpu.wait_indirect_dma semaphore(%arg15 : memref<!tpu.dma_semaphore, #tpu.memory_space<semaphore_mem>>) src(%dma_wait3A_190 : memref<10000x64xf32, #tpu.memory_space<hbm>>) dst(%arg8 : memref<125x64xf32, #tpu.memory_space<vmem>>)
      %dma_start3A_191 = arith.constant 0 : i32
      %dma_start3A_192 = tpu.memref_slice %arg7[%add3A_180, %dma_start3A_191] : memref<160x125xi32, #tpu.memory_space<vmem>> -> memref<1x125xi32, #tpu.memory_space<vmem>>
      %dma_start3A_193 = tpu.memref_squeeze %dma_start3A_192 : memref<1x125xi32, #tpu.memory_space<vmem>> -> memref<125xi32, #tpu.memory_space<vmem>>
      %dma_start3A_194 = arith.constant 0 : i32
      %dma_start3A_195 = arith.constant 0 : i32
      %dma_start3A_196 = tpu.memref_slice %arg14[%dma_start3A_194, %dma_start3A_195] : memref<10240x64xf32, #tpu.memory_space<vmem_shared>> -> memref<10240x64xf32, #tpu.memory_space<vmem_shared>>
      tpu.enqueue_indirect_dma source(%arg8 : memref<125x64xf32, #tpu.memory_space<vmem>>) target(%dma_start3A_196 : memref<10240x64xf32, #tpu.memory_space<vmem_shared>>) offsets(%dma_start3A_193 : memref<125xi32, #tpu.memory_space<vmem>>) semaphore(%arg20 : memref<!tpu.dma_semaphore, #tpu.memory_space<semaphore_mem>>) {add = true}
      %add3A_197 = arith.constant 1 : i32
      %add3A_198 = arith.addi %mul3A_178, %add3A_197 : i32
      %dma_wait3A_199 = arith.constant 0 : i32
      %dma_wait3A_200 = tpu.memref_slice %arg6[%add3A_198, %dma_wait3A_199] : memref<160x125xi32, #tpu.memory_space<vmem>> -> memref<1x125xi32, #tpu.memory_space<vmem>>
      %dma_wait3A_201 = tpu.memref_squeeze %dma_wait3A_200 : memref<1x125xi32, #tpu.memory_space<vmem>> -> memref<125xi32, #tpu.memory_space<vmem>>
      %dma_wait3A_202 = arith.constant 0 : i32
      %dma_wait3A_203 = arith.constant 0 : i32
      %dma_wait3A_204 = tpu.memref_slice %arg2[%arg0, %dma_wait3A_202, %dma_wait3A_203] : memref<2x10000x64xf32, #tpu.memory_space<hbm>> -> memref<1x10000x64xf32, #tpu.memory_space<hbm>>
      %dma_wait3A_205 = tpu.memref_squeeze %dma_wait3A_204 : memref<1x10000x64xf32, #tpu.memory_space<hbm>> -> memref<10000x64xf32, #tpu.memory_space<hbm>>
      %dma_wait3A_206 = arith.constant 0 : i32
      %dma_wait3A_207 = arith.constant 0 : i32
      %dma_wait3A_208 = tpu.memref_slice %dma_wait3A_205[%dma_wait3A_206, %dma_wait3A_207] : memref<10000x64xf32, #tpu.memory_space<hbm>> -> memref<10000x64xf32, #tpu.memory_space<hbm>>
      tpu.wait_indirect_dma semaphore(%arg16 : memref<!tpu.dma_semaphore, #tpu.memory_space<semaphore_mem>>) src(%dma_wait3A_208 : memref<10000x64xf32, #tpu.memory_space<hbm>>) dst(%arg9 : memref<125x64xf32, #tpu.memory_space<vmem>>)
      %dma_start3A_209 = arith.constant 0 : i32
      %dma_start3A_210 = tpu.memref_slice %arg7[%add3A_198, %dma_start3A_209] : memref<160x125xi32, #tpu.memory_space<vmem>> -> memref<1x125xi32, #tpu.memory_space<vmem>>
      %dma_start3A_211 = tpu.memref_squeeze %dma_start3A_210 : memref<1x125xi32, #tpu.memory_space<vmem>> -> memref<125xi32, #tpu.memory_space<vmem>>
      %dma_start3A_212 = arith.constant 0 : i32
      %dma_start3A_213 = arith.constant 0 : i32
      %dma_start3A_214 = tpu.memref_slice %arg14[%dma_start3A_212, %dma_start3A_213] : memref<10240x64xf32, #tpu.memory_space<vmem_shared>> -> memref<10240x64xf32, #tpu.memory_space<vmem_shared>>
      tpu.enqueue_indirect_dma source(%arg9 : memref<125x64xf32, #tpu.memory_space<vmem>>) target(%dma_start3A_214 : memref<10240x64xf32, #tpu.memory_space<vmem_shared>>) offsets(%dma_start3A_211 : memref<125xi32, #tpu.memory_space<vmem>>) semaphore(%arg21 : memref<!tpu.dma_semaphore, #tpu.memory_space<semaphore_mem>>) {add = true}
      %add3A_215 = arith.constant 2 : i32
      %add3A_216 = arith.addi %mul3A_178, %add3A_215 : i32
      %dma_wait3A_217 = arith.constant 0 : i32
      %dma_wait3A_218 = tpu.memref_slice %arg6[%add3A_216, %dma_wait3A_217] : memref<160x125xi32, #tpu.memory_space<vmem>> -> memref<1x125xi32, #tpu.memory_space<vmem>>
      %dma_wait3A_219 = tpu.memref_squeeze %dma_wait3A_218 : memref<1x125xi32, #tpu.memory_space<vmem>> -> memref<125xi32, #tpu.memory_space<vmem>>
      %dma_wait3A_220 = arith.constant 0 : i32
      %dma_wait3A_221 = arith.constant 0 : i32
      %dma_wait3A_222 = tpu.memref_slice %arg2[%arg0, %dma_wait3A_220, %dma_wait3A_221] : memref<2x10000x64xf32, #tpu.memory_space<hbm>> -> memref<1x10000x64xf32, #tpu.memory_space<hbm>>
      %dma_wait3A_223 = tpu.memref_squeeze %dma_wait3A_222 : memref<1x10000x64xf32, #tpu.memory_space<hbm>> -> memref<10000x64xf32, #tpu.memory_space<hbm>>
      %dma_wait3A_224 = arith.constant 0 : i32
      %dma_wait3A_225 = arith.constant 0 : i32
      %dma_wait3A_226 = tpu.memref_slice %dma_wait3A_223[%dma_wait3A_224, %dma_wait3A_225] : memref<10000x64xf32, #tpu.memory_space<hbm>> -> memref<10000x64xf32, #tpu.memory_space<hbm>>
      tpu.wait_indirect_dma semaphore(%arg17 : memref<!tpu.dma_semaphore, #tpu.memory_space<semaphore_mem>>) src(%dma_wait3A_226 : memref<10000x64xf32, #tpu.memory_space<hbm>>) dst(%arg10 : memref<125x64xf32, #tpu.memory_space<vmem>>)
      %dma_start3A_227 = arith.constant 0 : i32
      %dma_start3A_228 = tpu.memref_slice %arg7[%add3A_216, %dma_start3A_227] : memref<160x125xi32, #tpu.memory_space<vmem>> -> memref<1x125xi32, #tpu.memory_space<vmem>>
      %dma_start3A_229 = tpu.memref_squeeze %dma_start3A_228 : memref<1x125xi32, #tpu.memory_space<vmem>> -> memref<125xi32, #tpu.memory_space<vmem>>
      %dma_start3A_230 = arith.constant 0 : i32
      %dma_start3A_231 = arith.constant 0 : i32
      %dma_start3A_232 = tpu.memref_slice %arg14[%dma_start3A_230, %dma_start3A_231] : memref<10240x64xf32, #tpu.memory_space<vmem_shared>> -> memref<10240x64xf32, #tpu.memory_space<vmem_shared>>
      tpu.enqueue_indirect_dma source(%arg10 : memref<125x64xf32, #tpu.memory_space<vmem>>) target(%dma_start3A_232 : memref<10240x64xf32, #tpu.memory_space<vmem_shared>>) offsets(%dma_start3A_229 : memref<125xi32, #tpu.memory_space<vmem>>) semaphore(%arg22 : memref<!tpu.dma_semaphore, #tpu.memory_space<semaphore_mem>>) {add = true}
      %add3A_233 = arith.constant 3 : i32
      %add3A_234 = arith.addi %mul3A_178, %add3A_233 : i32
      %dma_wait3A_235 = arith.constant 0 : i32
      %dma_wait3A_236 = tpu.memref_slice %arg6[%add3A_234, %dma_wait3A_235] : memref<160x125xi32, #tpu.memory_space<vmem>> -> memref<1x125xi32, #tpu.memory_space<vmem>>
      %dma_wait3A_237 = tpu.memref_squeeze %dma_wait3A_236 : memref<1x125xi32, #tpu.memory_space<vmem>> -> memref<125xi32, #tpu.memory_space<vmem>>
      %dma_wait3A_238 = arith.constant 0 : i32
      %dma_wait3A_239 = arith.constant 0 : i32
      %dma_wait3A_240 = tpu.memref_slice %arg2[%arg0, %dma_wait3A_238, %dma_wait3A_239] : memref<2x10000x64xf32, #tpu.memory_space<hbm>> -> memref<1x10000x64xf32, #tpu.memory_space<hbm>>
      %dma_wait3A_241 = tpu.memref_squeeze %dma_wait3A_240 : memref<1x10000x64xf32, #tpu.memory_space<hbm>> -> memref<10000x64xf32, #tpu.memory_space<hbm>>
      %dma_wait3A_242 = arith.constant 0 : i32
      %dma_wait3A_243 = arith.constant 0 : i32
      %dma_wait3A_244 = tpu.memref_slice %dma_wait3A_241[%dma_wait3A_242, %dma_wait3A_243] : memref<10000x64xf32, #tpu.memory_space<hbm>> -> memref<10000x64xf32, #tpu.memory_space<hbm>>
      tpu.wait_indirect_dma semaphore(%arg18 : memref<!tpu.dma_semaphore, #tpu.memory_space<semaphore_mem>>) src(%dma_wait3A_244 : memref<10000x64xf32, #tpu.memory_space<hbm>>) dst(%arg11 : memref<125x64xf32, #tpu.memory_space<vmem>>)
      %dma_start3A_245 = arith.constant 0 : i32
      %dma_start3A_246 = tpu.memref_slice %arg7[%add3A_234, %dma_start3A_245] : memref<160x125xi32, #tpu.memory_space<vmem>> -> memref<1x125xi32, #tpu.memory_space<vmem>>
      %dma_start3A_247 = tpu.memref_squeeze %dma_start3A_246 : memref<1x125xi32, #tpu.memory_space<vmem>> -> memref<125xi32, #tpu.memory_space<vmem>>
      %dma_start3A_248 = arith.constant 0 : i32
      %dma_start3A_249 = arith.constant 0 : i32
      %dma_start3A_250 = tpu.memref_slice %arg14[%dma_start3A_248, %dma_start3A_249] : memref<10240x64xf32, #tpu.memory_space<vmem_shared>> -> memref<10240x64xf32, #tpu.memory_space<vmem_shared>>
      tpu.enqueue_indirect_dma source(%arg11 : memref<125x64xf32, #tpu.memory_space<vmem>>) target(%dma_start3A_250 : memref<10240x64xf32, #tpu.memory_space<vmem_shared>>) offsets(%dma_start3A_247 : memref<125xi32, #tpu.memory_space<vmem>>) semaphore(%arg23 : memref<!tpu.dma_semaphore, #tpu.memory_space<semaphore_mem>>) {add = true}
      %add3A_251 = arith.constant 4 : i32
      %add3A_252 = arith.addi %mul3A_178, %add3A_251 : i32
      %dma_wait3A_253 = arith.constant 0 : i32
      %dma_wait3A_254 = tpu.memref_slice %arg6[%add3A_252, %dma_wait3A_253] : memref<160x125xi32, #tpu.memory_space<vmem>> -> memref<1x125xi32, #tpu.memory_space<vmem>>
      %dma_wait3A_255 = tpu.memref_squeeze %dma_wait3A_254 : memref<1x125xi32, #tpu.memory_space<vmem>> -> memref<125xi32, #tpu.memory_space<vmem>>
      %dma_wait3A_256 = arith.constant 0 : i32
      %dma_wait3A_257 = arith.constant 0 : i32
      %dma_wait3A_258 = tpu.memref_slice %arg2[%arg0, %dma_wait3A_256, %dma_wait3A_257] : memref<2x10000x64xf32, #tpu.memory_space<hbm>> -> memref<1x10000x64xf32, #tpu.memory_space<hbm>>
      %dma_wait3A_259 = tpu.memref_squeeze %dma_wait3A_258 : memref<1x10000x64xf32, #tpu.memory_space<hbm>> -> memref<10000x64xf32, #tpu.memory_space<hbm>>
      %dma_wait3A_260 = arith.constant 0 : i32
      %dma_wait3A_261 = arith.constant 0 : i32
      %dma_wait3A_262 = tpu.memref_slice %dma_wait3A_259[%dma_wait3A_260, %dma_wait3A_261] : memref<10000x64xf32, #tpu.memory_space<hbm>> -> memref<10000x64xf32, #tpu.memory_space<hbm>>
      tpu.wait_indirect_dma semaphore(%arg19 : memref<!tpu.dma_semaphore, #tpu.memory_space<semaphore_mem>>) src(%dma_wait3A_262 : memref<10000x64xf32, #tpu.memory_space<hbm>>) dst(%arg12 : memref<125x64xf32, #tpu.memory_space<vmem>>)
      %dma_start3A_263 = arith.constant 0 : i32
      %dma_start3A_264 = tpu.memref_slice %arg7[%add3A_252, %dma_start3A_263] : memref<160x125xi32, #tpu.memory_space<vmem>> -> memref<1x125xi32, #tpu.memory_space<vmem>>
      %dma_start3A_265 = tpu.memref_squeeze %dma_start3A_264 : memref<1x125xi32, #tpu.memory_space<vmem>> -> memref<125xi32, #tpu.memory_space<vmem>>
      %dma_start3A_266 = arith.constant 0 : i32
      %dma_start3A_267 = arith.constant 0 : i32
      %dma_start3A_268 = tpu.memref_slice %arg14[%dma_start3A_266, %dma_start3A_267] : memref<10240x64xf32, #tpu.memory_space<vmem_shared>> -> memref<10240x64xf32, #tpu.memory_space<vmem_shared>>
      tpu.enqueue_indirect_dma source(%arg12 : memref<125x64xf32, #tpu.memory_space<vmem>>) target(%dma_start3A_268 : memref<10240x64xf32, #tpu.memory_space<vmem_shared>>) offsets(%dma_start3A_265 : memref<125xi32, #tpu.memory_space<vmem>>) semaphore(%arg24 : memref<!tpu.dma_semaphore, #tpu.memory_space<semaphore_mem>>) {add = true}
      %add3A_269 = arith.constant 0 : i32
      %add3A_270 = arith.addi %mul3A_178, %add3A_269 : i32
      %dma_wait3A_271 = arith.constant 0 : i32
      %dma_wait3A_272 = tpu.memref_slice %arg7[%add3A_270, %dma_wait3A_271] : memref<160x125xi32, #tpu.memory_space<vmem>> -> memref<1x125xi32, #tpu.memory_space<vmem>>
      %dma_wait3A_273 = tpu.memref_squeeze %dma_wait3A_272 : memref<1x125xi32, #tpu.memory_space<vmem>> -> memref<125xi32, #tpu.memory_space<vmem>>
      %dma_wait3A_274 = arith.constant 0 : i32
      %dma_wait3A_275 = arith.constant 0 : i32
      %dma_wait3A_276 = tpu.memref_slice %arg14[%dma_wait3A_274, %dma_wait3A_275] : memref<10240x64xf32, #tpu.memory_space<vmem_shared>> -> memref<10240x64xf32, #tpu.memory_space<vmem_shared>>
      tpu.wait_indirect_dma semaphore(%arg20 : memref<!tpu.dma_semaphore, #tpu.memory_space<semaphore_mem>>) src(%arg8 : memref<125x64xf32, #tpu.memory_space<vmem>>) dst(%dma_wait3A_276 : memref<10240x64xf32, #tpu.memory_space<vmem_shared>>)
      %add3A_277 = arith.constant 5 : i32
      %add3A_278 = arith.addi %add3A_270, %add3A_277 : i32
      %min3A = arith.constant 159 : i32
      %min3A_279 = arith.minsi %add3A_278, %min3A : i32
      %dma_start3A_280 = arith.constant 0 : i32
      %dma_start3A_281 = tpu.memref_slice %arg6[%min3A_279, %dma_start3A_280] : memref<160x125xi32, #tpu.memory_space<vmem>> -> memref<1x125xi32, #tpu.memory_space<vmem>>
      %dma_start3A_282 = tpu.memref_squeeze %dma_start3A_281 : memref<1x125xi32, #tpu.memory_space<vmem>> -> memref<125xi32, #tpu.memory_space<vmem>>
      %dma_start3A_283 = arith.constant 0 : i32
      %dma_start3A_284 = arith.constant 0 : i32
      %dma_start3A_285 = tpu.memref_slice %arg2[%arg0, %dma_start3A_283, %dma_start3A_284] : memref<2x10000x64xf32, #tpu.memory_space<hbm>> -> memref<1x10000x64xf32, #tpu.memory_space<hbm>>
      %dma_start3A_286 = tpu.memref_squeeze %dma_start3A_285 : memref<1x10000x64xf32, #tpu.memory_space<hbm>> -> memref<10000x64xf32, #tpu.memory_space<hbm>>
      %dma_start3A_287 = arith.constant 0 : i32
      %dma_start3A_288 = arith.constant 0 : i32
      %dma_start3A_289 = tpu.memref_slice %dma_start3A_286[%dma_start3A_287, %dma_start3A_288] : memref<10000x64xf32, #tpu.memory_space<hbm>> -> memref<10000x64xf32, #tpu.memory_space<hbm>>
      tpu.enqueue_indirect_dma source(%dma_start3A_289 : memref<10000x64xf32, #tpu.memory_space<hbm>>) target(%arg8 : memref<125x64xf32, #tpu.memory_space<vmem>>) offsets(%dma_start3A_282 : memref<125xi32, #tpu.memory_space<vmem>>) semaphore(%arg15 : memref<!tpu.dma_semaphore, #tpu.memory_space<semaphore_mem>>)
      %add3A_290 = arith.constant 1 : i32
      %add3A_291 = arith.addi %mul3A_178, %add3A_290 : i32
      %dma_wait3A_292 = arith.constant 0 : i32
      %dma_wait3A_293 = tpu.memref_slice %arg7[%add3A_291, %dma_wait3A_292] : memref<160x125xi32, #tpu.memory_space<vmem>> -> memref<1x125xi32, #tpu.memory_space<vmem>>
      %dma_wait3A_294 = tpu.memref_squeeze %dma_wait3A_293 : memref<1x125xi32, #tpu.memory_space<vmem>> -> memref<125xi32, #tpu.memory_space<vmem>>
      %dma_wait3A_295 = arith.constant 0 : i32
      %dma_wait3A_296 = arith.constant 0 : i32
      %dma_wait3A_297 = tpu.memref_slice %arg14[%dma_wait3A_295, %dma_wait3A_296] : memref<10240x64xf32, #tpu.memory_space<vmem_shared>> -> memref<10240x64xf32, #tpu.memory_space<vmem_shared>>
      tpu.wait_indirect_dma semaphore(%arg21 : memref<!tpu.dma_semaphore, #tpu.memory_space<semaphore_mem>>) src(%arg9 : memref<125x64xf32, #tpu.memory_space<vmem>>) dst(%dma_wait3A_297 : memref<10240x64xf32, #tpu.memory_space<vmem_shared>>)
      %add3A_298 = arith.constant 5 : i32
      %add3A_299 = arith.addi %add3A_291, %add3A_298 : i32
      %min3A_300 = arith.constant 159 : i32
      %min3A_301 = arith.minsi %add3A_299, %min3A_300 : i32
      %dma_start3A_302 = arith.constant 0 : i32
      %dma_start3A_303 = tpu.memref_slice %arg6[%min3A_301, %dma_start3A_302] : memref<160x125xi32, #tpu.memory_space<vmem>> -> memref<1x125xi32, #tpu.memory_space<vmem>>
      %dma_start3A_304 = tpu.memref_squeeze %dma_start3A_303 : memref<1x125xi32, #tpu.memory_space<vmem>> -> memref<125xi32, #tpu.memory_space<vmem>>
      %dma_start3A_305 = arith.constant 0 : i32
      %dma_start3A_306 = arith.constant 0 : i32
      %dma_start3A_307 = tpu.memref_slice %arg2[%arg0, %dma_start3A_305, %dma_start3A_306] : memref<2x10000x64xf32, #tpu.memory_space<hbm>> -> memref<1x10000x64xf32, #tpu.memory_space<hbm>>
      %dma_start3A_308 = tpu.memref_squeeze %dma_start3A_307 : memref<1x10000x64xf32, #tpu.memory_space<hbm>> -> memref<10000x64xf32, #tpu.memory_space<hbm>>
      %dma_start3A_309 = arith.constant 0 : i32
      %dma_start3A_310 = arith.constant 0 : i32
      %dma_start3A_311 = tpu.memref_slice %dma_start3A_308[%dma_start3A_309, %dma_start3A_310] : memref<10000x64xf32, #tpu.memory_space<hbm>> -> memref<10000x64xf32, #tpu.memory_space<hbm>>
      tpu.enqueue_indirect_dma source(%dma_start3A_311 : memref<10000x64xf32, #tpu.memory_space<hbm>>) target(%arg9 : memref<125x64xf32, #tpu.memory_space<vmem>>) offsets(%dma_start3A_304 : memref<125xi32, #tpu.memory_space<vmem>>) semaphore(%arg16 : memref<!tpu.dma_semaphore, #tpu.memory_space<semaphore_mem>>)
      %add3A_312 = arith.constant 2 : i32
      %add3A_313 = arith.addi %mul3A_178, %add3A_312 : i32
      %dma_wait3A_314 = arith.constant 0 : i32
      %dma_wait3A_315 = tpu.memref_slice %arg7[%add3A_313, %dma_wait3A_314] : memref<160x125xi32, #tpu.memory_space<vmem>> -> memref<1x125xi32, #tpu.memory_space<vmem>>
      %dma_wait3A_316 = tpu.memref_squeeze %dma_wait3A_315 : memref<1x125xi32, #tpu.memory_space<vmem>> -> memref<125xi32, #tpu.memory_space<vmem>>
      %dma_wait3A_317 = arith.constant 0 : i32
      %dma_wait3A_318 = arith.constant 0 : i32
      %dma_wait3A_319 = tpu.memref_slice %arg14[%dma_wait3A_317, %dma_wait3A_318] : memref<10240x64xf32, #tpu.memory_space<vmem_shared>> -> memref<10240x64xf32, #tpu.memory_space<vmem_shared>>
      tpu.wait_indirect_dma semaphore(%arg22 : memref<!tpu.dma_semaphore, #tpu.memory_space<semaphore_mem>>) src(%arg10 : memref<125x64xf32, #tpu.memory_space<vmem>>) dst(%dma_wait3A_319 : memref<10240x64xf32, #tpu.memory_space<vmem_shared>>)
      %add3A_320 = arith.constant 5 : i32
      %add3A_321 = arith.addi %add3A_313, %add3A_320 : i32
      %min3A_322 = arith.constant 159 : i32
      %min3A_323 = arith.minsi %add3A_321, %min3A_322 : i32
      %dma_start3A_324 = arith.constant 0 : i32
      %dma_start3A_325 = tpu.memref_slice %arg6[%min3A_323, %dma_start3A_324] : memref<160x125xi32, #tpu.memory_space<vmem>> -> memref<1x125xi32, #tpu.memory_space<vmem>>
      %dma_start3A_326 = tpu.memref_squeeze %dma_start3A_325 : memref<1x125xi32, #tpu.memory_space<vmem>> -> memref<125xi32, #tpu.memory_space<vmem>>
      %dma_start3A_327 = arith.constant 0 : i32
      %dma_start3A_328 = arith.constant 0 : i32
      %dma_start3A_329 = tpu.memref_slice %arg2[%arg0, %dma_start3A_327, %dma_start3A_328] : memref<2x10000x64xf32, #tpu.memory_space<hbm>> -> memref<1x10000x64xf32, #tpu.memory_space<hbm>>
      %dma_start3A_330 = tpu.memref_squeeze %dma_start3A_329 : memref<1x10000x64xf32, #tpu.memory_space<hbm>> -> memref<10000x64xf32, #tpu.memory_space<hbm>>
      %dma_start3A_331 = arith.constant 0 : i32
      %dma_start3A_332 = arith.constant 0 : i32
      %dma_start3A_333 = tpu.memref_slice %dma_start3A_330[%dma_start3A_331, %dma_start3A_332] : memref<10000x64xf32, #tpu.memory_space<hbm>> -> memref<10000x64xf32, #tpu.memory_space<hbm>>
      tpu.enqueue_indirect_dma source(%dma_start3A_333 : memref<10000x64xf32, #tpu.memory_space<hbm>>) target(%arg10 : memref<125x64xf32, #tpu.memory_space<vmem>>) offsets(%dma_start3A_326 : memref<125xi32, #tpu.memory_space<vmem>>) semaphore(%arg17 : memref<!tpu.dma_semaphore, #tpu.memory_space<semaphore_mem>>)
      %add3A_334 = arith.constant 3 : i32
      %add3A_335 = arith.addi %mul3A_178, %add3A_334 : i32
      %dma_wait3A_336 = arith.constant 0 : i32
      %dma_wait3A_337 = tpu.memref_slice %arg7[%add3A_335, %dma_wait3A_336] : memref<160x125xi32, #tpu.memory_space<vmem>> -> memref<1x125xi32, #tpu.memory_space<vmem>>
      %dma_wait3A_338 = tpu.memref_squeeze %dma_wait3A_337 : memref<1x125xi32, #tpu.memory_space<vmem>> -> memref<125xi32, #tpu.memory_space<vmem>>
      %dma_wait3A_339 = arith.constant 0 : i32
      %dma_wait3A_340 = arith.constant 0 : i32
      %dma_wait3A_341 = tpu.memref_slice %arg14[%dma_wait3A_339, %dma_wait3A_340] : memref<10240x64xf32, #tpu.memory_space<vmem_shared>> -> memref<10240x64xf32, #tpu.memory_space<vmem_shared>>
      tpu.wait_indirect_dma semaphore(%arg23 : memref<!tpu.dma_semaphore, #tpu.memory_space<semaphore_mem>>) src(%arg11 : memref<125x64xf32, #tpu.memory_space<vmem>>) dst(%dma_wait3A_341 : memref<10240x64xf32, #tpu.memory_space<vmem_shared>>)
      %add3A_342 = arith.constant 5 : i32
      %add3A_343 = arith.addi %add3A_335, %add3A_342 : i32
      %min3A_344 = arith.constant 159 : i32
      %min3A_345 = arith.minsi %add3A_343, %min3A_344 : i32
      %dma_start3A_346 = arith.constant 0 : i32
      %dma_start3A_347 = tpu.memref_slice %arg6[%min3A_345, %dma_start3A_346] : memref<160x125xi32, #tpu.memory_space<vmem>> -> memref<1x125xi32, #tpu.memory_space<vmem>>
      %dma_start3A_348 = tpu.memref_squeeze %dma_start3A_347 : memref<1x125xi32, #tpu.memory_space<vmem>> -> memref<125xi32, #tpu.memory_space<vmem>>
      %dma_start3A_349 = arith.constant 0 : i32
      %dma_start3A_350 = arith.constant 0 : i32
      %dma_start3A_351 = tpu.memref_slice %arg2[%arg0, %dma_start3A_349, %dma_start3A_350] : memref<2x10000x64xf32, #tpu.memory_space<hbm>> -> memref<1x10000x64xf32, #tpu.memory_space<hbm>>
      %dma_start3A_352 = tpu.memref_squeeze %dma_start3A_351 : memref<1x10000x64xf32, #tpu.memory_space<hbm>> -> memref<10000x64xf32, #tpu.memory_space<hbm>>
      %dma_start3A_353 = arith.constant 0 : i32
      %dma_start3A_354 = arith.constant 0 : i32
      %dma_start3A_355 = tpu.memref_slice %dma_start3A_352[%dma_start3A_353, %dma_start3A_354] : memref<10000x64xf32, #tpu.memory_space<hbm>> -> memref<10000x64xf32, #tpu.memory_space<hbm>>
      tpu.enqueue_indirect_dma source(%dma_start3A_355 : memref<10000x64xf32, #tpu.memory_space<hbm>>) target(%arg11 : memref<125x64xf32, #tpu.memory_space<vmem>>) offsets(%dma_start3A_348 : memref<125xi32, #tpu.memory_space<vmem>>) semaphore(%arg18 : memref<!tpu.dma_semaphore, #tpu.memory_space<semaphore_mem>>)
      %add3A_356 = arith.constant 4 : i32
      %add3A_357 = arith.addi %mul3A_178, %add3A_356 : i32
      %dma_wait3A_358 = arith.constant 0 : i32
      %dma_wait3A_359 = tpu.memref_slice %arg7[%add3A_357, %dma_wait3A_358] : memref<160x125xi32, #tpu.memory_space<vmem>> -> memref<1x125xi32, #tpu.memory_space<vmem>>
      %dma_wait3A_360 = tpu.memref_squeeze %dma_wait3A_359 : memref<1x125xi32, #tpu.memory_space<vmem>> -> memref<125xi32, #tpu.memory_space<vmem>>
      %dma_wait3A_361 = arith.constant 0 : i32
      %dma_wait3A_362 = arith.constant 0 : i32
      %dma_wait3A_363 = tpu.memref_slice %arg14[%dma_wait3A_361, %dma_wait3A_362] : memref<10240x64xf32, #tpu.memory_space<vmem_shared>> -> memref<10240x64xf32, #tpu.memory_space<vmem_shared>>
      tpu.wait_indirect_dma semaphore(%arg24 : memref<!tpu.dma_semaphore, #tpu.memory_space<semaphore_mem>>) src(%arg12 : memref<125x64xf32, #tpu.memory_space<vmem>>) dst(%dma_wait3A_363 : memref<10240x64xf32, #tpu.memory_space<vmem_shared>>)
      %add3A_364 = arith.constant 5 : i32
      %add3A_365 = arith.addi %add3A_357, %add3A_364 : i32
      %min3A_366 = arith.constant 159 : i32
      %min3A_367 = arith.minsi %add3A_365, %min3A_366 : i32
      %dma_start3A_368 = arith.constant 0 : i32
      %dma_start3A_369 = tpu.memref_slice %arg6[%min3A_367, %dma_start3A_368] : memref<160x125xi32, #tpu.memory_space<vmem>> -> memref<1x125xi32, #tpu.memory_space<vmem>>
      %dma_start3A_370 = tpu.memref_squeeze %dma_start3A_369 : memref<1x125xi32, #tpu.memory_space<vmem>> -> memref<125xi32, #tpu.memory_space<vmem>>
      %dma_start3A_371 = arith.constant 0 : i32
      %dma_start3A_372 = arith.constant 0 : i32
      %dma_start3A_373 = tpu.memref_slice %arg2[%arg0, %dma_start3A_371, %dma_start3A_372] : memref<2x10000x64xf32, #tpu.memory_space<hbm>> -> memref<1x10000x64xf32, #tpu.memory_space<hbm>>
      %dma_start3A_374 = tpu.memref_squeeze %dma_start3A_373 : memref<1x10000x64xf32, #tpu.memory_space<hbm>> -> memref<10000x64xf32, #tpu.memory_space<hbm>>
      %dma_start3A_375 = arith.constant 0 : i32
      %dma_start3A_376 = arith.constant 0 : i32
      %dma_start3A_377 = tpu.memref_slice %dma_start3A_374[%dma_start3A_375, %dma_start3A_376] : memref<10000x64xf32, #tpu.memory_space<hbm>> -> memref<10000x64xf32, #tpu.memory_space<hbm>>
      tpu.enqueue_indirect_dma source(%dma_start3A_377 : memref<10000x64xf32, #tpu.memory_space<hbm>>) target(%arg12 : memref<125x64xf32, #tpu.memory_space<vmem>>) offsets(%dma_start3A_370 : memref<125xi32, #tpu.memory_space<vmem>>) semaphore(%arg19 : memref<!tpu.dma_semaphore, #tpu.memory_space<semaphore_mem>>)
    }
    %scan3A_113 = arith.constant 32 : i32
    %dma_wait3A_114 = arith.constant 159 : i32
    %dma_wait3A_115 = arith.constant 0 : i32
    %dma_wait3A_116 = tpu.memref_slice %arg6[%dma_wait3A_114, %dma_wait3A_115] : memref<160x125xi32, #tpu.memory_space<vmem>> -> memref<1x125xi32, #tpu.memory_space<vmem>>
    %dma_wait3A_117 = tpu.memref_squeeze %dma_wait3A_116 : memref<1x125xi32, #tpu.memory_space<vmem>> -> memref<125xi32, #tpu.memory_space<vmem>>
    %dma_wait3A_118 = arith.constant 0 : i32
    %dma_wait3A_119 = arith.constant 0 : i32
    %dma_wait3A_120 = tpu.memref_slice %arg2[%arg0, %dma_wait3A_118, %dma_wait3A_119] : memref<2x10000x64xf32, #tpu.memory_space<hbm>> -> memref<1x10000x64xf32, #tpu.memory_space<hbm>>
    %dma_wait3A_121 = tpu.memref_squeeze %dma_wait3A_120 : memref<1x10000x64xf32, #tpu.memory_space<hbm>> -> memref<10000x64xf32, #tpu.memory_space<hbm>>
    %dma_wait3A_122 = arith.constant 0 : i32
    %dma_wait3A_123 = arith.constant 0 : i32
    %dma_wait3A_124 = tpu.memref_slice %dma_wait3A_121[%dma_wait3A_122, %dma_wait3A_123] : memref<10000x64xf32, #tpu.memory_space<hbm>> -> memref<10000x64xf32, #tpu.memory_space<hbm>>
    tpu.wait_indirect_dma semaphore(%arg15 : memref<!tpu.dma_semaphore, #tpu.memory_space<semaphore_mem>>) src(%dma_wait3A_124 : memref<10000x64xf32, #tpu.memory_space<hbm>>) dst(%arg8 : memref<125x64xf32, #tpu.memory_space<vmem>>)
    %dma_wait3A_125 = arith.constant 159 : i32
    %dma_wait3A_126 = arith.constant 0 : i32
    %dma_wait3A_127 = tpu.memref_slice %arg6[%dma_wait3A_125, %dma_wait3A_126] : memref<160x125xi32, #tpu.memory_space<vmem>> -> memref<1x125xi32, #tpu.memory_space<vmem>>
    %dma_wait3A_128 = tpu.memref_squeeze %dma_wait3A_127 : memref<1x125xi32, #tpu.memory_space<vmem>> -> memref<125xi32, #tpu.memory_space<vmem>>
    %dma_wait3A_129 = arith.constant 0 : i32
    %dma_wait3A_130 = arith.constant 0 : i32
    %dma_wait3A_131 = tpu.memref_slice %arg2[%arg0, %dma_wait3A_129, %dma_wait3A_130] : memref<2x10000x64xf32, #tpu.memory_space<hbm>> -> memref<1x10000x64xf32, #tpu.memory_space<hbm>>
    %dma_wait3A_132 = tpu.memref_squeeze %dma_wait3A_131 : memref<1x10000x64xf32, #tpu.memory_space<hbm>> -> memref<10000x64xf32, #tpu.memory_space<hbm>>
    %dma_wait3A_133 = arith.constant 0 : i32
    %dma_wait3A_134 = arith.constant 0 : i32
    %dma_wait3A_135 = tpu.memref_slice %dma_wait3A_132[%dma_wait3A_133, %dma_wait3A_134] : memref<10000x64xf32, #tpu.memory_space<hbm>> -> memref<10000x64xf32, #tpu.memory_space<hbm>>
    tpu.wait_indirect_dma semaphore(%arg16 : memref<!tpu.dma_semaphore, #tpu.memory_space<semaphore_mem>>) src(%dma_wait3A_135 : memref<10000x64xf32, #tpu.memory_space<hbm>>) dst(%arg9 : memref<125x64xf32, #tpu.memory_space<vmem>>)
    %dma_wait3A_136 = arith.constant 159 : i32
    %dma_wait3A_137 = arith.constant 0 : i32
    %dma_wait3A_138 = tpu.memref_slice %arg6[%dma_wait3A_136, %dma_wait3A_137] : memref<160x125xi32, #tpu.memory_space<vmem>> -> memref<1x125xi32, #tpu.memory_space<vmem>>
    %dma_wait3A_139 = tpu.memref_squeeze %dma_wait3A_138 : memref<1x125xi32, #tpu.memory_space<vmem>> -> memref<125xi32, #tpu.memory_space<vmem>>
    %dma_wait3A_140 = arith.constant 0 : i32
    %dma_wait3A_141 = arith.constant 0 : i32
    %dma_wait3A_142 = tpu.memref_slice %arg2[%arg0, %dma_wait3A_140, %dma_wait3A_141] : memref<2x10000x64xf32, #tpu.memory_space<hbm>> -> memref<1x10000x64xf32, #tpu.memory_space<hbm>>
    %dma_wait3A_143 = tpu.memref_squeeze %dma_wait3A_142 : memref<1x10000x64xf32, #tpu.memory_space<hbm>> -> memref<10000x64xf32, #tpu.memory_space<hbm>>
    %dma_wait3A_144 = arith.constant 0 : i32
    %dma_wait3A_145 = arith.constant 0 : i32
    %dma_wait3A_146 = tpu.memref_slice %dma_wait3A_143[%dma_wait3A_144, %dma_wait3A_145] : memref<10000x64xf32, #tpu.memory_space<hbm>> -> memref<10000x64xf32, #tpu.memory_space<hbm>>
    tpu.wait_indirect_dma semaphore(%arg17 : memref<!tpu.dma_semaphore, #tpu.memory_space<semaphore_mem>>) src(%dma_wait3A_146 : memref<10000x64xf32, #tpu.memory_space<hbm>>) dst(%arg10 : memref<125x64xf32, #tpu.memory_space<vmem>>)
    %dma_wait3A_147 = arith.constant 159 : i32
    %dma_wait3A_148 = arith.constant 0 : i32
    %dma_wait3A_149 = tpu.memref_slice %arg6[%dma_wait3A_147, %dma_wait3A_148] : memref<160x125xi32, #tpu.memory_space<vmem>> -> memref<1x125xi32, #tpu.memory_space<vmem>>
    %dma_wait3A_150 = tpu.memref_squeeze %dma_wait3A_149 : memref<1x125xi32, #tpu.memory_space<vmem>> -> memref<125xi32, #tpu.memory_space<vmem>>
    %dma_wait3A_151 = arith.constant 0 : i32
    %dma_wait3A_152 = arith.constant 0 : i32
    %dma_wait3A_153 = tpu.memref_slice %arg2[%arg0, %dma_wait3A_151, %dma_wait3A_152] : memref<2x10000x64xf32, #tpu.memory_space<hbm>> -> memref<1x10000x64xf32, #tpu.memory_space<hbm>>
    %dma_wait3A_154 = tpu.memref_squeeze %dma_wait3A_153 : memref<1x10000x64xf32, #tpu.memory_space<hbm>> -> memref<10000x64xf32, #tpu.memory_space<hbm>>
    %dma_wait3A_155 = arith.constant 0 : i32
    %dma_wait3A_156 = arith.constant 0 : i32
    %dma_wait3A_157 = tpu.memref_slice %dma_wait3A_154[%dma_wait3A_155, %dma_wait3A_156] : memref<10000x64xf32, #tpu.memory_space<hbm>> -> memref<10000x64xf32, #tpu.memory_space<hbm>>
    tpu.wait_indirect_dma semaphore(%arg18 : memref<!tpu.dma_semaphore, #tpu.memory_space<semaphore_mem>>) src(%dma_wait3A_157 : memref<10000x64xf32, #tpu.memory_space<hbm>>) dst(%arg11 : memref<125x64xf32, #tpu.memory_space<vmem>>)
    %dma_wait3A_158 = arith.constant 159 : i32
    %dma_wait3A_159 = arith.constant 0 : i32
    %dma_wait3A_160 = tpu.memref_slice %arg6[%dma_wait3A_158, %dma_wait3A_159] : memref<160x125xi32, #tpu.memory_space<vmem>> -> memref<1x125xi32, #tpu.memory_space<vmem>>
    %dma_wait3A_161 = tpu.memref_squeeze %dma_wait3A_160 : memref<1x125xi32, #tpu.memory_space<vmem>> -> memref<125xi32, #tpu.memory_space<vmem>>
    %dma_wait3A_162 = arith.constant 0 : i32
    %dma_wait3A_163 = arith.constant 0 : i32
    %dma_wait3A_164 = tpu.memref_slice %arg2[%arg0, %dma_wait3A_162, %dma_wait3A_163] : memref<2x10000x64xf32, #tpu.memory_space<hbm>> -> memref<1x10000x64xf32, #tpu.memory_space<hbm>>
    %dma_wait3A_165 = tpu.memref_squeeze %dma_wait3A_164 : memref<1x10000x64xf32, #tpu.memory_space<hbm>> -> memref<10000x64xf32, #tpu.memory_space<hbm>>
    %dma_wait3A_166 = arith.constant 0 : i32
    %dma_wait3A_167 = arith.constant 0 : i32
    %dma_wait3A_168 = tpu.memref_slice %dma_wait3A_165[%dma_wait3A_166, %dma_wait3A_167] : memref<10000x64xf32, #tpu.memory_space<hbm>> -> memref<10000x64xf32, #tpu.memory_space<hbm>>
    tpu.wait_indirect_dma semaphore(%arg19 : memref<!tpu.dma_semaphore, #tpu.memory_space<semaphore_mem>>) src(%dma_wait3A_168 : memref<10000x64xf32, #tpu.memory_space<hbm>>) dst(%arg12 : memref<125x64xf32, #tpu.memory_space<vmem>>)
    %barrier3A_169 = arith.constant 0 : index
    tpu.barrier barrier_id(%barrier3A_169)
    %mul3A_170 = arith.constant 640 : i32
    %mul3A_171 = arith.muli %arg1, %mul3A_170 : i32
    %mul3A_172 = arith.constant 640 : i32
    %mul3A_173 = arith.muli %arg1, %mul3A_172 : i32
    %mul3A_174 = arith.constant 64 : i32
    %mul3A_175 = arith.muli %arg0, %mul3A_174 : i32
    "tpu.region"() ({
      %run_scoped3A = tpu.sem_alloc : memref<!tpu.dma_semaphore, #tpu.memory_space<semaphore_mem>>
      %dma_start3A_176 = tpu.memref_slice %arg5[%mul3A_173, %mul3A_175] : memref<10240x128xf32, #tpu.memory_space<hbm>> -> memref<640x64xf32, #tpu.memory_space<hbm>>
      %dma_start3A_177 = arith.constant 0 : i32
      %dma_start3A_178 = tpu.memref_slice %arg14[%mul3A_171, %dma_start3A_177] : memref<10240x64xf32, #tpu.memory_space<vmem_shared>> -> memref<640x64xf32, #tpu.memory_space<vmem_shared>>
      tpu.enqueue_dma source(%dma_start3A_178 : memref<640x64xf32, #tpu.memory_space<vmem_shared>>) target(%dma_start3A_176 : memref<640x64xf32, #tpu.memory_space<hbm>>) target_semaphore(%run_scoped3A : memref<!tpu.dma_semaphore, #tpu.memory_space<semaphore_mem>>)
      %dma_wait3A_179 = tpu.memref_slice %arg5[%mul3A_173, %mul3A_175] : memref<10240x128xf32, #tpu.memory_space<hbm>> -> memref<640x64xf32, #tpu.memory_space<hbm>>
      %dma_wait3A_180 = arith.constant 0 : i32
      %dma_wait3A_181 = tpu.memref_slice %arg14[%mul3A_171, %dma_wait3A_180] : memref<10240x64xf32, #tpu.memory_space<vmem_shared>> -> memref<640x64xf32, #tpu.memory_space<vmem_shared>>
      tpu.wait_dma2 semaphore(%run_scoped3A : memref<!tpu.dma_semaphore, #tpu.memory_space<semaphore_mem>>) src(%dma_wait3A_181 : memref<640x64xf32, #tpu.memory_space<vmem_shared>>) dst(%dma_wait3A_179 : memref<640x64xf32, #tpu.memory_space<hbm>>)
      tpu.yield
    }) : () -> ()
    return
  }
}

module attributes {stable_mosaic.version = 14 : i64} {
  func.func @_k0_body(%arg0: memref<10000x128xf32, #tpu.memory_space<vmem>>, %arg1: memref<128x128xf32, #tpu.memory_space<vmem>>, %arg2: memref<1x128xf32, #tpu.memory_space<vmem>>, %arg3: memref<128x128xf32, #tpu.memory_space<vmem>>, %arg4: memref<2x10240x16xf32, #tpu.memory_space<vmem>>, %arg5: memref<2x10000x64xf32, #tpu.memory_space<vmem>>, %arg6: memref<10000x1xf32, #tpu.memory_space<vmem>>) attributes {dimension_semantics = [], scalar_prefetch = 0 : i64, scratch_operands = 0 : i64, tpu.core_type = #tpu.core_type<tc>} {
    %get3A = arith.constant 0 : index
    %get3A_0 = arith.constant 0 : index
    %get3A_1 = arith.constant 0 : index
    %get3A_2 = vector.load %arg4[%get3A, %get3A_0, %get3A_1] : memref<2x10240x16xf32, #tpu.memory_space<vmem>>, vector<2x10240x16xf32>
    %slice3A = vector.extract_strided_slice %get3A_2 {offsets = [0, 0, 0], sizes = [1, 10000, 1], strides = [1, 1, 1]} : vector<2x10240x16xf32> to vector<1x10000x1xf32>
    %squeeze3A = vector.shape_cast %slice3A : vector<1x10000x1xf32> to vector<10000x1xf32>
    %slice3A_3 = vector.extract_strided_slice %get3A_2 {offsets = [1, 0, 0], sizes = [1, 10000, 1], strides = [1, 1, 1]} : vector<2x10240x16xf32> to vector<1x10000x1xf32>
    %squeeze3A_4 = vector.shape_cast %slice3A_3 : vector<1x10000x1xf32> to vector<10000x1xf32>
    %add3A = arith.addf %squeeze3A, %squeeze3A_4 : vector<10000x1xf32>
    %add3A_5 = arith.constant 1.000000e+00 : f32
    %add3A_6 = vector.broadcast %add3A_5 : f32 to vector<10000x1xf32>
    %add3A_7 = arith.addf %add3A, %add3A_6 : vector<10000x1xf32>
    %rsqrt3A = math.rsqrt %add3A_7 : vector<10000x1xf32>
    %get3A_8 = arith.constant 0 : index
    %get3A_9 = arith.constant 0 : index
    %get3A_10 = vector.load %arg0[%get3A_8, %get3A_9] : memref<10000x128xf32, #tpu.memory_space<vmem>>, vector<10000x128xf32>
    %get3A_11 = arith.constant 0 : index
    %get3A_12 = arith.constant 0 : index
    %get3A_13 = vector.load %arg1[%get3A_11, %get3A_12] : memref<128x128xf32, #tpu.memory_space<vmem>>, vector<128x128xf32>
    %dot_general3A = arith.constant dense<0.000000e+00> : vector<10000x128xf32>
    %dot_general3A_14 = tpu.matmul %get3A_10, %get3A_13, %dot_general3A {dimension_numbers = #tpu.dot_dimension_numbers<[1], [0], [0], [1], [0, 0, 1, 1], [], []>, transpose_lhs_hint = false} : vector<10000x128xf32>, vector<128x128xf32>, vector<10000x128xf32> -> vector<10000x128xf32>
    %get3A_15 = arith.constant 0 : index
    %get3A_16 = arith.constant 0 : index
    %get3A_17 = vector.load %arg2[%get3A_15, %get3A_16] : memref<1x128xf32, #tpu.memory_space<vmem>>, vector<1x128xf32>
    %add3A_18 = vector.broadcast %get3A_17 : vector<1x128xf32> to vector<10000x128xf32>
    %add3A_19 = arith.addf %dot_general3A_14, %add3A_18 : vector<10000x128xf32>
    %gt3A = arith.constant 0.000000e+00 : f32
    %gt3A_20 = vector.broadcast %gt3A : f32 to vector<10000x128xf32>
    %gt3A_21 = arith.cmpf ogt, %add3A_19, %gt3A_20 : vector<10000x128xf32>
    %exp3A = math.exp %add3A_19 : vector<10000x128xf32>
    %sub3A = arith.constant 1.000000e+00 : f32
    %sub3A_22 = vector.broadcast %sub3A : f32 to vector<10000x128xf32>
    %sub3A_23 = arith.subf %exp3A, %sub3A_22 : vector<10000x128xf32>
    %select_n3A = arith.select %gt3A_21, %add3A_19, %sub3A_23 : vector<10000x128xi1>, vector<10000x128xf32>
    %get3A_24 = arith.constant 0 : index
    %get3A_25 = arith.constant 0 : index
    %get3A_26 = vector.load %arg3[%get3A_24, %get3A_25] : memref<128x128xf32, #tpu.memory_space<vmem>>, vector<128x128xf32>
    %dot_general3A_27 = arith.constant dense<0.000000e+00> : vector<10000x128xf32>
    %dot_general3A_28 = tpu.matmul %select_n3A, %get3A_26, %dot_general3A_27 {dimension_numbers = #tpu.dot_dimension_numbers<[1], [0], [0], [1], [0, 0, 1, 1], [], []>, transpose_lhs_hint = false} : vector<10000x128xf32>, vector<128x128xf32>, vector<10000x128xf32> -> vector<10000x128xf32>
    %mul3A = vector.broadcast %rsqrt3A : vector<10000x1xf32> to vector<10000x128xf32>
    %mul3A_29 = arith.mulf %dot_general3A_28, %mul3A : vector<10000x128xf32>
    %slice3A_30 = vector.extract_strided_slice %mul3A_29 {offsets = [0, 0], sizes = [10000, 64], strides = [1, 1]} : vector<10000x128xf32> to vector<10000x64xf32>
    %swap3A = arith.constant 0 : index
    %swap3A_31 = arith.constant 0 : index
    %swap3A_32 = arith.constant 0 : index
    %swap3A_33 = vector.load %arg5[%swap3A, %swap3A_31, %swap3A_32] : memref<2x10000x64xf32, #tpu.memory_space<vmem>>, vector<1x10000x64xf32>
    %swap3A_34 = vector.shape_cast %swap3A_33 : vector<1x10000x64xf32> to vector<10000x64xf32>
    %swap3A_35 = vector.shape_cast %slice3A_30 : vector<10000x64xf32> to vector<1x10000x64xf32>
    tpu.vector_store %arg5[%swap3A, %swap3A_31, %swap3A_32], %swap3A_35 {strides = array<i32>} : memref<2x10000x64xf32, #tpu.memory_space<vmem>>, vector<1x10000x64xf32>,
    %slice3A_36 = vector.extract_strided_slice %mul3A_29 {offsets = [0, 64], sizes = [10000, 64], strides = [1, 1]} : vector<10000x128xf32> to vector<10000x64xf32>
    %swap3A_37 = arith.constant 1 : index
    %swap3A_38 = arith.constant 0 : index
    %swap3A_39 = arith.constant 0 : index
    %swap3A_40 = vector.load %arg5[%swap3A_37, %swap3A_38, %swap3A_39] : memref<2x10000x64xf32, #tpu.memory_space<vmem>>, vector<1x10000x64xf32>
    %swap3A_41 = vector.shape_cast %swap3A_40 : vector<1x10000x64xf32> to vector<10000x64xf32>
    %swap3A_42 = vector.shape_cast %slice3A_36 : vector<10000x64xf32> to vector<1x10000x64xf32>
    tpu.vector_store %arg5[%swap3A_37, %swap3A_38, %swap3A_39], %swap3A_42 {strides = array<i32>} : memref<2x10000x64xf32, #tpu.memory_space<vmem>>, vector<1x10000x64xf32>,
    %swap3A_43 = arith.constant 0 : index
    %swap3A_44 = arith.constant 0 : index
    %swap3A_45 = vector.load %arg6[%swap3A_43, %swap3A_44] : memref<10000x1xf32, #tpu.memory_space<vmem>>, vector<10000x1xf32>
    tpu.vector_store %arg6[%swap3A_43, %swap3A_44], %rsqrt3A {strides = array<i32>} : memref<10000x1xf32, #tpu.memory_space<vmem>>, vector<10000x1xf32>,
    return
  }
}

module attributes {stable_mosaic.version = 14 : i64} {
  func.func @_kmid_body(%arg0: memref<10240x128xf32, #tpu.memory_space<vmem>>, %arg1: memref<2x10000x64xf32, #tpu.memory_space<vmem>>, %arg2: memref<10000x1xf32, #tpu.memory_space<vmem>>, %arg3: memref<1x128xf32, #tpu.memory_space<vmem>>, %arg4: memref<1x128xf32, #tpu.memory_space<vmem>>, %arg5: memref<1x128xf32, #tpu.memory_space<vmem>>, %arg6: memref<128x128xf32, #tpu.memory_space<vmem>>, %arg7: memref<2x10000x64xf32, #tpu.memory_space<vmem>>) attributes {dimension_semantics = [], scalar_prefetch = 0 : i64, scratch_operands = 0 : i64, tpu.core_type = #tpu.core_type<tc>} {
    %get3A = arith.constant 0 : index
    %get3A_0 = arith.constant 0 : index
    %get3A_1 = vector.load %arg2[%get3A, %get3A_0] : memref<10000x1xf32, #tpu.memory_space<vmem>>, vector<10000x1xf32>
    %get3A_2 = arith.constant 0 : index
    %get3A_3 = arith.constant 0 : index
    %get3A_4 = arith.constant 0 : index
    %get3A_5 = vector.load %arg1[%get3A_2, %get3A_3, %get3A_4] : memref<2x10000x64xf32, #tpu.memory_space<vmem>>, vector<2x10000x64xf32>
    %get3A_6 = arith.constant 0 : index
    %get3A_7 = arith.constant 0 : index
    %get3A_8 = vector.load %arg0[%get3A_6, %get3A_7] : memref<10240x128xf32, #tpu.memory_space<vmem>>, vector<10240x128xf32>
    %slice3A = vector.extract_strided_slice %get3A_8 {offsets = [0, 0], sizes = [10000, 128], strides = [1, 1]} : vector<10240x128xf32> to vector<10000x128xf32>
    %slice3A_9 = vector.extract_strided_slice %get3A_5 {offsets = [0, 0, 0], sizes = [1, 10000, 64], strides = [1, 1, 1]} : vector<2x10000x64xf32> to vector<1x10000x64xf32>
    %squeeze3A = vector.shape_cast %slice3A_9 : vector<1x10000x64xf32> to vector<10000x64xf32>
    %slice3A_10 = vector.extract_strided_slice %get3A_5 {offsets = [1, 0, 0], sizes = [1, 10000, 64], strides = [1, 1, 1]} : vector<2x10000x64xf32> to vector<1x10000x64xf32>
    %squeeze3A_11 = vector.shape_cast %slice3A_10 : vector<1x10000x64xf32> to vector<10000x64xf32>
    %concatenate3A = tpu.concatenate %squeeze3A, %squeeze3A_11 in 1 : vector<10000x64xf32>, vector<10000x64xf32> -> vector<10000x128xf32>
    %add3A = arith.addf %slice3A, %concatenate3A : vector<10000x128xf32>
    %mul3A = vector.broadcast %get3A_1 : vector<10000x1xf32> to vector<10000x128xf32>
    %mul3A_12 = arith.mulf %add3A, %mul3A : vector<10000x128xf32>
    %get3A_13 = arith.constant 0 : index
    %get3A_14 = arith.constant 0 : index
    %get3A_15 = vector.load %arg3[%get3A_13, %get3A_14] : memref<1x128xf32, #tpu.memory_space<vmem>>, vector<1x128xf32>
    %add3A_16 = vector.broadcast %get3A_15 : vector<1x128xf32> to vector<10000x128xf32>
    %add3A_17 = arith.addf %mul3A_12, %add3A_16 : vector<10000x128xf32>
    %get3A_18 = arith.constant 0 : index
    %get3A_19 = arith.constant 0 : index
    %get3A_20 = vector.load %arg4[%get3A_18, %get3A_19] : memref<1x128xf32, #tpu.memory_space<vmem>>, vector<1x128xf32>
    %get3A_21 = arith.constant 0 : index
    %get3A_22 = arith.constant 0 : index
    %get3A_23 = vector.load %arg5[%get3A_21, %get3A_22] : memref<1x128xf32, #tpu.memory_space<vmem>>, vector<1x128xf32>
    %reduce_sum3A = arith.constant dense<0.000000e+00> : vector<128xf32>
    %reduce_sum3A_24 = vector.multi_reduction <add>, %add3A_17, %reduce_sum3A [0] : vector<10000x128xf32> to vector<128xf32>
    %broadcast_in_dim3A = vector.shape_cast %reduce_sum3A_24 : vector<128xf32> to vector<1x128xf32>
    %div3A = arith.constant 1.000000e+04 : f32
    %div3A_25 = vector.broadcast %div3A : f32 to vector<1x128xf32>
    %div3A_26 = arith.divf %broadcast_in_dim3A, %div3A_25 : vector<1x128xf32>
    %sub3A = vector.broadcast %div3A_26 : vector<1x128xf32> to vector<10000x128xf32>
    %sub3A_27 = arith.subf %add3A_17, %sub3A : vector<10000x128xf32>
    %integer_pow3A = arith.mulf %sub3A_27, %sub3A_27 : vector<10000x128xf32>
    %reduce_sum3A_28 = arith.constant dense<0.000000e+00> : vector<128xf32>
    %reduce_sum3A_29 = vector.multi_reduction <add>, %integer_pow3A, %reduce_sum3A_28 [0] : vector<10000x128xf32> to vector<128xf32>
    %broadcast_in_dim3A_30 = vector.shape_cast %reduce_sum3A_29 : vector<128xf32> to vector<1x128xf32>
    %div3A_31 = arith.constant 1.000000e+04 : f32
    %div3A_32 = vector.broadcast %div3A_31 : f32 to vector<1x128xf32>
    %div3A_33 = arith.divf %broadcast_in_dim3A_30, %div3A_32 : vector<1x128xf32>
    %sub3A_34 = vector.broadcast %div3A_26 : vector<1x128xf32> to vector<10000x128xf32>
    %sub3A_35 = arith.subf %add3A_17, %sub3A_34 : vector<10000x128xf32>
    %add3A_36 = arith.constant 9.99999974E-6 : f32
    %add3A_37 = vector.broadcast %add3A_36 : f32 to vector<1x128xf32>
    %add3A_38 = arith.addf %div3A_33, %add3A_37 : vector<1x128xf32>
    %rsqrt3A = math.rsqrt %add3A_38 : vector<1x128xf32>
    %mul3A_39 = vector.broadcast %rsqrt3A : vector<1x128xf32> to vector<10000x128xf32>
    %mul3A_40 = arith.mulf %sub3A_35, %mul3A_39 : vector<10000x128xf32>
    %mul3A_41 = vector.broadcast %get3A_20 : vector<1x128xf32> to vector<10000x128xf32>
    %mul3A_42 = arith.mulf %mul3A_40, %mul3A_41 : vector<10000x128xf32>
    %add3A_43 = vector.broadcast %get3A_23 : vector<1x128xf32> to vector<10000x128xf32>
    %add3A_44 = arith.addf %mul3A_42, %add3A_43 : vector<10000x128xf32>
    %max3A = arith.constant 0.000000e+00 : f32
    %max3A_45 = vector.broadcast %max3A : f32 to vector<10000x128xf32>
    %max3A_46 = arith.maximumf %add3A_44, %max3A_45 : vector<10000x128xf32>
    %get3A_47 = arith.constant 0 : index
    %get3A_48 = arith.constant 0 : index
    %get3A_49 = vector.load %arg6[%get3A_47, %get3A_48] : memref<128x128xf32, #tpu.memory_space<vmem>>, vector<128x128xf32>
    %dot_general3A = arith.constant dense<0.000000e+00> : vector<10000x128xf32>
    %dot_general3A_50 = tpu.matmul %max3A_46, %get3A_49, %dot_general3A {dimension_numbers = #tpu.dot_dimension_numbers<[1], [0], [0], [1], [0, 0, 1, 1], [], []>, transpose_lhs_hint = false} : vector<10000x128xf32>, vector<128x128xf32>, vector<10000x128xf32> -> vector<10000x128xf32>
    %mul3A_51 = vector.broadcast %get3A_1 : vector<10000x1xf32> to vector<10000x128xf32>
    %mul3A_52 = arith.mulf %dot_general3A_50, %mul3A_51 : vector<10000x128xf32>
    %slice3A_53 = vector.extract_strided_slice %mul3A_52 {offsets = [0, 0], sizes = [10000, 64], strides = [1, 1]} : vector<10000x128xf32> to vector<10000x64xf32>
    %swap3A = arith.constant 0 : index
    %swap3A_54 = arith.constant 0 : index
    %swap3A_55 = arith.constant 0 : index
    %swap3A_56 = vector.load %arg7[%swap3A, %swap3A_54, %swap3A_55] : memref<2x10000x64xf32, #tpu.memory_space<vmem>>, vector<1x10000x64xf32>
    %swap3A_57 = vector.shape_cast %swap3A_56 : vector<1x10000x64xf32> to vector<10000x64xf32>
    %swap3A_58 = vector.shape_cast %slice3A_53 : vector<10000x64xf32> to vector<1x10000x64xf32>
    tpu.vector_store %arg7[%swap3A, %swap3A_54, %swap3A_55], %swap3A_58 {strides = array<i32>} : memref<2x10000x64xf32, #tpu.memory_space<vmem>>, vector<1x10000x64xf32>,
    %slice3A_59 = vector.extract_strided_slice %mul3A_52 {offsets = [0, 64], sizes = [10000, 64], strides = [1, 1]} : vector<10000x128xf32> to vector<10000x64xf32>
    %swap3A_60 = arith.constant 1 : index
    %swap3A_61 = arith.constant 0 : index
    %swap3A_62 = arith.constant 0 : index
    %swap3A_63 = vector.load %arg7[%swap3A_60, %swap3A_61, %swap3A_62] : memref<2x10000x64xf32, #tpu.memory_space<vmem>>, vector<1x10000x64xf32>
    %swap3A_64 = vector.shape_cast %swap3A_63 : vector<1x10000x64xf32> to vector<10000x64xf32>
    %swap3A_65 = vector.shape_cast %slice3A_59 : vector<10000x64xf32> to vector<1x10000x64xf32>
    tpu.vector_store %arg7[%swap3A_60, %swap3A_61, %swap3A_62], %swap3A_65 {strides = array<i32>} : memref<2x10000x64xf32, #tpu.memory_space<vmem>>, vector<1x10000x64xf32>,
    return
  }
}

module attributes {stable_mosaic.version = 14 : i64} {
  func.func @_khead_body(%arg0: memref<10240x128xf32, #tpu.memory_space<vmem>>, %arg1: memref<2x10000x64xf32, #tpu.memory_space<vmem>>, %arg2: memref<10000x1xf32, #tpu.memory_space<vmem>>, %arg3: memref<1x128xf32, #tpu.memory_space<vmem>>, %arg4: memref<1x128xf32, #tpu.memory_space<vmem>>, %arg5: memref<1x128xf32, #tpu.memory_space<vmem>>, %arg6: memref<1x10000xi32, #tpu.memory_space<vmem>>, %arg7: memref<3x128x128xf32, #tpu.memory_space<vmem>>, %arg8: memref<3x1x128xf32, #tpu.memory_space<vmem>>, %arg9: memref<3x1x128xf32, #tpu.memory_space<vmem>>, %arg10: memref<3x1x128xf32, #tpu.memory_space<vmem>>, %arg11: memref<128x2xf32, #tpu.memory_space<vmem>>, %arg12: memref<1x2xf32, #tpu.memory_space<vmem>>, %arg13: memref<128x2xf32, #tpu.memory_space<vmem>>) attributes {dimension_semantics = [], scalar_prefetch = 0 : i64, scratch_operands = 0 : i64, tpu.core_type = #tpu.core_type<tc>} {
    %get3A = arith.constant 0 : index
    %get3A_0 = arith.constant 0 : index
    %get3A_1 = vector.load %arg2[%get3A, %get3A_0] : memref<10000x1xf32, #tpu.memory_space<vmem>>, vector<10000x1xf32>
    %get3A_2 = arith.constant 0 : index
    %get3A_3 = arith.constant 0 : index
    %get3A_4 = arith.constant 0 : index
    %get3A_5 = vector.load %arg1[%get3A_2, %get3A_3, %get3A_4] : memref<2x10000x64xf32, #tpu.memory_space<vmem>>, vector<2x10000x64xf32>
    %get3A_6 = arith.constant 0 : index
    %get3A_7 = arith.constant 0 : index
    %get3A_8 = vector.load %arg0[%get3A_6, %get3A_7] : memref<10240x128xf32, #tpu.memory_space<vmem>>, vector<10240x128xf32>
    %slice3A = vector.extract_strided_slice %get3A_8 {offsets = [0, 0], sizes = [10000, 128], strides = [1, 1]} : vector<10240x128xf32> to vector<10000x128xf32>
    %slice3A_9 = vector.extract_strided_slice %get3A_5 {offsets = [0, 0, 0], sizes = [1, 10000, 64], strides = [1, 1, 1]} : vector<2x10000x64xf32> to vector<1x10000x64xf32>
    %squeeze3A = vector.shape_cast %slice3A_9 : vector<1x10000x64xf32> to vector<10000x64xf32>
    %slice3A_10 = vector.extract_strided_slice %get3A_5 {offsets = [1, 0, 0], sizes = [1, 10000, 64], strides = [1, 1, 1]} : vector<2x10000x64xf32> to vector<1x10000x64xf32>
    %squeeze3A_11 = vector.shape_cast %slice3A_10 : vector<1x10000x64xf32> to vector<10000x64xf32>
    %concatenate3A = tpu.concatenate %squeeze3A, %squeeze3A_11 in 1 : vector<10000x64xf32>, vector<10000x64xf32> -> vector<10000x128xf32>
    %add3A = arith.addf %slice3A, %concatenate3A : vector<10000x128xf32>
    %mul3A = vector.broadcast %get3A_1 : vector<10000x1xf32> to vector<10000x128xf32>
    %mul3A_12 = arith.mulf %add3A, %mul3A : vector<10000x128xf32>
    %get3A_13 = arith.constant 0 : index
    %get3A_14 = arith.constant 0 : index
    %get3A_15 = vector.load %arg3[%get3A_13, %get3A_14] : memref<1x128xf32, #tpu.memory_space<vmem>>, vector<1x128xf32>
    %add3A_16 = vector.broadcast %get3A_15 : vector<1x128xf32> to vector<10000x128xf32>
    %add3A_17 = arith.addf %mul3A_12, %add3A_16 : vector<10000x128xf32>
    %get3A_18 = arith.constant 0 : index
    %get3A_19 = arith.constant 0 : index
    %get3A_20 = vector.load %arg4[%get3A_18, %get3A_19] : memref<1x128xf32, #tpu.memory_space<vmem>>, vector<1x128xf32>
    %get3A_21 = arith.constant 0 : index
    %get3A_22 = arith.constant 0 : index
    %get3A_23 = vector.load %arg5[%get3A_21, %get3A_22] : memref<1x128xf32, #tpu.memory_space<vmem>>, vector<1x128xf32>
    %reduce_sum3A = arith.constant dense<0.000000e+00> : vector<128xf32>
    %reduce_sum3A_24 = vector.multi_reduction <add>, %add3A_17, %reduce_sum3A [0] : vector<10000x128xf32> to vector<128xf32>
    %broadcast_in_dim3A = vector.shape_cast %reduce_sum3A_24 : vector<128xf32> to vector<1x128xf32>
    %div3A = arith.constant 1.000000e+04 : f32
    %div3A_25 = vector.broadcast %div3A : f32 to vector<1x128xf32>
    %div3A_26 = arith.divf %broadcast_in_dim3A, %div3A_25 : vector<1x128xf32>
    %sub3A = vector.broadcast %div3A_26 : vector<1x128xf32> to vector<10000x128xf32>
    %sub3A_27 = arith.subf %add3A_17, %sub3A : vector<10000x128xf32>
    %integer_pow3A = arith.mulf %sub3A_27, %sub3A_27 : vector<10000x128xf32>
    %reduce_sum3A_28 = arith.constant dense<0.000000e+00> : vector<128xf32>
    %reduce_sum3A_29 = vector.multi_reduction <add>, %integer_pow3A, %reduce_sum3A_28 [0] : vector<10000x128xf32> to vector<128xf32>
    %broadcast_in_dim3A_30 = vector.shape_cast %reduce_sum3A_29 : vector<128xf32> to vector<1x128xf32>
    %div3A_31 = arith.constant 1.000000e+04 : f32
    %div3A_32 = vector.broadcast %div3A_31 : f32 to vector<1x128xf32>
    %div3A_33 = arith.divf %broadcast_in_dim3A_30, %div3A_32 : vector<1x128xf32>
    %sub3A_34 = vector.broadcast %div3A_26 : vector<1x128xf32> to vector<10000x128xf32>
    %sub3A_35 = arith.subf %add3A_17, %sub3A_34 : vector<10000x128xf32>
    %add3A_36 = arith.constant 9.99999974E-6 : f32
    %add3A_37 = vector.broadcast %add3A_36 : f32 to vector<1x128xf32>
    %add3A_38 = arith.addf %div3A_33, %add3A_37 : vector<1x128xf32>
    %rsqrt3A = math.rsqrt %add3A_38 : vector<1x128xf32>
    %mul3A_39 = vector.broadcast %rsqrt3A : vector<1x128xf32> to vector<10000x128xf32>
    %mul3A_40 = arith.mulf %sub3A_35, %mul3A_39 : vector<10000x128xf32>
    %mul3A_41 = vector.broadcast %get3A_20 : vector<1x128xf32> to vector<10000x128xf32>
    %mul3A_42 = arith.mulf %mul3A_40, %mul3A_41 : vector<10000x128xf32>
    %add3A_43 = vector.broadcast %get3A_23 : vector<1x128xf32> to vector<10000x128xf32>
    %add3A_44 = arith.addf %mul3A_42, %add3A_43 : vector<10000x128xf32>
    %max3A = arith.constant 0.000000e+00 : f32
    %max3A_45 = vector.broadcast %max3A : f32 to vector<10000x128xf32>
    %max3A_46 = arith.maximumf %add3A_44, %max3A_45 : vector<10000x128xf32>
    %iota3A = tpu.iota {dimensions = array<i32: 0>} : vector<128x10000xi32>
    %get3A_47 = arith.constant 0 : index
    %get3A_48 = arith.constant 0 : index
    %get3A_49 = vector.load %arg6[%get3A_47, %get3A_48] : memref<1x10000xi32, #tpu.memory_space<vmem>>, vector<1x10000xi32>
    %eq3A = vector.broadcast %get3A_49 : vector<1x10000xi32> to vector<128x10000xi32>
    %eq3A_50 = arith.cmpi eq, %iota3A, %eq3A : vector<128x10000xi32>
    %convert_element_type3A = arith.extui %eq3A_50 : vector<128x10000xi1> to vector<128x10000xi32>
    %convert_element_type3A_51 = arith.sitofp %convert_element_type3A : vector<128x10000xi32> to vector<128x10000xf32>
    %dot_general3A = arith.constant dense<0.000000e+00> : vector<128x128xf32>
    %dot_general3A_52 = tpu.matmul %convert_element_type3A_51, %max3A_46, %dot_general3A {dimension_numbers = #tpu.dot_dimension_numbers<[1], [0], [0], [1], [0, 0, 1, 1], [], []>, transpose_lhs_hint = false} : vector<128x10000xf32>, vector<10000x128xf32>, vector<128x128xf32> -> vector<128x128xf32>
    %get3A_53 = arith.constant 0 : index
    %get3A_54 = arith.constant 0 : index
    %get3A_55 = arith.constant 0 : index
    %get3A_56 = vector.load %arg7[%get3A_53, %get3A_54, %get3A_55] : memref<3x128x128xf32, #tpu.memory_space<vmem>>, vector<1x128x128xf32>
    %get3A_57 = vector.shape_cast %get3A_56 : vector<1x128x128xf32> to vector<128x128xf32>
    %dot_general3A_58 = arith.constant dense<0.000000e+00> : vector<128x128xf32>
    %dot_general3A_59 = tpu.matmul %dot_general3A_52, %get3A_57, %dot_general3A_58 {dimension_numbers = #tpu.dot_dimension_numbers<[1], [0], [0], [1], [0, 0, 1, 1], [], []>, transpose_lhs_hint = false} : vector<128x128xf32>, vector<128x128xf32>, vector<128x128xf32> -> vector<128x128xf32>
    %get3A_60 = arith.constant 0 : index
    %get3A_61 = arith.constant 0 : index
    %get3A_62 = arith.constant 0 : index
    %get3A_63 = vector.load %arg8[%get3A_60, %get3A_61, %get3A_62] : memref<3x1x128xf32, #tpu.memory_space<vmem>>, vector<1x1x128xf32>
    %get3A_64 = vector.shape_cast %get3A_63 : vector<1x1x128xf32> to vector<1x128xf32>
    %add3A_65 = vector.broadcast %get3A_64 : vector<1x128xf32> to vector<128x128xf32>
    %add3A_66 = arith.addf %dot_general3A_59, %add3A_65 : vector<128x128xf32>
    %get3A_67 = arith.constant 0 : index
    %get3A_68 = arith.constant 0 : index
    %get3A_69 = arith.constant 0 : index
    %get3A_70 = vector.load %arg9[%get3A_67, %get3A_68, %get3A_69] : memref<3x1x128xf32, #tpu.memory_space<vmem>>, vector<1x1x128xf32>
    %get3A_71 = vector.shape_cast %get3A_70 : vector<1x1x128xf32> to vector<1x128xf32>
    %get3A_72 = arith.constant 0 : index
    %get3A_73 = arith.constant 0 : index
    %get3A_74 = arith.constant 0 : index
    %get3A_75 = vector.load %arg10[%get3A_72, %get3A_73, %get3A_74] : memref<3x1x128xf32, #tpu.memory_space<vmem>>, vector<1x1x128xf32>
    %get3A_76 = vector.shape_cast %get3A_75 : vector<1x1x128xf32> to vector<1x128xf32>
    %reduce_sum3A_77 = arith.constant dense<0.000000e+00> : vector<128xf32>
    %reduce_sum3A_78 = vector.multi_reduction <add>, %add3A_66, %reduce_sum3A_77 [0] : vector<128x128xf32> to vector<128xf32>
    %broadcast_in_dim3A_79 = vector.shape_cast %reduce_sum3A_78 : vector<128xf32> to vector<1x128xf32>
    %div3A_80 = arith.constant 1.280000e+02 : f32
    %div3A_81 = vector.broadcast %div3A_80 : f32 to vector<1x128xf32>
    %div3A_82 = arith.divf %broadcast_in_dim3A_79, %div3A_81 : vector<1x128xf32>
    %sub3A_83 = vector.broadcast %div3A_82 : vector<1x128xf32> to vector<128x128xf32>
    %sub3A_84 = arith.subf %add3A_66, %sub3A_83 : vector<128x128xf32>
    %integer_pow3A_85 = arith.mulf %sub3A_84, %sub3A_84 : vector<128x128xf32>
    %reduce_sum3A_86 = arith.constant dense<0.000000e+00> : vector<128xf32>
    %reduce_sum3A_87 = vector.multi_reduction <add>, %integer_pow3A_85, %reduce_sum3A_86 [0] : vector<128x128xf32> to vector<128xf32>
    %broadcast_in_dim3A_88 = vector.shape_cast %reduce_sum3A_87 : vector<128xf32> to vector<1x128xf32>
    %div3A_89 = arith.constant 1.280000e+02 : f32
    %div3A_90 = vector.broadcast %div3A_89 : f32 to vector<1x128xf32>
    %div3A_91 = arith.divf %broadcast_in_dim3A_88, %div3A_90 : vector<1x128xf32>
    %sub3A_92 = vector.broadcast %div3A_82 : vector<1x128xf32> to vector<128x128xf32>
    %sub3A_93 = arith.subf %add3A_66, %sub3A_92 : vector<128x128xf32>
    %add3A_94 = arith.constant 9.99999974E-6 : f32
    %add3A_95 = vector.broadcast %add3A_94 : f32 to vector<1x128xf32>
    %add3A_96 = arith.addf %div3A_91, %add3A_95 : vector<1x128xf32>
    %rsqrt3A_97 = math.rsqrt %add3A_96 : vector<1x128xf32>
    %mul3A_98 = vector.broadcast %rsqrt3A_97 : vector<1x128xf32> to vector<128x128xf32>
    %mul3A_99 = arith.mulf %sub3A_93, %mul3A_98 : vector<128x128xf32>
    %mul3A_100 = vector.broadcast %get3A_71 : vector<1x128xf32> to vector<128x128xf32>
    %mul3A_101 = arith.mulf %mul3A_99, %mul3A_100 : vector<128x128xf32>
    %add3A_102 = vector.broadcast %get3A_76 : vector<1x128xf32> to vector<128x128xf32>
    %add3A_103 = arith.addf %mul3A_101, %add3A_102 : vector<128x128xf32>
    %max3A_104 = arith.constant 0.000000e+00 : f32
    %max3A_105 = vector.broadcast %max3A_104 : f32 to vector<128x128xf32>
    %max3A_106 = arith.maximumf %add3A_103, %max3A_105 : vector<128x128xf32>
    %get3A_107 = arith.constant 1 : index
    %get3A_108 = arith.constant 0 : index
    %get3A_109 = arith.constant 0 : index
    %get3A_110 = vector.load %arg7[%get3A_107, %get3A_108, %get3A_109] : memref<3x128x128xf32, #tpu.memory_space<vmem>>, vector<1x128x128xf32>
    %get3A_111 = vector.shape_cast %get3A_110 : vector<1x128x128xf32> to vector<128x128xf32>
    %dot_general3A_112 = arith.constant dense<0.000000e+00> : vector<128x128xf32>
    %dot_general3A_113 = tpu.matmul %max3A_106, %get3A_111, %dot_general3A_112 {dimension_numbers = #tpu.dot_dimension_numbers<[1], [0], [0], [1], [0, 0, 1, 1], [], []>, transpose_lhs_hint = false} : vector<128x128xf32>, vector<128x128xf32>, vector<128x128xf32> -> vector<128x128xf32>
    %get3A_114 = arith.constant 1 : index
    %get3A_115 = arith.constant 0 : index
    %get3A_116 = arith.constant 0 : index
    %get3A_117 = vector.load %arg8[%get3A_114, %get3A_115, %get3A_116] : memref<3x1x128xf32, #tpu.memory_space<vmem>>, vector<1x1x128xf32>
    %get3A_118 = vector.shape_cast %get3A_117 : vector<1x1x128xf32> to vector<1x128xf32>
    %add3A_119 = vector.broadcast %get3A_118 : vector<1x128xf32> to vector<128x128xf32>
    %add3A_120 = arith.addf %dot_general3A_113, %add3A_119 : vector<128x128xf32>
    %get3A_121 = arith.constant 1 : index
    %get3A_122 = arith.constant 0 : index
    %get3A_123 = arith.constant 0 : index
    %get3A_124 = vector.load %arg9[%get3A_121, %get3A_122, %get3A_123] : memref<3x1x128xf32, #tpu.memory_space<vmem>>, vector<1x1x128xf32>
    %get3A_125 = vector.shape_cast %get3A_124 : vector<1x1x128xf32> to vector<1x128xf32>
    %get3A_126 = arith.constant 1 : index
    %get3A_127 = arith.constant 0 : index
    %get3A_128 = arith.constant 0 : index
    %get3A_129 = vector.load %arg10[%get3A_126, %get3A_127, %get3A_128] : memref<3x1x128xf32, #tpu.memory_space<vmem>>, vector<1x1x128xf32>
    %get3A_130 = vector.shape_cast %get3A_129 : vector<1x1x128xf32> to vector<1x128xf32>
    %reduce_sum3A_131 = arith.constant dense<0.000000e+00> : vector<128xf32>
    %reduce_sum3A_132 = vector.multi_reduction <add>, %add3A_120, %reduce_sum3A_131 [0] : vector<128x128xf32> to vector<128xf32>
    %broadcast_in_dim3A_133 = vector.shape_cast %reduce_sum3A_132 : vector<128xf32> to vector<1x128xf32>
    %div3A_134 = arith.constant 1.280000e+02 : f32
    %div3A_135 = vector.broadcast %div3A_134 : f32 to vector<1x128xf32>
    %div3A_136 = arith.divf %broadcast_in_dim3A_133, %div3A_135 : vector<1x128xf32>
    %sub3A_137 = vector.broadcast %div3A_136 : vector<1x128xf32> to vector<128x128xf32>
    %sub3A_138 = arith.subf %add3A_120, %sub3A_137 : vector<128x128xf32>
    %integer_pow3A_139 = arith.mulf %sub3A_138, %sub3A_138 : vector<128x128xf32>
    %reduce_sum3A_140 = arith.constant dense<0.000000e+00> : vector<128xf32>
    %reduce_sum3A_141 = vector.multi_reduction <add>, %integer_pow3A_139, %reduce_sum3A_140 [0] : vector<128x128xf32> to vector<128xf32>
    %broadcast_in_dim3A_142 = vector.shape_cast %reduce_sum3A_141 : vector<128xf32> to vector<1x128xf32>
    %div3A_143 = arith.constant 1.280000e+02 : f32
    %div3A_144 = vector.broadcast %div3A_143 : f32 to vector<1x128xf32>
    %div3A_145 = arith.divf %broadcast_in_dim3A_142, %div3A_144 : vector<1x128xf32>
    %sub3A_146 = vector.broadcast %div3A_136 : vector<1x128xf32> to vector<128x128xf32>
    %sub3A_147 = arith.subf %add3A_120, %sub3A_146 : vector<128x128xf32>
    %add3A_148 = arith.constant 9.99999974E-6 : f32
    %add3A_149 = vector.broadcast %add3A_148 : f32 to vector<1x128xf32>
    %add3A_150 = arith.addf %div3A_145, %add3A_149 : vector<1x128xf32>
    %rsqrt3A_151 = math.rsqrt %add3A_150 : vector<1x128xf32>
    %mul3A_152 = vector.broadcast %rsqrt3A_151 : vector<1x128xf32> to vector<128x128xf32>
    %mul3A_153 = arith.mulf %sub3A_147, %mul3A_152 : vector<128x128xf32>
    %mul3A_154 = vector.broadcast %get3A_125 : vector<1x128xf32> to vector<128x128xf32>
    %mul3A_155 = arith.mulf %mul3A_153, %mul3A_154 : vector<128x128xf32>
    %add3A_156 = vector.broadcast %get3A_130 : vector<1x128xf32> to vector<128x128xf32>
    %add3A_157 = arith.addf %mul3A_155, %add3A_156 : vector<128x128xf32>
    %max3A_158 = arith.constant 0.000000e+00 : f32
    %max3A_159 = vector.broadcast %max3A_158 : f32 to vector<128x128xf32>
    %max3A_160 = arith.maximumf %add3A_157, %max3A_159 : vector<128x128xf32>
    %get3A_161 = arith.constant 2 : index
    %get3A_162 = arith.constant 0 : index
    %get3A_163 = arith.constant 0 : index
    %get3A_164 = vector.load %arg7[%get3A_161, %get3A_162, %get3A_163] : memref<3x128x128xf32, #tpu.memory_space<vmem>>, vector<1x128x128xf32>
    %get3A_165 = vector.shape_cast %get3A_164 : vector<1x128x128xf32> to vector<128x128xf32>
    %dot_general3A_166 = arith.constant dense<0.000000e+00> : vector<128x128xf32>
    %dot_general3A_167 = tpu.matmul %max3A_160, %get3A_165, %dot_general3A_166 {dimension_numbers = #tpu.dot_dimension_numbers<[1], [0], [0], [1], [0, 0, 1, 1], [], []>, transpose_lhs_hint = false} : vector<128x128xf32>, vector<128x128xf32>, vector<128x128xf32> -> vector<128x128xf32>
    %get3A_168 = arith.constant 2 : index
    %get3A_169 = arith.constant 0 : index
    %get3A_170 = arith.constant 0 : index
    %get3A_171 = vector.load %arg8[%get3A_168, %get3A_169, %get3A_170] : memref<3x1x128xf32, #tpu.memory_space<vmem>>, vector<1x1x128xf32>
    %get3A_172 = vector.shape_cast %get3A_171 : vector<1x1x128xf32> to vector<1x128xf32>
    %add3A_173 = vector.broadcast %get3A_172 : vector<1x128xf32> to vector<128x128xf32>
    %add3A_174 = arith.addf %dot_general3A_167, %add3A_173 : vector<128x128xf32>
    %get3A_175 = arith.constant 2 : index
    %get3A_176 = arith.constant 0 : index
    %get3A_177 = arith.constant 0 : index
    %get3A_178 = vector.load %arg9[%get3A_175, %get3A_176, %get3A_177] : memref<3x1x128xf32, #tpu.memory_space<vmem>>, vector<1x1x128xf32>
    %get3A_179 = vector.shape_cast %get3A_178 : vector<1x1x128xf32> to vector<1x128xf32>
    %get3A_180 = arith.constant 2 : index
    %get3A_181 = arith.constant 0 : index
    %get3A_182 = arith.constant 0 : index
    %get3A_183 = vector.load %arg10[%get3A_180, %get3A_181, %get3A_182] : memref<3x1x128xf32, #tpu.memory_space<vmem>>, vector<1x1x128xf32>
    %get3A_184 = vector.shape_cast %get3A_183 : vector<1x1x128xf32> to vector<1x128xf32>
    %reduce_sum3A_185 = arith.constant dense<0.000000e+00> : vector<128xf32>
    %reduce_sum3A_186 = vector.multi_reduction <add>, %add3A_174, %reduce_sum3A_185 [0] : vector<128x128xf32> to vector<128xf32>
    %broadcast_in_dim3A_187 = vector.shape_cast %reduce_sum3A_186 : vector<128xf32> to vector<1x128xf32>
    %div3A_188 = arith.constant 1.280000e+02 : f32
    %div3A_189 = vector.broadcast %div3A_188 : f32 to vector<1x128xf32>
    %div3A_190 = arith.divf %broadcast_in_dim3A_187, %div3A_189 : vector<1x128xf32>
    %sub3A_191 = vector.broadcast %div3A_190 : vector<1x128xf32> to vector<128x128xf32>
    %sub3A_192 = arith.subf %add3A_174, %sub3A_191 : vector<128x128xf32>
    %integer_pow3A_193 = arith.mulf %sub3A_192, %sub3A_192 : vector<128x128xf32>
    %reduce_sum3A_194 = arith.constant dense<0.000000e+00> : vector<128xf32>
    %reduce_sum3A_195 = vector.multi_reduction <add>, %integer_pow3A_193, %reduce_sum3A_194 [0] : vector<128x128xf32> to vector<128xf32>
    %broadcast_in_dim3A_196 = vector.shape_cast %reduce_sum3A_195 : vector<128xf32> to vector<1x128xf32>
    %div3A_197 = arith.constant 1.280000e+02 : f32
    %div3A_198 = vector.broadcast %div3A_197 : f32 to vector<1x128xf32>
    %div3A_199 = arith.divf %broadcast_in_dim3A_196, %div3A_198 : vector<1x128xf32>
    %sub3A_200 = vector.broadcast %div3A_190 : vector<1x128xf32> to vector<128x128xf32>
    %sub3A_201 = arith.subf %add3A_174, %sub3A_200 : vector<128x128xf32>
    %add3A_202 = arith.constant 9.99999974E-6 : f32
    %add3A_203 = vector.broadcast %add3A_202 : f32 to vector<1x128xf32>
    %add3A_204 = arith.addf %div3A_199, %add3A_203 : vector<1x128xf32>
    %rsqrt3A_205 = math.rsqrt %add3A_204 : vector<1x128xf32>
    %mul3A_206 = vector.broadcast %rsqrt3A_205 : vector<1x128xf32> to vector<128x128xf32>
    %mul3A_207 = arith.mulf %sub3A_201, %mul3A_206 : vector<128x128xf32>
    %mul3A_208 = vector.broadcast %get3A_179 : vector<1x128xf32> to vector<128x128xf32>
    %mul3A_209 = arith.mulf %mul3A_207, %mul3A_208 : vector<128x128xf32>
    %add3A_210 = vector.broadcast %get3A_184 : vector<1x128xf32> to vector<128x128xf32>
    %add3A_211 = arith.addf %mul3A_209, %add3A_210 : vector<128x128xf32>
    %max3A_212 = arith.constant 0.000000e+00 : f32
    %max3A_213 = vector.broadcast %max3A_212 : f32 to vector<128x128xf32>
    %max3A_214 = arith.maximumf %add3A_211, %max3A_213 : vector<128x128xf32>
    %get3A_215 = arith.constant 0 : index
    %get3A_216 = arith.constant 0 : index
    %get3A_217 = vector.load %arg11[%get3A_215, %get3A_216] : memref<128x2xf32, #tpu.memory_space<vmem>>, vector<128x2xf32>
    %dot_general3A_218 = arith.constant dense<0.000000e+00> : vector<128x2xf32>
    %dot_general3A_219 = tpu.matmul %max3A_214, %get3A_217, %dot_general3A_218 {dimension_numbers = #tpu.dot_dimension_numbers<[1], [0], [0], [1], [0, 0, 1, 1], [], []>, transpose_lhs_hint = false} : vector<128x128xf32>, vector<128x2xf32>, vector<128x2xf32> -> vector<128x2xf32>
    %get3A_220 = arith.constant 0 : index
    %get3A_221 = arith.constant 0 : index
    %get3A_222 = vector.load %arg12[%get3A_220, %get3A_221] : memref<1x2xf32, #tpu.memory_space<vmem>>, vector<1x2xf32>
    %add3A_223 = vector.broadcast %get3A_222 : vector<1x2xf32> to vector<128x2xf32>
    %add3A_224 = arith.addf %dot_general3A_219, %add3A_223 : vector<128x2xf32>
    %reduce_max3A = arith.constant dense<0xFF800000> : vector<128xf32>
    %reduce_max3A_225 = vector.multi_reduction <maximumf>, %add3A_224, %reduce_max3A [1] : vector<128x2xf32> to vector<128xf32>
    %broadcast_in_dim3A_226 = vector.shape_cast %reduce_max3A_225 : vector<128xf32> to vector<128x1xf32>
    %sub3A_227 = vector.broadcast %broadcast_in_dim3A_226 : vector<128x1xf32> to vector<128x2xf32>
    %sub3A_228 = arith.subf %add3A_224, %sub3A_227 : vector<128x2xf32>
    %exp3A = math.exp %sub3A_228 : vector<128x2xf32>
    %reduce_sum3A_229 = arith.constant dense<0.000000e+00> : vector<128xf32>
    %reduce_sum3A_230 = vector.multi_reduction <add>, %exp3A, %reduce_sum3A_229 [1] : vector<128x2xf32> to vector<128xf32>
    %broadcast_in_dim3A_231 = vector.shape_cast %reduce_sum3A_230 : vector<128xf32> to vector<128x1xf32>
    %log3A = math.log %broadcast_in_dim3A_231 : vector<128x1xf32>
    %add3A_232 = arith.addf %log3A, %broadcast_in_dim3A_226 : vector<128x1xf32>
    %sub3A_233 = vector.broadcast %add3A_232 : vector<128x1xf32> to vector<128x2xf32>
    %sub3A_234 = arith.subf %add3A_224, %sub3A_233 : vector<128x2xf32>
    %swap3A = arith.constant 0 : index
    %swap3A_235 = arith.constant 0 : index
    %swap3A_236 = vector.load %arg13[%swap3A, %swap3A_235] : memref<128x2xf32, #tpu.memory_space<vmem>>, vector<128x2xf32>
    tpu.vector_store %arg13[%swap3A, %swap3A_235], %sub3A_234 {strides = array<i32>} : memref<128x2xf32, #tpu.memory_space<vmem>>, vector<128x2xf32>,
    return
  }
}

</mosaic_0001>

<sc_bundles>
// kernel: sc_deg.3.cloned.1.call-start
scs
__scs_entry_jumppad:
0x0: {  	(pc) =	sbr.rel $0x88, $3  }
0x1: {  	(tag) =	ssettag $0x0;
	lr =	simm.s32 $0x1  }
0x2: {  	[smem:$0x3F92] =	sst lr;
	_ =	strace $0xD0000000  }
0x3: {  	_ = 	snop  }
0x4: {  	_ = 	snop  }
0x5: {  	_ = 	snop  }
0x6: {  	_ = 	snop  }
0x7: {  	_ = 	snop  }
__scs_overlays_trampoline_lowered:
0x8: {  	[smem:$0x3FA1] =	sst s0  }
0x9: {  	[smem:$0x3FA2] =	sst s1  }
0xa: {  	[smem:$0x3FA3] =	sst s2  }
0xb: {  	[smem:$0x3FA4] =	sst s3  }
0xc: {  	[smem:$0x3FA5] =	sst s4  }
0xd: {  	[smem:$0x3FA6] =	sst s5  }
0xe: {  	[smem:$0x3FA7] =	sst s6  }
0xf: {  	[smem:$0x3FA8] =	sst s7  }
0x10: {  	[smem:$0x3FA9] =	sst s8  }
0x11: {  	[smem:$0x3FAA] =	sst s9;
	s0 =	simm.s32 @!p0 $0x0  }
0x12: {  	s1 =	sld [smem:$0x3F90];
	s0 =	simm.s32 @p0 $0x1  }
0x13: {  	[smem:$0x3FAB] =	sst s0;
	s0 =	simm.s32 @!p1 $0x0  }
0x14: {  	s2 =	sld [smem:$0x3F8F];
	s0 =	simm.s32 @p1 $0x1  }
0x15: {  	[smem:$0x3FAC] =	sst s0;
	s0 =	simm.s32 @!p2 $0x0  }
0x16: {  	s3 =	sld [smem:$0x3FDB];
	s0 =	simm.s32 @p2 $0x1  }
0x17: {  	s4 =	simm.s32 $0x1BF5;
	[smem:$0x3FAE] =	sst s0  }
0x18: {  	s0 =	sld [smem:$0x3F91];
	_ =	swait.ge [sflag:s4], $0x0  }
0x19: {  	s7 =	sld [smem:$0x3F92]  }
0x1a: {  	s8 =	sadd.s32 $0xFFFFE003, lr  }
0x1b: {  	s9 =	sadd.s32 $0xFFFFFEF7, lr;
	s5 =	simm.s32 $0xFFFFFFFF;
	p2 =	slt.u32 s8, $0xFFFFF086  }
0x1c: {  	p1 =	slt.u32 s9, $0xF7A;
	s5 =	simm.s32 @!p2 $0x0  }
0x1d: {  	s5 =	simm.s32 @p1 $0x1;
	p0 =	seq.s32 s7, s2  }
0x1e: {  	s7 =	smul.u32 @!p0 $0xF7A, s2;
	p2 =	seq.s32 @!p0 s5, $0x0  }
0x1f: {  	s9 =	smul.u32 $0xF7A, s1;
	s8 =	simm.s32 @!p0 $0x1BF5;
	p2 =	por !p2, p0  }
0x20: {  	[sflag:s8] =	ssyncset.s32 @!p0 $0xFFFFF086;
	s6 =	sadd.s32 @!p0 s3, s7;
	s7 =	simm.s32 @!p0 $0x108  }
0x21: {  	s3 =	sadd.s32 s3, s9;
	s6 =	sadd.s32 @!p0 $0x88, s6;
	s7 =	simm.s32 @p2 $0x1082  }
0x22: {  	[simem:s7], [sflag:s8] =	dma.local @!p0 [hbm:s6], $0xF7A  }
0x23: {  	s9 =	sor.u32 $0xD0000000, s2;
	s6 =	simm.s32 $0x108;
	_ =	swait.ge @!p0 [sflag:s8], $0x0  }
0x24: {  	s3 =	sadd.s32 $0x88, s3;
	s6 =	simm.s32 @!p1 $0x1082;
	[sflag:s4] =	ssyncset.s32 $0xFFFFF086  }
0x25: {  	[simem:s6], [sflag:s4] =	dma.local [hbm:s3], $0xF7A  }
0x26: {  	[smem:$0x3F92] =	sst s1;
	(tag) =	ssettag s2;
	_ =	strace s9  }
0x27: {  	s1 =	sld [smem:$0x3FA2]  }
0x28: {  	s2 =	sld [smem:$0x3FA3]  }
0x29: {  	s4 =	sld [smem:$0x3FA5]  }
0x2a: {  	p0 =	seq.s32 s5, $0x0;
	s5 =	sld [smem:$0x3FA6]  }
0x2b: {  	s6 =	sld [smem:$0x3FA7]  }
0x2c: {  	s7 =	sld [smem:$0x3FA8]  }
0x2d: {  	s3 =	simm.s32 $0x108;
	s8 =	sld [smem:$0x3FA9]  }
0x2e: {  	s3 =	simm.s32 @!p0 $0x1082;
	s9 =	sld [smem:$0x3FAA]  }
0x2f: {  	lr =	sadd.s32 s0, s3;
	s0 =	sld [smem:$0x3FA1]  }
0x30: {  	s3 =	sld [smem:$0x3FA4]  }
0x31: {  	[smem:$0x3FAD] =	sst s10  }
0x32: {  	s10 =	sld [smem:$0x3FAB];
	_ =	sdelay $0x3  }
0x33: {  	p0 =	seq.s32 s10, $0x1;
	s10 =	sld [smem:$0x3FAD];
	_ =	sdelay $0x3  }
0x34: {  	[smem:$0x3FAD] =	sst s10  }
0x35: {  	s10 =	sld [smem:$0x3FAC];
	_ =	sdelay $0x3  }
0x36: {  	p1 =	seq.s32 s10, $0x1;
	s10 =	sld [smem:$0x3FAD];
	_ =	sdelay $0x3  }
0x37: {  	[smem:$0x3FAD] =	sst s10  }
0x38: {  	s10 =	sld [smem:$0x3FAE]  }
0x39: {  	_ = 	snop;
	(pc) =	sbr.ind lr, $3  }
0x3a: {  	_ = 	snop  }
0x3b: {  	_ = 	snop  }
0x3c: {  	p2 =	seq.s32 s10, $0x1;
	s10 =	sld [smem:$0x3FAD]  }
0x3d: {  	_ =	shalt  }
0x3e: {  	_ =	shalt  }
0x3f: {  	_ =	shalt  }
0x40: {  	_ =	shalt  }
0x41: {  	_ =	shalt  }
0x42: {  	_ =	shalt  }
0x43: {  	_ =	shalt  }
0x44: {  	_ =	shalt  }
0x45: {  	_ =	shalt  }
0x46: {  	_ =	shalt  }
0x47: {  	_ =	shalt  }
0x48: {  	_ =	shalt  }
0x49: {  	_ =	shalt  }
0x4a: {  	_ =	shalt  }
0x4b: {  	_ =	shalt  }
0x4c: {  	_ =	shalt  }
0x4d: {  	_ =	shalt  }
0x4e: {  	_ =	shalt  }
0x4f: {  	_ =	shalt  }
0x50: {  	_ =	shalt  }
0x51: {  	_ =	shalt  }
0x52: {  	_ =	shalt  }
0x53: {  	_ =	shalt  }
0x54: {  	_ =	shalt  }
0x55: {  	_ =	shalt  }
0x56: {  	_ =	shalt  }
0x57: {  	_ =	shalt  }
0x58: {  	_ =	shalt  }
0x59: {  	_ =	shalt  }
0x5a: {  	_ =	shalt  }
0x5b: {  	_ =	shalt  }
0x5c: {  	_ =	shalt  }
0x5d: {  	_ =	shalt  }
0x5e: {  	_ =	shalt  }
0x5f: {  	_ =	shalt  }
0x60: {  	_ =	shalt  }
0x61: {  	_ =	shalt  }
0x62: {  	_ =	shalt  }
0x63: {  	_ =	shalt  }
0x64: {  	_ =	shalt  }
0x65: {  	_ =	shalt  }
0x66: {  	_ =	shalt  }
0x67: {  	_ =	shalt  }
0x68: {  	_ =	shalt  }
0x69: {  	_ =	shalt  }
0x6a: {  	_ =	shalt  }
0x6b: {  	_ =	shalt  }
0x6c: {  	_ =	shalt  }
0x6d: {  	_ =	shalt  }
0x6e: {  	_ =	shalt  }
0x6f: {  	_ =	shalt  }
0x70: {  	_ =	shalt  }
0x71: {  	_ =	shalt  }
0x72: {  	_ =	shalt  }
0x73: {  	_ =	shalt  }
0x74: {  	_ =	shalt  }
0x75: {  	_ =	shalt  }
0x76: {  	_ =	shalt  }
0x77: {  	_ =	shalt  }
0x78: {  	_ =	shalt  }
0x79: {  	_ =	shalt  }
0x7a: {  	_ =	shalt  }
0x7b: {  	_ =	shalt  }
0x7c: {  	_ =	shalt  }
0x7d: {  	_ =	shalt  }
0x7e: {  	_ =	shalt  }
0x7f: {  	_ =	shalt  }
0x80: {  	_ =	shalt  }
0x81: {  	_ =	shalt  }
0x82: {  	_ =	shalt  }
0x83: {  	_ =	shalt  }
0x84: {  	_ =	shalt  }
0x85: {  	_ =	shalt  }
0x86: {  	_ =	shalt  }
0x87: {  	_ =	shalt  }
.Lfunc_end0:
.L_simem_size_0:
called_computation_lowered:
.L_overlay_start_0:
0x88: {  	s2 =	sld [smem:$0x3FD9]  }
0x89: {  	s3 =	sld [smem:$0x3FFE];
	_ =	sdelay $0x1  }
0x8a: {  	s1 =	srdreg.scid  }
0x8b: {  	s0 =	sand.u32 $0x1, s1  }
0x8c: {  	s16 =	sshll.u32 s0, $0xA;
	s2 =	sadd.s32 s3, s2  }
0x8d: {  	s2 =	sadd.s32 s2, s16  }
0x8e: {  	[smem:$0x3FB9] =	sst s2  }
0x8f: {  	_ = 	snop  }
0x90: {  	(tm) =	ssettm $0x1  }
0x91: {  	s17 =	sld [smem:$0x3FFB];
	_ =	sdelay $0x3  }
0x92: {  	_ =	strace s17  }
0x93: {  	s2 =	sld [smem:$0x3FFC];
	_ =	sdelay $0x3  }
0x94: {  	_ =	strace s2  }
0x95: {  	s2 =	sld [smem:$0x3FFD];
	_ =	sdelay $0x3  }
0x96: {  	_ =	strace s2  }
0x97: {  	_ =	strace $0x8FFFFFFF  }
0x98: {  	s18 =	sld [smem:$0x3FDB];
	_ =	sdelay $0x1  }
0x99: {  	s19 =	simm.s32 $_scs_section_size  }
0x9a: {  	s4 =	simm.s32 $_size__tile_overlayer_lowered;
	s5 =	simm.s32 $_tile_overlayer_lowered  }
0x9b: {  	s22 =	simm.s32 $0x1BFF;
	s21 =	sshll.u32 s5, $0x1;
	s2 =	sadd.s32 s19, s18  }
0x9c: {  	s6 =	simm.s32 $0x0;
	s20 =	sshll.u32 s4, $0x1;
	s4 =	sadd.s32 s21, s2  }
0x9d: {  	[timem:s6], [sflag:s22] =	dma.local [hbm:s4], s20  }
0x9e: {  	_ =	swait.ge [sflag:s22], s20  }
0x9f: {  	s3 =	ssub.s32 $0x0, s20;
	[sflag:s22] =	ssyncset.done $0x0  }
0xa0: {  	[sflag:s22] =	ssyncadd.s32 s3;
	_ =	sdelay $0x1  }
0xa1: {  	s23 =	simm.s32 $0x1B8B  }
0xa2: {  	_ =	swait.ge [sflag:s23], $0x1  }
0xa3: {  	[sflag:s23] =	ssyncset.done $0x0  }
0xa4: {  	s25 =	simm.s32 $0x1B8E;
	s24 =	sld [smem:$0x3FFE];
	[sflag:s23] =	ssyncadd.s32 $0xFFFFFFFF  }
0xa5: {  	s26 =	simm.s32 $execute0_lowered;
	[smem:$0x3FD2] =	sst s25  }
0xa6: {  	s4 =	sshll.u32 s26, $0x1;
	_ =	strace $0x80000046;
	[dreg:$0x1] =	wrdreg $0xFFFFFFFF  }
0xa7: {  	s28 =	simm.s32 $_size_execute0_lowered;
	s2 =	sadd.s32 s2, s4;
	[dreg:$0x0] =	wrdreg $0x0  }
0xa8: {  	s4 =	sshll.u32 s28, $0x1;
	[dreg:$0x2] =	wrdreg s2  }
0xa9: {  	[dreg:$0x3] =	wrdreg s4  }
0xaa: {  	[dreg:$0x4] =	wrdreg $0xC0  }
0xab: {  	_ =	task [dreg:s6], $0x5FFFF  }
0xac: {  	[dreg:$0x1] =	wrdreg $0xFFFFFFFF  }
0xad: {  	[dreg:$0x0] =	wrdreg $0x60  }
0xae: {  	[dreg:$0x2] =	wrdreg s24  }
0xaf: {  	[dreg:$0x3] =	wrdreg $0x57D00  }
0xb0: {  	[dreg:$0x4] =	wrdreg $0x9  }
0xb1: {  	_ =	task.clear_ibuf [dreg:s6], $0x5FFFF;
	_ =	strace $0x90000046  }
0xb2: {  	s29 =	simm.s32 $0x9;
	_ =	strace $0x80000048  }
0xb3: {  	_ =	swait.ge [sflag:s29], $0x1  }
0xb4: {  	[sflag:s29] =	ssyncadd.s32 $0xFFFFFFFF  }
0xb5: {  	_ =	strace $0x90000048  }
0xb6: {  	_ =	sfence  }
0xb7: {  	s30 =	sld [smem:$0x0];
	_ =	sdelay $0x2  }
0xb8: {  	s31 =	sshll.u32 s1, $0xD;
	s1 =	sshrl.u32 s1, $0x2  }
0xb9: {  	s3 =	sand.u32 $0x4000, s31;
	s1 =	sadd.s32 s1, s30  }
0xba: {  	s0 =	sor.u32 s3, s0;
	s1 =	sshll.u32 s1, $0x11  }
0xbb: {  	s0 =	sor.u32 s1, s0  }
0xbc: {  	s0 =	sadd.s32 $0x8F2B, s0  }
0xbd: {  	[sflag:s0] =	ssyncadd.remote.s32 $0x1  }
0xbe: {  	_ =	sfence.sel $0xFFFF  }
0xbf: {  	[dreg:$0x0] =	wrdreg $0xFFFFFFFF;
	(pc) =	sbr.abs _section_cstart, $3  }
0xc0: {  	[dreg:$0x1] =	wrdreg $0xFFFFFFFF  }
0xc1: {  	_ =	task.clear_ibuf [dreg:s6], $0x2FFFF;
	_ =	strace $0x9FFFFFFF  }
0xc2: {  	(tm) =	ssettm $0x7FFFFFFF  }
0xc3: {  	_ =	shalt  }
tec
execute0_lowered:
.L_overlay_start_1:
0x0: {  	(tag) =	ssettag $0x1  }
0x1: {  	s4 =	rddreg [dreg:$0x0];
	s0 =	srdreg.scid  }
0x2: {  	s2 =	rddreg [dreg:$0x1];
	s1 =	stileid.u32  }
0x3: {  	s3 =	simm.s32 $0x0;
	s10 =	simm.s32 $0x7D;
	s11 =	simm.s32 $0x2800  }
0x4: {  	s12 =	simm.s32 $0x1;
	s5 =	sand.u32 $0x1, s0;
	s0 =	rddreg [dreg:$0x2]  }
0x5: {  	s15 =	simm.s32 $0x0;
	s7 =	smul.u32 $0x2800, s1;
	[smem:$0x7FF] =	sst s3  }
0x6: {  	s13 =	sshll.u32 s1, $0x6;
	s6 =	sshll.u32 s5, $0x4;
	s8 =	smul.u32 $0x28000, s5  }
0x7: {  	_ =	strace $0x80000047;
	s5 =	ssub.s32 $0x2, s5;
	s6 =	sor.u32 s1, s6  }
0x8: {  	s13 =	sor.u32 $0x1C02, s13;
	s9 =	sshrl.u32 s5, $0x1;
	s6 =	smul.u32 $0x500, s6  }
0x9: {  	s8 =	sadd.s32 s7, s8;
	s9 =	ssub.s32 s5, s9;
	s5 =	sadd.s32 s7, s2  }
0xa: {  	s8 =	sshrl.u32 s8, $0x3;
	s7 =	smax.u32 s9, $0x1;
	s9 =	simm.s32 $0x2FD0  }
0xb: {  	s14 =	sshrl.u32 s5, $0x3;
	s6 =	sadd.s32 s6, s4;
	s8 =	sadd.s32 s8, s4  }
0xc: {  	v0 =	vimm.f32 $1.000000000e+00;
	v1 =	vimm.f32 $0.0e+00;
	s4 =	sadd.s32 $0x4600, s6;
	s6 =	sadd.s32 $0xE600, s8;
	s8 =	simm.s32 $0x2  }
.LBB2_1:
0xd: {  	[tilespmem:s3], [sflag:$0x2] =	stream.linear.gather [hbm4b:s4+s3], $0x2800, $0x38;
	[tilespmem:$0x7FD0] =	vst v63  }
0xe: {  	_ =	swait.ge [sflag:s8], $0x2800  }
0xf: {  	[sflag:s8] =	ssyncset.done $0x0  }
0x10: {  	s16 =	simm.s32 $0x0;
	[sflag:s8] =	ssyncadd.s32 $0xFFFFD800  }
.LBB2_2:
0x11: {  	p0 =	sne.s32 s16, $0x1F00  }
.Ltmp0:
0x12: {  	_ = 	snop;
	(pc) =	sbr.rel @p0 .LBB2_2-.Ltmp0, $3  }
0x13: {  	_ =	sdelay $0x1  }
0x14: {  	s17 =	sshra.s32 s16, $0x2  }
0x15: {  	s16 =	sadd.s32 $0x40, s16;
	[tilespmem:s17+$0x2800] =	vst v0  }
0x16: {  	s16 =	simm.s32 $0x40;
	s17 =	simm.s32 $0x0  }
.LBB2_4:
0x17: {  	p0 =	sne.s32 s16, $0x9FC0;
	[tilespmem:s17+$0x2FD0] =	vst v1;
	s17 =	smov.u32 s16;
	s16 =	sadd.s32 $0x40, s16  }
.Ltmp1:
0x18: {  	(pc) =	sbr.rel @p0 .LBB2_4-.Ltmp1, $2  }
0x19: {  	_ =	sdelay $0x2  }
0x1a: {  	s17 =	sshra.s32 s17, $0x2  }
0x1b: {  	[tilespmem:s17+$0x2FD0] =	vst v1  }
0x1c: {  	[spmem:s5] =	stream.linear.scatter [tilespmem:s9], [sflag:$0x2], $0x2800, $0x38;
	[tilespmem:$0x7FD0] =	vst v63  }
0x1d: {  	_ =	swait.ge [sflag:s8], $0x2800  }
0x1e: {  	[sflag:s8] =	ssyncset.done $0x0  }
0x1f: {  	[sflag:s8] =	ssyncadd.s32 $0xFFFFD800  }
0x20: {  	s16 =	simm.s32 $0x0;
	[bflag:$0x0] =	sbarrier.arrive $0xFFFF  }
.LBB2_6:
0x21: {  	p0 =	sne.s32 s16, $0x9E00  }
.Ltmp2:
0x22: {  	_ = 	snop;
	(pc) =	sbr.rel @p0 .LBB2_6-.Ltmp2, $3  }
0x23: {  	_ =	sdelay $0x1  }
0x24: {  	s17 =	sshra.s32 s16, $0x2;
	s16 =	sadd.s32 $0x200, s16  }
0x25: {  	[spmem:s2] =	stream.indirect.scatter.add.f32 [tilespmem:s11], [sflag:$0x1], $0x10, s17, s10, $0xb8;
	[tilespmem:$0x7FD0] =	vst v63  }
0x26: {  	_ =	swait.ge [sflag:s12], $0x7D0  }
0x27: {  	s16 =	simm.s32 $0x4F;
	[sflag:s12] =	ssyncset.done $0x0  }
.LBB2_8:
0x28: {  	p0 =	sne.s32 s16, $0x1;
	s16 =	sadd.s32 $0xFFFFFFFF, s16;
	[sflag:s12] =	ssyncadd.s32 $0xFFFFF830  }
.Ltmp3:
0x29: {  	(pc) =	sbr.rel @p0 .LBB2_8-.Ltmp3, $3  }
0x2a: {  	_ =	sdelay $0x1  }
0x2b: {  	_ =	swait.ge [sflag:s12], $0x7D0  }
0x2c: {  	[sflag:s12] =	ssyncset.done $0x0  }
0x2d: {  	s15 =	sadd.s32 $0x1, s15  }
0x2e: {  	[sflag:s12] =	ssyncadd.s32 $0xFFFFF830;
	p0 =	sne.s32 s15, s7  }
.Ltmp4:
0x2f: {  	[bflag:$0x0] =	sbarrier.arrive $0xFFFF;
	(pc) =	sbr.rel @p0 .LBB2_1-.Ltmp4, $4  }
0x30: {  	[hbm:s6], [sflag:s13] =	dma.local [spmem:s14], $0x500  }
0x31: {  	_ =	swait.ge [sflag:s8], $0x500  }
0x32: {  	[sflag:s8] =	ssyncset.done $0x0  }
0x33: {  	[sflag:s8] =	ssyncadd.s32 $0xFFFFFB00  }
0x34: {  	_ =	sfence.sel $0x180000  }
0x35: {  	[bflag:$0x0] =	sbarrier.arrive $0xFFFF  }
0x36: {  	p0 =	sne.s32 s1, $0x0;
	_ =	strace $0x90000047  }
0x37: {  	s0 =	sadd.s32 @!p0 $0x100000, s0;
	[bflag:$0x2] =	sbarrier.arrive $0xFFFF  }
0x38: {  	[sflag:s0] =	ssyncadd.tile.s32 @!p0 $0x1;
	_ =	shalt  }
.Lfunc_end2:
_tile_overlayer_lowered:
.L_overlay_start_2:
0x39: {  	(tag) =	ssettag $0x2  }
0x3a: {  	s0 =	rddreg [dreg:$0x0];
	s2 =	stileid.u32  }
0x3b: {  	s1 =	rddreg [dreg:$0x1];
	p0 =	sne.s32 s2, $0x0  }
0x3c: {  	s3 =	rddreg [dreg:$0x2];
	[bflag:$0x3] =	sbarrier.arrive $0xFFFF;
	s2 =	simm.s32 @!p0 $0x1C02  }
0x3d: {  	[timem:s3], [sflag:s2] =	dma.local @!p0 [hbm:s0], s1  }
0x3e: {  	s0 =	simm.s32 @!p0 $0x2  }
0x3f: {  	_ =	swait.ge @!p0 [sflag:s0], s1  }
0x40: {  	s1 =	ssub.s32 @!p0 $0x0, s1;
	[sflag:s0] =	ssyncset.done @!p0 $0x0  }
0x41: {  	[sflag:s0] =	ssyncadd.s32 @!p0 s1  }
0x42: {  	[bflag:$0x3] =	sbarrier.arrive $0xFFFF  }
0x43: {  	_ =	shalt  }

// kernel: sc_msg.11.cloned.1.call-start
scs
__scs_entry_jumppad:
0x0: {  	(pc) =	sbr.rel $0x88, $3  }
0x1: {  	(tag) =	ssettag $0x0;
	lr =	simm.s32 $0x1  }
0x2: {  	[smem:$0x3F92] =	sst lr;
	_ =	strace $0xD0000000  }
0x3: {  	_ = 	snop  }
0x4: {  	_ = 	snop  }
0x5: {  	_ = 	snop  }
0x6: {  	_ = 	snop  }
0x7: {  	_ = 	snop  }
__scs_overlays_trampoline_lowered:
0x8: {  	[smem:$0x3FA1] =	sst s0  }
0x9: {  	[smem:$0x3FA2] =	sst s1  }
0xa: {  	[smem:$0x3FA3] =	sst s2  }
0xb: {  	[smem:$0x3FA4] =	sst s3  }
0xc: {  	[smem:$0x3FA5] =	sst s4  }
0xd: {  	[smem:$0x3FA6] =	sst s5  }
0xe: {  	[smem:$0x3FA7] =	sst s6  }
0xf: {  	[smem:$0x3FA8] =	sst s7  }
0x10: {  	[smem:$0x3FA9] =	sst s8  }
0x11: {  	[smem:$0x3FAA] =	sst s9;
	s0 =	simm.s32 @!p0 $0x0  }
0x12: {  	s1 =	sld [smem:$0x3F90];
	s0 =	simm.s32 @p0 $0x1  }
0x13: {  	[smem:$0x3FAB] =	sst s0;
	s0 =	simm.s32 @!p1 $0x0  }
0x14: {  	s2 =	sld [smem:$0x3F8F];
	s0 =	simm.s32 @p1 $0x1  }
0x15: {  	[smem:$0x3FAC] =	sst s0;
	s0 =	simm.s32 @!p2 $0x0  }
0x16: {  	s3 =	sld [smem:$0x3FDB];
	s0 =	simm.s32 @p2 $0x1  }
0x17: {  	s4 =	simm.s32 $0x1BF5;
	[smem:$0x3FAE] =	sst s0  }
0x18: {  	s0 =	sld [smem:$0x3F91];
	_ =	swait.ge [sflag:s4], $0x0  }
0x19: {  	s7 =	sld [smem:$0x3F92]  }
0x1a: {  	s8 =	sadd.s32 $0xFFFFE003, lr  }
0x1b: {  	s9 =	sadd.s32 $0xFFFFFEF7, lr;
	s5 =	simm.s32 $0xFFFFFFFF;
	p2 =	slt.u32 s8, $0xFFFFF086  }
0x1c: {  	p1 =	slt.u32 s9, $0xF7A;
	s5 =	simm.s32 @!p2 $0x0  }
0x1d: {  	s5 =	simm.s32 @p1 $0x1;
	p0 =	seq.s32 s7, s2  }
0x1e: {  	s7 =	smul.u32 @!p0 $0xF7A, s2;
	p2 =	seq.s32 @!p0 s5, $0x0  }
0x1f: {  	s9 =	smul.u32 $0xF7A, s1;
	s8 =	simm.s32 @!p0 $0x1BF5;
	p2 =	por !p2, p0  }
0x20: {  	[sflag:s8] =	ssyncset.s32 @!p0 $0xFFFFF086;
	s6 =	sadd.s32 @!p0 s3, s7;
	s7 =	simm.s32 @!p0 $0x108  }
0x21: {  	s3 =	sadd.s32 s3, s9;
	s6 =	sadd.s32 @!p0 $0x88, s6;
	s7 =	simm.s32 @p2 $0x1082  }
0x22: {  	[simem:s7], [sflag:s8] =	dma.local @!p0 [hbm:s6], $0xF7A  }
0x23: {  	s9 =	sor.u32 $0xD0000000, s2;
	s6 =	simm.s32 $0x108;
	_ =	swait.ge @!p0 [sflag:s8], $0x0  }
0x24: {  	s3 =	sadd.s32 $0x88, s3;
	s6 =	simm.s32 @!p1 $0x1082;
	[sflag:s4] =	ssyncset.s32 $0xFFFFF086  }
0x25: {  	[simem:s6], [sflag:s4] =	dma.local [hbm:s3], $0xF7A  }
0x26: {  	[smem:$0x3F92] =	sst s1;
	(tag) =	ssettag s2;
	_ =	strace s9  }
0x27: {  	s1 =	sld [smem:$0x3FA2]  }
0x28: {  	s2 =	sld [smem:$0x3FA3]  }
0x29: {  	s4 =	sld [smem:$0x3FA5]  }
0x2a: {  	p0 =	seq.s32 s5, $0x0;
	s5 =	sld [smem:$0x3FA6]  }
0x2b: {  	s6 =	sld [smem:$0x3FA7]  }
0x2c: {  	s7 =	sld [smem:$0x3FA8]  }
0x2d: {  	s3 =	simm.s32 $0x108;
	s8 =	sld [smem:$0x3FA9]  }
0x2e: {  	s3 =	simm.s32 @!p0 $0x1082;
	s9 =	sld [smem:$0x3FAA]  }
0x2f: {  	lr =	sadd.s32 s0, s3;
	s0 =	sld [smem:$0x3FA1]  }
0x30: {  	s3 =	sld [smem:$0x3FA4]  }
0x31: {  	[smem:$0x3FAD] =	sst s10  }
0x32: {  	s10 =	sld [smem:$0x3FAB];
	_ =	sdelay $0x3  }
0x33: {  	p0 =	seq.s32 s10, $0x1;
	s10 =	sld [smem:$0x3FAD];
	_ =	sdelay $0x3  }
0x34: {  	[smem:$0x3FAD] =	sst s10  }
0x35: {  	s10 =	sld [smem:$0x3FAC];
	_ =	sdelay $0x3  }
0x36: {  	p1 =	seq.s32 s10, $0x1;
	s10 =	sld [smem:$0x3FAD];
	_ =	sdelay $0x3  }
0x37: {  	[smem:$0x3FAD] =	sst s10  }
0x38: {  	s10 =	sld [smem:$0x3FAE]  }
0x39: {  	_ = 	snop;
	(pc) =	sbr.ind lr, $3  }
0x3a: {  	_ = 	snop  }
0x3b: {  	_ = 	snop  }
0x3c: {  	p2 =	seq.s32 s10, $0x1;
	s10 =	sld [smem:$0x3FAD]  }
0x3d: {  	_ =	shalt  }
0x3e: {  	_ =	shalt  }
0x3f: {  	_ =	shalt  }
0x40: {  	_ =	shalt  }
0x41: {  	_ =	shalt  }
0x42: {  	_ =	shalt  }
0x43: {  	_ =	shalt  }
0x44: {  	_ =	shalt  }
0x45: {  	_ =	shalt  }
0x46: {  	_ =	shalt  }
0x47: {  	_ =	shalt  }
0x48: {  	_ =	shalt  }
0x49: {  	_ =	shalt  }
0x4a: {  	_ =	shalt  }
0x4b: {  	_ =	shalt  }
0x4c: {  	_ =	shalt  }
0x4d: {  	_ =	shalt  }
0x4e: {  	_ =	shalt  }
0x4f: {  	_ =	shalt  }
0x50: {  	_ =	shalt  }
0x51: {  	_ =	shalt  }
0x52: {  	_ =	shalt  }
0x53: {  	_ =	shalt  }
0x54: {  	_ =	shalt  }
0x55: {  	_ =	shalt  }
0x56: {  	_ =	shalt  }
0x57: {  	_ =	shalt  }
0x58: {  	_ =	shalt  }
0x59: {  	_ =	shalt  }
0x5a: {  	_ =	shalt  }
0x5b: {  	_ =	shalt  }
0x5c: {  	_ =	shalt  }
0x5d: {  	_ =	shalt  }
0x5e: {  	_ =	shalt  }
0x5f: {  	_ =	shalt  }
0x60: {  	_ =	shalt  }
0x61: {  	_ =	shalt  }
0x62: {  	_ =	shalt  }
0x63: {  	_ =	shalt  }
0x64: {  	_ =	shalt  }
0x65: {  	_ =	shalt  }
0x66: {  	_ =	shalt  }
0x67: {  	_ =	shalt  }
0x68: {  	_ =	shalt  }
0x69: {  	_ =	shalt  }
0x6a: {  	_ =	shalt  }
0x6b: {  	_ =	shalt  }
0x6c: {  	_ =	shalt  }
0x6d: {  	_ =	shalt  }
0x6e: {  	_ =	shalt  }
0x6f: {  	_ =	shalt  }
0x70: {  	_ =	shalt  }
0x71: {  	_ =	shalt  }
0x72: {  	_ =	shalt  }
0x73: {  	_ =	shalt  }
0x74: {  	_ =	shalt  }
0x75: {  	_ =	shalt  }
0x76: {  	_ =	shalt  }
0x77: {  	_ =	shalt  }
0x78: {  	_ =	shalt  }
0x79: {  	_ =	shalt  }
0x7a: {  	_ =	shalt  }
0x7b: {  	_ =	shalt  }
0x7c: {  	_ =	shalt  }
0x7d: {  	_ =	shalt  }
0x7e: {  	_ =	shalt  }
0x7f: {  	_ =	shalt  }
0x80: {  	_ =	shalt  }
0x81: {  	_ =	shalt  }
0x82: {  	_ =	shalt  }
0x83: {  	_ =	shalt  }
0x84: {  	_ =	shalt  }
0x85: {  	_ =	shalt  }
0x86: {  	_ =	shalt  }
0x87: {  	_ =	shalt  }
.Lfunc_end0:
.L_simem_size_0:
called_computation.3_lowered:
.L_overlay_start_0:
0x88: {  	s2 =	sld [smem:$0x3FD9]  }
0x89: {  	s3 =	sld [smem:$0x3FFE];
	_ =	sdelay $0x1  }
0x8a: {  	s1 =	srdreg.scid  }
0x8b: {  	s0 =	sand.u32 $0x1, s1  }
0x8c: {  	s16 =	sshll.u32 s0, $0xA;
	s2 =	sadd.s32 s3, s2  }
0x8d: {  	s2 =	sadd.s32 s2, s16  }
0x8e: {  	[smem:$0x3FB9] =	sst s2  }
0x8f: {  	_ = 	snop  }
0x90: {  	(tm) =	ssettm $0x1  }
0x91: {  	s17 =	sld [smem:$0x3FFB];
	_ =	sdelay $0x3  }
0x92: {  	_ =	strace s17  }
0x93: {  	s2 =	sld [smem:$0x3FFC];
	_ =	sdelay $0x3  }
0x94: {  	_ =	strace s2  }
0x95: {  	s2 =	sld [smem:$0x3FFD];
	_ =	sdelay $0x3  }
0x96: {  	_ =	strace s2  }
0x97: {  	_ =	strace $0x8FFFFFFF  }
0x98: {  	s18 =	sld [smem:$0x3FDB];
	_ =	sdelay $0x1  }
0x99: {  	s19 =	simm.s32 $_scs_section_size  }
0x9a: {  	s4 =	simm.s32 $_size__tile_overlayer_lowered;
	s5 =	simm.s32 $_tile_overlayer_lowered  }
0x9b: {  	s22 =	simm.s32 $0x1BFF;
	s21 =	sshll.u32 s5, $0x1;
	s2 =	sadd.s32 s19, s18  }
0x9c: {  	s6 =	simm.s32 $0x0;
	s20 =	sshll.u32 s4, $0x1;
	s4 =	sadd.s32 s21, s2  }
0x9d: {  	[timem:s6], [sflag:s22] =	dma.local [hbm:s4], s20  }
0x9e: {  	_ =	swait.ge [sflag:s22], s20  }
0x9f: {  	s3 =	ssub.s32 $0x0, s20;
	[sflag:s22] =	ssyncset.done $0x0  }
0xa0: {  	[sflag:s22] =	ssyncadd.s32 s3;
	_ =	sdelay $0x1  }
0xa1: {  	s23 =	simm.s32 $0x1B8B  }
0xa2: {  	_ =	swait.ge [sflag:s23], $0x1  }
0xa3: {  	[sflag:s23] =	ssyncset.done $0x0  }
0xa4: {  	s25 =	simm.s32 $0x1B8E;
	s24 =	sld [smem:$0x3FFE];
	[sflag:s23] =	ssyncadd.s32 $0xFFFFFFFF  }
0xa5: {  	s26 =	simm.s32 $execute0_lowered;
	[smem:$0x3FD2] =	sst s25  }
0xa6: {  	s4 =	sshll.u32 s26, $0x1;
	_ =	strace $0x8000004F;
	[dreg:$0x1] =	wrdreg $0xFFFFFFFF  }
0xa7: {  	s28 =	simm.s32 $_size_execute0_lowered;
	s2 =	sadd.s32 s2, s4;
	[dreg:$0x0] =	wrdreg $0x0  }
0xa8: {  	s4 =	sshll.u32 s28, $0x1;
	[dreg:$0x2] =	wrdreg s2  }
0xa9: {  	[dreg:$0x3] =	wrdreg s4  }
0xaa: {  	[dreg:$0x4] =	wrdreg $0xC0  }
0xab: {  	_ =	task [dreg:s6], $0x5FFFF  }
0xac: {  	[dreg:$0x1] =	wrdreg $0xFFFFFFFF  }
0xad: {  	[dreg:$0x0] =	wrdreg $0x60  }
0xae: {  	[dreg:$0x2] =	wrdreg s24  }
0xaf: {  	[dreg:$0x3] =	wrdreg $0x15C400  }
0xb0: {  	[dreg:$0x4] =	wrdreg $0x9  }
0xb1: {  	_ =	task.clear_ibuf [dreg:s6], $0x5FFFF;
	_ =	strace $0x9000004F  }
0xb2: {  	s29 =	simm.s32 $0x9;
	_ =	strace $0x80000051  }
0xb3: {  	_ =	swait.ge [sflag:s29], $0x1  }
0xb4: {  	[sflag:s29] =	ssyncadd.s32 $0xFFFFFFFF  }
0xb5: {  	_ =	strace $0x90000051  }
0xb6: {  	_ =	sfence  }
0xb7: {  	s30 =	sld [smem:$0x0];
	_ =	sdelay $0x2  }
0xb8: {  	s31 =	sshll.u32 s1, $0xD;
	s1 =	sshrl.u32 s1, $0x2  }
0xb9: {  	s3 =	sand.u32 $0x4000, s31;
	s1 =	sadd.s32 s1, s30  }
0xba: {  	s0 =	sor.u32 s3, s0;
	s1 =	sshll.u32 s1, $0x11  }
0xbb: {  	s0 =	sor.u32 s1, s0  }
0xbc: {  	s0 =	sadd.s32 $0x8F2B, s0  }
0xbd: {  	[sflag:s0] =	ssyncadd.remote.s32 $0x1  }
0xbe: {  	_ =	sfence.sel $0xFFFF  }
0xbf: {  	[dreg:$0x0] =	wrdreg $0xFFFFFFFF;
	(pc) =	sbr.abs _section_cstart, $3  }
0xc0: {  	[dreg:$0x1] =	wrdreg $0xFFFFFFFF  }
0xc1: {  	_ =	task.clear_ibuf [dreg:s6], $0x2FFFF;
	_ =	strace $0x9FFFFFFF  }
0xc2: {  	(tm) =	ssettm $0x7FFFFFFF  }
0xc3: {  	_ =	shalt  }
tec
execute0_lowered:
.L_overlay_start_1:
0x0: {  	(tag) =	ssettag $0x1  }
0x1: {  	s0 =	rddreg [dreg:$0x0]  }
0x2: {  	s1 =	rddreg [dreg:$0x1]  }
0x3: {  	s2 =	srdreg.scid;
	s4 =	simm.s32 $0x0;
	s7 =	stileid.u32  }
0x4: {  	s15 =	simm.s32 $0x13C40;
	s16 =	simm.s32 $0xD;
	s29 =	simm.s32 $0x11D00  }
0x5: {  	s30 =	simm.s32 $0x1;
	s31 =	simm.s32 $0x2;
	s17 =	smul.u32 $0x14000, s7  }
0x6: {  	s14 =	simm.s32 $0x4;
	s28 =	simm.s32 $0x8;
	s5 =	smul.u32 $0xA00, s7  }
0x7: {  	s2 =	sand.u32 $0x1, s2;
	[smem:$0x7FF] =	sst s4;
	s18 =	smul.u32 $0x28000, s7  }
0x8: {  	s3 =	smul.u32 $0x13880, s2;
	_ =	strace $0x80000050;
	s6 =	sshll.u32 s2, $0x6  }
0x9: {  	s2 =	ssub.s32 $0x2, s2;
	s4 =	sor.u32 s6, s17;
	s19 =	sadd.s32 s5, s0  }
0xa: {  	s20 =	sshrl.u32 s2, $0x1;
	s21 =	sshrl.u32 s18, $0x2;
	s17 =	simm.s32 $0xB  }
0xb: {  	s18 =	simm.s32 $0xC;
	s6 =	simm.s32 $0x0;
	s3 =	sadd.s32 s3, s0  }
0xc: {  	s4 =	sshrl.u32 s4, $0x3;
	s2 =	ssub.s32 s2, s20;
	s22 =	sadd.s32 $0x22600, s19  }
0xd: {  	s5 =	sadd.s32 s21, s1;
	s23 =	sadd.s32 $0x18600, s19;
	s19 =	simm.s32 $0x7D  }
0xe: {  	s20 =	simm.s32 $0xA000;
	s21 =	simm.s32 $0x5;
	[dreg:$0x3] =	wrdreg s22  }
0xf: {  	s0 =	sadd.s32 s4, s0;
	[dreg:$0x4] =	wrdreg s23;
	s24 =	sadd.s32 $0x2000, s5  }
0x10: {  	s25 =	sadd.s32 $0x4000, s5;
	s26 =	sadd.s32 $0x6000, s5;
	s10 =	sadd.s32 $0x8000, s5  }
0x11: {  	s11 =	sadd.s32 $0x2C600, s3;
	s13 =	smax.u32 s2, $0x1;
	s22 =	simm.s32 $0xBF40  }
0x12: {  	s23 =	simm.s32 $0x6;
	s2 =	simm.s32 $0x9;
	[dreg:$0x5] =	wrdreg s24  }
0x13: {  	s3 =	simm.s32 $0xA;
	s4 =	simm.s32 $0x4F80;
	[dreg:$0x6] =	wrdreg s25  }
0x14: {  	[dreg:$0x7] =	wrdreg s26;
	s12 =	sadd.s32 $0xA1A00, s0;
	s24 =	simm.s32 $0xDE80  }
0x15: {  	v0 =	vimm.f32 $0.0e+00;
	s26 =	simm.s32 $0xFDC0;
	s0 =	simm.s32 $0x3;
	s25 =	simm.s32 $0x7  }
.LBB2_1:
0x16: {  	s7 =	simm.s32 $0x0;
	s8 =	rddreg [dreg:$0x3]  }
0x17: {  	[tilespmem:s7], [sflag:$0xB] =	stream.linear.gather [hbm4b:s8+s7], $0x5000, $0x38;
	[tilespmem:$0x1FC40] =	vst v63  }
0x18: {  	s9 =	simm.s32 $0x5000;
	s8 =	rddreg [dreg:$0x4]  }
0x19: {  	[tilespmem:s9], [sflag:$0xC] =	stream.linear.gather [hbm4b:s8+s7], $0x5000, $0x38;
	[tilespmem:$0x1FC40] =	vst v63  }
0x1a: {  	s8 =	simm.s32 $0x100;
	s7 =	simm.s32 $0x0  }
.LBB2_2:
0x1b: {  	p0 =	sne.s32 s8, $0x7F00;
	[tilespmem:s7+$0x13C70] =	vst v0;
	s9 =	smov.u32 s8;
	s8 =	sadd.s32 $0x100, s8  }
.Ltmp0:
0x1c: {  	[tilespmem:s7+$0x13C60] =	vst v0;
	(pc) =	sbr.rel @p0 .LBB2_2-.Ltmp0, $3  }
0x1d: {  	[tilespmem:s7+$0x13C40] =	vst v0  }
0x1e: {  	[tilespmem:s7+$0x13C50] =	vst v0;
	_ =	sdelay $0x1  }
0x1f: {  	s7 =	sshra.s32 s9, $0x2  }
0x20: {  	[tilespmem:s7+$0x13C70] =	vst v0  }
0x21: {  	[tilespmem:s7+$0x13C60] =	vst v0  }
0x22: {  	[tilespmem:s7+$0x13C40] =	vst v0  }
0x23: {  	[tilespmem:s7+$0x13C50] =	vst v0  }
0x24: {  	[spmem:s5] =	stream.linear.scatter [tilespmem:s15], [sflag:$0xD], $0x2000, $0x38;
	[tilespmem:$0x1FC40] =	vst v63  }
0x25: {  	_ =	swait.ge [sflag:s16], $0x2000  }
0x26: {  	[sflag:s16] =	ssyncset.done $0x0  }
0x27: {  	s9 =	rddreg [dreg:$0x5];
	[sflag:s16] =	ssyncadd.s32 $0xFFFFE000  }
0x28: {  	[spmem:s9] =	stream.linear.scatter [tilespmem:s15], [sflag:$0xD], $0x2000, $0x38;
	[tilespmem:$0x1FC40] =	vst v63  }
0x29: {  	_ =	swait.ge [sflag:s16], $0x2000  }
0x2a: {  	[sflag:s16] =	ssyncset.done $0x0  }
0x2b: {  	s8 =	rddreg [dreg:$0x6];
	[sflag:s16] =	ssyncadd.s32 $0xFFFFE000  }
0x2c: {  	[spmem:s8] =	stream.linear.scatter [tilespmem:s15], [sflag:$0xD], $0x2000, $0x38;
	[tilespmem:$0x1FC40] =	vst v63  }
0x2d: {  	_ =	swait.ge [sflag:s16], $0x2000  }
0x2e: {  	[sflag:s16] =	ssyncset.done $0x0  }
0x2f: {  	s9 =	rddreg [dreg:$0x7];
	[sflag:s16] =	ssyncadd.s32 $0xFFFFE000  }
0x30: {  	[spmem:s9] =	stream.linear.scatter [tilespmem:s15], [sflag:$0xD], $0x2000, $0x38;
	[tilespmem:$0x1FC40] =	vst v63  }
0x31: {  	_ =	swait.ge [sflag:s16], $0x2000  }
0x32: {  	[sflag:s16] =	ssyncset.done $0x0  }
0x33: {  	[sflag:s16] =	ssyncadd.s32 $0xFFFFE000  }
0x34: {  	[spmem:s10] =	stream.linear.scatter [tilespmem:s15], [sflag:$0xD], $0x2000, $0x38;
	[tilespmem:$0x1FC40] =	vst v63  }
0x35: {  	_ =	swait.ge [sflag:s16], $0x2000  }
0x36: {  	[sflag:s16] =	ssyncset.done $0x0  }
0x37: {  	[sflag:s16] =	ssyncadd.s32 $0xFFFFE000  }
0x38: {  	_ =	swait.ge [sflag:s17], $0x5000  }
0x39: {  	[sflag:s17] =	ssyncset.done $0x0  }
0x3a: {  	[sflag:s17] =	ssyncadd.s32 $0xFFFFB000  }
0x3b: {  	_ =	swait.ge [sflag:s18], $0x5000  }
0x3c: {  	[sflag:s18] =	ssyncset.done $0x0  }
0x3d: {  	s8 =	simm.s32 $0x0;
	[sflag:s18] =	ssyncadd.s32 $0xFFFFB000  }
0x3e: {  	[tilespmem:s20], [sflag:$0x1] =	stream.indirect.gather [hbm4b:s11+s19], $0x40, s8, s19, $0xb8;
	[tilespmem:$0x1FC40] =	vst v63  }
0x3f: {  	s9 =	simm.s32 $0x80  }
0x40: {  	[tilespmem:s22], [sflag:$0x2] =	stream.indirect.gather [hbm4b:s11+s19], $0x40, s9, s19, $0xb8;
	[tilespmem:$0x1FC40] =	vst v63  }
0x41: {  	s8 =	simm.s32 $0x100  }
0x42: {  	[tilespmem:s24], [sflag:$0x3] =	stream.indirect.gather [hbm4b:s11+s19], $0x40, s8, s19, $0xb8;
	[tilespmem:$0x1FC40] =	vst v63  }
0x43: {  	s9 =	simm.s32 $0x180  }
0x44: {  	[tilespmem:s26], [sflag:$0x4] =	stream.indirect.gather [hbm4b:s11+s19], $0x40, s9, s19, $0xb8;
	[tilespmem:$0x1FC40] =	vst v63  }
0x45: {  	s8 =	simm.s32 $0x200  }
0x46: {  	[tilespmem:s29], [sflag:$0x5] =	stream.indirect.gather [hbm4b:s11+s19], $0x40, s8, s19, $0xb8;
	[tilespmem:$0x1FC40] =	vst v63  }
0x47: {  	[bflag:$0x0] =	sbarrier.arrive $0xFFFF  }
0x48: {  	_ =	swait.ge [sflag:s30], $0x1F40  }
0x49: {  	[sflag:s30] =	ssyncset.done $0x0  }
0x4a: {  	s9 =	simm.s32 $0x5000;
	[sflag:s30] =	ssyncadd.s32 $0xFFFFE0C0  }
0x4b: {  	[spmem:s1] =	stream.indirect.scatter.add.f32 [tilespmem:s20], [sflag:$0x6], $0x40, s9, s19, $0xb8;
	[tilespmem:$0x1FC40] =	vst v63  }
0x4c: {  	_ =	swait.ge [sflag:s31], $0x1F40  }
0x4d: {  	[sflag:s31] =	ssyncset.done $0x0  }
0x4e: {  	s8 =	simm.s32 $0x5080;
	[sflag:s31] =	ssyncadd.s32 $0xFFFFE0C0  }
0x4f: {  	[spmem:s1] =	stream.indirect.scatter.add.f32 [tilespmem:s22], [sflag:$0x7], $0x40, s8, s19, $0xb8;
	[tilespmem:$0x1FC40] =	vst v63  }
0x50: {  	_ =	swait.ge [sflag:s0], $0x1F40  }
0x51: {  	[sflag:s0] =	ssyncset.done $0x0  }
0x52: {  	s9 =	simm.s32 $0x5100;
	[sflag:s0] =	ssyncadd.s32 $0xFFFFE0C0  }
0x53: {  	[spmem:s1] =	stream.indirect.scatter.add.f32 [tilespmem:s24], [sflag:$0x8], $0x40, s9, s19, $0xb8;
	[tilespmem:$0x1FC40] =	vst v63  }
0x54: {  	_ =	swait.ge [sflag:s14], $0x1F40  }
0x55: {  	[sflag:s14] =	ssyncset.done $0x0  }
0x56: {  	s8 =	simm.s32 $0x5180;
	[sflag:s14] =	ssyncadd.s32 $0xFFFFE0C0  }
0x57: {  	[spmem:s1] =	stream.indirect.scatter.add.f32 [tilespmem:s26], [sflag:$0x9], $0x40, s8, s19, $0xb8;
	[tilespmem:$0x1FC40] =	vst v63  }
0x58: {  	_ =	swait.ge [sflag:s21], $0x1F40  }
0x59: {  	[sflag:s21] =	ssyncset.done $0x0  }
0x5a: {  	s9 =	simm.s32 $0x5200;
	[sflag:s21] =	ssyncadd.s32 $0xFFFFE0C0  }
0x5b: {  	[spmem:s1] =	stream.indirect.scatter.add.f32 [tilespmem:s29], [sflag:$0xA], $0x40, s9, s19, $0xb8;
	[tilespmem:$0x1FC40] =	vst v63  }
0x5c: {  	_ =	swait.ge [sflag:s23], $0x1F40  }
0x5d: {  	[sflag:s23] =	ssyncset.done $0x0  }
0x5e: {  	s8 =	simm.s32 $0x280;
	[sflag:s23] =	ssyncadd.s32 $0xFFFFE0C0  }
0x5f: {  	[tilespmem:s20], [sflag:$0x1] =	stream.indirect.gather [hbm4b:s11+s19], $0x40, s8, s19, $0xb8;
	[tilespmem:$0x1FC40] =	vst v63  }
0x60: {  	_ =	swait.ge [sflag:s25], $0x1F40  }
0x61: {  	[sflag:s25] =	ssyncset.done $0x0  }
0x62: {  	s9 =	simm.s32 $0x300;
	[sflag:s25] =	ssyncadd.s32 $0xFFFFE0C0  }
0x63: {  	[tilespmem:s22], [sflag:$0x2] =	stream.indirect.gather [hbm4b:s11+s19], $0x40, s9, s19, $0xb8;
	[tilespmem:$0x1FC40] =	vst v63  }
0x64: {  	_ =	swait.ge [sflag:s28], $0x1F40  }
0x65: {  	[sflag:s28] =	ssyncset.done $0x0  }
0x66: {  	s8 =	simm.s32 $0x380;
	[sflag:s28] =	ssyncadd.s32 $0xFFFFE0C0  }
0x67: {  	[tilespmem:s24], [sflag:$0x3] =	stream.indirect.gather [hbm4b:s11+s19], $0x40, s8, s19, $0xb8;
	[tilespmem:$0x1FC40] =	vst v63  }
0x68: {  	_ =	swait.ge [sflag:s2], $0x1F40  }
0x69: {  	[sflag:s2] =	ssyncset.done $0x0  }
0x6a: {  	s9 =	simm.s32 $0x400;
	[sflag:s2] =	ssyncadd.s32 $0xFFFFE0C0  }
0x6b: {  	[tilespmem:s26], [sflag:$0x4] =	stream.indirect.gather [hbm4b:s11+s19], $0x40, s9, s19, $0xb8;
	[tilespmem:$0x1FC40] =	vst v63  }
0x6c: {  	_ =	swait.ge [sflag:s3], $0x1F40  }
0x6d: {  	[sflag:s3] =	ssyncset.done $0x0  }
0x6e: {  	s7 =	simm.s32 $0xA00;
	s8 =	simm.s32 $0x480;
	[sflag:s3] =	ssyncadd.s32 $0xFFFFE0C0  }
.LBB2_4:
0x6f: {  	[tilespmem:s29], [sflag:$0x5] =	stream.indirect.gather [hbm4b:s11+s19], $0x40, s8, s19, $0xb8;
	[tilespmem:$0x1FC40] =	vst v63  }
0x70: {  	s8 =	smov.u32 s7;
	s7 =	sadd.s32 $0xA00, s7;
	_ =	swait.ge [sflag:s30], $0x1F40  }
0x71: {  	s8 =	sshra.s32 s8, $0x2;
	p0 =	sne.s32 s7, $0x12C00;
	[sflag:s30] =	ssyncset.done $0x0  }
0x72: {  	s9 =	sadd.s32 $0x5000, s8;
	[sflag:s30] =	ssyncadd.s32 $0xFFFFE0C0  }
0x73: {  	[spmem:s1] =	stream.indirect.scatter.add.f32 [tilespmem:s20], [sflag:$0x6], $0x40, s9, s19, $0xb8;
	[tilespmem:$0x1FC40] =	vst v63  }
0x74: {  	_ =	swait.ge [sflag:s31], $0x1F40  }
0x75: {  	[sflag:s31] =	ssyncset.done $0x0  }
0x76: {  	s9 =	sadd.s32 $0x5080, s8;
	[sflag:s31] =	ssyncadd.s32 $0xFFFFE0C0  }
0x77: {  	[spmem:s1] =	stream.indirect.scatter.add.f32 [tilespmem:s22], [sflag:$0x7], $0x40, s9, s19, $0xb8;
	[tilespmem:$0x1FC40] =	vst v63  }
0x78: {  	_ =	swait.ge [sflag:s0], $0x1F40  }
0x79: {  	[sflag:s0] =	ssyncset.done $0x0  }
0x7a: {  	s9 =	sadd.s32 $0x5100, s8;
	[sflag:s0] =	ssyncadd.s32 $0xFFFFE0C0  }
0x7b: {  	[spmem:s1] =	stream.indirect.scatter.add.f32 [tilespmem:s24], [sflag:$0x8], $0x40, s9, s19, $0xb8;
	[tilespmem:$0x1FC40] =	vst v63  }
0x7c: {  	_ =	swait.ge [sflag:s14], $0x1F40  }
0x7d: {  	[sflag:s14] =	ssyncset.done $0x0  }
0x7e: {  	s9 =	sadd.s32 $0x5180, s8;
	[sflag:s14] =	ssyncadd.s32 $0xFFFFE0C0  }
0x7f: {  	[spmem:s1] =	stream.indirect.scatter.add.f32 [tilespmem:s26], [sflag:$0x9], $0x40, s9, s19, $0xb8;
	[tilespmem:$0x1FC40] =	vst v63  }
0x80: {  	_ =	swait.ge [sflag:s21], $0x1F40  }
0x81: {  	[sflag:s21] =	ssyncset.done $0x0  }
0x82: {  	s9 =	sadd.s32 $0x5200, s8;
	[sflag:s21] =	ssyncadd.s32 $0xFFFFE0C0  }
0x83: {  	[spmem:s1] =	stream.indirect.scatter.add.f32 [tilespmem:s29], [sflag:$0xA], $0x40, s9, s19, $0xb8;
	[tilespmem:$0x1FC40] =	vst v63  }
0x84: {  	_ =	swait.ge [sflag:s23], $0x1F40  }
0x85: {  	[sflag:s23] =	ssyncset.done $0x0  }
0x86: {  	s9 =	sadd.s32 $0x280, s8;
	[sflag:s23] =	ssyncadd.s32 $0xFFFFE0C0  }
0x87: {  	[tilespmem:s20], [sflag:$0x1] =	stream.indirect.gather [hbm4b:s11+s19], $0x40, s9, s19, $0xb8;
	[tilespmem:$0x1FC40] =	vst v63  }
0x88: {  	_ =	swait.ge [sflag:s25], $0x1F40  }
0x89: {  	[sflag:s25] =	ssyncset.done $0x0  }
0x8a: {  	s9 =	sadd.s32 $0x300, s8;
	[sflag:s25] =	ssyncadd.s32 $0xFFFFE0C0  }
0x8b: {  	[tilespmem:s22], [sflag:$0x2] =	stream.indirect.gather [hbm4b:s11+s19], $0x40, s9, s19, $0xb8;
	[tilespmem:$0x1FC40] =	vst v63  }
0x8c: {  	_ =	swait.ge [sflag:s28], $0x1F40  }
0x8d: {  	[sflag:s28] =	ssyncset.done $0x0  }
0x8e: {  	s9 =	sadd.s32 $0x380, s8;
	[sflag:s28] =	ssyncadd.s32 $0xFFFFE0C0  }
0x8f: {  	[tilespmem:s24], [sflag:$0x3] =	stream.indirect.gather [hbm4b:s11+s19], $0x40, s9, s19, $0xb8;
	[tilespmem:$0x1FC40] =	vst v63  }
0x90: {  	_ =	swait.ge [sflag:s2], $0x1F40  }
0x91: {  	[sflag:s2] =	ssyncset.done $0x0  }
.Ltmp1:
0x92: {  	s9 =	sadd.s32 $0x400, s8;
	[sflag:s2] =	ssyncadd.s32 $0xFFFFE0C0;
	(pc) =	sbr.rel @p0 .LBB2_4-.Ltmp1, $4  }
0x93: {  	[tilespmem:s26], [sflag:$0x4] =	stream.indirect.gather [hbm4b:s11+s19], $0x40, s9, s19, $0xb8;
	[tilespmem:$0x1FC40] =	vst v63  }
0x94: {  	_ =	swait.ge [sflag:s3], $0x1F40  }
0x95: {  	[sflag:s3] =	ssyncset.done $0x0  }
0x96: {  	s8 =	sadd.s32 $0x480, s8;
	[sflag:s3] =	ssyncadd.s32 $0xFFFFE0C0  }
0x97: {  	[tilespmem:s29], [sflag:$0x5] =	stream.indirect.gather [hbm4b:s11+s19], $0x40, s8, s19, $0xb8;
	[tilespmem:$0x1FC40] =	vst v63  }
0x98: {  	_ =	swait.ge [sflag:s30], $0x1F40  }
0x99: {  	s7 =	sshra.s32 s7, $0x2;
	[sflag:s30] =	ssyncset.done $0x0  }
0x9a: {  	s9 =	sadd.s32 $0x5000, s7;
	[sflag:s30] =	ssyncadd.s32 $0xFFFFE0C0  }
0x9b: {  	[spmem:s1] =	stream.indirect.scatter.add.f32 [tilespmem:s20], [sflag:$0x6], $0x40, s9, s19, $0xb8;
	[tilespmem:$0x1FC40] =	vst v63  }
0x9c: {  	_ =	swait.ge [sflag:s31], $0x1F40  }
0x9d: {  	[sflag:s31] =	ssyncset.done $0x0  }
0x9e: {  	s9 =	sadd.s32 $0x5080, s7;
	[sflag:s31] =	ssyncadd.s32 $0xFFFFE0C0  }
0x9f: {  	[spmem:s1] =	stream.indirect.scatter.add.f32 [tilespmem:s22], [sflag:$0x7], $0x40, s9, s19, $0xb8;
	[tilespmem:$0x1FC40] =	vst v63  }
0xa0: {  	_ =	swait.ge [sflag:s0], $0x1F40  }
0xa1: {  	[sflag:s0] =	ssyncset.done $0x0  }
0xa2: {  	s9 =	sadd.s32 $0x5100, s7;
	[sflag:s0] =	ssyncadd.s32 $0xFFFFE0C0  }
0xa3: {  	[spmem:s1] =	stream.indirect.scatter.add.f32 [tilespmem:s24], [sflag:$0x8], $0x40, s9, s19, $0xb8;
	[tilespmem:$0x1FC40] =	vst v63  }
0xa4: {  	_ =	swait.ge [sflag:s14], $0x1F40  }
0xa5: {  	[sflag:s14] =	ssyncset.done $0x0  }
0xa6: {  	s9 =	sadd.s32 $0x5180, s7;
	[sflag:s14] =	ssyncadd.s32 $0xFFFFE0C0  }
0xa7: {  	[spmem:s1] =	stream.indirect.scatter.add.f32 [tilespmem:s26], [sflag:$0x9], $0x40, s9, s19, $0xb8;
	[tilespmem:$0x1FC40] =	vst v63  }
0xa8: {  	_ =	swait.ge [sflag:s21], $0x1F40  }
0xa9: {  	[sflag:s21] =	ssyncset.done $0x0  }
0xaa: {  	s7 =	sadd.s32 $0x5200, s7;
	[sflag:s21] =	ssyncadd.s32 $0xFFFFE0C0  }
0xab: {  	[spmem:s1] =	stream.indirect.scatter.add.f32 [tilespmem:s29], [sflag:$0xA], $0x40, s7, s19, $0xb8;
	[tilespmem:$0x1FC40] =	vst v63  }
0xac: {  	_ =	swait.ge [sflag:s23], $0x1F40  }
0xad: {  	[sflag:s23] =	ssyncset.done $0x0  }
0xae: {  	s8 =	simm.s32 $0x4D80;
	[sflag:s23] =	ssyncadd.s32 $0xFFFFE0C0  }
0xaf: {  	[tilespmem:s20], [sflag:$0x1] =	stream.indirect.gather [hbm4b:s11+s19], $0x40, s8, s19, $0xb8;
	[tilespmem:$0x1FC40] =	vst v63  }
0xb0: {  	_ =	swait.ge [sflag:s25], $0x1F40  }
0xb1: {  	[sflag:s25] =	ssyncset.done $0x0  }
0xb2: {  	s9 =	simm.s32 $0x4E00;
	[sflag:s25] =	ssyncadd.s32 $0xFFFFE0C0  }
0xb3: {  	[tilespmem:s22], [sflag:$0x2] =	stream.indirect.gather [hbm4b:s11+s19], $0x40, s9, s19, $0xb8;
	[tilespmem:$0x1FC40] =	vst v63  }
0xb4: {  	_ =	swait.ge [sflag:s28], $0x1F40  }
0xb5: {  	[sflag:s28] =	ssyncset.done $0x0  }
0xb6: {  	s8 =	simm.s32 $0x4E80;
	[sflag:s28] =	ssyncadd.s32 $0xFFFFE0C0  }
0xb7: {  	[tilespmem:s24], [sflag:$0x3] =	stream.indirect.gather [hbm4b:s11+s19], $0x40, s8, s19, $0xb8;
	[tilespmem:$0x1FC40] =	vst v63  }
0xb8: {  	_ =	swait.ge [sflag:s2], $0x1F40  }
0xb9: {  	[sflag:s2] =	ssyncset.done $0x0  }
0xba: {  	s9 =	simm.s32 $0x4F00;
	[sflag:s2] =	ssyncadd.s32 $0xFFFFE0C0  }
0xbb: {  	[tilespmem:s26], [sflag:$0x4] =	stream.indirect.gather [hbm4b:s11+s19], $0x40, s9, s19, $0xb8;
	[tilespmem:$0x1FC40] =	vst v63  }
0xbc: {  	_ =	swait.ge [sflag:s3], $0x1F40  }
0xbd: {  	[sflag:s3] =	ssyncset.done $0x0  }
0xbe: {  	[sflag:s3] =	ssyncadd.s32 $0xFFFFE0C0  }
0xbf: {  	[tilespmem:s29], [sflag:$0x5] =	stream.indirect.gather [hbm4b:s11+s19], $0x40, s4, s19, $0xb8;
	[tilespmem:$0x1FC40] =	vst v63  }
0xc0: {  	_ =	swait.ge [sflag:s30], $0x1F40  }
0xc1: {  	[sflag:s30] =	ssyncset.done $0x0  }
0xc2: {  	s8 =	simm.s32 $0x9D80;
	[sflag:s30] =	ssyncadd.s32 $0xFFFFE0C0  }
0xc3: {  	[spmem:s1] =	stream.indirect.scatter.add.f32 [tilespmem:s20], [sflag:$0x6], $0x40, s8, s19, $0xb8;
	[tilespmem:$0x1FC40] =	vst v63  }
0xc4: {  	_ =	swait.ge [sflag:s31], $0x1F40  }
0xc5: {  	[sflag:s31] =	ssyncset.done $0x0  }
0xc6: {  	s9 =	simm.s32 $0x9E00;
	[sflag:s31] =	ssyncadd.s32 $0xFFFFE0C0  }
0xc7: {  	[spmem:s1] =	stream.indirect.scatter.add.f32 [tilespmem:s22], [sflag:$0x7], $0x40, s9, s19, $0xb8;
	[tilespmem:$0x1FC40] =	vst v63  }
0xc8: {  	_ =	swait.ge [sflag:s0], $0x1F40  }
0xc9: {  	[sflag:s0] =	ssyncset.done $0x0  }
0xca: {  	s8 =	simm.s32 $0x9E80;
	[sflag:s0] =	ssyncadd.s32 $0xFFFFE0C0  }
0xcb: {  	[spmem:s1] =	stream.indirect.scatter.add.f32 [tilespmem:s24], [sflag:$0x8], $0x40, s8, s19, $0xb8;
	[tilespmem:$0x1FC40] =	vst v63  }
0xcc: {  	_ =	swait.ge [sflag:s14], $0x1F40  }
0xcd: {  	[sflag:s14] =	ssyncset.done $0x0  }
0xce: {  	s9 =	simm.s32 $0x9F00;
	[sflag:s14] =	ssyncadd.s32 $0xFFFFE0C0  }
0xcf: {  	[spmem:s1] =	stream.indirect.scatter.add.f32 [tilespmem:s26], [sflag:$0x9], $0x40, s9, s19, $0xb8;
	[tilespmem:$0x1FC40] =	vst v63  }
0xd0: {  	_ =	swait.ge [sflag:s21], $0x1F40  }
0xd1: {  	[sflag:s21] =	ssyncset.done $0x0  }
0xd2: {  	s8 =	simm.s32 $0x9F80;
	[sflag:s21] =	ssyncadd.s32 $0xFFFFE0C0  }
0xd3: {  	[spmem:s1] =	stream.indirect.scatter.add.f32 [tilespmem:s29], [sflag:$0xA], $0x40, s8, s19, $0xb8;
	[tilespmem:$0x1FC40] =	vst v63  }
0xd4: {  	_ =	swait.ge [sflag:s23], $0x1F40  }
0xd5: {  	[sflag:s23] =	ssyncset.done $0x0  }
0xd6: {  	[sflag:s23] =	ssyncadd.s32 $0xFFFFE0C0  }
0xd7: {  	[tilespmem:s20], [sflag:$0x1] =	stream.indirect.gather [hbm4b:s11+s19], $0x40, s4, s19, $0xb8;
	[tilespmem:$0x1FC40] =	vst v63  }
0xd8: {  	_ =	swait.ge [sflag:s25], $0x1F40  }
0xd9: {  	[sflag:s25] =	ssyncset.done $0x0  }
0xda: {  	[sflag:s25] =	ssyncadd.s32 $0xFFFFE0C0  }
0xdb: {  	[tilespmem:s22], [sflag:$0x2] =	stream.indirect.gather [hbm4b:s11+s19], $0x40, s4, s19, $0xb8;
	[tilespmem:$0x1FC40] =	vst v63  }
0xdc: {  	_ =	swait.ge [sflag:s28], $0x1F40  }
0xdd: {  	[sflag:s28] =	ssyncset.done $0x0  }
0xde: {  	[sflag:s28] =	ssyncadd.s32 $0xFFFFE0C0  }
0xdf: {  	[tilespmem:s24], [sflag:$0x3] =	stream.indirect.gather [hbm4b:s11+s19], $0x40, s4, s19, $0xb8;
	[tilespmem:$0x1FC40] =	vst v63  }
0xe0: {  	_ =	swait.ge [sflag:s2], $0x1F40  }
0xe1: {  	[sflag:s2] =	ssyncset.done $0x0  }
0xe2: {  	[sflag:s2] =	ssyncadd.s32 $0xFFFFE0C0  }
0xe3: {  	[tilespmem:s26], [sflag:$0x4] =	stream.indirect.gather [hbm4b:s11+s19], $0x40, s4, s19, $0xb8;
	[tilespmem:$0x1FC40] =	vst v63  }
0xe4: {  	_ =	swait.ge [sflag:s3], $0x1F40  }
0xe5: {  	[sflag:s3] =	ssyncset.done $0x0  }
0xe6: {  	[sflag:s3] =	ssyncadd.s32 $0xFFFFE0C0  }
0xe7: {  	[tilespmem:s29], [sflag:$0x5] =	stream.indirect.gather [hbm4b:s11+s19], $0x40, s4, s19, $0xb8;
	[tilespmem:$0x1FC40] =	vst v63  }
0xe8: {  	_ =	swait.ge [sflag:s30], $0x1F40  }
0xe9: {  	[sflag:s30] =	ssyncset.done $0x0  }
0xea: {  	[sflag:s30] =	ssyncadd.s32 $0xFFFFE0C0  }
0xeb: {  	_ =	swait.ge [sflag:s31], $0x1F40  }
0xec: {  	[sflag:s31] =	ssyncset.done $0x0  }
0xed: {  	[sflag:s31] =	ssyncadd.s32 $0xFFFFE0C0  }
0xee: {  	_ =	swait.ge [sflag:s0], $0x1F40  }
0xef: {  	[sflag:s0] =	ssyncset.done $0x0  }
0xf0: {  	[sflag:s0] =	ssyncadd.s32 $0xFFFFE0C0  }
0xf1: {  	_ =	swait.ge [sflag:s14], $0x1F40  }
0xf2: {  	[sflag:s14] =	ssyncset.done $0x0  }
0xf3: {  	[sflag:s14] =	ssyncadd.s32 $0xFFFFE0C0  }
0xf4: {  	s6 =	sadd.s32 $0x1, s6;
	s9 =	stileid.u32;
	_ =	swait.ge [sflag:s21], $0x1F40  }
0xf5: {  	p0 =	sne.s32 s6, s13;
	s7 =	sshll.u32 s9, $0x6;
	[sflag:s21] =	ssyncset.done $0x0  }
0xf6: {  	s9 =	simm.s32 $0x10;
	s7 =	sor.u32 $0x1C0D, s7;
	[sflag:s21] =	ssyncadd.s32 $0xFFFFE0C0  }
.Ltmp2:
0xf7: {  	s8 =	sshrl.u32 s5, $0x3;
	[bflag:$0x0] =	sbarrier.arrive $0xFFFF;
	(pc) =	sbr.rel @p0 .LBB2_1-.Ltmp2, $4  }
0xf8: {  	[hbm:s12@s9], [sflag:s7] =	dma.strided [spmem:s8@s28], $0x1400, s30, $0x8   }
0xf9: {  	_ =	swait.ge [sflag:s16], $0x1400  }
0xfa: {  	[sflag:s16] =	ssyncset.done $0x0  }
0xfb: {  	[sflag:s16] =	ssyncadd.s32 $0xFFFFEC00  }
0xfc: {  	_ =	sfence.sel $0x180000  }
0xfd: {  	[bflag:$0x0] =	sbarrier.arrive $0xFFFF  }
0xfe: {  	_ =	strace $0x90000050  }
0xff: {  	s0 =	stileid.u32;
	[bflag:$0x2] =	sbarrier.arrive $0xFFFF  }
0x100: {  	p0 =	sne.s32 s0, $0x0;
	s0 =	rddreg [dreg:$0x2]  }
0x101: {  	s0 =	sadd.s32 @!p0 $0x100000, s0  }
0x102: {  	[sflag:s0] =	ssyncadd.tile.s32 @!p0 $0x1;
	_ =	shalt  }
.Lfunc_end2:
_tile_overlayer_lowered:
.L_overlay_start_2:
0x103: {  	(tag) =	ssettag $0x2  }
0x104: {  	s0 =	rddreg [dreg:$0x0];
	s2 =	stileid.u32  }
0x105: {  	s1 =	rddreg [dreg:$0x1];
	p0 =	sne.s32 s2, $0x0  }
0x106: {  	s3 =	rddreg [dreg:$0x2];
	[bflag:$0x3] =	sbarrier.arrive $0xFFFF;
	s2 =	simm.s32 @!p0 $0x1C0D  }
0x107: {  	[timem:s3], [sflag:s2] =	dma.local @!p0 [hbm:s0], s1  }
0x108: {  	s0 =	simm.s32 @!p0 $0xD  }
0x109: {  	_ =	swait.ge @!p0 [sflag:s0], s1  }
0x10a: {  	s1 =	ssub.s32 @!p0 $0x0, s1;
	[sflag:s0] =	ssyncset.done @!p0 $0x0  }
0x10b: {  	[sflag:s0] =	ssyncadd.s32 @!p0 s1  }
0x10c: {  	[bflag:$0x3] =	sbarrier.arrive $0xFFFF  }
0x10d: {  	_ =	shalt  }

// kernel: sc_msg.5.cloned.1.call-start
scs
__scs_entry_jumppad:
0x0: {  	(pc) =	sbr.rel $0x88, $3  }
0x1: {  	(tag) =	ssettag $0x0;
	lr =	simm.s32 $0x1  }
0x2: {  	[smem:$0x3F92] =	sst lr;
	_ =	strace $0xD0000000  }
0x3: {  	_ = 	snop  }
0x4: {  	_ = 	snop  }
0x5: {  	_ = 	snop  }
0x6: {  	_ = 	snop  }
0x7: {  	_ = 	snop  }
__scs_overlays_trampoline_lowered:
0x8: {  	[smem:$0x3FA1] =	sst s0  }
0x9: {  	[smem:$0x3FA2] =	sst s1  }
0xa: {  	[smem:$0x3FA3] =	sst s2  }
0xb: {  	[smem:$0x3FA4] =	sst s3  }
0xc: {  	[smem:$0x3FA5] =	sst s4  }
0xd: {  	[smem:$0x3FA6] =	sst s5  }
0xe: {  	[smem:$0x3FA7] =	sst s6  }
0xf: {  	[smem:$0x3FA8] =	sst s7  }
0x10: {  	[smem:$0x3FA9] =	sst s8  }
0x11: {  	[smem:$0x3FAA] =	sst s9;
	s0 =	simm.s32 @!p0 $0x0  }
0x12: {  	s1 =	sld [smem:$0x3F90];
	s0 =	simm.s32 @p0 $0x1  }
0x13: {  	[smem:$0x3FAB] =	sst s0;
	s0 =	simm.s32 @!p1 $0x0  }
0x14: {  	s2 =	sld [smem:$0x3F8F];
	s0 =	simm.s32 @p1 $0x1  }
0x15: {  	[smem:$0x3FAC] =	sst s0;
	s0 =	simm.s32 @!p2 $0x0  }
0x16: {  	s3 =	sld [smem:$0x3FDB];
	s0 =	simm.s32 @p2 $0x1  }
0x17: {  	s4 =	simm.s32 $0x1BF5;
	[smem:$0x3FAE] =	sst s0  }
0x18: {  	s0 =	sld [smem:$0x3F91];
	_ =	swait.ge [sflag:s4], $0x0  }
0x19: {  	s7 =	sld [smem:$0x3F92]  }
0x1a: {  	s8 =	sadd.s32 $0xFFFFE003, lr  }
0x1b: {  	s9 =	sadd.s32 $0xFFFFFEF7, lr;
	s5 =	simm.s32 $0xFFFFFFFF;
	p2 =	slt.u32 s8, $0xFFFFF086  }
0x1c: {  	p1 =	slt.u32 s9, $0xF7A;
	s5 =	simm.s32 @!p2 $0x0  }
0x1d: {  	s5 =	simm.s32 @p1 $0x1;
	p0 =	seq.s32 s7, s2  }
0x1e: {  	s7 =	smul.u32 @!p0 $0xF7A, s2;
	p2 =	seq.s32 @!p0 s5, $0x0  }
0x1f: {  	s9 =	smul.u32 $0xF7A, s1;
	s8 =	simm.s32 @!p0 $0x1BF5;
	p2 =	por !p2, p0  }
0x20: {  	[sflag:s8] =	ssyncset.s32 @!p0 $0xFFFFF086;
	s6 =	sadd.s32 @!p0 s3, s7;
	s7 =	simm.s32 @!p0 $0x108  }
0x21: {  	s3 =	sadd.s32 s3, s9;
	s6 =	sadd.s32 @!p0 $0x88, s6;
	s7 =	simm.s32 @p2 $0x1082  }
0x22: {  	[simem:s7], [sflag:s8] =	dma.local @!p0 [hbm:s6], $0xF7A  }
0x23: {  	s9 =	sor.u32 $0xD0000000, s2;
	s6 =	simm.s32 $0x108;
	_ =	swait.ge @!p0 [sflag:s8], $0x0  }
0x24: {  	s3 =	sadd.s32 $0x88, s3;
	s6 =	simm.s32 @!p1 $0x1082;
	[sflag:s4] =	ssyncset.s32 $0xFFFFF086  }
0x25: {  	[simem:s6], [sflag:s4] =	dma.local [hbm:s3], $0xF7A  }
0x26: {  	[smem:$0x3F92] =	sst s1;
	(tag) =	ssettag s2;
	_ =	strace s9  }
0x27: {  	s1 =	sld [smem:$0x3FA2]  }
0x28: {  	s2 =	sld [smem:$0x3FA3]  }
0x29: {  	s4 =	sld [smem:$0x3FA5]  }
0x2a: {  	p0 =	seq.s32 s5, $0x0;
	s5 =	sld [smem:$0x3FA6]  }
0x2b: {  	s6 =	sld [smem:$0x3FA7]  }
0x2c: {  	s7 =	sld [smem:$0x3FA8]  }
0x2d: {  	s3 =	simm.s32 $0x108;
	s8 =	sld [smem:$0x3FA9]  }
0x2e: {  	s3 =	simm.s32 @!p0 $0x1082;
	s9 =	sld [smem:$0x3FAA]  }
0x2f: {  	lr =	sadd.s32 s0, s3;
	s0 =	sld [smem:$0x3FA1]  }
0x30: {  	s3 =	sld [smem:$0x3FA4]  }
0x31: {  	[smem:$0x3FAD] =	sst s10  }
0x32: {  	s10 =	sld [smem:$0x3FAB];
	_ =	sdelay $0x3  }
0x33: {  	p0 =	seq.s32 s10, $0x1;
	s10 =	sld [smem:$0x3FAD];
	_ =	sdelay $0x3  }
0x34: {  	[smem:$0x3FAD] =	sst s10  }
0x35: {  	s10 =	sld [smem:$0x3FAC];
	_ =	sdelay $0x3  }
0x36: {  	p1 =	seq.s32 s10, $0x1;
	s10 =	sld [smem:$0x3FAD];
	_ =	sdelay $0x3  }
0x37: {  	[smem:$0x3FAD] =	sst s10  }
0x38: {  	s10 =	sld [smem:$0x3FAE]  }
0x39: {  	_ = 	snop;
	(pc) =	sbr.ind lr, $3  }
0x3a: {  	_ = 	snop  }
0x3b: {  	_ = 	snop  }
0x3c: {  	p2 =	seq.s32 s10, $0x1;
	s10 =	sld [smem:$0x3FAD]  }
0x3d: {  	_ =	shalt  }
0x3e: {  	_ =	shalt  }
0x3f: {  	_ =	shalt  }
0x40: {  	_ =	shalt  }
0x41: {  	_ =	shalt  }
0x42: {  	_ =	shalt  }
0x43: {  	_ =	shalt  }
0x44: {  	_ =	shalt  }
0x45: {  	_ =	shalt  }
0x46: {  	_ =	shalt  }
0x47: {  	_ =	shalt  }
0x48: {  	_ =	shalt  }
0x49: {  	_ =	shalt  }
0x4a: {  	_ =	shalt  }
0x4b: {  	_ =	shalt  }
0x4c: {  	_ =	shalt  }
0x4d: {  	_ =	shalt  }
0x4e: {  	_ =	shalt  }
0x4f: {  	_ =	shalt  }
0x50: {  	_ =	shalt  }
0x51: {  	_ =	shalt  }
0x52: {  	_ =	shalt  }
0x53: {  	_ =	shalt  }
0x54: {  	_ =	shalt  }
0x55: {  	_ =	shalt  }
0x56: {  	_ =	shalt  }
0x57: {  	_ =	shalt  }
0x58: {  	_ =	shalt  }
0x59: {  	_ =	shalt  }
0x5a: {  	_ =	shalt  }
0x5b: {  	_ =	shalt  }
0x5c: {  	_ =	shalt  }
0x5d: {  	_ =	shalt  }
0x5e: {  	_ =	shalt  }
0x5f: {  	_ =	shalt  }
0x60: {  	_ =	shalt  }
0x61: {  	_ =	shalt  }
0x62: {  	_ =	shalt  }
0x63: {  	_ =	shalt  }
0x64: {  	_ =	shalt  }
0x65: {  	_ =	shalt  }
0x66: {  	_ =	shalt  }
0x67: {  	_ =	shalt  }
0x68: {  	_ =	shalt  }
0x69: {  	_ =	shalt  }
0x6a: {  	_ =	shalt  }
0x6b: {  	_ =	shalt  }
0x6c: {  	_ =	shalt  }
0x6d: {  	_ =	shalt  }
0x6e: {  	_ =	shalt  }
0x6f: {  	_ =	shalt  }
0x70: {  	_ =	shalt  }
0x71: {  	_ =	shalt  }
0x72: {  	_ =	shalt  }
0x73: {  	_ =	shalt  }
0x74: {  	_ =	shalt  }
0x75: {  	_ =	shalt  }
0x76: {  	_ =	shalt  }
0x77: {  	_ =	shalt  }
0x78: {  	_ =	shalt  }
0x79: {  	_ =	shalt  }
0x7a: {  	_ =	shalt  }
0x7b: {  	_ =	shalt  }
0x7c: {  	_ =	shalt  }
0x7d: {  	_ =	shalt  }
0x7e: {  	_ =	shalt  }
0x7f: {  	_ =	shalt  }
0x80: {  	_ =	shalt  }
0x81: {  	_ =	shalt  }
0x82: {  	_ =	shalt  }
0x83: {  	_ =	shalt  }
0x84: {  	_ =	shalt  }
0x85: {  	_ =	shalt  }
0x86: {  	_ =	shalt  }
0x87: {  	_ =	shalt  }
.Lfunc_end0:
.L_simem_size_0:
called_computation.1_lowered:
.L_overlay_start_0:
0x88: {  	s2 =	sld [smem:$0x3FD9]  }
0x89: {  	s3 =	sld [smem:$0x3FFE];
	_ =	sdelay $0x1  }
0x8a: {  	s1 =	srdreg.scid  }
0x8b: {  	s0 =	sand.u32 $0x1, s1  }
0x8c: {  	s16 =	sshll.u32 s0, $0xA;
	s2 =	sadd.s32 s3, s2  }
0x8d: {  	s2 =	sadd.s32 s2, s16  }
0x8e: {  	[smem:$0x3FB9] =	sst s2  }
0x8f: {  	_ = 	snop  }
0x90: {  	(tm) =	ssettm $0x1  }
0x91: {  	s17 =	sld [smem:$0x3FFB];
	_ =	sdelay $0x3  }
0x92: {  	_ =	strace s17  }
0x93: {  	s2 =	sld [smem:$0x3FFC];
	_ =	sdelay $0x3  }
0x94: {  	_ =	strace s2  }
0x95: {  	s2 =	sld [smem:$0x3FFD];
	_ =	sdelay $0x3  }
0x96: {  	_ =	strace s2  }
0x97: {  	_ =	strace $0x8FFFFFFF  }
0x98: {  	s18 =	sld [smem:$0x3FDB];
	_ =	sdelay $0x1  }
0x99: {  	s19 =	simm.s32 $_scs_section_size  }
0x9a: {  	s4 =	simm.s32 $_size__tile_overlayer_lowered;
	s5 =	simm.s32 $_tile_overlayer_lowered  }
0x9b: {  	s22 =	simm.s32 $0x1BFF;
	s21 =	sshll.u32 s5, $0x1;
	s2 =	sadd.s32 s19, s18  }
0x9c: {  	s6 =	simm.s32 $0x0;
	s20 =	sshll.u32 s4, $0x1;
	s4 =	sadd.s32 s21, s2  }
0x9d: {  	[timem:s6], [sflag:s22] =	dma.local [hbm:s4], s20  }
0x9e: {  	_ =	swait.ge [sflag:s22], s20  }
0x9f: {  	s3 =	ssub.s32 $0x0, s20;
	[sflag:s22] =	ssyncset.done $0x0  }
0xa0: {  	[sflag:s22] =	ssyncadd.s32 s3;
	_ =	sdelay $0x1  }
0xa1: {  	s23 =	simm.s32 $0x1B8B  }
0xa2: {  	_ =	swait.ge [sflag:s23], $0x1  }
0xa3: {  	[sflag:s23] =	ssyncset.done $0x0  }
0xa4: {  	s25 =	simm.s32 $0x1B8E;
	s24 =	sld [smem:$0x3FFE];
	[sflag:s23] =	ssyncadd.s32 $0xFFFFFFFF  }
0xa5: {  	s26 =	simm.s32 $execute0_lowered;
	[smem:$0x3FD2] =	sst s25  }
0xa6: {  	s4 =	sshll.u32 s26, $0x1;
	_ =	strace $0x80000049;
	[dreg:$0x1] =	wrdreg $0xFFFFFFFF  }
0xa7: {  	s28 =	simm.s32 $_size_execute0_lowered;
	s2 =	sadd.s32 s2, s4;
	[dreg:$0x0] =	wrdreg $0x0  }
0xa8: {  	s4 =	sshll.u32 s28, $0x1;
	[dreg:$0x2] =	wrdreg s2  }
0xa9: {  	[dreg:$0x3] =	wrdreg s4  }
0xaa: {  	[dreg:$0x4] =	wrdreg $0xC0  }
0xab: {  	_ =	task [dreg:s6], $0x5FFFF  }
0xac: {  	[dreg:$0x1] =	wrdreg $0xFFFFFFFF  }
0xad: {  	[dreg:$0x0] =	wrdreg $0x60  }
0xae: {  	[dreg:$0x2] =	wrdreg s24  }
0xaf: {  	[dreg:$0x3] =	wrdreg $0x15C400  }
0xb0: {  	[dreg:$0x4] =	wrdreg $0x9  }
0xb1: {  	_ =	task.clear_ibuf [dreg:s6], $0x5FFFF;
	_ =	strace $0x90000049  }
0xb2: {  	s29 =	simm.s32 $0x9;
	_ =	strace $0x8000004B  }
0xb3: {  	_ =	swait.ge [sflag:s29], $0x1  }
0xb4: {  	[sflag:s29] =	ssyncadd.s32 $0xFFFFFFFF  }
0xb5: {  	_ =	strace $0x9000004B  }
0xb6: {  	_ =	sfence  }
0xb7: {  	s30 =	sld [smem:$0x0];
	_ =	sdelay $0x2  }
0xb8: {  	s31 =	sshll.u32 s1, $0xD;
	s1 =	sshrl.u32 s1, $0x2  }
0xb9: {  	s3 =	sand.u32 $0x4000, s31;
	s1 =	sadd.s32 s1, s30  }
0xba: {  	s0 =	sor.u32 s3, s0;
	s1 =	sshll.u32 s1, $0x11  }
0xbb: {  	s0 =	sor.u32 s1, s0  }
0xbc: {  	s0 =	sadd.s32 $0x8F2B, s0  }
0xbd: {  	[sflag:s0] =	ssyncadd.remote.s32 $0x1  }
0xbe: {  	_ =	sfence.sel $0xFFFF  }
0xbf: {  	[dreg:$0x0] =	wrdreg $0xFFFFFFFF;
	(pc) =	sbr.abs _section_cstart, $3  }
0xc0: {  	[dreg:$0x1] =	wrdreg $0xFFFFFFFF  }
0xc1: {  	_ =	task.clear_ibuf [dreg:s6], $0x2FFFF;
	_ =	strace $0x9FFFFFFF  }
0xc2: {  	(tm) =	ssettm $0x7FFFFFFF  }
0xc3: {  	_ =	shalt  }
tec
execute0_lowered:
.L_overlay_start_1:
0x0: {  	(tag) =	ssettag $0x1  }
0x1: {  	s0 =	rddreg [dreg:$0x0]  }
0x2: {  	s1 =	rddreg [dreg:$0x1]  }
0x3: {  	s2 =	srdreg.scid;
	s4 =	simm.s32 $0x0;
	s7 =	stileid.u32  }
0x4: {  	s15 =	simm.s32 $0x13C40;
	s16 =	simm.s32 $0xD;
	s29 =	simm.s32 $0x11D00  }
0x5: {  	s30 =	simm.s32 $0x1;
	s31 =	simm.s32 $0x2;
	s17 =	smul.u32 $0x14000, s7  }
0x6: {  	s14 =	simm.s32 $0x4;
	s28 =	simm.s32 $0x8;
	s5 =	smul.u32 $0xA00, s7  }
0x7: {  	s2 =	sand.u32 $0x1, s2;
	[smem:$0x7FF] =	sst s4;
	s18 =	smul.u32 $0x28000, s7  }
0x8: {  	s3 =	smul.u32 $0x13880, s2;
	_ =	strace $0x8000004A;
	s6 =	sshll.u32 s2, $0x6  }
0x9: {  	s2 =	ssub.s32 $0x2, s2;
	s4 =	sor.u32 s6, s17;
	s19 =	sadd.s32 s5, s0  }
0xa: {  	s20 =	sshrl.u32 s2, $0x1;
	s21 =	sshrl.u32 s18, $0x2;
	s17 =	simm.s32 $0xB  }
0xb: {  	s18 =	simm.s32 $0xC;
	s6 =	simm.s32 $0x0;
	s3 =	sadd.s32 s3, s0  }
0xc: {  	s4 =	sshrl.u32 s4, $0x3;
	s2 =	ssub.s32 s2, s20;
	s22 =	sadd.s32 $0x22600, s19  }
0xd: {  	s5 =	sadd.s32 s21, s1;
	s23 =	sadd.s32 $0x18600, s19;
	s19 =	simm.s32 $0x7D  }
0xe: {  	s20 =	simm.s32 $0xA000;
	s21 =	simm.s32 $0x5;
	[dreg:$0x3] =	wrdreg s22  }
0xf: {  	s0 =	sadd.s32 s4, s0;
	[dreg:$0x4] =	wrdreg s23;
	s24 =	sadd.s32 $0x2000, s5  }
0x10: {  	s25 =	sadd.s32 $0x4000, s5;
	s26 =	sadd.s32 $0x6000, s5;
	s10 =	sadd.s32 $0x8000, s5  }
0x11: {  	s11 =	sadd.s32 $0xA1A00, s3;
	s13 =	smax.u32 s2, $0x1;
	s22 =	simm.s32 $0xBF40  }
0x12: {  	s23 =	simm.s32 $0x6;
	s2 =	simm.s32 $0x9;
	[dreg:$0x5] =	wrdreg s24  }
0x13: {  	s3 =	simm.s32 $0xA;
	s4 =	simm.s32 $0x4F80;
	[dreg:$0x6] =	wrdreg s25  }
0x14: {  	[dreg:$0x7] =	wrdreg s26;
	s12 =	sadd.s32 $0xC8C00, s0;
	s24 =	simm.s32 $0xDE80  }
0x15: {  	v0 =	vimm.f32 $0.0e+00;
	s26 =	simm.s32 $0xFDC0;
	s0 =	simm.s32 $0x3;
	s25 =	simm.s32 $0x7  }
.LBB2_1:
0x16: {  	s7 =	simm.s32 $0x0;
	s8 =	rddreg [dreg:$0x3]  }
0x17: {  	[tilespmem:s7], [sflag:$0xB] =	stream.linear.gather [hbm4b:s8+s7], $0x5000, $0x38;
	[tilespmem:$0x1FC40] =	vst v63  }
0x18: {  	s9 =	simm.s32 $0x5000;
	s8 =	rddreg [dreg:$0x4]  }
0x19: {  	[tilespmem:s9], [sflag:$0xC] =	stream.linear.gather [hbm4b:s8+s7], $0x5000, $0x38;
	[tilespmem:$0x1FC40] =	vst v63  }
0x1a: {  	s8 =	simm.s32 $0x100;
	s7 =	simm.s32 $0x0  }
.LBB2_2:
0x1b: {  	p0 =	sne.s32 s8, $0x7F00;
	[tilespmem:s7+$0x13C70] =	vst v0;
	s9 =	smov.u32 s8;
	s8 =	sadd.s32 $0x100, s8  }
.Ltmp0:
0x1c: {  	[tilespmem:s7+$0x13C60] =	vst v0;
	(pc) =	sbr.rel @p0 .LBB2_2-.Ltmp0, $3  }
0x1d: {  	[tilespmem:s7+$0x13C40] =	vst v0  }
0x1e: {  	[tilespmem:s7+$0x13C50] =	vst v0;
	_ =	sdelay $0x1  }
0x1f: {  	s7 =	sshra.s32 s9, $0x2  }
0x20: {  	[tilespmem:s7+$0x13C70] =	vst v0  }
0x21: {  	[tilespmem:s7+$0x13C60] =	vst v0  }
0x22: {  	[tilespmem:s7+$0x13C40] =	vst v0  }
0x23: {  	[tilespmem:s7+$0x13C50] =	vst v0  }
0x24: {  	[spmem:s5] =	stream.linear.scatter [tilespmem:s15], [sflag:$0xD], $0x2000, $0x38;
	[tilespmem:$0x1FC40] =	vst v63  }
0x25: {  	_ =	swait.ge [sflag:s16], $0x2000  }
0x26: {  	[sflag:s16] =	ssyncset.done $0x0  }
0x27: {  	s9 =	rddreg [dreg:$0x5];
	[sflag:s16] =	ssyncadd.s32 $0xFFFFE000  }
0x28: {  	[spmem:s9] =	stream.linear.scatter [tilespmem:s15], [sflag:$0xD], $0x2000, $0x38;
	[tilespmem:$0x1FC40] =	vst v63  }
0x29: {  	_ =	swait.ge [sflag:s16], $0x2000  }
0x2a: {  	[sflag:s16] =	ssyncset.done $0x0  }
0x2b: {  	s8 =	rddreg [dreg:$0x6];
	[sflag:s16] =	ssyncadd.s32 $0xFFFFE000  }
0x2c: {  	[spmem:s8] =	stream.linear.scatter [tilespmem:s15], [sflag:$0xD], $0x2000, $0x38;
	[tilespmem:$0x1FC40] =	vst v63  }
0x2d: {  	_ =	swait.ge [sflag:s16], $0x2000  }
0x2e: {  	[sflag:s16] =	ssyncset.done $0x0  }
0x2f: {  	s9 =	rddreg [dreg:$0x7];
	[sflag:s16] =	ssyncadd.s32 $0xFFFFE000  }
0x30: {  	[spmem:s9] =	stream.linear.scatter [tilespmem:s15], [sflag:$0xD], $0x2000, $0x38;
	[tilespmem:$0x1FC40] =	vst v63  }
0x31: {  	_ =	swait.ge [sflag:s16], $0x2000  }
0x32: {  	[sflag:s16] =	ssyncset.done $0x0  }
0x33: {  	[sflag:s16] =	ssyncadd.s32 $0xFFFFE000  }
0x34: {  	[spmem:s10] =	stream.linear.scatter [tilespmem:s15], [sflag:$0xD], $0x2000, $0x38;
	[tilespmem:$0x1FC40] =	vst v63  }
0x35: {  	_ =	swait.ge [sflag:s16], $0x2000  }
0x36: {  	[sflag:s16] =	ssyncset.done $0x0  }
0x37: {  	[sflag:s16] =	ssyncadd.s32 $0xFFFFE000  }
0x38: {  	_ =	swait.ge [sflag:s17], $0x5000  }
0x39: {  	[sflag:s17] =	ssyncset.done $0x0  }
0x3a: {  	[sflag:s17] =	ssyncadd.s32 $0xFFFFB000  }
0x3b: {  	_ =	swait.ge [sflag:s18], $0x5000  }
0x3c: {  	[sflag:s18] =	ssyncset.done $0x0  }
0x3d: {  	s8 =	simm.s32 $0x0;
	[sflag:s18] =	ssyncadd.s32 $0xFFFFB000  }
0x3e: {  	[tilespmem:s20], [sflag:$0x1] =	stream.indirect.gather [hbm4b:s11+s19], $0x40, s8, s19, $0xb8;
	[tilespmem:$0x1FC40] =	vst v63  }
0x3f: {  	s9 =	simm.s32 $0x80  }
0x40: {  	[tilespmem:s22], [sflag:$0x2] =	stream.indirect.gather [hbm4b:s11+s19], $0x40, s9, s19, $0xb8;
	[tilespmem:$0x1FC40] =	vst v63  }
0x41: {  	s8 =	simm.s32 $0x100  }
0x42: {  	[tilespmem:s24], [sflag:$0x3] =	stream.indirect.gather [hbm4b:s11+s19], $0x40, s8, s19, $0xb8;
	[tilespmem:$0x1FC40] =	vst v63  }
0x43: {  	s9 =	simm.s32 $0x180  }
0x44: {  	[tilespmem:s26], [sflag:$0x4] =	stream.indirect.gather [hbm4b:s11+s19], $0x40, s9, s19, $0xb8;
	[tilespmem:$0x1FC40] =	vst v63  }
0x45: {  	s8 =	simm.s32 $0x200  }
0x46: {  	[tilespmem:s29], [sflag:$0x5] =	stream.indirect.gather [hbm4b:s11+s19], $0x40, s8, s19, $0xb8;
	[tilespmem:$0x1FC40] =	vst v63  }
0x47: {  	[bflag:$0x0] =	sbarrier.arrive $0xFFFF  }
0x48: {  	_ =	swait.ge [sflag:s30], $0x1F40  }
0x49: {  	[sflag:s30] =	ssyncset.done $0x0  }
0x4a: {  	s9 =	simm.s32 $0x5000;
	[sflag:s30] =	ssyncadd.s32 $0xFFFFE0C0  }
0x4b: {  	[spmem:s1] =	stream.indirect.scatter.add.f32 [tilespmem:s20], [sflag:$0x6], $0x40, s9, s19, $0xb8;
	[tilespmem:$0x1FC40] =	vst v63  }
0x4c: {  	_ =	swait.ge [sflag:s31], $0x1F40  }
0x4d: {  	[sflag:s31] =	ssyncset.done $0x0  }
0x4e: {  	s8 =	simm.s32 $0x5080;
	[sflag:s31] =	ssyncadd.s32 $0xFFFFE0C0  }
0x4f: {  	[spmem:s1] =	stream.indirect.scatter.add.f32 [tilespmem:s22], [sflag:$0x7], $0x40, s8, s19, $0xb8;
	[tilespmem:$0x1FC40] =	vst v63  }
0x50: {  	_ =	swait.ge [sflag:s0], $0x1F40  }
0x51: {  	[sflag:s0] =	ssyncset.done $0x0  }
0x52: {  	s9 =	simm.s32 $0x5100;
	[sflag:s0] =	ssyncadd.s32 $0xFFFFE0C0  }
0x53: {  	[spmem:s1] =	stream.indirect.scatter.add.f32 [tilespmem:s24], [sflag:$0x8], $0x40, s9, s19, $0xb8;
	[tilespmem:$0x1FC40] =	vst v63  }
0x54: {  	_ =	swait.ge [sflag:s14], $0x1F40  }
0x55: {  	[sflag:s14] =	ssyncset.done $0x0  }
0x56: {  	s8 =	simm.s32 $0x5180;
	[sflag:s14] =	ssyncadd.s32 $0xFFFFE0C0  }
0x57: {  	[spmem:s1] =	stream.indirect.scatter.add.f32 [tilespmem:s26], [sflag:$0x9], $0x40, s8, s19, $0xb8;
	[tilespmem:$0x1FC40] =	vst v63  }
0x58: {  	_ =	swait.ge [sflag:s21], $0x1F40  }
0x59: {  	[sflag:s21] =	ssyncset.done $0x0  }
0x5a: {  	s9 =	simm.s32 $0x5200;
	[sflag:s21] =	ssyncadd.s32 $0xFFFFE0C0  }
0x5b: {  	[spmem:s1] =	stream.indirect.scatter.add.f32 [tilespmem:s29], [sflag:$0xA], $0x40, s9, s19, $0xb8;
	[tilespmem:$0x1FC40] =	vst v63  }
0x5c: {  	_ =	swait.ge [sflag:s23], $0x1F40  }
0x5d: {  	[sflag:s23] =	ssyncset.done $0x0  }
0x5e: {  	s8 =	simm.s32 $0x280;
	[sflag:s23] =	ssyncadd.s32 $0xFFFFE0C0  }
0x5f: {  	[tilespmem:s20], [sflag:$0x1] =	stream.indirect.gather [hbm4b:s11+s19], $0x40, s8, s19, $0xb8;
	[tilespmem:$0x1FC40] =	vst v63  }
0x60: {  	_ =	swait.ge [sflag:s25], $0x1F40  }
0x61: {  	[sflag:s25] =	ssyncset.done $0x0  }
0x62: {  	s9 =	simm.s32 $0x300;
	[sflag:s25] =	ssyncadd.s32 $0xFFFFE0C0  }
0x63: {  	[tilespmem:s22], [sflag:$0x2] =	stream.indirect.gather [hbm4b:s11+s19], $0x40, s9, s19, $0xb8;
	[tilespmem:$0x1FC40] =	vst v63  }
0x64: {  	_ =	swait.ge [sflag:s28], $0x1F40  }
0x65: {  	[sflag:s28] =	ssyncset.done $0x0  }
0x66: {  	s8 =	simm.s32 $0x380;
	[sflag:s28] =	ssyncadd.s32 $0xFFFFE0C0  }
0x67: {  	[tilespmem:s24], [sflag:$0x3] =	stream.indirect.gather [hbm4b:s11+s19], $0x40, s8, s19, $0xb8;
	[tilespmem:$0x1FC40] =	vst v63  }
0x68: {  	_ =	swait.ge [sflag:s2], $0x1F40  }
0x69: {  	[sflag:s2] =	ssyncset.done $0x0  }
0x6a: {  	s9 =	simm.s32 $0x400;
	[sflag:s2] =	ssyncadd.s32 $0xFFFFE0C0  }
0x6b: {  	[tilespmem:s26], [sflag:$0x4] =	stream.indirect.gather [hbm4b:s11+s19], $0x40, s9, s19, $0xb8;
	[tilespmem:$0x1FC40] =	vst v63  }
0x6c: {  	_ =	swait.ge [sflag:s3], $0x1F40  }
0x6d: {  	[sflag:s3] =	ssyncset.done $0x0  }
0x6e: {  	s7 =	simm.s32 $0xA00;
	s8 =	simm.s32 $0x480;
	[sflag:s3] =	ssyncadd.s32 $0xFFFFE0C0  }
.LBB2_4:
0x6f: {  	[tilespmem:s29], [sflag:$0x5] =	stream.indirect.gather [hbm4b:s11+s19], $0x40, s8, s19, $0xb8;
	[tilespmem:$0x1FC40] =	vst v63  }
0x70: {  	s8 =	smov.u32 s7;
	s7 =	sadd.s32 $0xA00, s7;
	_ =	swait.ge [sflag:s30], $0x1F40  }
0x71: {  	s8 =	sshra.s32 s8, $0x2;
	p0 =	sne.s32 s7, $0x12C00;
	[sflag:s30] =	ssyncset.done $0x0  }
0x72: {  	s9 =	sadd.s32 $0x5000, s8;
	[sflag:s30] =	ssyncadd.s32 $0xFFFFE0C0  }
0x73: {  	[spmem:s1] =	stream.indirect.scatter.add.f32 [tilespmem:s20], [sflag:$0x6], $0x40, s9, s19, $0xb8;
	[tilespmem:$0x1FC40] =	vst v63  }
0x74: {  	_ =	swait.ge [sflag:s31], $0x1F40  }
0x75: {  	[sflag:s31] =	ssyncset.done $0x0  }
0x76: {  	s9 =	sadd.s32 $0x5080, s8;
	[sflag:s31] =	ssyncadd.s32 $0xFFFFE0C0  }
0x77: {  	[spmem:s1] =	stream.indirect.scatter.add.f32 [tilespmem:s22], [sflag:$0x7], $0x40, s9, s19, $0xb8;
	[tilespmem:$0x1FC40] =	vst v63  }
0x78: {  	_ =	swait.ge [sflag:s0], $0x1F40  }
0x79: {  	[sflag:s0] =	ssyncset.done $0x0  }
0x7a: {  	s9 =	sadd.s32 $0x5100, s8;
	[sflag:s0] =	ssyncadd.s32 $0xFFFFE0C0  }
0x7b: {  	[spmem:s1] =	stream.indirect.scatter.add.f32 [tilespmem:s24], [sflag:$0x8], $0x40, s9, s19, $0xb8;
	[tilespmem:$0x1FC40] =	vst v63  }
0x7c: {  	_ =	swait.ge [sflag:s14], $0x1F40  }
0x7d: {  	[sflag:s14] =	ssyncset.done $0x0  }
0x7e: {  	s9 =	sadd.s32 $0x5180, s8;
	[sflag:s14] =	ssyncadd.s32 $0xFFFFE0C0  }
0x7f: {  	[spmem:s1] =	stream.indirect.scatter.add.f32 [tilespmem:s26], [sflag:$0x9], $0x40, s9, s19, $0xb8;
	[tilespmem:$0x1FC40] =	vst v63  }
0x80: {  	_ =	swait.ge [sflag:s21], $0x1F40  }
0x81: {  	[sflag:s21] =	ssyncset.done $0x0  }
0x82: {  	s9 =	sadd.s32 $0x5200, s8;
	[sflag:s21] =	ssyncadd.s32 $0xFFFFE0C0  }
0x83: {  	[spmem:s1] =	stream.indirect.scatter.add.f32 [tilespmem:s29], [sflag:$0xA], $0x40, s9, s19, $0xb8;
	[tilespmem:$0x1FC40] =	vst v63  }
0x84: {  	_ =	swait.ge [sflag:s23], $0x1F40  }
0x85: {  	[sflag:s23] =	ssyncset.done $0x0  }
0x86: {  	s9 =	sadd.s32 $0x280, s8;
	[sflag:s23] =	ssyncadd.s32 $0xFFFFE0C0  }
0x87: {  	[tilespmem:s20], [sflag:$0x1] =	stream.indirect.gather [hbm4b:s11+s19], $0x40, s9, s19, $0xb8;
	[tilespmem:$0x1FC40] =	vst v63  }
0x88: {  	_ =	swait.ge [sflag:s25], $0x1F40  }
0x89: {  	[sflag:s25] =	ssyncset.done $0x0  }
0x8a: {  	s9 =	sadd.s32 $0x300, s8;
	[sflag:s25] =	ssyncadd.s32 $0xFFFFE0C0  }
0x8b: {  	[tilespmem:s22], [sflag:$0x2] =	stream.indirect.gather [hbm4b:s11+s19], $0x40, s9, s19, $0xb8;
	[tilespmem:$0x1FC40] =	vst v63  }
0x8c: {  	_ =	swait.ge [sflag:s28], $0x1F40  }
0x8d: {  	[sflag:s28] =	ssyncset.done $0x0  }
0x8e: {  	s9 =	sadd.s32 $0x380, s8;
	[sflag:s28] =	ssyncadd.s32 $0xFFFFE0C0  }
0x8f: {  	[tilespmem:s24], [sflag:$0x3] =	stream.indirect.gather [hbm4b:s11+s19], $0x40, s9, s19, $0xb8;
	[tilespmem:$0x1FC40] =	vst v63  }
0x90: {  	_ =	swait.ge [sflag:s2], $0x1F40  }
0x91: {  	[sflag:s2] =	ssyncset.done $0x0  }
.Ltmp1:
0x92: {  	s9 =	sadd.s32 $0x400, s8;
	[sflag:s2] =	ssyncadd.s32 $0xFFFFE0C0;
	(pc) =	sbr.rel @p0 .LBB2_4-.Ltmp1, $4  }
0x93: {  	[tilespmem:s26], [sflag:$0x4] =	stream.indirect.gather [hbm4b:s11+s19], $0x40, s9, s19, $0xb8;
	[tilespmem:$0x1FC40] =	vst v63  }
0x94: {  	_ =	swait.ge [sflag:s3], $0x1F40  }
0x95: {  	[sflag:s3] =	ssyncset.done $0x0  }
0x96: {  	s8 =	sadd.s32 $0x480, s8;
	[sflag:s3] =	ssyncadd.s32 $0xFFFFE0C0  }
0x97: {  	[tilespmem:s29], [sflag:$0x5] =	stream.indirect.gather [hbm4b:s11+s19], $0x40, s8, s19, $0xb8;
	[tilespmem:$0x1FC40] =	vst v63  }
0x98: {  	_ =	swait.ge [sflag:s30], $0x1F40  }
0x99: {  	s7 =	sshra.s32 s7, $0x2;
	[sflag:s30] =	ssyncset.done $0x0  }
0x9a: {  	s9 =	sadd.s32 $0x5000, s7;
	[sflag:s30] =	ssyncadd.s32 $0xFFFFE0C0  }
0x9b: {  	[spmem:s1] =	stream.indirect.scatter.add.f32 [tilespmem:s20], [sflag:$0x6], $0x40, s9, s19, $0xb8;
	[tilespmem:$0x1FC40] =	vst v63  }
0x9c: {  	_ =	swait.ge [sflag:s31], $0x1F40  }
0x9d: {  	[sflag:s31] =	ssyncset.done $0x0  }
0x9e: {  	s9 =	sadd.s32 $0x5080, s7;
	[sflag:s31] =	ssyncadd.s32 $0xFFFFE0C0  }
0x9f: {  	[spmem:s1] =	stream.indirect.scatter.add.f32 [tilespmem:s22], [sflag:$0x7], $0x40, s9, s19, $0xb8;
	[tilespmem:$0x1FC40] =	vst v63  }
0xa0: {  	_ =	swait.ge [sflag:s0], $0x1F40  }
0xa1: {  	[sflag:s0] =	ssyncset.done $0x0  }
0xa2: {  	s9 =	sadd.s32 $0x5100, s7;
	[sflag:s0] =	ssyncadd.s32 $0xFFFFE0C0  }
0xa3: {  	[spmem:s1] =	stream.indirect.scatter.add.f32 [tilespmem:s24], [sflag:$0x8], $0x40, s9, s19, $0xb8;
	[tilespmem:$0x1FC40] =	vst v63  }
0xa4: {  	_ =	swait.ge [sflag:s14], $0x1F40  }
0xa5: {  	[sflag:s14] =	ssyncset.done $0x0  }
0xa6: {  	s9 =	sadd.s32 $0x5180, s7;
	[sflag:s14] =	ssyncadd.s32 $0xFFFFE0C0  }
0xa7: {  	[spmem:s1] =	stream.indirect.scatter.add.f32 [tilespmem:s26], [sflag:$0x9], $0x40, s9, s19, $0xb8;
	[tilespmem:$0x1FC40] =	vst v63  }
0xa8: {  	_ =	swait.ge [sflag:s21], $0x1F40  }
0xa9: {  	[sflag:s21] =	ssyncset.done $0x0  }
0xaa: {  	s7 =	sadd.s32 $0x5200, s7;
	[sflag:s21] =	ssyncadd.s32 $0xFFFFE0C0  }
0xab: {  	[spmem:s1] =	stream.indirect.scatter.add.f32 [tilespmem:s29], [sflag:$0xA], $0x40, s7, s19, $0xb8;
	[tilespmem:$0x1FC40] =	vst v63  }
0xac: {  	_ =	swait.ge [sflag:s23], $0x1F40  }
0xad: {  	[sflag:s23] =	ssyncset.done $0x0  }
0xae: {  	s8 =	simm.s32 $0x4D80;
	[sflag:s23] =	ssyncadd.s32 $0xFFFFE0C0  }
0xaf: {  	[tilespmem:s20], [sflag:$0x1] =	stream.indirect.gather [hbm4b:s11+s19], $0x40, s8, s19, $0xb8;
	[tilespmem:$0x1FC40] =	vst v63  }
0xb0: {  	_ =	swait.ge [sflag:s25], $0x1F40  }
0xb1: {  	[sflag:s25] =	ssyncset.done $0x0  }
0xb2: {  	s9 =	simm.s32 $0x4E00;
	[sflag:s25] =	ssyncadd.s32 $0xFFFFE0C0  }
0xb3: {  	[tilespmem:s22], [sflag:$0x2] =	stream.indirect.gather [hbm4b:s11+s19], $0x40, s9, s19, $0xb8;
	[tilespmem:$0x1FC40] =	vst v63  }
0xb4: {  	_ =	swait.ge [sflag:s28], $0x1F40  }
0xb5: {  	[sflag:s28] =	ssyncset.done $0x0  }
0xb6: {  	s8 =	simm.s32 $0x4E80;
	[sflag:s28] =	ssyncadd.s32 $0xFFFFE0C0  }
0xb7: {  	[tilespmem:s24], [sflag:$0x3] =	stream.indirect.gather [hbm4b:s11+s19], $0x40, s8, s19, $0xb8;
	[tilespmem:$0x1FC40] =	vst v63  }
0xb8: {  	_ =	swait.ge [sflag:s2], $0x1F40  }
0xb9: {  	[sflag:s2] =	ssyncset.done $0x0  }
0xba: {  	s9 =	simm.s32 $0x4F00;
	[sflag:s2] =	ssyncadd.s32 $0xFFFFE0C0  }
0xbb: {  	[tilespmem:s26], [sflag:$0x4] =	stream.indirect.gather [hbm4b:s11+s19], $0x40, s9, s19, $0xb8;
	[tilespmem:$0x1FC40] =	vst v63  }
0xbc: {  	_ =	swait.ge [sflag:s3], $0x1F40  }
0xbd: {  	[sflag:s3] =	ssyncset.done $0x0  }
0xbe: {  	[sflag:s3] =	ssyncadd.s32 $0xFFFFE0C0  }
0xbf: {  	[tilespmem:s29], [sflag:$0x5] =	stream.indirect.gather [hbm4b:s11+s19], $0x40, s4, s19, $0xb8;
	[tilespmem:$0x1FC40] =	vst v63  }
0xc0: {  	_ =	swait.ge [sflag:s30], $0x1F40  }
0xc1: {  	[sflag:s30] =	ssyncset.done $0x0  }
0xc2: {  	s8 =	simm.s32 $0x9D80;
	[sflag:s30] =	ssyncadd.s32 $0xFFFFE0C0  }
0xc3: {  	[spmem:s1] =	stream.indirect.scatter.add.f32 [tilespmem:s20], [sflag:$0x6], $0x40, s8, s19, $0xb8;
	[tilespmem:$0x1FC40] =	vst v63  }
0xc4: {  	_ =	swait.ge [sflag:s31], $0x1F40  }
0xc5: {  	[sflag:s31] =	ssyncset.done $0x0  }
0xc6: {  	s9 =	simm.s32 $0x9E00;
	[sflag:s31] =	ssyncadd.s32 $0xFFFFE0C0  }
0xc7: {  	[spmem:s1] =	stream.indirect.scatter.add.f32 [tilespmem:s22], [sflag:$0x7], $0x40, s9, s19, $0xb8;
	[tilespmem:$0x1FC40] =	vst v63  }
0xc8: {  	_ =	swait.ge [sflag:s0], $0x1F40  }
0xc9: {  	[sflag:s0] =	ssyncset.done $0x0  }
0xca: {  	s8 =	simm.s32 $0x9E80;
	[sflag:s0] =	ssyncadd.s32 $0xFFFFE0C0  }
0xcb: {  	[spmem:s1] =	stream.indirect.scatter.add.f32 [tilespmem:s24], [sflag:$0x8], $0x40, s8, s19, $0xb8;
	[tilespmem:$0x1FC40] =	vst v63  }
0xcc: {  	_ =	swait.ge [sflag:s14], $0x1F40  }
0xcd: {  	[sflag:s14] =	ssyncset.done $0x0  }
0xce: {  	s9 =	simm.s32 $0x9F00;
	[sflag:s14] =	ssyncadd.s32 $0xFFFFE0C0  }
0xcf: {  	[spmem:s1] =	stream.indirect.scatter.add.f32 [tilespmem:s26], [sflag:$0x9], $0x40, s9, s19, $0xb8;
	[tilespmem:$0x1FC40] =	vst v63  }
0xd0: {  	_ =	swait.ge [sflag:s21], $0x1F40  }
0xd1: {  	[sflag:s21] =	ssyncset.done $0x0  }
0xd2: {  	s8 =	simm.s32 $0x9F80;
	[sflag:s21] =	ssyncadd.s32 $0xFFFFE0C0  }
0xd3: {  	[spmem:s1] =	stream.indirect.scatter.add.f32 [tilespmem:s29], [sflag:$0xA], $0x40, s8, s19, $0xb8;
	[tilespmem:$0x1FC40] =	vst v63  }
0xd4: {  	_ =	swait.ge [sflag:s23], $0x1F40  }
0xd5: {  	[sflag:s23] =	ssyncset.done $0x0  }
0xd6: {  	[sflag:s23] =	ssyncadd.s32 $0xFFFFE0C0  }
0xd7: {  	[tilespmem:s20], [sflag:$0x1] =	stream.indirect.gather [hbm4b:s11+s19], $0x40, s4, s19, $0xb8;
	[tilespmem:$0x1FC40] =	vst v63  }
0xd8: {  	_ =	swait.ge [sflag:s25], $0x1F40  }
0xd9: {  	[sflag:s25] =	ssyncset.done $0x0  }
0xda: {  	[sflag:s25] =	ssyncadd.s32 $0xFFFFE0C0  }
0xdb: {  	[tilespmem:s22], [sflag:$0x2] =	stream.indirect.gather [hbm4b:s11+s19], $0x40, s4, s19, $0xb8;
	[tilespmem:$0x1FC40] =	vst v63  }
0xdc: {  	_ =	swait.ge [sflag:s28], $0x1F40  }
0xdd: {  	[sflag:s28] =	ssyncset.done $0x0  }
0xde: {  	[sflag:s28] =	ssyncadd.s32 $0xFFFFE0C0  }
0xdf: {  	[tilespmem:s24], [sflag:$0x3] =	stream.indirect.gather [hbm4b:s11+s19], $0x40, s4, s19, $0xb8;
	[tilespmem:$0x1FC40] =	vst v63  }
0xe0: {  	_ =	swait.ge [sflag:s2], $0x1F40  }
0xe1: {  	[sflag:s2] =	ssyncset.done $0x0  }
0xe2: {  	[sflag:s2] =	ssyncadd.s32 $0xFFFFE0C0  }
0xe3: {  	[tilespmem:s26], [sflag:$0x4] =	stream.indirect.gather [hbm4b:s11+s19], $0x40, s4, s19, $0xb8;
	[tilespmem:$0x1FC40] =	vst v63  }
0xe4: {  	_ =	swait.ge [sflag:s3], $0x1F40  }
0xe5: {  	[sflag:s3] =	ssyncset.done $0x0  }
0xe6: {  	[sflag:s3] =	ssyncadd.s32 $0xFFFFE0C0  }
0xe7: {  	[tilespmem:s29], [sflag:$0x5] =	stream.indirect.gather [hbm4b:s11+s19], $0x40, s4, s19, $0xb8;
	[tilespmem:$0x1FC40] =	vst v63  }
0xe8: {  	_ =	swait.ge [sflag:s30], $0x1F40  }
0xe9: {  	[sflag:s30] =	ssyncset.done $0x0  }
0xea: {  	[sflag:s30] =	ssyncadd.s32 $0xFFFFE0C0  }
0xeb: {  	_ =	swait.ge [sflag:s31], $0x1F40  }
0xec: {  	[sflag:s31] =	ssyncset.done $0x0  }
0xed: {  	[sflag:s31] =	ssyncadd.s32 $0xFFFFE0C0  }
0xee: {  	_ =	swait.ge [sflag:s0], $0x1F40  }
0xef: {  	[sflag:s0] =	ssyncset.done $0x0  }
0xf0: {  	[sflag:s0] =	ssyncadd.s32 $0xFFFFE0C0  }
0xf1: {  	_ =	swait.ge [sflag:s14], $0x1F40  }
0xf2: {  	[sflag:s14] =	ssyncset.done $0x0  }
0xf3: {  	[sflag:s14] =	ssyncadd.s32 $0xFFFFE0C0  }
0xf4: {  	s6 =	sadd.s32 $0x1, s6;
	s9 =	stileid.u32;
	_ =	swait.ge [sflag:s21], $0x1F40  }
0xf5: {  	p0 =	sne.s32 s6, s13;
	s7 =	sshll.u32 s9, $0x6;
	[sflag:s21] =	ssyncset.done $0x0  }
0xf6: {  	s9 =	simm.s32 $0x10;
	s7 =	sor.u32 $0x1C0D, s7;
	[sflag:s21] =	ssyncadd.s32 $0xFFFFE0C0  }
.Ltmp2:
0xf7: {  	s8 =	sshrl.u32 s5, $0x3;
	[bflag:$0x0] =	sbarrier.arrive $0xFFFF;
	(pc) =	sbr.rel @p0 .LBB2_1-.Ltmp2, $4  }
0xf8: {  	[hbm:s12@s9], [sflag:s7] =	dma.strided [spmem:s8@s28], $0x1400, s30, $0x8   }
0xf9: {  	_ =	swait.ge [sflag:s16], $0x1400  }
0xfa: {  	[sflag:s16] =	ssyncset.done $0x0  }
0xfb: {  	[sflag:s16] =	ssyncadd.s32 $0xFFFFEC00  }
0xfc: {  	_ =	sfence.sel $0x180000  }
0xfd: {  	[bflag:$0x0] =	sbarrier.arrive $0xFFFF  }
0xfe: {  	_ =	strace $0x9000004A  }
0xff: {  	s0 =	stileid.u32;
	[bflag:$0x2] =	sbarrier.arrive $0xFFFF  }
0x100: {  	p0 =	sne.s32 s0, $0x0;
	s0 =	rddreg [dreg:$0x2]  }
0x101: {  	s0 =	sadd.s32 @!p0 $0x100000, s0  }
0x102: {  	[sflag:s0] =	ssyncadd.tile.s32 @!p0 $0x1;
	_ =	shalt  }
.Lfunc_end2:
_tile_overlayer_lowered:
.L_overlay_start_2:
0x103: {  	(tag) =	ssettag $0x2  }
0x104: {  	s0 =	rddreg [dreg:$0x0];
	s2 =	stileid.u32  }
0x105: {  	s1 =	rddreg [dreg:$0x1];
	p0 =	sne.s32 s2, $0x0  }
0x106: {  	s3 =	rddreg [dreg:$0x2];
	[bflag:$0x3] =	sbarrier.arrive $0xFFFF;
	s2 =	simm.s32 @!p0 $0x1C0D  }
0x107: {  	[timem:s3], [sflag:s2] =	dma.local @!p0 [hbm:s0], s1  }
0x108: {  	s0 =	simm.s32 @!p0 $0xD  }
0x109: {  	_ =	swait.ge @!p0 [sflag:s0], s1  }
0x10a: {  	s1 =	ssub.s32 @!p0 $0x0, s1;
	[sflag:s0] =	ssyncset.done @!p0 $0x0  }
0x10b: {  	[sflag:s0] =	ssyncadd.s32 @!p0 s1  }
0x10c: {  	[bflag:$0x3] =	sbarrier.arrive $0xFFFF  }
0x10d: {  	_ =	shalt  }

// kernel: sc_msg.8.cloned.1.call-start
scs
__scs_entry_jumppad:
0x0: {  	(pc) =	sbr.rel $0x88, $3  }
0x1: {  	(tag) =	ssettag $0x0;
	lr =	simm.s32 $0x1  }
0x2: {  	[smem:$0x3F92] =	sst lr;
	_ =	strace $0xD0000000  }
0x3: {  	_ = 	snop  }
0x4: {  	_ = 	snop  }
0x5: {  	_ = 	snop  }
0x6: {  	_ = 	snop  }
0x7: {  	_ = 	snop  }
__scs_overlays_trampoline_lowered:
0x8: {  	[smem:$0x3FA1] =	sst s0  }
0x9: {  	[smem:$0x3FA2] =	sst s1  }
0xa: {  	[smem:$0x3FA3] =	sst s2  }
0xb: {  	[smem:$0x3FA4] =	sst s3  }
0xc: {  	[smem:$0x3FA5] =	sst s4  }
0xd: {  	[smem:$0x3FA6] =	sst s5  }
0xe: {  	[smem:$0x3FA7] =	sst s6  }
0xf: {  	[smem:$0x3FA8] =	sst s7  }
0x10: {  	[smem:$0x3FA9] =	sst s8  }
0x11: {  	[smem:$0x3FAA] =	sst s9;
	s0 =	simm.s32 @!p0 $0x0  }
0x12: {  	s1 =	sld [smem:$0x3F90];
	s0 =	simm.s32 @p0 $0x1  }
0x13: {  	[smem:$0x3FAB] =	sst s0;
	s0 =	simm.s32 @!p1 $0x0  }
0x14: {  	s2 =	sld [smem:$0x3F8F];
	s0 =	simm.s32 @p1 $0x1  }
0x15: {  	[smem:$0x3FAC] =	sst s0;
	s0 =	simm.s32 @!p2 $0x0  }
0x16: {  	s3 =	sld [smem:$0x3FDB];
	s0 =	simm.s32 @p2 $0x1  }
0x17: {  	s4 =	simm.s32 $0x1BF5;
	[smem:$0x3FAE] =	sst s0  }
0x18: {  	s0 =	sld [smem:$0x3F91];
	_ =	swait.ge [sflag:s4], $0x0  }
0x19: {  	s7 =	sld [smem:$0x3F92]  }
0x1a: {  	s8 =	sadd.s32 $0xFFFFE003, lr  }
0x1b: {  	s9 =	sadd.s32 $0xFFFFFEF7, lr;
	s5 =	simm.s32 $0xFFFFFFFF;
	p2 =	slt.u32 s8, $0xFFFFF086  }
0x1c: {  	p1 =	slt.u32 s9, $0xF7A;
	s5 =	simm.s32 @!p2 $0x0  }
0x1d: {  	s5 =	simm.s32 @p1 $0x1;
	p0 =	seq.s32 s7, s2  }
0x1e: {  	s7 =	smul.u32 @!p0 $0xF7A, s2;
	p2 =	seq.s32 @!p0 s5, $0x0  }
0x1f: {  	s9 =	smul.u32 $0xF7A, s1;
	s8 =	simm.s32 @!p0 $0x1BF5;
	p2 =	por !p2, p0  }
0x20: {  	[sflag:s8] =	ssyncset.s32 @!p0 $0xFFFFF086;
	s6 =	sadd.s32 @!p0 s3, s7;
	s7 =	simm.s32 @!p0 $0x108  }
0x21: {  	s3 =	sadd.s32 s3, s9;
	s6 =	sadd.s32 @!p0 $0x88, s6;
	s7 =	simm.s32 @p2 $0x1082  }
0x22: {  	[simem:s7], [sflag:s8] =	dma.local @!p0 [hbm:s6], $0xF7A  }
0x23: {  	s9 =	sor.u32 $0xD0000000, s2;
	s6 =	simm.s32 $0x108;
	_ =	swait.ge @!p0 [sflag:s8], $0x0  }
0x24: {  	s3 =	sadd.s32 $0x88, s3;
	s6 =	simm.s32 @!p1 $0x1082;
	[sflag:s4] =	ssyncset.s32 $0xFFFFF086  }
0x25: {  	[simem:s6], [sflag:s4] =	dma.local [hbm:s3], $0xF7A  }
0x26: {  	[smem:$0x3F92] =	sst s1;
	(tag) =	ssettag s2;
	_ =	strace s9  }
0x27: {  	s1 =	sld [smem:$0x3FA2]  }
0x28: {  	s2 =	sld [smem:$0x3FA3]  }
0x29: {  	s4 =	sld [smem:$0x3FA5]  }
0x2a: {  	p0 =	seq.s32 s5, $0x0;
	s5 =	sld [smem:$0x3FA6]  }
0x2b: {  	s6 =	sld [smem:$0x3FA7]  }
0x2c: {  	s7 =	sld [smem:$0x3FA8]  }
0x2d: {  	s3 =	simm.s32 $0x108;
	s8 =	sld [smem:$0x3FA9]  }
0x2e: {  	s3 =	simm.s32 @!p0 $0x1082;
	s9 =	sld [smem:$0x3FAA]  }
0x2f: {  	lr =	sadd.s32 s0, s3;
	s0 =	sld [smem:$0x3FA1]  }
0x30: {  	s3 =	sld [smem:$0x3FA4]  }
0x31: {  	[smem:$0x3FAD] =	sst s10  }
0x32: {  	s10 =	sld [smem:$0x3FAB];
	_ =	sdelay $0x3  }
0x33: {  	p0 =	seq.s32 s10, $0x1;
	s10 =	sld [smem:$0x3FAD];
	_ =	sdelay $0x3  }
0x34: {  	[smem:$0x3FAD] =	sst s10  }
0x35: {  	s10 =	sld [smem:$0x3FAC];
	_ =	sdelay $0x3  }
0x36: {  	p1 =	seq.s32 s10, $0x1;
	s10 =	sld [smem:$0x3FAD];
	_ =	sdelay $0x3  }
0x37: {  	[smem:$0x3FAD] =	sst s10  }
0x38: {  	s10 =	sld [smem:$0x3FAE]  }
0x39: {  	_ = 	snop;
	(pc) =	sbr.ind lr, $3  }
0x3a: {  	_ = 	snop  }
0x3b: {  	_ = 	snop  }
0x3c: {  	p2 =	seq.s32 s10, $0x1;
	s10 =	sld [smem:$0x3FAD]  }
0x3d: {  	_ =	shalt  }
0x3e: {  	_ =	shalt  }
0x3f: {  	_ =	shalt  }
0x40: {  	_ =	shalt  }
0x41: {  	_ =	shalt  }
0x42: {  	_ =	shalt  }
0x43: {  	_ =	shalt  }
0x44: {  	_ =	shalt  }
0x45: {  	_ =	shalt  }
0x46: {  	_ =	shalt  }
0x47: {  	_ =	shalt  }
0x48: {  	_ =	shalt  }
0x49: {  	_ =	shalt  }
0x4a: {  	_ =	shalt  }
0x4b: {  	_ =	shalt  }
0x4c: {  	_ =	shalt  }
0x4d: {  	_ =	shalt  }
0x4e: {  	_ =	shalt  }
0x4f: {  	_ =	shalt  }
0x50: {  	_ =	shalt  }
0x51: {  	_ =	shalt  }
0x52: {  	_ =	shalt  }
0x53: {  	_ =	shalt  }
0x54: {  	_ =	shalt  }
0x55: {  	_ =	shalt  }
0x56: {  	_ =	shalt  }
0x57: {  	_ =	shalt  }
0x58: {  	_ =	shalt  }
0x59: {  	_ =	shalt  }
0x5a: {  	_ =	shalt  }
0x5b: {  	_ =	shalt  }
0x5c: {  	_ =	shalt  }
0x5d: {  	_ =	shalt  }
0x5e: {  	_ =	shalt  }
0x5f: {  	_ =	shalt  }
0x60: {  	_ =	shalt  }
0x61: {  	_ =	shalt  }
0x62: {  	_ =	shalt  }
0x63: {  	_ =	shalt  }
0x64: {  	_ =	shalt  }
0x65: {  	_ =	shalt  }
0x66: {  	_ =	shalt  }
0x67: {  	_ =	shalt  }
0x68: {  	_ =	shalt  }
0x69: {  	_ =	shalt  }
0x6a: {  	_ =	shalt  }
0x6b: {  	_ =	shalt  }
0x6c: {  	_ =	shalt  }
0x6d: {  	_ =	shalt  }
0x6e: {  	_ =	shalt  }
0x6f: {  	_ =	shalt  }
0x70: {  	_ =	shalt  }
0x71: {  	_ =	shalt  }
0x72: {  	_ =	shalt  }
0x73: {  	_ =	shalt  }
0x74: {  	_ =	shalt  }
0x75: {  	_ =	shalt  }
0x76: {  	_ =	shalt  }
0x77: {  	_ =	shalt  }
0x78: {  	_ =	shalt  }
0x79: {  	_ =	shalt  }
0x7a: {  	_ =	shalt  }
0x7b: {  	_ =	shalt  }
0x7c: {  	_ =	shalt  }
0x7d: {  	_ =	shalt  }
0x7e: {  	_ =	shalt  }
0x7f: {  	_ =	shalt  }
0x80: {  	_ =	shalt  }
0x81: {  	_ =	shalt  }
0x82: {  	_ =	shalt  }
0x83: {  	_ =	shalt  }
0x84: {  	_ =	shalt  }
0x85: {  	_ =	shalt  }
0x86: {  	_ =	shalt  }
0x87: {  	_ =	shalt  }
.Lfunc_end0:
.L_simem_size_0:
called_computation.2_lowered:
.L_overlay_start_0:
0x88: {  	s2 =	sld [smem:$0x3FD9]  }
0x89: {  	s3 =	sld [smem:$0x3FFE];
	_ =	sdelay $0x1  }
0x8a: {  	s1 =	srdreg.scid  }
0x8b: {  	s0 =	sand.u32 $0x1, s1  }
0x8c: {  	s16 =	sshll.u32 s0, $0xA;
	s2 =	sadd.s32 s3, s2  }
0x8d: {  	s2 =	sadd.s32 s2, s16  }
0x8e: {  	[smem:$0x3FB9] =	sst s2  }
0x8f: {  	_ = 	snop  }
0x90: {  	(tm) =	ssettm $0x1  }
0x91: {  	s17 =	sld [smem:$0x3FFB];
	_ =	sdelay $0x3  }
0x92: {  	_ =	strace s17  }
0x93: {  	s2 =	sld [smem:$0x3FFC];
	_ =	sdelay $0x3  }
0x94: {  	_ =	strace s2  }
0x95: {  	s2 =	sld [smem:$0x3FFD];
	_ =	sdelay $0x3  }
0x96: {  	_ =	strace s2  }
0x97: {  	_ =	strace $0x8FFFFFFF  }
0x98: {  	s18 =	sld [smem:$0x3FDB];
	_ =	sdelay $0x1  }
0x99: {  	s19 =	simm.s32 $_scs_section_size  }
0x9a: {  	s4 =	simm.s32 $_size__tile_overlayer_lowered;
	s5 =	simm.s32 $_tile_overlayer_lowered  }
0x9b: {  	s22 =	simm.s32 $0x1BFF;
	s21 =	sshll.u32 s5, $0x1;
	s2 =	sadd.s32 s19, s18  }
0x9c: {  	s6 =	simm.s32 $0x0;
	s20 =	sshll.u32 s4, $0x1;
	s4 =	sadd.s32 s21, s2  }
0x9d: {  	[timem:s6], [sflag:s22] =	dma.local [hbm:s4], s20  }
0x9e: {  	_ =	swait.ge [sflag:s22], s20  }
0x9f: {  	s3 =	ssub.s32 $0x0, s20;
	[sflag:s22] =	ssyncset.done $0x0  }
0xa0: {  	[sflag:s22] =	ssyncadd.s32 s3;
	_ =	sdelay $0x1  }
0xa1: {  	s23 =	simm.s32 $0x1B8B  }
0xa2: {  	_ =	swait.ge [sflag:s23], $0x1  }
0xa3: {  	[sflag:s23] =	ssyncset.done $0x0  }
0xa4: {  	s25 =	simm.s32 $0x1B8E;
	s24 =	sld [smem:$0x3FFE];
	[sflag:s23] =	ssyncadd.s32 $0xFFFFFFFF  }
0xa5: {  	s26 =	simm.s32 $execute0_lowered;
	[smem:$0x3FD2] =	sst s25  }
0xa6: {  	s4 =	sshll.u32 s26, $0x1;
	_ =	strace $0x8000004C;
	[dreg:$0x1] =	wrdreg $0xFFFFFFFF  }
0xa7: {  	s28 =	simm.s32 $_size_execute0_lowered;
	s2 =	sadd.s32 s2, s4;
	[dreg:$0x0] =	wrdreg $0x0  }
0xa8: {  	s4 =	sshll.u32 s28, $0x1;
	[dreg:$0x2] =	wrdreg s2  }
0xa9: {  	[dreg:$0x3] =	wrdreg s4  }
0xaa: {  	[dreg:$0x4] =	wrdreg $0xC0  }
0xab: {  	_ =	task [dreg:s6], $0x5FFFF  }
0xac: {  	[dreg:$0x1] =	wrdreg $0xFFFFFFFF  }
0xad: {  	[dreg:$0x0] =	wrdreg $0x60  }
0xae: {  	[dreg:$0x2] =	wrdreg s24  }
0xaf: {  	[dreg:$0x3] =	wrdreg $0x15C400  }
0xb0: {  	[dreg:$0x4] =	wrdreg $0x9  }
0xb1: {  	_ =	task.clear_ibuf [dreg:s6], $0x5FFFF;
	_ =	strace $0x9000004C  }
0xb2: {  	s29 =	simm.s32 $0x9;
	_ =	strace $0x8000004E  }
0xb3: {  	_ =	swait.ge [sflag:s29], $0x1  }
0xb4: {  	[sflag:s29] =	ssyncadd.s32 $0xFFFFFFFF  }
0xb5: {  	_ =	strace $0x9000004E  }
0xb6: {  	_ =	sfence  }
0xb7: {  	s30 =	sld [smem:$0x0];
	_ =	sdelay $0x2  }
0xb8: {  	s31 =	sshll.u32 s1, $0xD;
	s1 =	sshrl.u32 s1, $0x2  }
0xb9: {  	s3 =	sand.u32 $0x4000, s31;
	s1 =	sadd.s32 s1, s30  }
0xba: {  	s0 =	sor.u32 s3, s0;
	s1 =	sshll.u32 s1, $0x11  }
0xbb: {  	s0 =	sor.u32 s1, s0  }
0xbc: {  	s0 =	sadd.s32 $0x8F2B, s0  }
0xbd: {  	[sflag:s0] =	ssyncadd.remote.s32 $0x1  }
0xbe: {  	_ =	sfence.sel $0xFFFF  }
0xbf: {  	[dreg:$0x0] =	wrdreg $0xFFFFFFFF;
	(pc) =	sbr.abs _section_cstart, $3  }
0xc0: {  	[dreg:$0x1] =	wrdreg $0xFFFFFFFF  }
0xc1: {  	_ =	task.clear_ibuf [dreg:s6], $0x2FFFF;
	_ =	strace $0x9FFFFFFF  }
0xc2: {  	(tm) =	ssettm $0x7FFFFFFF  }
0xc3: {  	_ =	shalt  }
tec
execute0_lowered:
.L_overlay_start_1:
0x0: {  	(tag) =	ssettag $0x1  }
0x1: {  	s0 =	rddreg [dreg:$0x0]  }
0x2: {  	s1 =	rddreg [dreg:$0x1]  }
0x3: {  	s2 =	srdreg.scid;
	s4 =	simm.s32 $0x0;
	s7 =	stileid.u32  }
0x4: {  	s15 =	simm.s32 $0x13C40;
	s16 =	simm.s32 $0xD;
	s29 =	simm.s32 $0x11D00  }
0x5: {  	s30 =	simm.s32 $0x1;
	s31 =	simm.s32 $0x2;
	s17 =	smul.u32 $0x14000, s7  }
0x6: {  	s14 =	simm.s32 $0x4;
	s28 =	simm.s32 $0x8;
	s5 =	smul.u32 $0xA00, s7  }
0x7: {  	s2 =	sand.u32 $0x1, s2;
	[smem:$0x7FF] =	sst s4;
	s18 =	smul.u32 $0x28000, s7  }
0x8: {  	s3 =	smul.u32 $0x13880, s2;
	_ =	strace $0x8000004D;
	s6 =	sshll.u32 s2, $0x6  }
0x9: {  	s2 =	ssub.s32 $0x2, s2;
	s4 =	sor.u32 s6, s17;
	s19 =	sadd.s32 s5, s0  }
0xa: {  	s20 =	sshrl.u32 s2, $0x1;
	s21 =	sshrl.u32 s18, $0x2;
	s17 =	simm.s32 $0xB  }
0xb: {  	s18 =	simm.s32 $0xC;
	s6 =	simm.s32 $0x0;
	s3 =	sadd.s32 s3, s0  }
0xc: {  	s4 =	sshrl.u32 s4, $0x3;
	s2 =	ssub.s32 s2, s20;
	s22 =	sadd.s32 $0x22600, s19  }
0xd: {  	s5 =	sadd.s32 s21, s1;
	s23 =	sadd.s32 $0x18600, s19;
	s19 =	simm.s32 $0x7D  }
0xe: {  	s20 =	simm.s32 $0xA000;
	s21 =	simm.s32 $0x5;
	[dreg:$0x3] =	wrdreg s22  }
0xf: {  	s0 =	sadd.s32 s4, s0;
	[dreg:$0x4] =	wrdreg s23;
	s24 =	sadd.s32 $0x2000, s5  }
0x10: {  	s25 =	sadd.s32 $0x4000, s5;
	s26 =	sadd.s32 $0x6000, s5;
	s10 =	sadd.s32 $0x8000, s5  }
0x11: {  	s11 =	sadd.s32 $0xA1A00, s3;
	s13 =	smax.u32 s2, $0x1;
	s22 =	simm.s32 $0xBF40  }
0x12: {  	s23 =	simm.s32 $0x6;
	s2 =	simm.s32 $0x9;
	[dreg:$0x5] =	wrdreg s24  }
0x13: {  	s3 =	simm.s32 $0xA;
	s4 =	simm.s32 $0x4F80;
	[dreg:$0x6] =	wrdreg s25  }
0x14: {  	[dreg:$0x7] =	wrdreg s26;
	s12 =	sadd.s32 $0xC8C00, s0;
	s24 =	simm.s32 $0xDE80  }
0x15: {  	v0 =	vimm.f32 $0.0e+00;
	s26 =	simm.s32 $0xFDC0;
	s0 =	simm.s32 $0x3;
	s25 =	simm.s32 $0x7  }
.LBB2_1:
0x16: {  	s7 =	simm.s32 $0x0;
	s8 =	rddreg [dreg:$0x3]  }
0x17: {  	[tilespmem:s7], [sflag:$0xB] =	stream.linear.gather [hbm4b:s8+s7], $0x5000, $0x38;
	[tilespmem:$0x1FC40] =	vst v63  }
0x18: {  	s9 =	simm.s32 $0x5000;
	s8 =	rddreg [dreg:$0x4]  }
0x19: {  	[tilespmem:s9], [sflag:$0xC] =	stream.linear.gather [hbm4b:s8+s7], $0x5000, $0x38;
	[tilespmem:$0x1FC40] =	vst v63  }
0x1a: {  	s8 =	simm.s32 $0x100;
	s7 =	simm.s32 $0x0  }
.LBB2_2:
0x1b: {  	p0 =	sne.s32 s8, $0x7F00;
	[tilespmem:s7+$0x13C70] =	vst v0;
	s9 =	smov.u32 s8;
	s8 =	sadd.s32 $0x100, s8  }
.Ltmp0:
0x1c: {  	[tilespmem:s7+$0x13C60] =	vst v0;
	(pc) =	sbr.rel @p0 .LBB2_2-.Ltmp0, $3  }
0x1d: {  	[tilespmem:s7+$0x13C40] =	vst v0  }
0x1e: {  	[tilespmem:s7+$0x13C50] =	vst v0;
	_ =	sdelay $0x1  }
0x1f: {  	s7 =	sshra.s32 s9, $0x2  }
0x20: {  	[tilespmem:s7+$0x13C70] =	vst v0  }
0x21: {  	[tilespmem:s7+$0x13C60] =	vst v0  }
0x22: {  	[tilespmem:s7+$0x13C40] =	vst v0  }
0x23: {  	[tilespmem:s7+$0x13C50] =	vst v0  }
0x24: {  	[spmem:s5] =	stream.linear.scatter [tilespmem:s15], [sflag:$0xD], $0x2000, $0x38;
	[tilespmem:$0x1FC40] =	vst v63  }
0x25: {  	_ =	swait.ge [sflag:s16], $0x2000  }
0x26: {  	[sflag:s16] =	ssyncset.done $0x0  }
0x27: {  	s9 =	rddreg [dreg:$0x5];
	[sflag:s16] =	ssyncadd.s32 $0xFFFFE000  }
0x28: {  	[spmem:s9] =	stream.linear.scatter [tilespmem:s15], [sflag:$0xD], $0x2000, $0x38;
	[tilespmem:$0x1FC40] =	vst v63  }
0x29: {  	_ =	swait.ge [sflag:s16], $0x2000  }
0x2a: {  	[sflag:s16] =	ssyncset.done $0x0  }
0x2b: {  	s8 =	rddreg [dreg:$0x6];
	[sflag:s16] =	ssyncadd.s32 $0xFFFFE000  }
0x2c: {  	[spmem:s8] =	stream.linear.scatter [tilespmem:s15], [sflag:$0xD], $0x2000, $0x38;
	[tilespmem:$0x1FC40] =	vst v63  }
0x2d: {  	_ =	swait.ge [sflag:s16], $0x2000  }
0x2e: {  	[sflag:s16] =	ssyncset.done $0x0  }
0x2f: {  	s9 =	rddreg [dreg:$0x7];
	[sflag:s16] =	ssyncadd.s32 $0xFFFFE000  }
0x30: {  	[spmem:s9] =	stream.linear.scatter [tilespmem:s15], [sflag:$0xD], $0x2000, $0x38;
	[tilespmem:$0x1FC40] =	vst v63  }
0x31: {  	_ =	swait.ge [sflag:s16], $0x2000  }
0x32: {  	[sflag:s16] =	ssyncset.done $0x0  }
0x33: {  	[sflag:s16] =	ssyncadd.s32 $0xFFFFE000  }
0x34: {  	[spmem:s10] =	stream.linear.scatter [tilespmem:s15], [sflag:$0xD], $0x2000, $0x38;
	[tilespmem:$0x1FC40] =	vst v63  }
0x35: {  	_ =	swait.ge [sflag:s16], $0x2000  }
0x36: {  	[sflag:s16] =	ssyncset.done $0x0  }
0x37: {  	[sflag:s16] =	ssyncadd.s32 $0xFFFFE000  }
0x38: {  	_ =	swait.ge [sflag:s17], $0x5000  }
0x39: {  	[sflag:s17] =	ssyncset.done $0x0  }
0x3a: {  	[sflag:s17] =	ssyncadd.s32 $0xFFFFB000  }
0x3b: {  	_ =	swait.ge [sflag:s18], $0x5000  }
0x3c: {  	[sflag:s18] =	ssyncset.done $0x0  }
0x3d: {  	s8 =	simm.s32 $0x0;
	[sflag:s18] =	ssyncadd.s32 $0xFFFFB000  }
0x3e: {  	[tilespmem:s20], [sflag:$0x1] =	stream.indirect.gather [hbm4b:s11+s19], $0x40, s8, s19, $0xb8;
	[tilespmem:$0x1FC40] =	vst v63  }
0x3f: {  	s9 =	simm.s32 $0x80  }
0x40: {  	[tilespmem:s22], [sflag:$0x2] =	stream.indirect.gather [hbm4b:s11+s19], $0x40, s9, s19, $0xb8;
	[tilespmem:$0x1FC40] =	vst v63  }
0x41: {  	s8 =	simm.s32 $0x100  }
0x42: {  	[tilespmem:s24], [sflag:$0x3] =	stream.indirect.gather [hbm4b:s11+s19], $0x40, s8, s19, $0xb8;
	[tilespmem:$0x1FC40] =	vst v63  }
0x43: {  	s9 =	simm.s32 $0x180  }
0x44: {  	[tilespmem:s26], [sflag:$0x4] =	stream.indirect.gather [hbm4b:s11+s19], $0x40, s9, s19, $0xb8;
	[tilespmem:$0x1FC40] =	vst v63  }
0x45: {  	s8 =	simm.s32 $0x200  }
0x46: {  	[tilespmem:s29], [sflag:$0x5] =	stream.indirect.gather [hbm4b:s11+s19], $0x40, s8, s19, $0xb8;
	[tilespmem:$0x1FC40] =	vst v63  }
0x47: {  	[bflag:$0x0] =	sbarrier.arrive $0xFFFF  }
0x48: {  	_ =	swait.ge [sflag:s30], $0x1F40  }
0x49: {  	[sflag:s30] =	ssyncset.done $0x0  }
0x4a: {  	s9 =	simm.s32 $0x5000;
	[sflag:s30] =	ssyncadd.s32 $0xFFFFE0C0  }
0x4b: {  	[spmem:s1] =	stream.indirect.scatter.add.f32 [tilespmem:s20], [sflag:$0x6], $0x40, s9, s19, $0xb8;
	[tilespmem:$0x1FC40] =	vst v63  }
0x4c: {  	_ =	swait.ge [sflag:s31], $0x1F40  }
0x4d: {  	[sflag:s31] =	ssyncset.done $0x0  }
0x4e: {  	s8 =	simm.s32 $0x5080;
	[sflag:s31] =	ssyncadd.s32 $0xFFFFE0C0  }
0x4f: {  	[spmem:s1] =	stream.indirect.scatter.add.f32 [tilespmem:s22], [sflag:$0x7], $0x40, s8, s19, $0xb8;
	[tilespmem:$0x1FC40] =	vst v63  }
0x50: {  	_ =	swait.ge [sflag:s0], $0x1F40  }
0x51: {  	[sflag:s0] =	ssyncset.done $0x0  }
0x52: {  	s9 =	simm.s32 $0x5100;
	[sflag:s0] =	ssyncadd.s32 $0xFFFFE0C0  }
0x53: {  	[spmem:s1] =	stream.indirect.scatter.add.f32 [tilespmem:s24], [sflag:$0x8], $0x40, s9, s19, $0xb8;
	[tilespmem:$0x1FC40] =	vst v63  }
0x54: {  	_ =	swait.ge [sflag:s14], $0x1F40  }
0x55: {  	[sflag:s14] =	ssyncset.done $0x0  }
0x56: {  	s8 =	simm.s32 $0x5180;
	[sflag:s14] =	ssyncadd.s32 $0xFFFFE0C0  }
0x57: {  	[spmem:s1] =	stream.indirect.scatter.add.f32 [tilespmem:s26], [sflag:$0x9], $0x40, s8, s19, $0xb8;
	[tilespmem:$0x1FC40] =	vst v63  }
0x58: {  	_ =	swait.ge [sflag:s21], $0x1F40  }
0x59: {  	[sflag:s21] =	ssyncset.done $0x0  }
0x5a: {  	s9 =	simm.s32 $0x5200;
	[sflag:s21] =	ssyncadd.s32 $0xFFFFE0C0  }
0x5b: {  	[spmem:s1] =	stream.indirect.scatter.add.f32 [tilespmem:s29], [sflag:$0xA], $0x40, s9, s19, $0xb8;
	[tilespmem:$0x1FC40] =	vst v63  }
0x5c: {  	_ =	swait.ge [sflag:s23], $0x1F40  }
0x5d: {  	[sflag:s23] =	ssyncset.done $0x0  }
0x5e: {  	s8 =	simm.s32 $0x280;
	[sflag:s23] =	ssyncadd.s32 $0xFFFFE0C0  }
0x5f: {  	[tilespmem:s20], [sflag:$0x1] =	stream.indirect.gather [hbm4b:s11+s19], $0x40, s8, s19, $0xb8;
	[tilespmem:$0x1FC40] =	vst v63  }
0x60: {  	_ =	swait.ge [sflag:s25], $0x1F40  }
0x61: {  	[sflag:s25] =	ssyncset.done $0x0  }
0x62: {  	s9 =	simm.s32 $0x300;
	[sflag:s25] =	ssyncadd.s32 $0xFFFFE0C0  }
0x63: {  	[tilespmem:s22], [sflag:$0x2] =	stream.indirect.gather [hbm4b:s11+s19], $0x40, s9, s19, $0xb8;
	[tilespmem:$0x1FC40] =	vst v63  }
0x64: {  	_ =	swait.ge [sflag:s28], $0x1F40  }
0x65: {  	[sflag:s28] =	ssyncset.done $0x0  }
0x66: {  	s8 =	simm.s32 $0x380;
	[sflag:s28] =	ssyncadd.s32 $0xFFFFE0C0  }
0x67: {  	[tilespmem:s24], [sflag:$0x3] =	stream.indirect.gather [hbm4b:s11+s19], $0x40, s8, s19, $0xb8;
	[tilespmem:$0x1FC40] =	vst v63  }
0x68: {  	_ =	swait.ge [sflag:s2], $0x1F40  }
0x69: {  	[sflag:s2] =	ssyncset.done $0x0  }
0x6a: {  	s9 =	simm.s32 $0x400;
	[sflag:s2] =	ssyncadd.s32 $0xFFFFE0C0  }
0x6b: {  	[tilespmem:s26], [sflag:$0x4] =	stream.indirect.gather [hbm4b:s11+s19], $0x40, s9, s19, $0xb8;
	[tilespmem:$0x1FC40] =	vst v63  }
0x6c: {  	_ =	swait.ge [sflag:s3], $0x1F40  }
0x6d: {  	[sflag:s3] =	ssyncset.done $0x0  }
0x6e: {  	s7 =	simm.s32 $0xA00;
	s8 =	simm.s32 $0x480;
	[sflag:s3] =	ssyncadd.s32 $0xFFFFE0C0  }
.LBB2_4:
0x6f: {  	[tilespmem:s29], [sflag:$0x5] =	stream.indirect.gather [hbm4b:s11+s19], $0x40, s8, s19, $0xb8;
	[tilespmem:$0x1FC40] =	vst v63  }
0x70: {  	s8 =	smov.u32 s7;
	s7 =	sadd.s32 $0xA00, s7;
	_ =	swait.ge [sflag:s30], $0x1F40  }
0x71: {  	s8 =	sshra.s32 s8, $0x2;
	p0 =	sne.s32 s7, $0x12C00;
	[sflag:s30] =	ssyncset.done $0x0  }
0x72: {  	s9 =	sadd.s32 $0x5000, s8;
	[sflag:s30] =	ssyncadd.s32 $0xFFFFE0C0  }
0x73: {  	[spmem:s1] =	stream.indirect.scatter.add.f32 [tilespmem:s20], [sflag:$0x6], $0x40, s9, s19, $0xb8;
	[tilespmem:$0x1FC40] =	vst v63  }
0x74: {  	_ =	swait.ge [sflag:s31], $0x1F40  }
0x75: {  	[sflag:s31] =	ssyncset.done $0x0  }
0x76: {  	s9 =	sadd.s32 $0x5080, s8;
	[sflag:s31] =	ssyncadd.s32 $0xFFFFE0C0  }
0x77: {  	[spmem:s1] =	stream.indirect.scatter.add.f32 [tilespmem:s22], [sflag:$0x7], $0x40, s9, s19, $0xb8;
	[tilespmem:$0x1FC40] =	vst v63  }
0x78: {  	_ =	swait.ge [sflag:s0], $0x1F40  }
0x79: {  	[sflag:s0] =	ssyncset.done $0x0  }
0x7a: {  	s9 =	sadd.s32 $0x5100, s8;
	[sflag:s0] =	ssyncadd.s32 $0xFFFFE0C0  }
0x7b: {  	[spmem:s1] =	stream.indirect.scatter.add.f32 [tilespmem:s24], [sflag:$0x8], $0x40, s9, s19, $0xb8;
	[tilespmem:$0x1FC40] =	vst v63  }
0x7c: {  	_ =	swait.ge [sflag:s14], $0x1F40  }
0x7d: {  	[sflag:s14] =	ssyncset.done $0x0  }
0x7e: {  	s9 =	sadd.s32 $0x5180, s8;
	[sflag:s14] =	ssyncadd.s32 $0xFFFFE0C0  }
0x7f: {  	[spmem:s1] =	stream.indirect.scatter.add.f32 [tilespmem:s26], [sflag:$0x9], $0x40, s9, s19, $0xb8;
	[tilespmem:$0x1FC40] =	vst v63  }
0x80: {  	_ =	swait.ge [sflag:s21], $0x1F40  }
0x81: {  	[sflag:s21] =	ssyncset.done $0x0  }
0x82: {  	s9 =	sadd.s32 $0x5200, s8;
	[sflag:s21] =	ssyncadd.s32 $0xFFFFE0C0  }
0x83: {  	[spmem:s1] =	stream.indirect.scatter.add.f32 [tilespmem:s29], [sflag:$0xA], $0x40, s9, s19, $0xb8;
	[tilespmem:$0x1FC40] =	vst v63  }
0x84: {  	_ =	swait.ge [sflag:s23], $0x1F40  }
0x85: {  	[sflag:s23] =	ssyncset.done $0x0  }
0x86: {  	s9 =	sadd.s32 $0x280, s8;
	[sflag:s23] =	ssyncadd.s32 $0xFFFFE0C0  }
0x87: {  	[tilespmem:s20], [sflag:$0x1] =	stream.indirect.gather [hbm4b:s11+s19], $0x40, s9, s19, $0xb8;
	[tilespmem:$0x1FC40] =	vst v63  }
0x88: {  	_ =	swait.ge [sflag:s25], $0x1F40  }
0x89: {  	[sflag:s25] =	ssyncset.done $0x0  }
0x8a: {  	s9 =	sadd.s32 $0x300, s8;
	[sflag:s25] =	ssyncadd.s32 $0xFFFFE0C0  }
0x8b: {  	[tilespmem:s22], [sflag:$0x2] =	stream.indirect.gather [hbm4b:s11+s19], $0x40, s9, s19, $0xb8;
	[tilespmem:$0x1FC40] =	vst v63  }
0x8c: {  	_ =	swait.ge [sflag:s28], $0x1F40  }
0x8d: {  	[sflag:s28] =	ssyncset.done $0x0  }
0x8e: {  	s9 =	sadd.s32 $0x380, s8;
	[sflag:s28] =	ssyncadd.s32 $0xFFFFE0C0  }
0x8f: {  	[tilespmem:s24], [sflag:$0x3] =	stream.indirect.gather [hbm4b:s11+s19], $0x40, s9, s19, $0xb8;
	[tilespmem:$0x1FC40] =	vst v63  }
0x90: {  	_ =	swait.ge [sflag:s2], $0x1F40  }
0x91: {  	[sflag:s2] =	ssyncset.done $0x0  }
.Ltmp1:
0x92: {  	s9 =	sadd.s32 $0x400, s8;
	[sflag:s2] =	ssyncadd.s32 $0xFFFFE0C0;
	(pc) =	sbr.rel @p0 .LBB2_4-.Ltmp1, $4  }
0x93: {  	[tilespmem:s26], [sflag:$0x4] =	stream.indirect.gather [hbm4b:s11+s19], $0x40, s9, s19, $0xb8;
	[tilespmem:$0x1FC40] =	vst v63  }
0x94: {  	_ =	swait.ge [sflag:s3], $0x1F40  }
0x95: {  	[sflag:s3] =	ssyncset.done $0x0  }
0x96: {  	s8 =	sadd.s32 $0x480, s8;
	[sflag:s3] =	ssyncadd.s32 $0xFFFFE0C0  }
0x97: {  	[tilespmem:s29], [sflag:$0x5] =	stream.indirect.gather [hbm4b:s11+s19], $0x40, s8, s19, $0xb8;
	[tilespmem:$0x1FC40] =	vst v63  }
0x98: {  	_ =	swait.ge [sflag:s30], $0x1F40  }
0x99: {  	s7 =	sshra.s32 s7, $0x2;
	[sflag:s30] =	ssyncset.done $0x0  }
0x9a: {  	s9 =	sadd.s32 $0x5000, s7;
	[sflag:s30] =	ssyncadd.s32 $0xFFFFE0C0  }
0x9b: {  	[spmem:s1] =	stream.indirect.scatter.add.f32 [tilespmem:s20], [sflag:$0x6], $0x40, s9, s19, $0xb8;
	[tilespmem:$0x1FC40] =	vst v63  }
0x9c: {  	_ =	swait.ge [sflag:s31], $0x1F40  }
0x9d: {  	[sflag:s31] =	ssyncset.done $0x0  }
0x9e: {  	s9 =	sadd.s32 $0x5080, s7;
	[sflag:s31] =	ssyncadd.s32 $0xFFFFE0C0  }
0x9f: {  	[spmem:s1] =	stream.indirect.scatter.add.f32 [tilespmem:s22], [sflag:$0x7], $0x40, s9, s19, $0xb8;
	[tilespmem:$0x1FC40] =	vst v63  }
0xa0: {  	_ =	swait.ge [sflag:s0], $0x1F40  }
0xa1: {  	[sflag:s0] =	ssyncset.done $0x0  }
0xa2: {  	s9 =	sadd.s32 $0x5100, s7;
	[sflag:s0] =	ssyncadd.s32 $0xFFFFE0C0  }
0xa3: {  	[spmem:s1] =	stream.indirect.scatter.add.f32 [tilespmem:s24], [sflag:$0x8], $0x40, s9, s19, $0xb8;
	[tilespmem:$0x1FC40] =	vst v63  }
0xa4: {  	_ =	swait.ge [sflag:s14], $0x1F40  }
0xa5: {  	[sflag:s14] =	ssyncset.done $0x0  }
0xa6: {  	s9 =	sadd.s32 $0x5180, s7;
	[sflag:s14] =	ssyncadd.s32 $0xFFFFE0C0  }
0xa7: {  	[spmem:s1] =	stream.indirect.scatter.add.f32 [tilespmem:s26], [sflag:$0x9], $0x40, s9, s19, $0xb8;
	[tilespmem:$0x1FC40] =	vst v63  }
0xa8: {  	_ =	swait.ge [sflag:s21], $0x1F40  }
0xa9: {  	[sflag:s21] =	ssyncset.done $0x0  }
0xaa: {  	s7 =	sadd.s32 $0x5200, s7;
	[sflag:s21] =	ssyncadd.s32 $0xFFFFE0C0  }
0xab: {  	[spmem:s1] =	stream.indirect.scatter.add.f32 [tilespmem:s29], [sflag:$0xA], $0x40, s7, s19, $0xb8;
	[tilespmem:$0x1FC40] =	vst v63  }
0xac: {  	_ =	swait.ge [sflag:s23], $0x1F40  }
0xad: {  	[sflag:s23] =	ssyncset.done $0x0  }
0xae: {  	s8 =	simm.s32 $0x4D80;
	[sflag:s23] =	ssyncadd.s32 $0xFFFFE0C0  }
0xaf: {  	[tilespmem:s20], [sflag:$0x1] =	stream.indirect.gather [hbm4b:s11+s19], $0x40, s8, s19, $0xb8;
	[tilespmem:$0x1FC40] =	vst v63  }
0xb0: {  	_ =	swait.ge [sflag:s25], $0x1F40  }
0xb1: {  	[sflag:s25] =	ssyncset.done $0x0  }
0xb2: {  	s9 =	simm.s32 $0x4E00;
	[sflag:s25] =	ssyncadd.s32 $0xFFFFE0C0  }
0xb3: {  	[tilespmem:s22], [sflag:$0x2] =	stream.indirect.gather [hbm4b:s11+s19], $0x40, s9, s19, $0xb8;
	[tilespmem:$0x1FC40] =	vst v63  }
0xb4: {  	_ =	swait.ge [sflag:s28], $0x1F40  }
0xb5: {  	[sflag:s28] =	ssyncset.done $0x0  }
0xb6: {  	s8 =	simm.s32 $0x4E80;
	[sflag:s28] =	ssyncadd.s32 $0xFFFFE0C0  }
0xb7: {  	[tilespmem:s24], [sflag:$0x3] =	stream.indirect.gather [hbm4b:s11+s19], $0x40, s8, s19, $0xb8;
	[tilespmem:$0x1FC40] =	vst v63  }
0xb8: {  	_ =	swait.ge [sflag:s2], $0x1F40  }
0xb9: {  	[sflag:s2] =	ssyncset.done $0x0  }
0xba: {  	s9 =	simm.s32 $0x4F00;
	[sflag:s2] =	ssyncadd.s32 $0xFFFFE0C0  }
0xbb: {  	[tilespmem:s26], [sflag:$0x4] =	stream.indirect.gather [hbm4b:s11+s19], $0x40, s9, s19, $0xb8;
	[tilespmem:$0x1FC40] =	vst v63  }
0xbc: {  	_ =	swait.ge [sflag:s3], $0x1F40  }
0xbd: {  	[sflag:s3] =	ssyncset.done $0x0  }
0xbe: {  	[sflag:s3] =	ssyncadd.s32 $0xFFFFE0C0  }
0xbf: {  	[tilespmem:s29], [sflag:$0x5] =	stream.indirect.gather [hbm4b:s11+s19], $0x40, s4, s19, $0xb8;
	[tilespmem:$0x1FC40] =	vst v63  }
0xc0: {  	_ =	swait.ge [sflag:s30], $0x1F40  }
0xc1: {  	[sflag:s30] =	ssyncset.done $0x0  }
0xc2: {  	s8 =	simm.s32 $0x9D80;
	[sflag:s30] =	ssyncadd.s32 $0xFFFFE0C0  }
0xc3: {  	[spmem:s1] =	stream.indirect.scatter.add.f32 [tilespmem:s20], [sflag:$0x6], $0x40, s8, s19, $0xb8;
	[tilespmem:$0x1FC40] =	vst v63  }
0xc4: {  	_ =	swait.ge [sflag:s31], $0x1F40  }
0xc5: {  	[sflag:s31] =	ssyncset.done $0x0  }
0xc6: {  	s9 =	simm.s32 $0x9E00;
	[sflag:s31] =	ssyncadd.s32 $0xFFFFE0C0  }
0xc7: {  	[spmem:s1] =	stream.indirect.scatter.add.f32 [tilespmem:s22], [sflag:$0x7], $0x40, s9, s19, $0xb8;
	[tilespmem:$0x1FC40] =	vst v63  }
0xc8: {  	_ =	swait.ge [sflag:s0], $0x1F40  }
0xc9: {  	[sflag:s0] =	ssyncset.done $0x0  }
0xca: {  	s8 =	simm.s32 $0x9E80;
	[sflag:s0] =	ssyncadd.s32 $0xFFFFE0C0  }
0xcb: {  	[spmem:s1] =	stream.indirect.scatter.add.f32 [tilespmem:s24], [sflag:$0x8], $0x40, s8, s19, $0xb8;
	[tilespmem:$0x1FC40] =	vst v63  }
0xcc: {  	_ =	swait.ge [sflag:s14], $0x1F40  }
0xcd: {  	[sflag:s14] =	ssyncset.done $0x0  }
0xce: {  	s9 =	simm.s32 $0x9F00;
	[sflag:s14] =	ssyncadd.s32 $0xFFFFE0C0  }
0xcf: {  	[spmem:s1] =	stream.indirect.scatter.add.f32 [tilespmem:s26], [sflag:$0x9], $0x40, s9, s19, $0xb8;
	[tilespmem:$0x1FC40] =	vst v63  }
0xd0: {  	_ =	swait.ge [sflag:s21], $0x1F40  }
0xd1: {  	[sflag:s21] =	ssyncset.done $0x0  }
0xd2: {  	s8 =	simm.s32 $0x9F80;
	[sflag:s21] =	ssyncadd.s32 $0xFFFFE0C0  }
0xd3: {  	[spmem:s1] =	stream.indirect.scatter.add.f32 [tilespmem:s29], [sflag:$0xA], $0x40, s8, s19, $0xb8;
	[tilespmem:$0x1FC40] =	vst v63  }
0xd4: {  	_ =	swait.ge [sflag:s23], $0x1F40  }
0xd5: {  	[sflag:s23] =	ssyncset.done $0x0  }
0xd6: {  	[sflag:s23] =	ssyncadd.s32 $0xFFFFE0C0  }
0xd7: {  	[tilespmem:s20], [sflag:$0x1] =	stream.indirect.gather [hbm4b:s11+s19], $0x40, s4, s19, $0xb8;
	[tilespmem:$0x1FC40] =	vst v63  }
0xd8: {  	_ =	swait.ge [sflag:s25], $0x1F40  }
0xd9: {  	[sflag:s25] =	ssyncset.done $0x0  }
0xda: {  	[sflag:s25] =	ssyncadd.s32 $0xFFFFE0C0  }
0xdb: {  	[tilespmem:s22], [sflag:$0x2] =	stream.indirect.gather [hbm4b:s11+s19], $0x40, s4, s19, $0xb8;
	[tilespmem:$0x1FC40] =	vst v63  }
0xdc: {  	_ =	swait.ge [sflag:s28], $0x1F40  }
0xdd: {  	[sflag:s28] =	ssyncset.done $0x0  }
0xde: {  	[sflag:s28] =	ssyncadd.s32 $0xFFFFE0C0  }
0xdf: {  	[tilespmem:s24], [sflag:$0x3] =	stream.indirect.gather [hbm4b:s11+s19], $0x40, s4, s19, $0xb8;
	[tilespmem:$0x1FC40] =	vst v63  }
0xe0: {  	_ =	swait.ge [sflag:s2], $0x1F40  }
0xe1: {  	[sflag:s2] =	ssyncset.done $0x0  }
0xe2: {  	[sflag:s2] =	ssyncadd.s32 $0xFFFFE0C0  }
0xe3: {  	[tilespmem:s26], [sflag:$0x4] =	stream.indirect.gather [hbm4b:s11+s19], $0x40, s4, s19, $0xb8;
	[tilespmem:$0x1FC40] =	vst v63  }
0xe4: {  	_ =	swait.ge [sflag:s3], $0x1F40  }
0xe5: {  	[sflag:s3] =	ssyncset.done $0x0  }
0xe6: {  	[sflag:s3] =	ssyncadd.s32 $0xFFFFE0C0  }
0xe7: {  	[tilespmem:s29], [sflag:$0x5] =	stream.indirect.gather [hbm4b:s11+s19], $0x40, s4, s19, $0xb8;
	[tilespmem:$0x1FC40] =	vst v63  }
0xe8: {  	_ =	swait.ge [sflag:s30], $0x1F40  }
0xe9: {  	[sflag:s30] =	ssyncset.done $0x0  }
0xea: {  	[sflag:s30] =	ssyncadd.s32 $0xFFFFE0C0  }
0xeb: {  	_ =	swait.ge [sflag:s31], $0x1F40  }
0xec: {  	[sflag:s31] =	ssyncset.done $0x0  }
0xed: {  	[sflag:s31] =	ssyncadd.s32 $0xFFFFE0C0  }
0xee: {  	_ =	swait.ge [sflag:s0], $0x1F40  }
0xef: {  	[sflag:s0] =	ssyncset.done $0x0  }
0xf0: {  	[sflag:s0] =	ssyncadd.s32 $0xFFFFE0C0  }
0xf1: {  	_ =	swait.ge [sflag:s14], $0x1F40  }
0xf2: {  	[sflag:s14] =	ssyncset.done $0x0  }
0xf3: {  	[sflag:s14] =	ssyncadd.s32 $0xFFFFE0C0  }
0xf4: {  	s6 =	sadd.s32 $0x1, s6;
	s9 =	stileid.u32;
	_ =	swait.ge [sflag:s21], $0x1F40  }
0xf5: {  	p0 =	sne.s32 s6, s13;
	s7 =	sshll.u32 s9, $0x6;
	[sflag:s21] =	ssyncset.done $0x0  }
0xf6: {  	s9 =	simm.s32 $0x10;
	s7 =	sor.u32 $0x1C0D, s7;
	[sflag:s21] =	ssyncadd.s32 $0xFFFFE0C0  }
.Ltmp2:
0xf7: {  	s8 =	sshrl.u32 s5, $0x3;
	[bflag:$0x0] =	sbarrier.arrive $0xFFFF;
	(pc) =	sbr.rel @p0 .LBB2_1-.Ltmp2, $4  }
0xf8: {  	[hbm:s12@s9], [sflag:s7] =	dma.strided [spmem:s8@s28], $0x1400, s30, $0x8   }
0xf9: {  	_ =	swait.ge [sflag:s16], $0x1400  }
0xfa: {  	[sflag:s16] =	ssyncset.done $0x0  }
0xfb: {  	[sflag:s16] =	ssyncadd.s32 $0xFFFFEC00  }
0xfc: {  	_ =	sfence.sel $0x180000  }
0xfd: {  	[bflag:$0x0] =	sbarrier.arrive $0xFFFF  }
0xfe: {  	_ =	strace $0x9000004D  }
0xff: {  	s0 =	stileid.u32;
	[bflag:$0x2] =	sbarrier.arrive $0xFFFF  }
0x100: {  	p0 =	sne.s32 s0, $0x0;
	s0 =	rddreg [dreg:$0x2]  }
0x101: {  	s0 =	sadd.s32 @!p0 $0x100000, s0  }
0x102: {  	[sflag:s0] =	ssyncadd.tile.s32 @!p0 $0x1;
	_ =	shalt  }
.Lfunc_end2:
_tile_overlayer_lowered:
.L_overlay_start_2:
0x103: {  	(tag) =	ssettag $0x2  }
0x104: {  	s0 =	rddreg [dreg:$0x0];
	s2 =	stileid.u32  }
0x105: {  	s1 =	rddreg [dreg:$0x1];
	p0 =	sne.s32 s2, $0x0  }
0x106: {  	s3 =	rddreg [dreg:$0x2];
	[bflag:$0x3] =	sbarrier.arrive $0xFFFF;
	s2 =	simm.s32 @!p0 $0x1C0D  }
0x107: {  	[timem:s3], [sflag:s2] =	dma.local @!p0 [hbm:s0], s1  }
0x108: {  	s0 =	simm.s32 @!p0 $0xD  }
0x109: {  	_ =	swait.ge @!p0 [sflag:s0], s1  }
0x10a: {  	s1 =	ssub.s32 @!p0 $0x0, s1;
	[sflag:s0] =	ssyncset.done @!p0 $0x0  }
0x10b: {  	[sflag:s0] =	ssyncadd.s32 @!p0 s1  }
0x10c: {  	[bflag:$0x3] =	sbarrier.arrive $0xFFFF  }
0x10d: {  	_ =	shalt  }

</sc_bundles>
